<compile_context>
chip_gen: v7x
topology: tpu7x:2x2x1
jax: 0.10.2.dev20260603
libtpu: 0.0.44.dev20260713+nightly
codegen_flags: <defaults>
</compile_context>

<pallas_src>
import functools

import jax
import jax.numpy as jnp
from jax import lax
from jax.experimental import pallas as pl
from jax.experimental.pallas import tpu as pltpu
from jax.experimental.pallas import tpu_sc as plsc

D = 128
L = 16
NC, NS = 2, 16
NW = NC * NS
MARGIN_F = 1.0


def _approx_sqrt(x):
    xc = jnp.maximum(x, jnp.float32(1e-30))
    i = lax.bitcast_convert_type(xc, jnp.int32)
    y = lax.bitcast_convert_type(jnp.int32(0x5F3759DF) - (i >> 1), jnp.float32)
    for _ in range(3):
        y = y * (jnp.float32(1.5) - jnp.float32(0.5) * xc * y * y)
    return xc * y


@functools.cache
def _build(B, C):
    WPW = B // NW
    n_chunks = WPW // C
    NBUF = 4
    assert n_chunks % NBUF == 0

    f32 = jnp.float32
    i32 = jnp.int32
    mesh = plsc.VectorSubcoreMesh(core_axis_name="c", subcore_axis_name="s")

    @functools.partial(
        pl.kernel,
        out_type=(
            jax.ShapeDtypeStruct((B,), f32),
            jax.ShapeDtypeStruct((B,), f32),
            jax.ShapeDtypeStruct((B,), f32),
        ),
        mesh=mesh,
        compiler_params=pltpu.CompilerParams(needs_layout_passes=False),
        scratch_types=(
            [pltpu.VMEM((4 * WPW,), i32),
             pltpu.VMEM((WPW,), i32)]
            + [pltpu.VMEM((NBUF, 4 * C, D), f32)] * 2
            + [pltpu.VMEM((NBUF, C, D), f32)] * 2
            + [pltpu.VMEM((WPW,), f32)] * 3
            + [pltpu.SemaphoreType.DMA] * 4
        ),
    )
    def energy_kernel(oidx_hbm, lidx_hbm,
                      obj_re, obj_im, rel_re, rel_im,
                      loss_hbm, e_hbm, ce_hbm,
                      oiv, liv,
                      ore_b, oim_b, rre_b, rim_b,
                      loss_v, e_v, ce_v,
                      sem0, sem1, sem2, sem3):
        wid = lax.axis_index("s") * NC + lax.axis_index("c")
        base = wid * WPW
        sems = (sem0, sem1, sem2, sem3)

        pltpu.sync_copy(oidx_hbm.at[pl.ds(base * 4, 4 * WPW)], oiv)
        pltpu.sync_copy(lidx_hbm.at[pl.ds(base, WPW)], liv)

        def streams(g, p):
            o_sl0 = oiv.at[pl.ds(g * 4 * C, 2 * C)]
            o_sl1 = oiv.at[pl.ds(g * 4 * C + 2 * C, 2 * C)]
            l_sl = liv.at[pl.ds(g * C, C)]
            return (
                (obj_re.at[o_sl0], ore_b.at[p, pl.ds(0, 2 * C)]),
                (obj_im.at[o_sl0], oim_b.at[p, pl.ds(0, 2 * C)]),
                (obj_re.at[o_sl1], ore_b.at[p, pl.ds(2 * C, 2 * C)]),
                (obj_im.at[o_sl1], oim_b.at[p, pl.ds(2 * C, 2 * C)]),
                (rel_re.at[l_sl], rre_b.at[p]),
                (rel_im.at[l_sl], rim_b.at[p]),
            )

        def issue(g, p):
            for src, dst in streams(g, p):
                pltpu.async_copy(src, dst, sems[p])

        def drain(g, p):
            for src, dst in streams(g, p):
                pltpu.make_async_copy(src, dst, sems[p]).wait()

        lane = lax.iota(i32, L)
        zero = jnp.zeros((L,), f32)

        def compute(g, p):
            off = g * C
            for q in range(0, C, L):
                def elem_body(i, carry):
                    res_e, res_ce = carry
                    e = q + i
                    acc_e = zero
                    acc_ce = zero
                    for j in range(0, D, L):
                        sl = pl.ds(j, L)
                        hre = ore_b[p, e, sl]
                        him = oim_b[p, e, sl]
                        tre = ore_b[p, C + e, sl]
                        tim = oim_b[p, C + e, sl]
                        cre = ore_b[p, 2 * C + e, sl]
                        cim = oim_b[p, 2 * C + e, sl]
                        dre = ore_b[p, 3 * C + e, sl]
                        dim_ = oim_b[p, 3 * C + e, sl]
                        lre = rre_b[p, e, sl]
                        lim = rim_b[p, e, sl]
                        er = hre * lre - him * lim - tre
                        ei = hre * lim + him * lre - tim
                        acc_e = acc_e + er * er + ei * ei
                        cr = cre * lre - cim * lim - dre
                        ci = cre * lim + cim * lre - dim_
                        acc_ce = acc_ce + cr * cr + ci * ci
                    s_e = jnp.sum(acc_e)
                    s_ce = jnp.sum(acc_ce)
                    lmask = lane == i
                    res_e = jnp.where(lmask, s_e, res_e)
                    res_ce = jnp.where(lmask, s_ce, res_ce)
                    return res_e, res_ce

                res_e, res_ce = lax.fori_loop(0, L, elem_body, (zero, zero))
                ev = _approx_sqrt(res_e)
                cev = _approx_sqrt(res_ce)
                sl16 = pl.ds(off + q, L)
                e_v[sl16] = ev
                ce_v[sl16] = cev
                loss_v[sl16] = jnp.maximum(
                    ev - cev + jnp.float32(MARGIN_F), jnp.float32(0.0))

        for pr in range(NBUF - 1):
            issue(pr, pr)

        @pl.loop(0, n_chunks, step=NBUF)
        def _chunk_group(g0):
            for b in range(NBUF):
                g = g0 + b

                @pl.when(g + NBUF - 1 < n_chunks)
                def _():
                    issue(g + NBUF - 1, (b + NBUF - 1) % NBUF)

                drain(g, b)
                compute(g, b)

        pltpu.sync_copy(loss_v, loss_hbm.at[pl.ds(base, WPW)])
        pltpu.sync_copy(e_v, e_hbm.at[pl.ds(base, WPW)])
        pltpu.sync_copy(ce_v, ce_hbm.at[pl.ds(base, WPW)])

    return energy_kernel


def kernel(correct, corrupted, obj_re, obj_im, rel_re, rel_im):
    correct = correct.astype(jnp.int32)
    corrupted = corrupted.astype(jnp.int32)
    B = correct.shape[0]
    C = 16
    WPW = B // NW
    n_chunks = WPW // C
    hctc = jnp.stack(
        [correct[:, 0], correct[:, 2], corrupted[:, 0], corrupted[:, 2]],
        axis=0,
    ).reshape(4, NW, n_chunks, C)
    obj_idx = jnp.transpose(hctc, (1, 2, 0, 3)).reshape(-1)
    l_idx = correct[:, 1]
    fn = _build(B, C)
    return fn(obj_idx, l_idx, obj_re, obj_im, rel_re, rel_im)

# --- scband reference (transcript-rebuilt; emitter-appended) ---
"""Pipeline reference for scband-model-83459804496319 (READ-ONLY COPY).

The authoritative reference and input builder live on the scoring server;
editing this copy changes nothing except your own understanding.
"""

import math
import jax, jax.numpy as jnp
import numpy as np

N_OBJECTS = 100000
N_RELATIONSHIPS = 100000
EMB_DIM = 128
MARGIN = 1.0
BATCH = 16384


def setup_inputs(seed: int = 0) -> dict:
    key = jax.random.key(seed)
    k1, k2, k3, k4, k5, k6 = jax.random.split(key, 6)
    bound = 6.0 / math.sqrt(EMB_DIM)
    correct = jax.random.randint(k1, (BATCH, 3), 0, N_OBJECTS, dtype=jnp.int64) if jax.config.jax_enable_x64 else jax.random.randint(k1, (BATCH, 3), 0, N_OBJECTS, dtype=jnp.int32)
    corrupted = jax.random.randint(k2, (BATCH, 3), 0, N_OBJECTS, dtype=jnp.int64) if jax.config.jax_enable_x64 else jax.random.randint(k2, (BATCH, 3), 0, N_OBJECTS, dtype=jnp.int32)
    obj_re = jax.random.uniform(k3, (N_OBJECTS, EMB_DIM), dtype=jnp.float32, minval=-bound, maxval=bound)
    obj_im = jax.random.uniform(k4, (N_OBJECTS, EMB_DIM), dtype=jnp.float32, minval=-bound, maxval=bound)
    rel_re = jax.random.uniform(k5, (N_RELATIONSHIPS, EMB_DIM), dtype=jnp.float32, minval=-bound, maxval=bound)
    rel_im = jax.random.uniform(k6, (N_RELATIONSHIPS, EMB_DIM), dtype=jnp.float32, minval=-bound, maxval=bound)
    return {"correct": correct, "corrupted": corrupted, "obj_re": obj_re, "obj_im": obj_im, "rel_re": rel_re, "rel_im": rel_im}


def _energy(h_re, h_im, l_re, l_im, t_re, t_im):
    _re = h_re * l_re - h_im * l_im
    _im = h_re * l_im + h_im * l_re
    _re = _re - t_re
    _im = _im - t_im
    return jnp.sqrt(jnp.sum(_re ** 2 + _im ** 2, axis=-1))


def reference(correct, corrupted, obj_re, obj_im, rel_re, rel_im):
    h, l, t = correct[:, 0], correct[:, 1], correct[:, 2]
    ch, ct = corrupted[:, 0], corrupted[:, 2]
    h_re = jnp.take(obj_re, h, axis=0)
    h_im = jnp.take(obj_im, h, axis=0)
    t_re = jnp.take(obj_re, t, axis=0)
    t_im = jnp.take(obj_im, t, axis=0)
    ch_re = jnp.take(obj_re, ch, axis=0)
    ch_im = jnp.take(obj_im, ch, axis=0)
    ct_re = jnp.take(obj_re, ct, axis=0)
    ct_im = jnp.take(obj_im, ct, axis=0)
    l_re = jnp.take(rel_re, l, axis=0)
    l_im = jnp.take(rel_im, l, axis=0)
    E = _energy(h_re, h_im, l_re, l_im, t_re, t_im)
    cE = _energy(ch_re, ch_im, l_re, l_im, ct_re, ct_im)
    # MarginRankingLoss(margin, reduction='none') with target = -1:
    # loss = max(0, -target * (E - cE) + margin) = max(0, (E - cE) + margin)
    loss = jnp.maximum((E - cE) + MARGIN, 0.0)
    return (loss, E, cE)

if __name__ == "__main__":
    import jax
    _d = setup_inputs()
    print(jax.jit(kernel)(*tuple(_d.values())))

</pallas_src>

<mosaic_0001>
#map = affine_map<(d0, d1) -> (0)>
#map1 = affine_map<(d0, d1) -> (0, 0)>
module attributes {stable_mosaic.version = 14 : i64} {
  func.func @energy_kernel(%arg0: i32, %arg1: i32, %arg2: memref<65536xi32, #tpu.memory_space<hbm>>, %arg3: memref<16384xi32, #tpu.memory_space<hbm>>, %arg4: memref<100000x128xf32, #tpu.memory_space<hbm>>, %arg5: memref<100000x128xf32, #tpu.memory_space<hbm>>, %arg6: memref<100000x128xf32, #tpu.memory_space<hbm>>, %arg7: memref<100000x128xf32, #tpu.memory_space<hbm>>, %arg8: memref<16384xf32, #tpu.memory_space<hbm>>, %arg9: memref<16384xf32, #tpu.memory_space<hbm>>, %arg10: memref<16384xf32, #tpu.memory_space<hbm>>, %arg11: memref<2048xi32, #tpu.memory_space<vmem>>, %arg12: memref<512xi32, #tpu.memory_space<vmem>>, %arg13: memref<4x64x128xf32, #tpu.memory_space<vmem>>, %arg14: memref<4x64x128xf32, #tpu.memory_space<vmem>>, %arg15: memref<4x16x128xf32, #tpu.memory_space<vmem>>, %arg16: memref<4x16x128xf32, #tpu.memory_space<vmem>>, %arg17: memref<512xf32, #tpu.memory_space<vmem>>, %arg18: memref<512xf32, #tpu.memory_space<vmem>>, %arg19: memref<512xf32, #tpu.memory_space<vmem>>, %arg20: memref<!tpu.dma_semaphore, #tpu.memory_space<semaphore_mem>>, %arg21: memref<!tpu.dma_semaphore, #tpu.memory_space<semaphore_mem>>, %arg22: memref<!tpu.dma_semaphore, #tpu.memory_space<semaphore_mem>>, %arg23: memref<!tpu.dma_semaphore, #tpu.memory_space<semaphore_mem>>) attributes {dimension_semantics = [#tpu.dimension_semantics<core_parallel>, #tpu.dimension_semantics<subcore_parallel>], iteration_bounds = array<i64: 2, 16>, scalar_prefetch = 0 : i64, scratch_operands = 13 : i64, tpu.core_type = #tpu.core_type<sc_vector_subcore>, window_params = [{transform_indices = #map}, {transform_indices = #map}, {transform_indices = #map1}, {transform_indices = #map1}, {transform_indices = #map1}, {transform_indices = #map1}, {transform_indices = #map}, {transform_indices = #map}, {transform_indices = #map}]} {
    %mul3A = arith.constant 2 : i32
    %mul3A_0 = arith.muli %arg1, %mul3A : i32
    %add3A = arith.addi %mul3A_0, %arg0 : i32
    %mul3A_1 = arith.constant 512 : i32
    %mul3A_2 = arith.muli %add3A, %mul3A_1 : i32
    %mul3A_3 = arith.constant 4 : i32
    %mul3A_4 = arith.muli %mul3A_2, %mul3A_3 : i32
    "tpu.region"() ({
      %run_scoped3A = tpu.sem_alloc : memref<!tpu.dma_semaphore, #tpu.memory_space<semaphore_mem>>
      %dma_start3A_189 = tpu.memref_slice %arg2[%mul3A_4] : memref<65536xi32, #tpu.memory_space<hbm>> -> memref<2048xi32, #tpu.memory_space<hbm>>
      %dma_start3A_190 = tpu.memref_slice %arg2[%mul3A_4] : memref<65536xi32, #tpu.memory_space<hbm>> -> memref<2048xi32, #tpu.memory_space<hbm>>
      tpu.enqueue_dma source(%dma_start3A_190 : memref<2048xi32, #tpu.memory_space<hbm>>) target(%arg11 : memref<2048xi32, #tpu.memory_space<vmem>>) target_semaphore(%run_scoped3A : memref<!tpu.dma_semaphore, #tpu.memory_space<semaphore_mem>>)
      %dma_wait3A = tpu.memref_slice %arg2[%mul3A_4] : memref<65536xi32, #tpu.memory_space<hbm>> -> memref<2048xi32, #tpu.memory_space<hbm>>
      %dma_wait3A_191 = tpu.memref_slice %arg2[%mul3A_4] : memref<65536xi32, #tpu.memory_space<hbm>> -> memref<2048xi32, #tpu.memory_space<hbm>>
      tpu.wait_dma2 semaphore(%run_scoped3A : memref<!tpu.dma_semaphore, #tpu.memory_space<semaphore_mem>>) src(%dma_wait3A_191 : memref<2048xi32, #tpu.memory_space<hbm>>) dst(%arg11 : memref<2048xi32, #tpu.memory_space<vmem>>)
      tpu.yield
    }) : () -> ()
    "tpu.region"() ({
      %run_scoped3A = tpu.sem_alloc : memref<!tpu.dma_semaphore, #tpu.memory_space<semaphore_mem>>
      %dma_start3A_189 = tpu.memref_slice %arg3[%mul3A_2] : memref<16384xi32, #tpu.memory_space<hbm>> -> memref<512xi32, #tpu.memory_space<hbm>>
      %dma_start3A_190 = tpu.memref_slice %arg3[%mul3A_2] : memref<16384xi32, #tpu.memory_space<hbm>> -> memref<512xi32, #tpu.memory_space<hbm>>
      tpu.enqueue_dma source(%dma_start3A_190 : memref<512xi32, #tpu.memory_space<hbm>>) target(%arg12 : memref<512xi32, #tpu.memory_space<vmem>>) target_semaphore(%run_scoped3A : memref<!tpu.dma_semaphore, #tpu.memory_space<semaphore_mem>>)
      %dma_wait3A = tpu.memref_slice %arg3[%mul3A_2] : memref<16384xi32, #tpu.memory_space<hbm>> -> memref<512xi32, #tpu.memory_space<hbm>>
      %dma_wait3A_191 = tpu.memref_slice %arg3[%mul3A_2] : memref<16384xi32, #tpu.memory_space<hbm>> -> memref<512xi32, #tpu.memory_space<hbm>>
      tpu.wait_dma2 semaphore(%run_scoped3A : memref<!tpu.dma_semaphore, #tpu.memory_space<semaphore_mem>>) src(%dma_wait3A_191 : memref<512xi32, #tpu.memory_space<hbm>>) dst(%arg12 : memref<512xi32, #tpu.memory_space<vmem>>)
      tpu.yield
    }) : () -> ()
    %iota3A = tpu.iota {dimensions = array<i32: 0>} : vector<16xi32>
    %broadcast_in_dim3A = arith.constant 0.000000e+00 : f32
    %broadcast_in_dim3A_5 = vector.broadcast %broadcast_in_dim3A : f32 to vector<16xf32>
    %dma_start3A = arith.constant 0 : i32
    %dma_start3A_6 = arith.constant 0 : i32
    %dma_start3A_7 = arith.constant 0 : i32
    %dma_start3A_8 = tpu.memref_slice %arg13[%dma_start3A, %dma_start3A_6, %dma_start3A_7] : memref<4x64x128xf32, #tpu.memory_space<vmem>> -> memref<1x32x128xf32, #tpu.memory_space<vmem>>
    %dma_start3A_9 = tpu.memref_squeeze %dma_start3A_8 : memref<1x32x128xf32, #tpu.memory_space<vmem>> -> memref<32x128xf32, #tpu.memory_space<vmem>>
    %dma_start3A_10 = arith.constant 0 : i32
    %dma_start3A_11 = tpu.memref_slice %arg11[%dma_start3A_10] : memref<2048xi32, #tpu.memory_space<vmem>> -> memref<32xi32, #tpu.memory_space<vmem>>
    %dma_start3A_12 = arith.constant 0 : i32
    %dma_start3A_13 = arith.constant 0 : i32
    %dma_start3A_14 = tpu.memref_slice %arg4[%dma_start3A_12, %dma_start3A_13] : memref<100000x128xf32, #tpu.memory_space<hbm>> -> memref<100000x128xf32, #tpu.memory_space<hbm>>
    tpu.enqueue_indirect_dma source(%dma_start3A_14 : memref<100000x128xf32, #tpu.memory_space<hbm>>) target(%dma_start3A_9 : memref<32x128xf32, #tpu.memory_space<vmem>>) offsets(%dma_start3A_11 : memref<32xi32, #tpu.memory_space<vmem>>) semaphore(%arg20 : memref<!tpu.dma_semaphore, #tpu.memory_space<semaphore_mem>>)
    %dma_start3A_15 = arith.constant 0 : i32
    %dma_start3A_16 = arith.constant 0 : i32
    %dma_start3A_17 = arith.constant 0 : i32
    %dma_start3A_18 = tpu.memref_slice %arg14[%dma_start3A_15, %dma_start3A_16, %dma_start3A_17] : memref<4x64x128xf32, #tpu.memory_space<vmem>> -> memref<1x32x128xf32, #tpu.memory_space<vmem>>
    %dma_start3A_19 = tpu.memref_squeeze %dma_start3A_18 : memref<1x32x128xf32, #tpu.memory_space<vmem>> -> memref<32x128xf32, #tpu.memory_space<vmem>>
    %dma_start3A_20 = arith.constant 0 : i32
    %dma_start3A_21 = tpu.memref_slice %arg11[%dma_start3A_20] : memref<2048xi32, #tpu.memory_space<vmem>> -> memref<32xi32, #tpu.memory_space<vmem>>
    %dma_start3A_22 = arith.constant 0 : i32
    %dma_start3A_23 = arith.constant 0 : i32
    %dma_start3A_24 = tpu.memref_slice %arg5[%dma_start3A_22, %dma_start3A_23] : memref<100000x128xf32, #tpu.memory_space<hbm>> -> memref<100000x128xf32, #tpu.memory_space<hbm>>
    tpu.enqueue_indirect_dma source(%dma_start3A_24 : memref<100000x128xf32, #tpu.memory_space<hbm>>) target(%dma_start3A_19 : memref<32x128xf32, #tpu.memory_space<vmem>>) offsets(%dma_start3A_21 : memref<32xi32, #tpu.memory_space<vmem>>) semaphore(%arg20 : memref<!tpu.dma_semaphore, #tpu.memory_space<semaphore_mem>>)
    %dma_start3A_25 = arith.constant 0 : i32
    %dma_start3A_26 = arith.constant 32 : i32
    %dma_start3A_27 = arith.constant 0 : i32
    %dma_start3A_28 = tpu.memref_slice %arg13[%dma_start3A_25, %dma_start3A_26, %dma_start3A_27] : memref<4x64x128xf32, #tpu.memory_space<vmem>> -> memref<1x32x128xf32, #tpu.memory_space<vmem>>
    %dma_start3A_29 = tpu.memref_squeeze %dma_start3A_28 : memref<1x32x128xf32, #tpu.memory_space<vmem>> -> memref<32x128xf32, #tpu.memory_space<vmem>>
    %dma_start3A_30 = arith.constant 32 : i32
    %dma_start3A_31 = tpu.memref_slice %arg11[%dma_start3A_30] : memref<2048xi32, #tpu.memory_space<vmem>> -> memref<32xi32, #tpu.memory_space<vmem>>
    %dma_start3A_32 = arith.constant 0 : i32
    %dma_start3A_33 = arith.constant 0 : i32
    %dma_start3A_34 = tpu.memref_slice %arg4[%dma_start3A_32, %dma_start3A_33] : memref<100000x128xf32, #tpu.memory_space<hbm>> -> memref<100000x128xf32, #tpu.memory_space<hbm>>
    tpu.enqueue_indirect_dma source(%dma_start3A_34 : memref<100000x128xf32, #tpu.memory_space<hbm>>) target(%dma_start3A_29 : memref<32x128xf32, #tpu.memory_space<vmem>>) offsets(%dma_start3A_31 : memref<32xi32, #tpu.memory_space<vmem>>) semaphore(%arg20 : memref<!tpu.dma_semaphore, #tpu.memory_space<semaphore_mem>>)
    %dma_start3A_35 = arith.constant 0 : i32
    %dma_start3A_36 = arith.constant 32 : i32
    %dma_start3A_37 = arith.constant 0 : i32
    %dma_start3A_38 = tpu.memref_slice %arg14[%dma_start3A_35, %dma_start3A_36, %dma_start3A_37] : memref<4x64x128xf32, #tpu.memory_space<vmem>> -> memref<1x32x128xf32, #tpu.memory_space<vmem>>
    %dma_start3A_39 = tpu.memref_squeeze %dma_start3A_38 : memref<1x32x128xf32, #tpu.memory_space<vmem>> -> memref<32x128xf32, #tpu.memory_space<vmem>>
    %dma_start3A_40 = arith.constant 32 : i32
    %dma_start3A_41 = tpu.memref_slice %arg11[%dma_start3A_40] : memref<2048xi32, #tpu.memory_space<vmem>> -> memref<32xi32, #tpu.memory_space<vmem>>
    %dma_start3A_42 = arith.constant 0 : i32
    %dma_start3A_43 = arith.constant 0 : i32
    %dma_start3A_44 = tpu.memref_slice %arg5[%dma_start3A_42, %dma_start3A_43] : memref<100000x128xf32, #tpu.memory_space<hbm>> -> memref<100000x128xf32, #tpu.memory_space<hbm>>
    tpu.enqueue_indirect_dma source(%dma_start3A_44 : memref<100000x128xf32, #tpu.memory_space<hbm>>) target(%dma_start3A_39 : memref<32x128xf32, #tpu.memory_space<vmem>>) offsets(%dma_start3A_41 : memref<32xi32, #tpu.memory_space<vmem>>) semaphore(%arg20 : memref<!tpu.dma_semaphore, #tpu.memory_space<semaphore_mem>>)
    %dma_start3A_45 = arith.constant 0 : i32
    %dma_start3A_46 = arith.constant 0 : i32
    %dma_start3A_47 = arith.constant 0 : i32
    %dma_start3A_48 = tpu.memref_slice %arg15[%dma_start3A_45, %dma_start3A_46, %dma_start3A_47] : memref<4x16x128xf32, #tpu.memory_space<vmem>> -> memref<1x16x128xf32, #tpu.memory_space<vmem>>
    %dma_start3A_49 = tpu.memref_squeeze %dma_start3A_48 : memref<1x16x128xf32, #tpu.memory_space<vmem>> -> memref<16x128xf32, #tpu.memory_space<vmem>>
    %dma_start3A_50 = arith.constant 0 : i32
    %dma_start3A_51 = tpu.memref_slice %arg12[%dma_start3A_50] : memref<512xi32, #tpu.memory_space<vmem>> -> memref<16xi32, #tpu.memory_space<vmem>>
    %dma_start3A_52 = arith.constant 0 : i32
    %dma_start3A_53 = arith.constant 0 : i32
    %dma_start3A_54 = tpu.memref_slice %arg6[%dma_start3A_52, %dma_start3A_53] : memref<100000x128xf32, #tpu.memory_space<hbm>> -> memref<100000x128xf32, #tpu.memory_space<hbm>>
    tpu.enqueue_indirect_dma source(%dma_start3A_54 : memref<100000x128xf32, #tpu.memory_space<hbm>>) target(%dma_start3A_49 : memref<16x128xf32, #tpu.memory_space<vmem>>) offsets(%dma_start3A_51 : memref<16xi32, #tpu.memory_space<vmem>>) semaphore(%arg20 : memref<!tpu.dma_semaphore, #tpu.memory_space<semaphore_mem>>)
    %dma_start3A_55 = arith.constant 0 : i32
    %dma_start3A_56 = arith.constant 0 : i32
    %dma_start3A_57 = arith.constant 0 : i32
    %dma_start3A_58 = tpu.memref_slice %arg16[%dma_start3A_55, %dma_start3A_56, %dma_start3A_57] : memref<4x16x128xf32, #tpu.memory_space<vmem>> -> memref<1x16x128xf32, #tpu.memory_space<vmem>>
    %dma_start3A_59 = tpu.memref_squeeze %dma_start3A_58 : memref<1x16x128xf32, #tpu.memory_space<vmem>> -> memref<16x128xf32, #tpu.memory_space<vmem>>
    %dma_start3A_60 = arith.constant 0 : i32
    %dma_start3A_61 = tpu.memref_slice %arg12[%dma_start3A_60] : memref<512xi32, #tpu.memory_space<vmem>> -> memref<16xi32, #tpu.memory_space<vmem>>
    %dma_start3A_62 = arith.constant 0 : i32
    %dma_start3A_63 = arith.constant 0 : i32
    %dma_start3A_64 = tpu.memref_slice %arg7[%dma_start3A_62, %dma_start3A_63] : memref<100000x128xf32, #tpu.memory_space<hbm>> -> memref<100000x128xf32, #tpu.memory_space<hbm>>
    tpu.enqueue_indirect_dma source(%dma_start3A_64 : memref<100000x128xf32, #tpu.memory_space<hbm>>) target(%dma_start3A_59 : memref<16x128xf32, #tpu.memory_space<vmem>>) offsets(%dma_start3A_61 : memref<16xi32, #tpu.memory_space<vmem>>) semaphore(%arg20 : memref<!tpu.dma_semaphore, #tpu.memory_space<semaphore_mem>>)
    %dma_start3A_65 = arith.constant 1 : i32
    %dma_start3A_66 = arith.constant 0 : i32
    %dma_start3A_67 = arith.constant 0 : i32
    %dma_start3A_68 = tpu.memref_slice %arg13[%dma_start3A_65, %dma_start3A_66, %dma_start3A_67] : memref<4x64x128xf32, #tpu.memory_space<vmem>> -> memref<1x32x128xf32, #tpu.memory_space<vmem>>
    %dma_start3A_69 = tpu.memref_squeeze %dma_start3A_68 : memref<1x32x128xf32, #tpu.memory_space<vmem>> -> memref<32x128xf32, #tpu.memory_space<vmem>>
    %dma_start3A_70 = arith.constant 64 : i32
    %dma_start3A_71 = tpu.memref_slice %arg11[%dma_start3A_70] : memref<2048xi32, #tpu.memory_space<vmem>> -> memref<32xi32, #tpu.memory_space<vmem>>
    %dma_start3A_72 = arith.constant 0 : i32
    %dma_start3A_73 = arith.constant 0 : i32
    %dma_start3A_74 = tpu.memref_slice %arg4[%dma_start3A_72, %dma_start3A_73] : memref<100000x128xf32, #tpu.memory_space<hbm>> -> memref<100000x128xf32, #tpu.memory_space<hbm>>
    tpu.enqueue_indirect_dma source(%dma_start3A_74 : memref<100000x128xf32, #tpu.memory_space<hbm>>) target(%dma_start3A_69 : memref<32x128xf32, #tpu.memory_space<vmem>>) offsets(%dma_start3A_71 : memref<32xi32, #tpu.memory_space<vmem>>) semaphore(%arg21 : memref<!tpu.dma_semaphore, #tpu.memory_space<semaphore_mem>>)
    %dma_start3A_75 = arith.constant 1 : i32
    %dma_start3A_76 = arith.constant 0 : i32
    %dma_start3A_77 = arith.constant 0 : i32
    %dma_start3A_78 = tpu.memref_slice %arg14[%dma_start3A_75, %dma_start3A_76, %dma_start3A_77] : memref<4x64x128xf32, #tpu.memory_space<vmem>> -> memref<1x32x128xf32, #tpu.memory_space<vmem>>
    %dma_start3A_79 = tpu.memref_squeeze %dma_start3A_78 : memref<1x32x128xf32, #tpu.memory_space<vmem>> -> memref<32x128xf32, #tpu.memory_space<vmem>>
    %dma_start3A_80 = arith.constant 64 : i32
    %dma_start3A_81 = tpu.memref_slice %arg11[%dma_start3A_80] : memref<2048xi32, #tpu.memory_space<vmem>> -> memref<32xi32, #tpu.memory_space<vmem>>
    %dma_start3A_82 = arith.constant 0 : i32
    %dma_start3A_83 = arith.constant 0 : i32
    %dma_start3A_84 = tpu.memref_slice %arg5[%dma_start3A_82, %dma_start3A_83] : memref<100000x128xf32, #tpu.memory_space<hbm>> -> memref<100000x128xf32, #tpu.memory_space<hbm>>
    tpu.enqueue_indirect_dma source(%dma_start3A_84 : memref<100000x128xf32, #tpu.memory_space<hbm>>) target(%dma_start3A_79 : memref<32x128xf32, #tpu.memory_space<vmem>>) offsets(%dma_start3A_81 : memref<32xi32, #tpu.memory_space<vmem>>) semaphore(%arg21 : memref<!tpu.dma_semaphore, #tpu.memory_space<semaphore_mem>>)
    %dma_start3A_85 = arith.constant 1 : i32
    %dma_start3A_86 = arith.constant 32 : i32
    %dma_start3A_87 = arith.constant 0 : i32
    %dma_start3A_88 = tpu.memref_slice %arg13[%dma_start3A_85, %dma_start3A_86, %dma_start3A_87] : memref<4x64x128xf32, #tpu.memory_space<vmem>> -> memref<1x32x128xf32, #tpu.memory_space<vmem>>
    %dma_start3A_89 = tpu.memref_squeeze %dma_start3A_88 : memref<1x32x128xf32, #tpu.memory_space<vmem>> -> memref<32x128xf32, #tpu.memory_space<vmem>>
    %dma_start3A_90 = arith.constant 96 : i32
    %dma_start3A_91 = tpu.memref_slice %arg11[%dma_start3A_90] : memref<2048xi32, #tpu.memory_space<vmem>> -> memref<32xi32, #tpu.memory_space<vmem>>
    %dma_start3A_92 = arith.constant 0 : i32
    %dma_start3A_93 = arith.constant 0 : i32
    %dma_start3A_94 = tpu.memref_slice %arg4[%dma_start3A_92, %dma_start3A_93] : memref<100000x128xf32, #tpu.memory_space<hbm>> -> memref<100000x128xf32, #tpu.memory_space<hbm>>
    tpu.enqueue_indirect_dma source(%dma_start3A_94 : memref<100000x128xf32, #tpu.memory_space<hbm>>) target(%dma_start3A_89 : memref<32x128xf32, #tpu.memory_space<vmem>>) offsets(%dma_start3A_91 : memref<32xi32, #tpu.memory_space<vmem>>) semaphore(%arg21 : memref<!tpu.dma_semaphore, #tpu.memory_space<semaphore_mem>>)
    %dma_start3A_95 = arith.constant 1 : i32
    %dma_start3A_96 = arith.constant 32 : i32
    %dma_start3A_97 = arith.constant 0 : i32
    %dma_start3A_98 = tpu.memref_slice %arg14[%dma_start3A_95, %dma_start3A_96, %dma_start3A_97] : memref<4x64x128xf32, #tpu.memory_space<vmem>> -> memref<1x32x128xf32, #tpu.memory_space<vmem>>
    %dma_start3A_99 = tpu.memref_squeeze %dma_start3A_98 : memref<1x32x128xf32, #tpu.memory_space<vmem>> -> memref<32x128xf32, #tpu.memory_space<vmem>>
    %dma_start3A_100 = arith.constant 96 : i32
    %dma_start3A_101 = tpu.memref_slice %arg11[%dma_start3A_100] : memref<2048xi32, #tpu.memory_space<vmem>> -> memref<32xi32, #tpu.memory_space<vmem>>
    %dma_start3A_102 = arith.constant 0 : i32
    %dma_start3A_103 = arith.constant 0 : i32
    %dma_start3A_104 = tpu.memref_slice %arg5[%dma_start3A_102, %dma_start3A_103] : memref<100000x128xf32, #tpu.memory_space<hbm>> -> memref<100000x128xf32, #tpu.memory_space<hbm>>
    tpu.enqueue_indirect_dma source(%dma_start3A_104 : memref<100000x128xf32, #tpu.memory_space<hbm>>) target(%dma_start3A_99 : memref<32x128xf32, #tpu.memory_space<vmem>>) offsets(%dma_start3A_101 : memref<32xi32, #tpu.memory_space<vmem>>) semaphore(%arg21 : memref<!tpu.dma_semaphore, #tpu.memory_space<semaphore_mem>>)
    %dma_start3A_105 = arith.constant 1 : i32
    %dma_start3A_106 = arith.constant 0 : i32
    %dma_start3A_107 = arith.constant 0 : i32
    %dma_start3A_108 = tpu.memref_slice %arg15[%dma_start3A_105, %dma_start3A_106, %dma_start3A_107] : memref<4x16x128xf32, #tpu.memory_space<vmem>> -> memref<1x16x128xf32, #tpu.memory_space<vmem>>
    %dma_start3A_109 = tpu.memref_squeeze %dma_start3A_108 : memref<1x16x128xf32, #tpu.memory_space<vmem>> -> memref<16x128xf32, #tpu.memory_space<vmem>>
    %dma_start3A_110 = arith.constant 16 : i32
    %dma_start3A_111 = tpu.memref_slice %arg12[%dma_start3A_110] : memref<512xi32, #tpu.memory_space<vmem>> -> memref<16xi32, #tpu.memory_space<vmem>>
    %dma_start3A_112 = arith.constant 0 : i32
    %dma_start3A_113 = arith.constant 0 : i32
    %dma_start3A_114 = tpu.memref_slice %arg6[%dma_start3A_112, %dma_start3A_113] : memref<100000x128xf32, #tpu.memory_space<hbm>> -> memref<100000x128xf32, #tpu.memory_space<hbm>>
    tpu.enqueue_indirect_dma source(%dma_start3A_114 : memref<100000x128xf32, #tpu.memory_space<hbm>>) target(%dma_start3A_109 : memref<16x128xf32, #tpu.memory_space<vmem>>) offsets(%dma_start3A_111 : memref<16xi32, #tpu.memory_space<vmem>>) semaphore(%arg21 : memref<!tpu.dma_semaphore, #tpu.memory_space<semaphore_mem>>)
    %dma_start3A_115 = arith.constant 1 : i32
    %dma_start3A_116 = arith.constant 0 : i32
    %dma_start3A_117 = arith.constant 0 : i32
    %dma_start3A_118 = tpu.memref_slice %arg16[%dma_start3A_115, %dma_start3A_116, %dma_start3A_117] : memref<4x16x128xf32, #tpu.memory_space<vmem>> -> memref<1x16x128xf32, #tpu.memory_space<vmem>>
    %dma_start3A_119 = tpu.memref_squeeze %dma_start3A_118 : memref<1x16x128xf32, #tpu.memory_space<vmem>> -> memref<16x128xf32, #tpu.memory_space<vmem>>
    %dma_start3A_120 = arith.constant 16 : i32
    %dma_start3A_121 = tpu.memref_slice %arg12[%dma_start3A_120] : memref<512xi32, #tpu.memory_space<vmem>> -> memref<16xi32, #tpu.memory_space<vmem>>
    %dma_start3A_122 = arith.constant 0 : i32
    %dma_start3A_123 = arith.constant 0 : i32
    %dma_start3A_124 = tpu.memref_slice %arg7[%dma_start3A_122, %dma_start3A_123] : memref<100000x128xf32, #tpu.memory_space<hbm>> -> memref<100000x128xf32, #tpu.memory_space<hbm>>
    tpu.enqueue_indirect_dma source(%dma_start3A_124 : memref<100000x128xf32, #tpu.memory_space<hbm>>) target(%dma_start3A_119 : memref<16x128xf32, #tpu.memory_space<vmem>>) offsets(%dma_start3A_121 : memref<16xi32, #tpu.memory_space<vmem>>) semaphore(%arg21 : memref<!tpu.dma_semaphore, #tpu.memory_space<semaphore_mem>>)
    %dma_start3A_125 = arith.constant 2 : i32
    %dma_start3A_126 = arith.constant 0 : i32
    %dma_start3A_127 = arith.constant 0 : i32
    %dma_start3A_128 = tpu.memref_slice %arg13[%dma_start3A_125, %dma_start3A_126, %dma_start3A_127] : memref<4x64x128xf32, #tpu.memory_space<vmem>> -> memref<1x32x128xf32, #tpu.memory_space<vmem>>
    %dma_start3A_129 = tpu.memref_squeeze %dma_start3A_128 : memref<1x32x128xf32, #tpu.memory_space<vmem>> -> memref<32x128xf32, #tpu.memory_space<vmem>>
    %dma_start3A_130 = arith.constant 128 : i32
    %dma_start3A_131 = tpu.memref_slice %arg11[%dma_start3A_130] : memref<2048xi32, #tpu.memory_space<vmem>> -> memref<32xi32, #tpu.memory_space<vmem>>
    %dma_start3A_132 = arith.constant 0 : i32
    %dma_start3A_133 = arith.constant 0 : i32
    %dma_start3A_134 = tpu.memref_slice %arg4[%dma_start3A_132, %dma_start3A_133] : memref<100000x128xf32, #tpu.memory_space<hbm>> -> memref<100000x128xf32, #tpu.memory_space<hbm>>
    tpu.enqueue_indirect_dma source(%dma_start3A_134 : memref<100000x128xf32, #tpu.memory_space<hbm>>) target(%dma_start3A_129 : memref<32x128xf32, #tpu.memory_space<vmem>>) offsets(%dma_start3A_131 : memref<32xi32, #tpu.memory_space<vmem>>) semaphore(%arg22 : memref<!tpu.dma_semaphore, #tpu.memory_space<semaphore_mem>>)
    %dma_start3A_135 = arith.constant 2 : i32
    %dma_start3A_136 = arith.constant 0 : i32
    %dma_start3A_137 = arith.constant 0 : i32
    %dma_start3A_138 = tpu.memref_slice %arg14[%dma_start3A_135, %dma_start3A_136, %dma_start3A_137] : memref<4x64x128xf32, #tpu.memory_space<vmem>> -> memref<1x32x128xf32, #tpu.memory_space<vmem>>
    %dma_start3A_139 = tpu.memref_squeeze %dma_start3A_138 : memref<1x32x128xf32, #tpu.memory_space<vmem>> -> memref<32x128xf32, #tpu.memory_space<vmem>>
    %dma_start3A_140 = arith.constant 128 : i32
    %dma_start3A_141 = tpu.memref_slice %arg11[%dma_start3A_140] : memref<2048xi32, #tpu.memory_space<vmem>> -> memref<32xi32, #tpu.memory_space<vmem>>
    %dma_start3A_142 = arith.constant 0 : i32
    %dma_start3A_143 = arith.constant 0 : i32
    %dma_start3A_144 = tpu.memref_slice %arg5[%dma_start3A_142, %dma_start3A_143] : memref<100000x128xf32, #tpu.memory_space<hbm>> -> memref<100000x128xf32, #tpu.memory_space<hbm>>
    tpu.enqueue_indirect_dma source(%dma_start3A_144 : memref<100000x128xf32, #tpu.memory_space<hbm>>) target(%dma_start3A_139 : memref<32x128xf32, #tpu.memory_space<vmem>>) offsets(%dma_start3A_141 : memref<32xi32, #tpu.memory_space<vmem>>) semaphore(%arg22 : memref<!tpu.dma_semaphore, #tpu.memory_space<semaphore_mem>>)
    %dma_start3A_145 = arith.constant 2 : i32
    %dma_start3A_146 = arith.constant 32 : i32
    %dma_start3A_147 = arith.constant 0 : i32
    %dma_start3A_148 = tpu.memref_slice %arg13[%dma_start3A_145, %dma_start3A_146, %dma_start3A_147] : memref<4x64x128xf32, #tpu.memory_space<vmem>> -> memref<1x32x128xf32, #tpu.memory_space<vmem>>
    %dma_start3A_149 = tpu.memref_squeeze %dma_start3A_148 : memref<1x32x128xf32, #tpu.memory_space<vmem>> -> memref<32x128xf32, #tpu.memory_space<vmem>>
    %dma_start3A_150 = arith.constant 160 : i32
    %dma_start3A_151 = tpu.memref_slice %arg11[%dma_start3A_150] : memref<2048xi32, #tpu.memory_space<vmem>> -> memref<32xi32, #tpu.memory_space<vmem>>
    %dma_start3A_152 = arith.constant 0 : i32
    %dma_start3A_153 = arith.constant 0 : i32
    %dma_start3A_154 = tpu.memref_slice %arg4[%dma_start3A_152, %dma_start3A_153] : memref<100000x128xf32, #tpu.memory_space<hbm>> -> memref<100000x128xf32, #tpu.memory_space<hbm>>
    tpu.enqueue_indirect_dma source(%dma_start3A_154 : memref<100000x128xf32, #tpu.memory_space<hbm>>) target(%dma_start3A_149 : memref<32x128xf32, #tpu.memory_space<vmem>>) offsets(%dma_start3A_151 : memref<32xi32, #tpu.memory_space<vmem>>) semaphore(%arg22 : memref<!tpu.dma_semaphore, #tpu.memory_space<semaphore_mem>>)
    %dma_start3A_155 = arith.constant 2 : i32
    %dma_start3A_156 = arith.constant 32 : i32
    %dma_start3A_157 = arith.constant 0 : i32
    %dma_start3A_158 = tpu.memref_slice %arg14[%dma_start3A_155, %dma_start3A_156, %dma_start3A_157] : memref<4x64x128xf32, #tpu.memory_space<vmem>> -> memref<1x32x128xf32, #tpu.memory_space<vmem>>
    %dma_start3A_159 = tpu.memref_squeeze %dma_start3A_158 : memref<1x32x128xf32, #tpu.memory_space<vmem>> -> memref<32x128xf32, #tpu.memory_space<vmem>>
    %dma_start3A_160 = arith.constant 160 : i32
    %dma_start3A_161 = tpu.memref_slice %arg11[%dma_start3A_160] : memref<2048xi32, #tpu.memory_space<vmem>> -> memref<32xi32, #tpu.memory_space<vmem>>
    %dma_start3A_162 = arith.constant 0 : i32
    %dma_start3A_163 = arith.constant 0 : i32
    %dma_start3A_164 = tpu.memref_slice %arg5[%dma_start3A_162, %dma_start3A_163] : memref<100000x128xf32, #tpu.memory_space<hbm>> -> memref<100000x128xf32, #tpu.memory_space<hbm>>
    tpu.enqueue_indirect_dma source(%dma_start3A_164 : memref<100000x128xf32, #tpu.memory_space<hbm>>) target(%dma_start3A_159 : memref<32x128xf32, #tpu.memory_space<vmem>>) offsets(%dma_start3A_161 : memref<32xi32, #tpu.memory_space<vmem>>) semaphore(%arg22 : memref<!tpu.dma_semaphore, #tpu.memory_space<semaphore_mem>>)
    %dma_start3A_165 = arith.constant 2 : i32
    %dma_start3A_166 = arith.constant 0 : i32
    %dma_start3A_167 = arith.constant 0 : i32
    %dma_start3A_168 = tpu.memref_slice %arg15[%dma_start3A_165, %dma_start3A_166, %dma_start3A_167] : memref<4x16x128xf32, #tpu.memory_space<vmem>> -> memref<1x16x128xf32, #tpu.memory_space<vmem>>
    %dma_start3A_169 = tpu.memref_squeeze %dma_start3A_168 : memref<1x16x128xf32, #tpu.memory_space<vmem>> -> memref<16x128xf32, #tpu.memory_space<vmem>>
    %dma_start3A_170 = arith.constant 32 : i32
    %dma_start3A_171 = tpu.memref_slice %arg12[%dma_start3A_170] : memref<512xi32, #tpu.memory_space<vmem>> -> memref<16xi32, #tpu.memory_space<vmem>>
    %dma_start3A_172 = arith.constant 0 : i32
    %dma_start3A_173 = arith.constant 0 : i32
    %dma_start3A_174 = tpu.memref_slice %arg6[%dma_start3A_172, %dma_start3A_173] : memref<100000x128xf32, #tpu.memory_space<hbm>> -> memref<100000x128xf32, #tpu.memory_space<hbm>>
    tpu.enqueue_indirect_dma source(%dma_start3A_174 : memref<100000x128xf32, #tpu.memory_space<hbm>>) target(%dma_start3A_169 : memref<16x128xf32, #tpu.memory_space<vmem>>) offsets(%dma_start3A_171 : memref<16xi32, #tpu.memory_space<vmem>>) semaphore(%arg22 : memref<!tpu.dma_semaphore, #tpu.memory_space<semaphore_mem>>)
    %dma_start3A_175 = arith.constant 2 : i32
    %dma_start3A_176 = arith.constant 0 : i32
    %dma_start3A_177 = arith.constant 0 : i32
    %dma_start3A_178 = tpu.memref_slice %arg16[%dma_start3A_175, %dma_start3A_176, %dma_start3A_177] : memref<4x16x128xf32, #tpu.memory_space<vmem>> -> memref<1x16x128xf32, #tpu.memory_space<vmem>>
    %dma_start3A_179 = tpu.memref_squeeze %dma_start3A_178 : memref<1x16x128xf32, #tpu.memory_space<vmem>> -> memref<16x128xf32, #tpu.memory_space<vmem>>
    %dma_start3A_180 = arith.constant 32 : i32
    %dma_start3A_181 = tpu.memref_slice %arg12[%dma_start3A_180] : memref<512xi32, #tpu.memory_space<vmem>> -> memref<16xi32, #tpu.memory_space<vmem>>
    %dma_start3A_182 = arith.constant 0 : i32
    %dma_start3A_183 = arith.constant 0 : i32
    %dma_start3A_184 = tpu.memref_slice %arg7[%dma_start3A_182, %dma_start3A_183] : memref<100000x128xf32, #tpu.memory_space<hbm>> -> memref<100000x128xf32, #tpu.memory_space<hbm>>
    tpu.enqueue_indirect_dma source(%dma_start3A_184 : memref<100000x128xf32, #tpu.memory_space<hbm>>) target(%dma_start3A_179 : memref<16x128xf32, #tpu.memory_space<vmem>>) offsets(%dma_start3A_181 : memref<16xi32, #tpu.memory_space<vmem>>) semaphore(%arg22 : memref<!tpu.dma_semaphore, #tpu.memory_space<semaphore_mem>>)
    %scan3A = arith.constant 0 : i32
    %scan3A_185 = arith.constant 8 : i32
    %scan3A_186 = arith.addi %scan3A, %scan3A_185 : i32
    %scan3A_187 = arith.constant 1 : i32
    scf.for %scan3A_189 = %scan3A to %scan3A_186 step %scan3A_187  : i32 {
      %mul3A_190 = arith.constant 4 : i32
      %mul3A_191 = arith.muli %scan3A_189, %mul3A_190 : i32
      %add3A_192 = arith.constant 0 : i32
      %add3A_193 = arith.addi %add3A_192, %mul3A_191 : i32
      %add3A_194 = arith.constant 0 : i32
      %add3A_195 = arith.addi %add3A_193, %add3A_194 : i32
      %add3A_196 = arith.constant 4 : i32
      %add3A_197 = arith.addi %add3A_195, %add3A_196 : i32
      %sub3A = arith.constant 1 : i32
      %sub3A_198 = arith.subi %add3A_197, %sub3A : i32
      %lt3A = arith.constant 32 : i32
      %lt3A_199 = arith.cmpi slt, %sub3A_198, %lt3A : i32
      %convert_element_type3A = arith.extui %lt3A_199 : i1 to i32
      %cond3A = arith.constant 0 : i32
      %cond3A_200 = arith.cmpi ne, %convert_element_type3A, %cond3A : i32
      scf.if %cond3A_200 {
        %add3A_897 = arith.constant 4 : i32
        %add3A_898 = arith.addi %add3A_195, %add3A_897 : i32
        %sub3A_899 = arith.constant 1 : i32
        %sub3A_900 = arith.subi %add3A_898, %sub3A_899 : i32
        %mul3A_901 = arith.constant 4 : i32
        %mul3A_902 = arith.muli %sub3A_900, %mul3A_901 : i32
        %mul3A_903 = arith.constant 16 : i32
        %mul3A_904 = arith.muli %mul3A_902, %mul3A_903 : i32
        %mul3A_905 = arith.constant 4 : i32
        %mul3A_906 = arith.muli %sub3A_900, %mul3A_905 : i32
        %mul3A_907 = arith.constant 16 : i32
        %mul3A_908 = arith.muli %mul3A_906, %mul3A_907 : i32
        %add3A_909 = arith.constant 32 : i32
        %add3A_910 = arith.addi %mul3A_908, %add3A_909 : i32
        %mul3A_911 = arith.constant 16 : i32
        %mul3A_912 = arith.muli %sub3A_900, %mul3A_911 : i32
        %dma_start3A_913 = arith.constant 3 : i32
        %dma_start3A_914 = arith.constant 0 : i32
        %dma_start3A_915 = arith.constant 0 : i32
        %dma_start3A_916 = tpu.memref_slice %arg13[%dma_start3A_913, %dma_start3A_914, %dma_start3A_915] : memref<4x64x128xf32, #tpu.memory_space<vmem>> -> memref<1x32x128xf32, #tpu.memory_space<vmem>>
        %dma_start3A_917 = tpu.memref_squeeze %dma_start3A_916 : memref<1x32x128xf32, #tpu.memory_space<vmem>> -> memref<32x128xf32, #tpu.memory_space<vmem>>
        %dma_start3A_918 = tpu.memref_slice %arg11[%mul3A_904] : memref<2048xi32, #tpu.memory_space<vmem>> -> memref<32xi32, #tpu.memory_space<vmem>>
        %dma_start3A_919 = arith.constant 0 : i32
        %dma_start3A_920 = arith.constant 0 : i32
        %dma_start3A_921 = tpu.memref_slice %arg4[%dma_start3A_919, %dma_start3A_920] : memref<100000x128xf32, #tpu.memory_space<hbm>> -> memref<100000x128xf32, #tpu.memory_space<hbm>>
        tpu.enqueue_indirect_dma source(%dma_start3A_921 : memref<100000x128xf32, #tpu.memory_space<hbm>>) target(%dma_start3A_917 : memref<32x128xf32, #tpu.memory_space<vmem>>) offsets(%dma_start3A_918 : memref<32xi32, #tpu.memory_space<vmem>>) semaphore(%arg23 : memref<!tpu.dma_semaphore, #tpu.memory_space<semaphore_mem>>)
        %dma_start3A_922 = arith.constant 3 : i32
        %dma_start3A_923 = arith.constant 0 : i32
        %dma_start3A_924 = arith.constant 0 : i32
        %dma_start3A_925 = tpu.memref_slice %arg14[%dma_start3A_922, %dma_start3A_923, %dma_start3A_924] : memref<4x64x128xf32, #tpu.memory_space<vmem>> -> memref<1x32x128xf32, #tpu.memory_space<vmem>>
        %dma_start3A_926 = tpu.memref_squeeze %dma_start3A_925 : memref<1x32x128xf32, #tpu.memory_space<vmem>> -> memref<32x128xf32, #tpu.memory_space<vmem>>
        %dma_start3A_927 = tpu.memref_slice %arg11[%mul3A_904] : memref<2048xi32, #tpu.memory_space<vmem>> -> memref<32xi32, #tpu.memory_space<vmem>>
        %dma_start3A_928 = arith.constant 0 : i32
        %dma_start3A_929 = arith.constant 0 : i32
        %dma_start3A_930 = tpu.memref_slice %arg5[%dma_start3A_928, %dma_start3A_929] : memref<100000x128xf32, #tpu.memory_space<hbm>> -> memref<100000x128xf32, #tpu.memory_space<hbm>>
        tpu.enqueue_indirect_dma source(%dma_start3A_930 : memref<100000x128xf32, #tpu.memory_space<hbm>>) target(%dma_start3A_926 : memref<32x128xf32, #tpu.memory_space<vmem>>) offsets(%dma_start3A_927 : memref<32xi32, #tpu.memory_space<vmem>>) semaphore(%arg23 : memref<!tpu.dma_semaphore, #tpu.memory_space<semaphore_mem>>)
        %dma_start3A_931 = arith.constant 3 : i32
        %dma_start3A_932 = arith.constant 32 : i32
        %dma_start3A_933 = arith.constant 0 : i32
        %dma_start3A_934 = tpu.memref_slice %arg13[%dma_start3A_931, %dma_start3A_932, %dma_start3A_933] : memref<4x64x128xf32, #tpu.memory_space<vmem>> -> memref<1x32x128xf32, #tpu.memory_space<vmem>>
        %dma_start3A_935 = tpu.memref_squeeze %dma_start3A_934 : memref<1x32x128xf32, #tpu.memory_space<vmem>> -> memref<32x128xf32, #tpu.memory_space<vmem>>
        %dma_start3A_936 = tpu.memref_slice %arg11[%add3A_910] : memref<2048xi32, #tpu.memory_space<vmem>> -> memref<32xi32, #tpu.memory_space<vmem>>
        %dma_start3A_937 = arith.constant 0 : i32
        %dma_start3A_938 = arith.constant 0 : i32
        %dma_start3A_939 = tpu.memref_slice %arg4[%dma_start3A_937, %dma_start3A_938] : memref<100000x128xf32, #tpu.memory_space<hbm>> -> memref<100000x128xf32, #tpu.memory_space<hbm>>
        tpu.enqueue_indirect_dma source(%dma_start3A_939 : memref<100000x128xf32, #tpu.memory_space<hbm>>) target(%dma_start3A_935 : memref<32x128xf32, #tpu.memory_space<vmem>>) offsets(%dma_start3A_936 : memref<32xi32, #tpu.memory_space<vmem>>) semaphore(%arg23 : memref<!tpu.dma_semaphore, #tpu.memory_space<semaphore_mem>>)
        %dma_start3A_940 = arith.constant 3 : i32
        %dma_start3A_941 = arith.constant 32 : i32
        %dma_start3A_942 = arith.constant 0 : i32
        %dma_start3A_943 = tpu.memref_slice %arg14[%dma_start3A_940, %dma_start3A_941, %dma_start3A_942] : memref<4x64x128xf32, #tpu.memory_space<vmem>> -> memref<1x32x128xf32, #tpu.memory_space<vmem>>
        %dma_start3A_944 = tpu.memref_squeeze %dma_start3A_943 : memref<1x32x128xf32, #tpu.memory_space<vmem>> -> memref<32x128xf32, #tpu.memory_space<vmem>>
        %dma_start3A_945 = tpu.memref_slice %arg11[%add3A_910] : memref<2048xi32, #tpu.memory_space<vmem>> -> memref<32xi32, #tpu.memory_space<vmem>>
        %dma_start3A_946 = arith.constant 0 : i32
        %dma_start3A_947 = arith.constant 0 : i32
        %dma_start3A_948 = tpu.memref_slice %arg5[%dma_start3A_946, %dma_start3A_947] : memref<100000x128xf32, #tpu.memory_space<hbm>> -> memref<100000x128xf32, #tpu.memory_space<hbm>>
        tpu.enqueue_indirect_dma source(%dma_start3A_948 : memref<100000x128xf32, #tpu.memory_space<hbm>>) target(%dma_start3A_944 : memref<32x128xf32, #tpu.memory_space<vmem>>) offsets(%dma_start3A_945 : memref<32xi32, #tpu.memory_space<vmem>>) semaphore(%arg23 : memref<!tpu.dma_semaphore, #tpu.memory_space<semaphore_mem>>)
        %dma_start3A_949 = arith.constant 3 : i32
        %dma_start3A_950 = arith.constant 0 : i32
        %dma_start3A_951 = arith.constant 0 : i32
        %dma_start3A_952 = tpu.memref_slice %arg15[%dma_start3A_949, %dma_start3A_950, %dma_start3A_951] : memref<4x16x128xf32, #tpu.memory_space<vmem>> -> memref<1x16x128xf32, #tpu.memory_space<vmem>>
        %dma_start3A_953 = tpu.memref_squeeze %dma_start3A_952 : memref<1x16x128xf32, #tpu.memory_space<vmem>> -> memref<16x128xf32, #tpu.memory_space<vmem>>
        %dma_start3A_954 = tpu.memref_slice %arg12[%mul3A_912] : memref<512xi32, #tpu.memory_space<vmem>> -> memref<16xi32, #tpu.memory_space<vmem>>
        %dma_start3A_955 = arith.constant 0 : i32
        %dma_start3A_956 = arith.constant 0 : i32
        %dma_start3A_957 = tpu.memref_slice %arg6[%dma_start3A_955, %dma_start3A_956] : memref<100000x128xf32, #tpu.memory_space<hbm>> -> memref<100000x128xf32, #tpu.memory_space<hbm>>
        tpu.enqueue_indirect_dma source(%dma_start3A_957 : memref<100000x128xf32, #tpu.memory_space<hbm>>) target(%dma_start3A_953 : memref<16x128xf32, #tpu.memory_space<vmem>>) offsets(%dma_start3A_954 : memref<16xi32, #tpu.memory_space<vmem>>) semaphore(%arg23 : memref<!tpu.dma_semaphore, #tpu.memory_space<semaphore_mem>>)
        %dma_start3A_958 = arith.constant 3 : i32
        %dma_start3A_959 = arith.constant 0 : i32
        %dma_start3A_960 = arith.constant 0 : i32
        %dma_start3A_961 = tpu.memref_slice %arg16[%dma_start3A_958, %dma_start3A_959, %dma_start3A_960] : memref<4x16x128xf32, #tpu.memory_space<vmem>> -> memref<1x16x128xf32, #tpu.memory_space<vmem>>
        %dma_start3A_962 = tpu.memref_squeeze %dma_start3A_961 : memref<1x16x128xf32, #tpu.memory_space<vmem>> -> memref<16x128xf32, #tpu.memory_space<vmem>>
        %dma_start3A_963 = tpu.memref_slice %arg12[%mul3A_912] : memref<512xi32, #tpu.memory_space<vmem>> -> memref<16xi32, #tpu.memory_space<vmem>>
        %dma_start3A_964 = arith.constant 0 : i32
        %dma_start3A_965 = arith.constant 0 : i32
        %dma_start3A_966 = tpu.memref_slice %arg7[%dma_start3A_964, %dma_start3A_965] : memref<100000x128xf32, #tpu.memory_space<hbm>> -> memref<100000x128xf32, #tpu.memory_space<hbm>>
        tpu.enqueue_indirect_dma source(%dma_start3A_966 : memref<100000x128xf32, #tpu.memory_space<hbm>>) target(%dma_start3A_962 : memref<16x128xf32, #tpu.memory_space<vmem>>) offsets(%dma_start3A_963 : memref<16xi32, #tpu.memory_space<vmem>>) semaphore(%arg23 : memref<!tpu.dma_semaphore, #tpu.memory_space<semaphore_mem>>)
      } else {
      }
      %mul3A_201 = arith.constant 4 : i32
      %mul3A_202 = arith.muli %add3A_195, %mul3A_201 : i32
      %mul3A_203 = arith.constant 16 : i32
      %mul3A_204 = arith.muli %mul3A_202, %mul3A_203 : i32
      %mul3A_205 = arith.constant 4 : i32
      %mul3A_206 = arith.muli %add3A_195, %mul3A_205 : i32
      %mul3A_207 = arith.constant 16 : i32
      %mul3A_208 = arith.muli %mul3A_206, %mul3A_207 : i32
      %add3A_209 = arith.constant 32 : i32
      %add3A_210 = arith.addi %mul3A_208, %add3A_209 : i32
      %mul3A_211 = arith.constant 16 : i32
      %mul3A_212 = arith.muli %add3A_195, %mul3A_211 : i32
      %dma_wait3A = arith.constant 0 : i32
      %dma_wait3A_213 = arith.constant 0 : i32
      %dma_wait3A_214 = arith.constant 0 : i32
      %dma_wait3A_215 = tpu.memref_slice %arg13[%dma_wait3A, %dma_wait3A_213, %dma_wait3A_214] : memref<4x64x128xf32, #tpu.memory_space<vmem>> -> memref<1x32x128xf32, #tpu.memory_space<vmem>>
      %dma_wait3A_216 = tpu.memref_squeeze %dma_wait3A_215 : memref<1x32x128xf32, #tpu.memory_space<vmem>> -> memref<32x128xf32, #tpu.memory_space<vmem>>
      %dma_wait3A_217 = tpu.memref_slice %arg11[%mul3A_204] : memref<2048xi32, #tpu.memory_space<vmem>> -> memref<32xi32, #tpu.memory_space<vmem>>
      %dma_wait3A_218 = arith.constant 0 : i32
      %dma_wait3A_219 = arith.constant 0 : i32
      %dma_wait3A_220 = tpu.memref_slice %arg4[%dma_wait3A_218, %dma_wait3A_219] : memref<100000x128xf32, #tpu.memory_space<hbm>> -> memref<100000x128xf32, #tpu.memory_space<hbm>>
      tpu.wait_indirect_dma semaphore(%arg20 : memref<!tpu.dma_semaphore, #tpu.memory_space<semaphore_mem>>) src(%dma_wait3A_220 : memref<100000x128xf32, #tpu.memory_space<hbm>>) dst(%dma_wait3A_216 : memref<32x128xf32, #tpu.memory_space<vmem>>)
      %dma_wait3A_221 = arith.constant 0 : i32
      %dma_wait3A_222 = arith.constant 0 : i32
      %dma_wait3A_223 = arith.constant 0 : i32
      %dma_wait3A_224 = tpu.memref_slice %arg14[%dma_wait3A_221, %dma_wait3A_222, %dma_wait3A_223] : memref<4x64x128xf32, #tpu.memory_space<vmem>> -> memref<1x32x128xf32, #tpu.memory_space<vmem>>
      %dma_wait3A_225 = tpu.memref_squeeze %dma_wait3A_224 : memref<1x32x128xf32, #tpu.memory_space<vmem>> -> memref<32x128xf32, #tpu.memory_space<vmem>>
      %dma_wait3A_226 = tpu.memref_slice %arg11[%mul3A_204] : memref<2048xi32, #tpu.memory_space<vmem>> -> memref<32xi32, #tpu.memory_space<vmem>>
      %dma_wait3A_227 = arith.constant 0 : i32
      %dma_wait3A_228 = arith.constant 0 : i32
      %dma_wait3A_229 = tpu.memref_slice %arg5[%dma_wait3A_227, %dma_wait3A_228] : memref<100000x128xf32, #tpu.memory_space<hbm>> -> memref<100000x128xf32, #tpu.memory_space<hbm>>
      tpu.wait_indirect_dma semaphore(%arg20 : memref<!tpu.dma_semaphore, #tpu.memory_space<semaphore_mem>>) src(%dma_wait3A_229 : memref<100000x128xf32, #tpu.memory_space<hbm>>) dst(%dma_wait3A_225 : memref<32x128xf32, #tpu.memory_space<vmem>>)
      %dma_wait3A_230 = arith.constant 0 : i32
      %dma_wait3A_231 = arith.constant 32 : i32
      %dma_wait3A_232 = arith.constant 0 : i32
      %dma_wait3A_233 = tpu.memref_slice %arg13[%dma_wait3A_230, %dma_wait3A_231, %dma_wait3A_232] : memref<4x64x128xf32, #tpu.memory_space<vmem>> -> memref<1x32x128xf32, #tpu.memory_space<vmem>>
      %dma_wait3A_234 = tpu.memref_squeeze %dma_wait3A_233 : memref<1x32x128xf32, #tpu.memory_space<vmem>> -> memref<32x128xf32, #tpu.memory_space<vmem>>
      %dma_wait3A_235 = tpu.memref_slice %arg11[%add3A_210] : memref<2048xi32, #tpu.memory_space<vmem>> -> memref<32xi32, #tpu.memory_space<vmem>>
      %dma_wait3A_236 = arith.constant 0 : i32
      %dma_wait3A_237 = arith.constant 0 : i32
      %dma_wait3A_238 = tpu.memref_slice %arg4[%dma_wait3A_236, %dma_wait3A_237] : memref<100000x128xf32, #tpu.memory_space<hbm>> -> memref<100000x128xf32, #tpu.memory_space<hbm>>
      tpu.wait_indirect_dma semaphore(%arg20 : memref<!tpu.dma_semaphore, #tpu.memory_space<semaphore_mem>>) src(%dma_wait3A_238 : memref<100000x128xf32, #tpu.memory_space<hbm>>) dst(%dma_wait3A_234 : memref<32x128xf32, #tpu.memory_space<vmem>>)
      %dma_wait3A_239 = arith.constant 0 : i32
      %dma_wait3A_240 = arith.constant 32 : i32
      %dma_wait3A_241 = arith.constant 0 : i32
      %dma_wait3A_242 = tpu.memref_slice %arg14[%dma_wait3A_239, %dma_wait3A_240, %dma_wait3A_241] : memref<4x64x128xf32, #tpu.memory_space<vmem>> -> memref<1x32x128xf32, #tpu.memory_space<vmem>>
      %dma_wait3A_243 = tpu.memref_squeeze %dma_wait3A_242 : memref<1x32x128xf32, #tpu.memory_space<vmem>> -> memref<32x128xf32, #tpu.memory_space<vmem>>
      %dma_wait3A_244 = tpu.memref_slice %arg11[%add3A_210] : memref<2048xi32, #tpu.memory_space<vmem>> -> memref<32xi32, #tpu.memory_space<vmem>>
      %dma_wait3A_245 = arith.constant 0 : i32
      %dma_wait3A_246 = arith.constant 0 : i32
      %dma_wait3A_247 = tpu.memref_slice %arg5[%dma_wait3A_245, %dma_wait3A_246] : memref<100000x128xf32, #tpu.memory_space<hbm>> -> memref<100000x128xf32, #tpu.memory_space<hbm>>
      tpu.wait_indirect_dma semaphore(%arg20 : memref<!tpu.dma_semaphore, #tpu.memory_space<semaphore_mem>>) src(%dma_wait3A_247 : memref<100000x128xf32, #tpu.memory_space<hbm>>) dst(%dma_wait3A_243 : memref<32x128xf32, #tpu.memory_space<vmem>>)
      %dma_wait3A_248 = arith.constant 0 : i32
      %dma_wait3A_249 = arith.constant 0 : i32
      %dma_wait3A_250 = arith.constant 0 : i32
      %dma_wait3A_251 = tpu.memref_slice %arg15[%dma_wait3A_248, %dma_wait3A_249, %dma_wait3A_250] : memref<4x16x128xf32, #tpu.memory_space<vmem>> -> memref<1x16x128xf32, #tpu.memory_space<vmem>>
      %dma_wait3A_252 = tpu.memref_squeeze %dma_wait3A_251 : memref<1x16x128xf32, #tpu.memory_space<vmem>> -> memref<16x128xf32, #tpu.memory_space<vmem>>
      %dma_wait3A_253 = tpu.memref_slice %arg12[%mul3A_212] : memref<512xi32, #tpu.memory_space<vmem>> -> memref<16xi32, #tpu.memory_space<vmem>>
      %dma_wait3A_254 = arith.constant 0 : i32
      %dma_wait3A_255 = arith.constant 0 : i32
      %dma_wait3A_256 = tpu.memref_slice %arg6[%dma_wait3A_254, %dma_wait3A_255] : memref<100000x128xf32, #tpu.memory_space<hbm>> -> memref<100000x128xf32, #tpu.memory_space<hbm>>
      tpu.wait_indirect_dma semaphore(%arg20 : memref<!tpu.dma_semaphore, #tpu.memory_space<semaphore_mem>>) src(%dma_wait3A_256 : memref<100000x128xf32, #tpu.memory_space<hbm>>) dst(%dma_wait3A_252 : memref<16x128xf32, #tpu.memory_space<vmem>>)
      %dma_wait3A_257 = arith.constant 0 : i32
      %dma_wait3A_258 = arith.constant 0 : i32
      %dma_wait3A_259 = arith.constant 0 : i32
      %dma_wait3A_260 = tpu.memref_slice %arg16[%dma_wait3A_257, %dma_wait3A_258, %dma_wait3A_259] : memref<4x16x128xf32, #tpu.memory_space<vmem>> -> memref<1x16x128xf32, #tpu.memory_space<vmem>>
      %dma_wait3A_261 = tpu.memref_squeeze %dma_wait3A_260 : memref<1x16x128xf32, #tpu.memory_space<vmem>> -> memref<16x128xf32, #tpu.memory_space<vmem>>
      %dma_wait3A_262 = tpu.memref_slice %arg12[%mul3A_212] : memref<512xi32, #tpu.memory_space<vmem>> -> memref<16xi32, #tpu.memory_space<vmem>>
      %dma_wait3A_263 = arith.constant 0 : i32
      %dma_wait3A_264 = arith.constant 0 : i32
      %dma_wait3A_265 = tpu.memref_slice %arg7[%dma_wait3A_263, %dma_wait3A_264] : memref<100000x128xf32, #tpu.memory_space<hbm>> -> memref<100000x128xf32, #tpu.memory_space<hbm>>
      tpu.wait_indirect_dma semaphore(%arg20 : memref<!tpu.dma_semaphore, #tpu.memory_space<semaphore_mem>>) src(%dma_wait3A_265 : memref<100000x128xf32, #tpu.memory_space<hbm>>) dst(%dma_wait3A_261 : memref<16x128xf32, #tpu.memory_space<vmem>>)
      %mul3A_266 = arith.constant 16 : i32
      %mul3A_267 = arith.muli %add3A_195, %mul3A_266 : i32
      %scan3A_268 = arith.constant 0 : i32
      %scan3A_269 = arith.constant 16 : i32
      %scan3A_270 = arith.addi %scan3A_268, %scan3A_269 : i32
      %scan3A_271 = arith.constant 1 : i32
      %scan3A_272:2 = scf.for %scan3A_897 = %scan3A_268 to %scan3A_270 step %scan3A_271 iter_args(%scan3A_898 = %broadcast_in_dim3A_5, %scan3A_899 = %broadcast_in_dim3A_5) -> (vector<16xf32>, vector<16xf32>)  : i32 {
        %add3A_900 = arith.constant 0 : i32
        %add3A_901 = arith.addi %add3A_900, %scan3A_897 : i32
        %get3A = arith.constant 0 : i32
        %get3A_902 = arith.index_cast %get3A : i32 to index
        %get3A_903 = arith.index_cast %add3A_901 : i32 to index
        %get3A_904 = arith.constant 0 : index
        %get3A_905 = tpu.vector_load %arg13[%get3A_902, %get3A_903, %get3A_904] {strides = array<i32>} : memref<4x64x128xf32, #tpu.memory_space<vmem>>, vector<16xf32>,
        %get3A_906 = arith.constant 0 : i32
        %get3A_907 = arith.index_cast %get3A_906 : i32 to index
        %get3A_908 = arith.index_cast %add3A_901 : i32 to index
        %get3A_909 = arith.constant 0 : index
        %get3A_910 = tpu.vector_load %arg14[%get3A_907, %get3A_908, %get3A_909] {strides = array<i32>} : memref<4x64x128xf32, #tpu.memory_space<vmem>>, vector<16xf32>,
        %add3A_911 = arith.constant 16 : i32
        %add3A_912 = arith.addi %add3A_911, %add3A_901 : i32
        %get3A_913 = arith.constant 0 : i32
        %get3A_914 = arith.index_cast %get3A_913 : i32 to index
        %get3A_915 = arith.index_cast %add3A_912 : i32 to index
        %get3A_916 = arith.constant 0 : index
        %get3A_917 = tpu.vector_load %arg13[%get3A_914, %get3A_915, %get3A_916] {strides = array<i32>} : memref<4x64x128xf32, #tpu.memory_space<vmem>>, vector<16xf32>,
        %add3A_918 = arith.constant 16 : i32
        %add3A_919 = arith.addi %add3A_918, %add3A_901 : i32
        %get3A_920 = arith.constant 0 : i32
        %get3A_921 = arith.index_cast %get3A_920 : i32 to index
        %get3A_922 = arith.index_cast %add3A_919 : i32 to index
        %get3A_923 = arith.constant 0 : index
        %get3A_924 = tpu.vector_load %arg14[%get3A_921, %get3A_922, %get3A_923] {strides = array<i32>} : memref<4x64x128xf32, #tpu.memory_space<vmem>>, vector<16xf32>,
        %add3A_925 = arith.constant 32 : i32
        %add3A_926 = arith.addi %add3A_925, %add3A_901 : i32
        %get3A_927 = arith.constant 0 : i32
        %get3A_928 = arith.index_cast %get3A_927 : i32 to index
        %get3A_929 = arith.index_cast %add3A_926 : i32 to index
        %get3A_930 = arith.constant 0 : index
        %get3A_931 = tpu.vector_load %arg13[%get3A_928, %get3A_929, %get3A_930] {strides = array<i32>} : memref<4x64x128xf32, #tpu.memory_space<vmem>>, vector<16xf32>,
        %add3A_932 = arith.constant 32 : i32
        %add3A_933 = arith.addi %add3A_932, %add3A_901 : i32
        %get3A_934 = arith.constant 0 : i32
        %get3A_935 = arith.index_cast %get3A_934 : i32 to index
        %get3A_936 = arith.index_cast %add3A_933 : i32 to index
        %get3A_937 = arith.constant 0 : index
        %get3A_938 = tpu.vector_load %arg14[%get3A_935, %get3A_936, %get3A_937] {strides = array<i32>} : memref<4x64x128xf32, #tpu.memory_space<vmem>>, vector<16xf32>,
        %add3A_939 = arith.constant 48 : i32
        %add3A_940 = arith.addi %add3A_939, %add3A_901 : i32
        %get3A_941 = arith.constant 0 : i32
        %get3A_942 = arith.index_cast %get3A_941 : i32 to index
        %get3A_943 = arith.index_cast %add3A_940 : i32 to index
        %get3A_944 = arith.constant 0 : index
        %get3A_945 = tpu.vector_load %arg13[%get3A_942, %get3A_943, %get3A_944] {strides = array<i32>} : memref<4x64x128xf32, #tpu.memory_space<vmem>>, vector<16xf32>,
        %add3A_946 = arith.constant 48 : i32
        %add3A_947 = arith.addi %add3A_946, %add3A_901 : i32
        %get3A_948 = arith.constant 0 : i32
        %get3A_949 = arith.index_cast %get3A_948 : i32 to index
        %get3A_950 = arith.index_cast %add3A_947 : i32 to index
        %get3A_951 = arith.constant 0 : index
        %get3A_952 = tpu.vector_load %arg14[%get3A_949, %get3A_950, %get3A_951] {strides = array<i32>} : memref<4x64x128xf32, #tpu.memory_space<vmem>>, vector<16xf32>,
        %get3A_953 = arith.constant 0 : i32
        %get3A_954 = arith.index_cast %get3A_953 : i32 to index
        %get3A_955 = arith.index_cast %add3A_901 : i32 to index
        %get3A_956 = arith.constant 0 : index
        %get3A_957 = tpu.vector_load %arg15[%get3A_954, %get3A_955, %get3A_956] {strides = array<i32>} : memref<4x16x128xf32, #tpu.memory_space<vmem>>, vector<16xf32>,
        %get3A_958 = arith.constant 0 : i32
        %get3A_959 = arith.index_cast %get3A_958 : i32 to index
        %get3A_960 = arith.index_cast %add3A_901 : i32 to index
        %get3A_961 = arith.constant 0 : index
        %get3A_962 = tpu.vector_load %arg16[%get3A_959, %get3A_960, %get3A_961] {strides = array<i32>} : memref<4x16x128xf32, #tpu.memory_space<vmem>>, vector<16xf32>,
        %mul3A_963 = arith.mulf %get3A_905, %get3A_957 : vector<16xf32>
        %mul3A_964 = arith.mulf %get3A_910, %get3A_962 : vector<16xf32>
        %sub3A_965 = arith.subf %mul3A_963, %mul3A_964 : vector<16xf32>
        %sub3A_966 = arith.subf %sub3A_965, %get3A_917 : vector<16xf32>
        %mul3A_967 = arith.mulf %get3A_905, %get3A_962 : vector<16xf32>
        %mul3A_968 = arith.mulf %get3A_910, %get3A_957 : vector<16xf32>
        %add3A_969 = arith.addf %mul3A_967, %mul3A_968 : vector<16xf32>
        %sub3A_970 = arith.subf %add3A_969, %get3A_924 : vector<16xf32>
        %mul3A_971 = arith.mulf %sub3A_966, %sub3A_966 : vector<16xf32>
        %add3A_972 = arith.addf %broadcast_in_dim3A_5, %mul3A_971 : vector<16xf32>
        %mul3A_973 = arith.mulf %sub3A_970, %sub3A_970 : vector<16xf32>
        %add3A_974 = arith.addf %add3A_972, %mul3A_973 : vector<16xf32>
        %mul3A_975 = arith.mulf %get3A_931, %get3A_957 : vector<16xf32>
        %mul3A_976 = arith.mulf %get3A_938, %get3A_962 : vector<16xf32>
        %sub3A_977 = arith.subf %mul3A_975, %mul3A_976 : vector<16xf32>
        %sub3A_978 = arith.subf %sub3A_977, %get3A_945 : vector<16xf32>
        %mul3A_979 = arith.mulf %get3A_931, %get3A_962 : vector<16xf32>
        %mul3A_980 = arith.mulf %get3A_938, %get3A_957 : vector<16xf32>
        %add3A_981 = arith.addf %mul3A_979, %mul3A_980 : vector<16xf32>
        %sub3A_982 = arith.subf %add3A_981, %get3A_952 : vector<16xf32>
        %mul3A_983 = arith.mulf %sub3A_978, %sub3A_978 : vector<16xf32>
        %add3A_984 = arith.addf %broadcast_in_dim3A_5, %mul3A_983 : vector<16xf32>
        %mul3A_985 = arith.mulf %sub3A_982, %sub3A_982 : vector<16xf32>
        %add3A_986 = arith.addf %add3A_984, %mul3A_985 : vector<16xf32>
        %get3A_987 = arith.constant 0 : i32
        %get3A_988 = arith.index_cast %get3A_987 : i32 to index
        %get3A_989 = arith.index_cast %add3A_901 : i32 to index
        %get3A_990 = arith.constant 16 : index
        %get3A_991 = tpu.vector_load %arg13[%get3A_988, %get3A_989, %get3A_990] {strides = array<i32>} : memref<4x64x128xf32, #tpu.memory_space<vmem>>, vector<16xf32>,
        %get3A_992 = arith.constant 0 : i32
        %get3A_993 = arith.index_cast %get3A_992 : i32 to index
        %get3A_994 = arith.index_cast %add3A_901 : i32 to index
        %get3A_995 = arith.constant 16 : index
        %get3A_996 = tpu.vector_load %arg14[%get3A_993, %get3A_994, %get3A_995] {strides = array<i32>} : memref<4x64x128xf32, #tpu.memory_space<vmem>>, vector<16xf32>,
        %add3A_997 = arith.constant 16 : i32
        %add3A_998 = arith.addi %add3A_997, %add3A_901 : i32
        %get3A_999 = arith.constant 0 : i32
        %get3A_1000 = arith.index_cast %get3A_999 : i32 to index
        %get3A_1001 = arith.index_cast %add3A_998 : i32 to index
        %get3A_1002 = arith.constant 16 : index
        %get3A_1003 = tpu.vector_load %arg13[%get3A_1000, %get3A_1001, %get3A_1002] {strides = array<i32>} : memref<4x64x128xf32, #tpu.memory_space<vmem>>, vector<16xf32>,
        %add3A_1004 = arith.constant 16 : i32
        %add3A_1005 = arith.addi %add3A_1004, %add3A_901 : i32
        %get3A_1006 = arith.constant 0 : i32
        %get3A_1007 = arith.index_cast %get3A_1006 : i32 to index
        %get3A_1008 = arith.index_cast %add3A_1005 : i32 to index
        %get3A_1009 = arith.constant 16 : index
        %get3A_1010 = tpu.vector_load %arg14[%get3A_1007, %get3A_1008, %get3A_1009] {strides = array<i32>} : memref<4x64x128xf32, #tpu.memory_space<vmem>>, vector<16xf32>,
        %add3A_1011 = arith.constant 32 : i32
        %add3A_1012 = arith.addi %add3A_1011, %add3A_901 : i32
        %get3A_1013 = arith.constant 0 : i32
        %get3A_1014 = arith.index_cast %get3A_1013 : i32 to index
        %get3A_1015 = arith.index_cast %add3A_1012 : i32 to index
        %get3A_1016 = arith.constant 16 : index
        %get3A_1017 = tpu.vector_load %arg13[%get3A_1014, %get3A_1015, %get3A_1016] {strides = array<i32>} : memref<4x64x128xf32, #tpu.memory_space<vmem>>, vector<16xf32>,
        %add3A_1018 = arith.constant 32 : i32
        %add3A_1019 = arith.addi %add3A_1018, %add3A_901 : i32
        %get3A_1020 = arith.constant 0 : i32
        %get3A_1021 = arith.index_cast %get3A_1020 : i32 to index
        %get3A_1022 = arith.index_cast %add3A_1019 : i32 to index
        %get3A_1023 = arith.constant 16 : index
        %get3A_1024 = tpu.vector_load %arg14[%get3A_1021, %get3A_1022, %get3A_1023] {strides = array<i32>} : memref<4x64x128xf32, #tpu.memory_space<vmem>>, vector<16xf32>,
        %add3A_1025 = arith.constant 48 : i32
        %add3A_1026 = arith.addi %add3A_1025, %add3A_901 : i32
        %get3A_1027 = arith.constant 0 : i32
        %get3A_1028 = arith.index_cast %get3A_1027 : i32 to index
        %get3A_1029 = arith.index_cast %add3A_1026 : i32 to index
        %get3A_1030 = arith.constant 16 : index
        %get3A_1031 = tpu.vector_load %arg13[%get3A_1028, %get3A_1029, %get3A_1030] {strides = array<i32>} : memref<4x64x128xf32, #tpu.memory_space<vmem>>, vector<16xf32>,
        %add3A_1032 = arith.constant 48 : i32
        %add3A_1033 = arith.addi %add3A_1032, %add3A_901 : i32
        %get3A_1034 = arith.constant 0 : i32
        %get3A_1035 = arith.index_cast %get3A_1034 : i32 to index
        %get3A_1036 = arith.index_cast %add3A_1033 : i32 to index
        %get3A_1037 = arith.constant 16 : index
        %get3A_1038 = tpu.vector_load %arg14[%get3A_1035, %get3A_1036, %get3A_1037] {strides = array<i32>} : memref<4x64x128xf32, #tpu.memory_space<vmem>>, vector<16xf32>,
        %get3A_1039 = arith.constant 0 : i32
        %get3A_1040 = arith.index_cast %get3A_1039 : i32 to index
        %get3A_1041 = arith.index_cast %add3A_901 : i32 to index
        %get3A_1042 = arith.constant 16 : index
        %get3A_1043 = tpu.vector_load %arg15[%get3A_1040, %get3A_1041, %get3A_1042] {strides = array<i32>} : memref<4x16x128xf32, #tpu.memory_space<vmem>>, vector<16xf32>,
        %get3A_1044 = arith.constant 0 : i32
        %get3A_1045 = arith.index_cast %get3A_1044 : i32 to index
        %get3A_1046 = arith.index_cast %add3A_901 : i32 to index
        %get3A_1047 = arith.constant 16 : index
        %get3A_1048 = tpu.vector_load %arg16[%get3A_1045, %get3A_1046, %get3A_1047] {strides = array<i32>} : memref<4x16x128xf32, #tpu.memory_space<vmem>>, vector<16xf32>,
        %mul3A_1049 = arith.mulf %get3A_991, %get3A_1043 : vector<16xf32>
        %mul3A_1050 = arith.mulf %get3A_996, %get3A_1048 : vector<16xf32>
        %sub3A_1051 = arith.subf %mul3A_1049, %mul3A_1050 : vector<16xf32>
        %sub3A_1052 = arith.subf %sub3A_1051, %get3A_1003 : vector<16xf32>
        %mul3A_1053 = arith.mulf %get3A_991, %get3A_1048 : vector<16xf32>
        %mul3A_1054 = arith.mulf %get3A_996, %get3A_1043 : vector<16xf32>
        %add3A_1055 = arith.addf %mul3A_1053, %mul3A_1054 : vector<16xf32>
        %sub3A_1056 = arith.subf %add3A_1055, %get3A_1010 : vector<16xf32>
        %mul3A_1057 = arith.mulf %sub3A_1052, %sub3A_1052 : vector<16xf32>
        %add3A_1058 = arith.addf %add3A_974, %mul3A_1057 : vector<16xf32>
        %mul3A_1059 = arith.mulf %sub3A_1056, %sub3A_1056 : vector<16xf32>
        %add3A_1060 = arith.addf %add3A_1058, %mul3A_1059 : vector<16xf32>
        %mul3A_1061 = arith.mulf %get3A_1017, %get3A_1043 : vector<16xf32>
        %mul3A_1062 = arith.mulf %get3A_1024, %get3A_1048 : vector<16xf32>
        %sub3A_1063 = arith.subf %mul3A_1061, %mul3A_1062 : vector<16xf32>
        %sub3A_1064 = arith.subf %sub3A_1063, %get3A_1031 : vector<16xf32>
        %mul3A_1065 = arith.mulf %get3A_1017, %get3A_1048 : vector<16xf32>
        %mul3A_1066 = arith.mulf %get3A_1024, %get3A_1043 : vector<16xf32>
        %add3A_1067 = arith.addf %mul3A_1065, %mul3A_1066 : vector<16xf32>
        %sub3A_1068 = arith.subf %add3A_1067, %get3A_1038 : vector<16xf32>
        %mul3A_1069 = arith.mulf %sub3A_1064, %sub3A_1064 : vector<16xf32>
        %add3A_1070 = arith.addf %add3A_986, %mul3A_1069 : vector<16xf32>
        %mul3A_1071 = arith.mulf %sub3A_1068, %sub3A_1068 : vector<16xf32>
        %add3A_1072 = arith.addf %add3A_1070, %mul3A_1071 : vector<16xf32>
        %get3A_1073 = arith.constant 0 : i32
        %get3A_1074 = arith.index_cast %get3A_1073 : i32 to index
        %get3A_1075 = arith.index_cast %add3A_901 : i32 to index
        %get3A_1076 = arith.constant 32 : index
        %get3A_1077 = tpu.vector_load %arg13[%get3A_1074, %get3A_1075, %get3A_1076] {strides = array<i32>} : memref<4x64x128xf32, #tpu.memory_space<vmem>>, vector<16xf32>,
        %get3A_1078 = arith.constant 0 : i32
        %get3A_1079 = arith.index_cast %get3A_1078 : i32 to index
        %get3A_1080 = arith.index_cast %add3A_901 : i32 to index
        %get3A_1081 = arith.constant 32 : index
        %get3A_1082 = tpu.vector_load %arg14[%get3A_1079, %get3A_1080, %get3A_1081] {strides = array<i32>} : memref<4x64x128xf32, #tpu.memory_space<vmem>>, vector<16xf32>,
        %add3A_1083 = arith.constant 16 : i32
        %add3A_1084 = arith.addi %add3A_1083, %add3A_901 : i32
        %get3A_1085 = arith.constant 0 : i32
        %get3A_1086 = arith.index_cast %get3A_1085 : i32 to index
        %get3A_1087 = arith.index_cast %add3A_1084 : i32 to index
        %get3A_1088 = arith.constant 32 : index
        %get3A_1089 = tpu.vector_load %arg13[%get3A_1086, %get3A_1087, %get3A_1088] {strides = array<i32>} : memref<4x64x128xf32, #tpu.memory_space<vmem>>, vector<16xf32>,
        %add3A_1090 = arith.constant 16 : i32
        %add3A_1091 = arith.addi %add3A_1090, %add3A_901 : i32
        %get3A_1092 = arith.constant 0 : i32
        %get3A_1093 = arith.index_cast %get3A_1092 : i32 to index
        %get3A_1094 = arith.index_cast %add3A_1091 : i32 to index
        %get3A_1095 = arith.constant 32 : index
        %get3A_1096 = tpu.vector_load %arg14[%get3A_1093, %get3A_1094, %get3A_1095] {strides = array<i32>} : memref<4x64x128xf32, #tpu.memory_space<vmem>>, vector<16xf32>,
        %add3A_1097 = arith.constant 32 : i32
        %add3A_1098 = arith.addi %add3A_1097, %add3A_901 : i32
        %get3A_1099 = arith.constant 0 : i32
        %get3A_1100 = arith.index_cast %get3A_1099 : i32 to index
        %get3A_1101 = arith.index_cast %add3A_1098 : i32 to index
        %get3A_1102 = arith.constant 32 : index
        %get3A_1103 = tpu.vector_load %arg13[%get3A_1100, %get3A_1101, %get3A_1102] {strides = array<i32>} : memref<4x64x128xf32, #tpu.memory_space<vmem>>, vector<16xf32>,
        %add3A_1104 = arith.constant 32 : i32
        %add3A_1105 = arith.addi %add3A_1104, %add3A_901 : i32
        %get3A_1106 = arith.constant 0 : i32
        %get3A_1107 = arith.index_cast %get3A_1106 : i32 to index
        %get3A_1108 = arith.index_cast %add3A_1105 : i32 to index
        %get3A_1109 = arith.constant 32 : index
        %get3A_1110 = tpu.vector_load %arg14[%get3A_1107, %get3A_1108, %get3A_1109] {strides = array<i32>} : memref<4x64x128xf32, #tpu.memory_space<vmem>>, vector<16xf32>,
        %add3A_1111 = arith.constant 48 : i32
        %add3A_1112 = arith.addi %add3A_1111, %add3A_901 : i32
        %get3A_1113 = arith.constant 0 : i32
        %get3A_1114 = arith.index_cast %get3A_1113 : i32 to index
        %get3A_1115 = arith.index_cast %add3A_1112 : i32 to index
        %get3A_1116 = arith.constant 32 : index
        %get3A_1117 = tpu.vector_load %arg13[%get3A_1114, %get3A_1115, %get3A_1116] {strides = array<i32>} : memref<4x64x128xf32, #tpu.memory_space<vmem>>, vector<16xf32>,
        %add3A_1118 = arith.constant 48 : i32
        %add3A_1119 = arith.addi %add3A_1118, %add3A_901 : i32
        %get3A_1120 = arith.constant 0 : i32
        %get3A_1121 = arith.index_cast %get3A_1120 : i32 to index
        %get3A_1122 = arith.index_cast %add3A_1119 : i32 to index
        %get3A_1123 = arith.constant 32 : index
        %get3A_1124 = tpu.vector_load %arg14[%get3A_1121, %get3A_1122, %get3A_1123] {strides = array<i32>} : memref<4x64x128xf32, #tpu.memory_space<vmem>>, vector<16xf32>,
        %get3A_1125 = arith.constant 0 : i32
        %get3A_1126 = arith.index_cast %get3A_1125 : i32 to index
        %get3A_1127 = arith.index_cast %add3A_901 : i32 to index
        %get3A_1128 = arith.constant 32 : index
        %get3A_1129 = tpu.vector_load %arg15[%get3A_1126, %get3A_1127, %get3A_1128] {strides = array<i32>} : memref<4x16x128xf32, #tpu.memory_space<vmem>>, vector<16xf32>,
        %get3A_1130 = arith.constant 0 : i32
        %get3A_1131 = arith.index_cast %get3A_1130 : i32 to index
        %get3A_1132 = arith.index_cast %add3A_901 : i32 to index
        %get3A_1133 = arith.constant 32 : index
        %get3A_1134 = tpu.vector_load %arg16[%get3A_1131, %get3A_1132, %get3A_1133] {strides = array<i32>} : memref<4x16x128xf32, #tpu.memory_space<vmem>>, vector<16xf32>,
        %mul3A_1135 = arith.mulf %get3A_1077, %get3A_1129 : vector<16xf32>
        %mul3A_1136 = arith.mulf %get3A_1082, %get3A_1134 : vector<16xf32>
        %sub3A_1137 = arith.subf %mul3A_1135, %mul3A_1136 : vector<16xf32>
        %sub3A_1138 = arith.subf %sub3A_1137, %get3A_1089 : vector<16xf32>
        %mul3A_1139 = arith.mulf %get3A_1077, %get3A_1134 : vector<16xf32>
        %mul3A_1140 = arith.mulf %get3A_1082, %get3A_1129 : vector<16xf32>
        %add3A_1141 = arith.addf %mul3A_1139, %mul3A_1140 : vector<16xf32>
        %sub3A_1142 = arith.subf %add3A_1141, %get3A_1096 : vector<16xf32>
        %mul3A_1143 = arith.mulf %sub3A_1138, %sub3A_1138 : vector<16xf32>
        %add3A_1144 = arith.addf %add3A_1060, %mul3A_1143 : vector<16xf32>
        %mul3A_1145 = arith.mulf %sub3A_1142, %sub3A_1142 : vector<16xf32>
        %add3A_1146 = arith.addf %add3A_1144, %mul3A_1145 : vector<16xf32>
        %mul3A_1147 = arith.mulf %get3A_1103, %get3A_1129 : vector<16xf32>
        %mul3A_1148 = arith.mulf %get3A_1110, %get3A_1134 : vector<16xf32>
        %sub3A_1149 = arith.subf %mul3A_1147, %mul3A_1148 : vector<16xf32>
        %sub3A_1150 = arith.subf %sub3A_1149, %get3A_1117 : vector<16xf32>
        %mul3A_1151 = arith.mulf %get3A_1103, %get3A_1134 : vector<16xf32>
        %mul3A_1152 = arith.mulf %get3A_1110, %get3A_1129 : vector<16xf32>
        %add3A_1153 = arith.addf %mul3A_1151, %mul3A_1152 : vector<16xf32>
        %sub3A_1154 = arith.subf %add3A_1153, %get3A_1124 : vector<16xf32>
        %mul3A_1155 = arith.mulf %sub3A_1150, %sub3A_1150 : vector<16xf32>
        %add3A_1156 = arith.addf %add3A_1072, %mul3A_1155 : vector<16xf32>
        %mul3A_1157 = arith.mulf %sub3A_1154, %sub3A_1154 : vector<16xf32>
        %add3A_1158 = arith.addf %add3A_1156, %mul3A_1157 : vector<16xf32>
        %get3A_1159 = arith.constant 0 : i32
        %get3A_1160 = arith.index_cast %get3A_1159 : i32 to index
        %get3A_1161 = arith.index_cast %add3A_901 : i32 to index
        %get3A_1162 = arith.constant 48 : index
        %get3A_1163 = tpu.vector_load %arg13[%get3A_1160, %get3A_1161, %get3A_1162] {strides = array<i32>} : memref<4x64x128xf32, #tpu.memory_space<vmem>>, vector<16xf32>,
        %get3A_1164 = arith.constant 0 : i32
        %get3A_1165 = arith.index_cast %get3A_1164 : i32 to index
        %get3A_1166 = arith.index_cast %add3A_901 : i32 to index
        %get3A_1167 = arith.constant 48 : index
        %get3A_1168 = tpu.vector_load %arg14[%get3A_1165, %get3A_1166, %get3A_1167] {strides = array<i32>} : memref<4x64x128xf32, #tpu.memory_space<vmem>>, vector<16xf32>,
        %add3A_1169 = arith.constant 16 : i32
        %add3A_1170 = arith.addi %add3A_1169, %add3A_901 : i32
        %get3A_1171 = arith.constant 0 : i32
        %get3A_1172 = arith.index_cast %get3A_1171 : i32 to index
        %get3A_1173 = arith.index_cast %add3A_1170 : i32 to index
        %get3A_1174 = arith.constant 48 : index
        %get3A_1175 = tpu.vector_load %arg13[%get3A_1172, %get3A_1173, %get3A_1174] {strides = array<i32>} : memref<4x64x128xf32, #tpu.memory_space<vmem>>, vector<16xf32>,
        %add3A_1176 = arith.constant 16 : i32
        %add3A_1177 = arith.addi %add3A_1176, %add3A_901 : i32
        %get3A_1178 = arith.constant 0 : i32
        %get3A_1179 = arith.index_cast %get3A_1178 : i32 to index
        %get3A_1180 = arith.index_cast %add3A_1177 : i32 to index
        %get3A_1181 = arith.constant 48 : index
        %get3A_1182 = tpu.vector_load %arg14[%get3A_1179, %get3A_1180, %get3A_1181] {strides = array<i32>} : memref<4x64x128xf32, #tpu.memory_space<vmem>>, vector<16xf32>,
        %add3A_1183 = arith.constant 32 : i32
        %add3A_1184 = arith.addi %add3A_1183, %add3A_901 : i32
        %get3A_1185 = arith.constant 0 : i32
        %get3A_1186 = arith.index_cast %get3A_1185 : i32 to index
        %get3A_1187 = arith.index_cast %add3A_1184 : i32 to index
        %get3A_1188 = arith.constant 48 : index
        %get3A_1189 = tpu.vector_load %arg13[%get3A_1186, %get3A_1187, %get3A_1188] {strides = array<i32>} : memref<4x64x128xf32, #tpu.memory_space<vmem>>, vector<16xf32>,
        %add3A_1190 = arith.constant 32 : i32
        %add3A_1191 = arith.addi %add3A_1190, %add3A_901 : i32
        %get3A_1192 = arith.constant 0 : i32
        %get3A_1193 = arith.index_cast %get3A_1192 : i32 to index
        %get3A_1194 = arith.index_cast %add3A_1191 : i32 to index
        %get3A_1195 = arith.constant 48 : index
        %get3A_1196 = tpu.vector_load %arg14[%get3A_1193, %get3A_1194, %get3A_1195] {strides = array<i32>} : memref<4x64x128xf32, #tpu.memory_space<vmem>>, vector<16xf32>,
        %add3A_1197 = arith.constant 48 : i32
        %add3A_1198 = arith.addi %add3A_1197, %add3A_901 : i32
        %get3A_1199 = arith.constant 0 : i32
        %get3A_1200 = arith.index_cast %get3A_1199 : i32 to index
        %get3A_1201 = arith.index_cast %add3A_1198 : i32 to index
        %get3A_1202 = arith.constant 48 : index
        %get3A_1203 = tpu.vector_load %arg13[%get3A_1200, %get3A_1201, %get3A_1202] {strides = array<i32>} : memref<4x64x128xf32, #tpu.memory_space<vmem>>, vector<16xf32>,
        %add3A_1204 = arith.constant 48 : i32
        %add3A_1205 = arith.addi %add3A_1204, %add3A_901 : i32
        %get3A_1206 = arith.constant 0 : i32
        %get3A_1207 = arith.index_cast %get3A_1206 : i32 to index
        %get3A_1208 = arith.index_cast %add3A_1205 : i32 to index
        %get3A_1209 = arith.constant 48 : index
        %get3A_1210 = tpu.vector_load %arg14[%get3A_1207, %get3A_1208, %get3A_1209] {strides = array<i32>} : memref<4x64x128xf32, #tpu.memory_space<vmem>>, vector<16xf32>,
        %get3A_1211 = arith.constant 0 : i32
        %get3A_1212 = arith.index_cast %get3A_1211 : i32 to index
        %get3A_1213 = arith.index_cast %add3A_901 : i32 to index
        %get3A_1214 = arith.constant 48 : index
        %get3A_1215 = tpu.vector_load %arg15[%get3A_1212, %get3A_1213, %get3A_1214] {strides = array<i32>} : memref<4x16x128xf32, #tpu.memory_space<vmem>>, vector<16xf32>,
        %get3A_1216 = arith.constant 0 : i32
        %get3A_1217 = arith.index_cast %get3A_1216 : i32 to index
        %get3A_1218 = arith.index_cast %add3A_901 : i32 to index
        %get3A_1219 = arith.constant 48 : index
        %get3A_1220 = tpu.vector_load %arg16[%get3A_1217, %get3A_1218, %get3A_1219] {strides = array<i32>} : memref<4x16x128xf32, #tpu.memory_space<vmem>>, vector<16xf32>,
        %mul3A_1221 = arith.mulf %get3A_1163, %get3A_1215 : vector<16xf32>
        %mul3A_1222 = arith.mulf %get3A_1168, %get3A_1220 : vector<16xf32>
        %sub3A_1223 = arith.subf %mul3A_1221, %mul3A_1222 : vector<16xf32>
        %sub3A_1224 = arith.subf %sub3A_1223, %get3A_1175 : vector<16xf32>
        %mul3A_1225 = arith.mulf %get3A_1163, %get3A_1220 : vector<16xf32>
        %mul3A_1226 = arith.mulf %get3A_1168, %get3A_1215 : vector<16xf32>
        %add3A_1227 = arith.addf %mul3A_1225, %mul3A_1226 : vector<16xf32>
        %sub3A_1228 = arith.subf %add3A_1227, %get3A_1182 : vector<16xf32>
        %mul3A_1229 = arith.mulf %sub3A_1224, %sub3A_1224 : vector<16xf32>
        %add3A_1230 = arith.addf %add3A_1146, %mul3A_1229 : vector<16xf32>
        %mul3A_1231 = arith.mulf %sub3A_1228, %sub3A_1228 : vector<16xf32>
        %add3A_1232 = arith.addf %add3A_1230, %mul3A_1231 : vector<16xf32>
        %mul3A_1233 = arith.mulf %get3A_1189, %get3A_1215 : vector<16xf32>
        %mul3A_1234 = arith.mulf %get3A_1196, %get3A_1220 : vector<16xf32>
        %sub3A_1235 = arith.subf %mul3A_1233, %mul3A_1234 : vector<16xf32>
        %sub3A_1236 = arith.subf %sub3A_1235, %get3A_1203 : vector<16xf32>
        %mul3A_1237 = arith.mulf %get3A_1189, %get3A_1220 : vector<16xf32>
        %mul3A_1238 = arith.mulf %get3A_1196, %get3A_1215 : vector<16xf32>
        %add3A_1239 = arith.addf %mul3A_1237, %mul3A_1238 : vector<16xf32>
        %sub3A_1240 = arith.subf %add3A_1239, %get3A_1210 : vector<16xf32>
        %mul3A_1241 = arith.mulf %sub3A_1236, %sub3A_1236 : vector<16xf32>
        %add3A_1242 = arith.addf %add3A_1158, %mul3A_1241 : vector<16xf32>
        %mul3A_1243 = arith.mulf %sub3A_1240, %sub3A_1240 : vector<16xf32>
        %add3A_1244 = arith.addf %add3A_1242, %mul3A_1243 : vector<16xf32>
        %get3A_1245 = arith.constant 0 : i32
        %get3A_1246 = arith.index_cast %get3A_1245 : i32 to index
        %get3A_1247 = arith.index_cast %add3A_901 : i32 to index
        %get3A_1248 = arith.constant 64 : index
        %get3A_1249 = tpu.vector_load %arg13[%get3A_1246, %get3A_1247, %get3A_1248] {strides = array<i32>} : memref<4x64x128xf32, #tpu.memory_space<vmem>>, vector<16xf32>,
        %get3A_1250 = arith.constant 0 : i32
        %get3A_1251 = arith.index_cast %get3A_1250 : i32 to index
        %get3A_1252 = arith.index_cast %add3A_901 : i32 to index
        %get3A_1253 = arith.constant 64 : index
        %get3A_1254 = tpu.vector_load %arg14[%get3A_1251, %get3A_1252, %get3A_1253] {strides = array<i32>} : memref<4x64x128xf32, #tpu.memory_space<vmem>>, vector<16xf32>,
        %add3A_1255 = arith.constant 16 : i32
        %add3A_1256 = arith.addi %add3A_1255, %add3A_901 : i32
        %get3A_1257 = arith.constant 0 : i32
        %get3A_1258 = arith.index_cast %get3A_1257 : i32 to index
        %get3A_1259 = arith.index_cast %add3A_1256 : i32 to index
        %get3A_1260 = arith.constant 64 : index
        %get3A_1261 = tpu.vector_load %arg13[%get3A_1258, %get3A_1259, %get3A_1260] {strides = array<i32>} : memref<4x64x128xf32, #tpu.memory_space<vmem>>, vector<16xf32>,
        %add3A_1262 = arith.constant 16 : i32
        %add3A_1263 = arith.addi %add3A_1262, %add3A_901 : i32
        %get3A_1264 = arith.constant 0 : i32
        %get3A_1265 = arith.index_cast %get3A_1264 : i32 to index
        %get3A_1266 = arith.index_cast %add3A_1263 : i32 to index
        %get3A_1267 = arith.constant 64 : index
        %get3A_1268 = tpu.vector_load %arg14[%get3A_1265, %get3A_1266, %get3A_1267] {strides = array<i32>} : memref<4x64x128xf32, #tpu.memory_space<vmem>>, vector<16xf32>,
        %add3A_1269 = arith.constant 32 : i32
        %add3A_1270 = arith.addi %add3A_1269, %add3A_901 : i32
        %get3A_1271 = arith.constant 0 : i32
        %get3A_1272 = arith.index_cast %get3A_1271 : i32 to index
        %get3A_1273 = arith.index_cast %add3A_1270 : i32 to index
        %get3A_1274 = arith.constant 64 : index
        %get3A_1275 = tpu.vector_load %arg13[%get3A_1272, %get3A_1273, %get3A_1274] {strides = array<i32>} : memref<4x64x128xf32, #tpu.memory_space<vmem>>, vector<16xf32>,
        %add3A_1276 = arith.constant 32 : i32
        %add3A_1277 = arith.addi %add3A_1276, %add3A_901 : i32
        %get3A_1278 = arith.constant 0 : i32
        %get3A_1279 = arith.index_cast %get3A_1278 : i32 to index
        %get3A_1280 = arith.index_cast %add3A_1277 : i32 to index
        %get3A_1281 = arith.constant 64 : index
        %get3A_1282 = tpu.vector_load %arg14[%get3A_1279, %get3A_1280, %get3A_1281] {strides = array<i32>} : memref<4x64x128xf32, #tpu.memory_space<vmem>>, vector<16xf32>,
        %add3A_1283 = arith.constant 48 : i32
        %add3A_1284 = arith.addi %add3A_1283, %add3A_901 : i32
        %get3A_1285 = arith.constant 0 : i32
        %get3A_1286 = arith.index_cast %get3A_1285 : i32 to index
        %get3A_1287 = arith.index_cast %add3A_1284 : i32 to index
        %get3A_1288 = arith.constant 64 : index
        %get3A_1289 = tpu.vector_load %arg13[%get3A_1286, %get3A_1287, %get3A_1288] {strides = array<i32>} : memref<4x64x128xf32, #tpu.memory_space<vmem>>, vector<16xf32>,
        %add3A_1290 = arith.constant 48 : i32
        %add3A_1291 = arith.addi %add3A_1290, %add3A_901 : i32
        %get3A_1292 = arith.constant 0 : i32
        %get3A_1293 = arith.index_cast %get3A_1292 : i32 to index
        %get3A_1294 = arith.index_cast %add3A_1291 : i32 to index
        %get3A_1295 = arith.constant 64 : index
        %get3A_1296 = tpu.vector_load %arg14[%get3A_1293, %get3A_1294, %get3A_1295] {strides = array<i32>} : memref<4x64x128xf32, #tpu.memory_space<vmem>>, vector<16xf32>,
        %get3A_1297 = arith.constant 0 : i32
        %get3A_1298 = arith.index_cast %get3A_1297 : i32 to index
        %get3A_1299 = arith.index_cast %add3A_901 : i32 to index
        %get3A_1300 = arith.constant 64 : index
        %get3A_1301 = tpu.vector_load %arg15[%get3A_1298, %get3A_1299, %get3A_1300] {strides = array<i32>} : memref<4x16x128xf32, #tpu.memory_space<vmem>>, vector<16xf32>,
        %get3A_1302 = arith.constant 0 : i32
        %get3A_1303 = arith.index_cast %get3A_1302 : i32 to index
        %get3A_1304 = arith.index_cast %add3A_901 : i32 to index
        %get3A_1305 = arith.constant 64 : index
        %get3A_1306 = tpu.vector_load %arg16[%get3A_1303, %get3A_1304, %get3A_1305] {strides = array<i32>} : memref<4x16x128xf32, #tpu.memory_space<vmem>>, vector<16xf32>,
        %mul3A_1307 = arith.mulf %get3A_1249, %get3A_1301 : vector<16xf32>
        %mul3A_1308 = arith.mulf %get3A_1254, %get3A_1306 : vector<16xf32>
        %sub3A_1309 = arith.subf %mul3A_1307, %mul3A_1308 : vector<16xf32>
        %sub3A_1310 = arith.subf %sub3A_1309, %get3A_1261 : vector<16xf32>
        %mul3A_1311 = arith.mulf %get3A_1249, %get3A_1306 : vector<16xf32>
        %mul3A_1312 = arith.mulf %get3A_1254, %get3A_1301 : vector<16xf32>
        %add3A_1313 = arith.addf %mul3A_1311, %mul3A_1312 : vector<16xf32>
        %sub3A_1314 = arith.subf %add3A_1313, %get3A_1268 : vector<16xf32>
        %mul3A_1315 = arith.mulf %sub3A_1310, %sub3A_1310 : vector<16xf32>
        %add3A_1316 = arith.addf %add3A_1232, %mul3A_1315 : vector<16xf32>
        %mul3A_1317 = arith.mulf %sub3A_1314, %sub3A_1314 : vector<16xf32>
        %add3A_1318 = arith.addf %add3A_1316, %mul3A_1317 : vector<16xf32>
        %mul3A_1319 = arith.mulf %get3A_1275, %get3A_1301 : vector<16xf32>
        %mul3A_1320 = arith.mulf %get3A_1282, %get3A_1306 : vector<16xf32>
        %sub3A_1321 = arith.subf %mul3A_1319, %mul3A_1320 : vector<16xf32>
        %sub3A_1322 = arith.subf %sub3A_1321, %get3A_1289 : vector<16xf32>
        %mul3A_1323 = arith.mulf %get3A_1275, %get3A_1306 : vector<16xf32>
        %mul3A_1324 = arith.mulf %get3A_1282, %get3A_1301 : vector<16xf32>
        %add3A_1325 = arith.addf %mul3A_1323, %mul3A_1324 : vector<16xf32>
        %sub3A_1326 = arith.subf %add3A_1325, %get3A_1296 : vector<16xf32>
        %mul3A_1327 = arith.mulf %sub3A_1322, %sub3A_1322 : vector<16xf32>
        %add3A_1328 = arith.addf %add3A_1244, %mul3A_1327 : vector<16xf32>
        %mul3A_1329 = arith.mulf %sub3A_1326, %sub3A_1326 : vector<16xf32>
        %add3A_1330 = arith.addf %add3A_1328, %mul3A_1329 : vector<16xf32>
        %get3A_1331 = arith.constant 0 : i32
        %get3A_1332 = arith.index_cast %get3A_1331 : i32 to index
        %get3A_1333 = arith.index_cast %add3A_901 : i32 to index
        %get3A_1334 = arith.constant 80 : index
        %get3A_1335 = tpu.vector_load %arg13[%get3A_1332, %get3A_1333, %get3A_1334] {strides = array<i32>} : memref<4x64x128xf32, #tpu.memory_space<vmem>>, vector<16xf32>,
        %get3A_1336 = arith.constant 0 : i32
        %get3A_1337 = arith.index_cast %get3A_1336 : i32 to index
        %get3A_1338 = arith.index_cast %add3A_901 : i32 to index
        %get3A_1339 = arith.constant 80 : index
        %get3A_1340 = tpu.vector_load %arg14[%get3A_1337, %get3A_1338, %get3A_1339] {strides = array<i32>} : memref<4x64x128xf32, #tpu.memory_space<vmem>>, vector<16xf32>,
        %add3A_1341 = arith.constant 16 : i32
        %add3A_1342 = arith.addi %add3A_1341, %add3A_901 : i32
        %get3A_1343 = arith.constant 0 : i32
        %get3A_1344 = arith.index_cast %get3A_1343 : i32 to index
        %get3A_1345 = arith.index_cast %add3A_1342 : i32 to index
        %get3A_1346 = arith.constant 80 : index
        %get3A_1347 = tpu.vector_load %arg13[%get3A_1344, %get3A_1345, %get3A_1346] {strides = array<i32>} : memref<4x64x128xf32, #tpu.memory_space<vmem>>, vector<16xf32>,
        %add3A_1348 = arith.constant 16 : i32
        %add3A_1349 = arith.addi %add3A_1348, %add3A_901 : i32
        %get3A_1350 = arith.constant 0 : i32
        %get3A_1351 = arith.index_cast %get3A_1350 : i32 to index
        %get3A_1352 = arith.index_cast %add3A_1349 : i32 to index
        %get3A_1353 = arith.constant 80 : index
        %get3A_1354 = tpu.vector_load %arg14[%get3A_1351, %get3A_1352, %get3A_1353] {strides = array<i32>} : memref<4x64x128xf32, #tpu.memory_space<vmem>>, vector<16xf32>,
        %add3A_1355 = arith.constant 32 : i32
        %add3A_1356 = arith.addi %add3A_1355, %add3A_901 : i32
        %get3A_1357 = arith.constant 0 : i32
        %get3A_1358 = arith.index_cast %get3A_1357 : i32 to index
        %get3A_1359 = arith.index_cast %add3A_1356 : i32 to index
        %get3A_1360 = arith.constant 80 : index
        %get3A_1361 = tpu.vector_load %arg13[%get3A_1358, %get3A_1359, %get3A_1360] {strides = array<i32>} : memref<4x64x128xf32, #tpu.memory_space<vmem>>, vector<16xf32>,
        %add3A_1362 = arith.constant 32 : i32
        %add3A_1363 = arith.addi %add3A_1362, %add3A_901 : i32
        %get3A_1364 = arith.constant 0 : i32
        %get3A_1365 = arith.index_cast %get3A_1364 : i32 to index
        %get3A_1366 = arith.index_cast %add3A_1363 : i32 to index
        %get3A_1367 = arith.constant 80 : index
        %get3A_1368 = tpu.vector_load %arg14[%get3A_1365, %get3A_1366, %get3A_1367] {strides = array<i32>} : memref<4x64x128xf32, #tpu.memory_space<vmem>>, vector<16xf32>,
        %add3A_1369 = arith.constant 48 : i32
        %add3A_1370 = arith.addi %add3A_1369, %add3A_901 : i32
        %get3A_1371 = arith.constant 0 : i32
        %get3A_1372 = arith.index_cast %get3A_1371 : i32 to index
        %get3A_1373 = arith.index_cast %add3A_1370 : i32 to index
        %get3A_1374 = arith.constant 80 : index
        %get3A_1375 = tpu.vector_load %arg13[%get3A_1372, %get3A_1373, %get3A_1374] {strides = array<i32>} : memref<4x64x128xf32, #tpu.memory_space<vmem>>, vector<16xf32>,
        %add3A_1376 = arith.constant 48 : i32
        %add3A_1377 = arith.addi %add3A_1376, %add3A_901 : i32
        %get3A_1378 = arith.constant 0 : i32
        %get3A_1379 = arith.index_cast %get3A_1378 : i32 to index
        %get3A_1380 = arith.index_cast %add3A_1377 : i32 to index
        %get3A_1381 = arith.constant 80 : index
        %get3A_1382 = tpu.vector_load %arg14[%get3A_1379, %get3A_1380, %get3A_1381] {strides = array<i32>} : memref<4x64x128xf32, #tpu.memory_space<vmem>>, vector<16xf32>,
        %get3A_1383 = arith.constant 0 : i32
        %get3A_1384 = arith.index_cast %get3A_1383 : i32 to index
        %get3A_1385 = arith.index_cast %add3A_901 : i32 to index
        %get3A_1386 = arith.constant 80 : index
        %get3A_1387 = tpu.vector_load %arg15[%get3A_1384, %get3A_1385, %get3A_1386] {strides = array<i32>} : memref<4x16x128xf32, #tpu.memory_space<vmem>>, vector<16xf32>,
        %get3A_1388 = arith.constant 0 : i32
        %get3A_1389 = arith.index_cast %get3A_1388 : i32 to index
        %get3A_1390 = arith.index_cast %add3A_901 : i32 to index
        %get3A_1391 = arith.constant 80 : index
        %get3A_1392 = tpu.vector_load %arg16[%get3A_1389, %get3A_1390, %get3A_1391] {strides = array<i32>} : memref<4x16x128xf32, #tpu.memory_space<vmem>>, vector<16xf32>,
        %mul3A_1393 = arith.mulf %get3A_1335, %get3A_1387 : vector<16xf32>
        %mul3A_1394 = arith.mulf %get3A_1340, %get3A_1392 : vector<16xf32>
        %sub3A_1395 = arith.subf %mul3A_1393, %mul3A_1394 : vector<16xf32>
        %sub3A_1396 = arith.subf %sub3A_1395, %get3A_1347 : vector<16xf32>
        %mul3A_1397 = arith.mulf %get3A_1335, %get3A_1392 : vector<16xf32>
        %mul3A_1398 = arith.mulf %get3A_1340, %get3A_1387 : vector<16xf32>
        %add3A_1399 = arith.addf %mul3A_1397, %mul3A_1398 : vector<16xf32>
        %sub3A_1400 = arith.subf %add3A_1399, %get3A_1354 : vector<16xf32>
        %mul3A_1401 = arith.mulf %sub3A_1396, %sub3A_1396 : vector<16xf32>
        %add3A_1402 = arith.addf %add3A_1318, %mul3A_1401 : vector<16xf32>
        %mul3A_1403 = arith.mulf %sub3A_1400, %sub3A_1400 : vector<16xf32>
        %add3A_1404 = arith.addf %add3A_1402, %mul3A_1403 : vector<16xf32>
        %mul3A_1405 = arith.mulf %get3A_1361, %get3A_1387 : vector<16xf32>
        %mul3A_1406 = arith.mulf %get3A_1368, %get3A_1392 : vector<16xf32>
        %sub3A_1407 = arith.subf %mul3A_1405, %mul3A_1406 : vector<16xf32>
        %sub3A_1408 = arith.subf %sub3A_1407, %get3A_1375 : vector<16xf32>
        %mul3A_1409 = arith.mulf %get3A_1361, %get3A_1392 : vector<16xf32>
        %mul3A_1410 = arith.mulf %get3A_1368, %get3A_1387 : vector<16xf32>
        %add3A_1411 = arith.addf %mul3A_1409, %mul3A_1410 : vector<16xf32>
        %sub3A_1412 = arith.subf %add3A_1411, %get3A_1382 : vector<16xf32>
        %mul3A_1413 = arith.mulf %sub3A_1408, %sub3A_1408 : vector<16xf32>
        %add3A_1414 = arith.addf %add3A_1330, %mul3A_1413 : vector<16xf32>
        %mul3A_1415 = arith.mulf %sub3A_1412, %sub3A_1412 : vector<16xf32>
        %add3A_1416 = arith.addf %add3A_1414, %mul3A_1415 : vector<16xf32>
        %get3A_1417 = arith.constant 0 : i32
        %get3A_1418 = arith.index_cast %get3A_1417 : i32 to index
        %get3A_1419 = arith.index_cast %add3A_901 : i32 to index
        %get3A_1420 = arith.constant 96 : index
        %get3A_1421 = tpu.vector_load %arg13[%get3A_1418, %get3A_1419, %get3A_1420] {strides = array<i32>} : memref<4x64x128xf32, #tpu.memory_space<vmem>>, vector<16xf32>,
        %get3A_1422 = arith.constant 0 : i32
        %get3A_1423 = arith.index_cast %get3A_1422 : i32 to index
        %get3A_1424 = arith.index_cast %add3A_901 : i32 to index
        %get3A_1425 = arith.constant 96 : index
        %get3A_1426 = tpu.vector_load %arg14[%get3A_1423, %get3A_1424, %get3A_1425] {strides = array<i32>} : memref<4x64x128xf32, #tpu.memory_space<vmem>>, vector<16xf32>,
        %add3A_1427 = arith.constant 16 : i32
        %add3A_1428 = arith.addi %add3A_1427, %add3A_901 : i32
        %get3A_1429 = arith.constant 0 : i32
        %get3A_1430 = arith.index_cast %get3A_1429 : i32 to index
        %get3A_1431 = arith.index_cast %add3A_1428 : i32 to index
        %get3A_1432 = arith.constant 96 : index
        %get3A_1433 = tpu.vector_load %arg13[%get3A_1430, %get3A_1431, %get3A_1432] {strides = array<i32>} : memref<4x64x128xf32, #tpu.memory_space<vmem>>, vector<16xf32>,
        %add3A_1434 = arith.constant 16 : i32
        %add3A_1435 = arith.addi %add3A_1434, %add3A_901 : i32
        %get3A_1436 = arith.constant 0 : i32
        %get3A_1437 = arith.index_cast %get3A_1436 : i32 to index
        %get3A_1438 = arith.index_cast %add3A_1435 : i32 to index
        %get3A_1439 = arith.constant 96 : index
        %get3A_1440 = tpu.vector_load %arg14[%get3A_1437, %get3A_1438, %get3A_1439] {strides = array<i32>} : memref<4x64x128xf32, #tpu.memory_space<vmem>>, vector<16xf32>,
        %add3A_1441 = arith.constant 32 : i32
        %add3A_1442 = arith.addi %add3A_1441, %add3A_901 : i32
        %get3A_1443 = arith.constant 0 : i32
        %get3A_1444 = arith.index_cast %get3A_1443 : i32 to index
        %get3A_1445 = arith.index_cast %add3A_1442 : i32 to index
        %get3A_1446 = arith.constant 96 : index
        %get3A_1447 = tpu.vector_load %arg13[%get3A_1444, %get3A_1445, %get3A_1446] {strides = array<i32>} : memref<4x64x128xf32, #tpu.memory_space<vmem>>, vector<16xf32>,
        %add3A_1448 = arith.constant 32 : i32
        %add3A_1449 = arith.addi %add3A_1448, %add3A_901 : i32
        %get3A_1450 = arith.constant 0 : i32
        %get3A_1451 = arith.index_cast %get3A_1450 : i32 to index
        %get3A_1452 = arith.index_cast %add3A_1449 : i32 to index
        %get3A_1453 = arith.constant 96 : index
        %get3A_1454 = tpu.vector_load %arg14[%get3A_1451, %get3A_1452, %get3A_1453] {strides = array<i32>} : memref<4x64x128xf32, #tpu.memory_space<vmem>>, vector<16xf32>,
        %add3A_1455 = arith.constant 48 : i32
        %add3A_1456 = arith.addi %add3A_1455, %add3A_901 : i32
        %get3A_1457 = arith.constant 0 : i32
        %get3A_1458 = arith.index_cast %get3A_1457 : i32 to index
        %get3A_1459 = arith.index_cast %add3A_1456 : i32 to index
        %get3A_1460 = arith.constant 96 : index
        %get3A_1461 = tpu.vector_load %arg13[%get3A_1458, %get3A_1459, %get3A_1460] {strides = array<i32>} : memref<4x64x128xf32, #tpu.memory_space<vmem>>, vector<16xf32>,
        %add3A_1462 = arith.constant 48 : i32
        %add3A_1463 = arith.addi %add3A_1462, %add3A_901 : i32
        %get3A_1464 = arith.constant 0 : i32
        %get3A_1465 = arith.index_cast %get3A_1464 : i32 to index
        %get3A_1466 = arith.index_cast %add3A_1463 : i32 to index
        %get3A_1467 = arith.constant 96 : index
        %get3A_1468 = tpu.vector_load %arg14[%get3A_1465, %get3A_1466, %get3A_1467] {strides = array<i32>} : memref<4x64x128xf32, #tpu.memory_space<vmem>>, vector<16xf32>,
        %get3A_1469 = arith.constant 0 : i32
        %get3A_1470 = arith.index_cast %get3A_1469 : i32 to index
        %get3A_1471 = arith.index_cast %add3A_901 : i32 to index
        %get3A_1472 = arith.constant 96 : index
        %get3A_1473 = tpu.vector_load %arg15[%get3A_1470, %get3A_1471, %get3A_1472] {strides = array<i32>} : memref<4x16x128xf32, #tpu.memory_space<vmem>>, vector<16xf32>,
        %get3A_1474 = arith.constant 0 : i32
        %get3A_1475 = arith.index_cast %get3A_1474 : i32 to index
        %get3A_1476 = arith.index_cast %add3A_901 : i32 to index
        %get3A_1477 = arith.constant 96 : index
        %get3A_1478 = tpu.vector_load %arg16[%get3A_1475, %get3A_1476, %get3A_1477] {strides = array<i32>} : memref<4x16x128xf32, #tpu.memory_space<vmem>>, vector<16xf32>,
        %mul3A_1479 = arith.mulf %get3A_1421, %get3A_1473 : vector<16xf32>
        %mul3A_1480 = arith.mulf %get3A_1426, %get3A_1478 : vector<16xf32>
        %sub3A_1481 = arith.subf %mul3A_1479, %mul3A_1480 : vector<16xf32>
        %sub3A_1482 = arith.subf %sub3A_1481, %get3A_1433 : vector<16xf32>
        %mul3A_1483 = arith.mulf %get3A_1421, %get3A_1478 : vector<16xf32>
        %mul3A_1484 = arith.mulf %get3A_1426, %get3A_1473 : vector<16xf32>
        %add3A_1485 = arith.addf %mul3A_1483, %mul3A_1484 : vector<16xf32>
        %sub3A_1486 = arith.subf %add3A_1485, %get3A_1440 : vector<16xf32>
        %mul3A_1487 = arith.mulf %sub3A_1482, %sub3A_1482 : vector<16xf32>
        %add3A_1488 = arith.addf %add3A_1404, %mul3A_1487 : vector<16xf32>
        %mul3A_1489 = arith.mulf %sub3A_1486, %sub3A_1486 : vector<16xf32>
        %add3A_1490 = arith.addf %add3A_1488, %mul3A_1489 : vector<16xf32>
        %mul3A_1491 = arith.mulf %get3A_1447, %get3A_1473 : vector<16xf32>
        %mul3A_1492 = arith.mulf %get3A_1454, %get3A_1478 : vector<16xf32>
        %sub3A_1493 = arith.subf %mul3A_1491, %mul3A_1492 : vector<16xf32>
        %sub3A_1494 = arith.subf %sub3A_1493, %get3A_1461 : vector<16xf32>
        %mul3A_1495 = arith.mulf %get3A_1447, %get3A_1478 : vector<16xf32>
        %mul3A_1496 = arith.mulf %get3A_1454, %get3A_1473 : vector<16xf32>
        %add3A_1497 = arith.addf %mul3A_1495, %mul3A_1496 : vector<16xf32>
        %sub3A_1498 = arith.subf %add3A_1497, %get3A_1468 : vector<16xf32>
        %mul3A_1499 = arith.mulf %sub3A_1494, %sub3A_1494 : vector<16xf32>
        %add3A_1500 = arith.addf %add3A_1416, %mul3A_1499 : vector<16xf32>
        %mul3A_1501 = arith.mulf %sub3A_1498, %sub3A_1498 : vector<16xf32>
        %add3A_1502 = arith.addf %add3A_1500, %mul3A_1501 : vector<16xf32>
        %get3A_1503 = arith.constant 0 : i32
        %get3A_1504 = arith.index_cast %get3A_1503 : i32 to index
        %get3A_1505 = arith.index_cast %add3A_901 : i32 to index
        %get3A_1506 = arith.constant 112 : index
        %get3A_1507 = tpu.vector_load %arg13[%get3A_1504, %get3A_1505, %get3A_1506] {strides = array<i32>} : memref<4x64x128xf32, #tpu.memory_space<vmem>>, vector<16xf32>,
        %get3A_1508 = arith.constant 0 : i32
        %get3A_1509 = arith.index_cast %get3A_1508 : i32 to index
        %get3A_1510 = arith.index_cast %add3A_901 : i32 to index
        %get3A_1511 = arith.constant 112 : index
        %get3A_1512 = tpu.vector_load %arg14[%get3A_1509, %get3A_1510, %get3A_1511] {strides = array<i32>} : memref<4x64x128xf32, #tpu.memory_space<vmem>>, vector<16xf32>,
        %add3A_1513 = arith.constant 16 : i32
        %add3A_1514 = arith.addi %add3A_1513, %add3A_901 : i32
        %get3A_1515 = arith.constant 0 : i32
        %get3A_1516 = arith.index_cast %get3A_1515 : i32 to index
        %get3A_1517 = arith.index_cast %add3A_1514 : i32 to index
        %get3A_1518 = arith.constant 112 : index
        %get3A_1519 = tpu.vector_load %arg13[%get3A_1516, %get3A_1517, %get3A_1518] {strides = array<i32>} : memref<4x64x128xf32, #tpu.memory_space<vmem>>, vector<16xf32>,
        %add3A_1520 = arith.constant 16 : i32
        %add3A_1521 = arith.addi %add3A_1520, %add3A_901 : i32
        %get3A_1522 = arith.constant 0 : i32
        %get3A_1523 = arith.index_cast %get3A_1522 : i32 to index
        %get3A_1524 = arith.index_cast %add3A_1521 : i32 to index
        %get3A_1525 = arith.constant 112 : index
        %get3A_1526 = tpu.vector_load %arg14[%get3A_1523, %get3A_1524, %get3A_1525] {strides = array<i32>} : memref<4x64x128xf32, #tpu.memory_space<vmem>>, vector<16xf32>,
        %add3A_1527 = arith.constant 32 : i32
        %add3A_1528 = arith.addi %add3A_1527, %add3A_901 : i32
        %get3A_1529 = arith.constant 0 : i32
        %get3A_1530 = arith.index_cast %get3A_1529 : i32 to index
        %get3A_1531 = arith.index_cast %add3A_1528 : i32 to index
        %get3A_1532 = arith.constant 112 : index
        %get3A_1533 = tpu.vector_load %arg13[%get3A_1530, %get3A_1531, %get3A_1532] {strides = array<i32>} : memref<4x64x128xf32, #tpu.memory_space<vmem>>, vector<16xf32>,
        %add3A_1534 = arith.constant 32 : i32
        %add3A_1535 = arith.addi %add3A_1534, %add3A_901 : i32
        %get3A_1536 = arith.constant 0 : i32
        %get3A_1537 = arith.index_cast %get3A_1536 : i32 to index
        %get3A_1538 = arith.index_cast %add3A_1535 : i32 to index
        %get3A_1539 = arith.constant 112 : index
        %get3A_1540 = tpu.vector_load %arg14[%get3A_1537, %get3A_1538, %get3A_1539] {strides = array<i32>} : memref<4x64x128xf32, #tpu.memory_space<vmem>>, vector<16xf32>,
        %add3A_1541 = arith.constant 48 : i32
        %add3A_1542 = arith.addi %add3A_1541, %add3A_901 : i32
        %get3A_1543 = arith.constant 0 : i32
        %get3A_1544 = arith.index_cast %get3A_1543 : i32 to index
        %get3A_1545 = arith.index_cast %add3A_1542 : i32 to index
        %get3A_1546 = arith.constant 112 : index
        %get3A_1547 = tpu.vector_load %arg13[%get3A_1544, %get3A_1545, %get3A_1546] {strides = array<i32>} : memref<4x64x128xf32, #tpu.memory_space<vmem>>, vector<16xf32>,
        %add3A_1548 = arith.constant 48 : i32
        %add3A_1549 = arith.addi %add3A_1548, %add3A_901 : i32
        %get3A_1550 = arith.constant 0 : i32
        %get3A_1551 = arith.index_cast %get3A_1550 : i32 to index
        %get3A_1552 = arith.index_cast %add3A_1549 : i32 to index
        %get3A_1553 = arith.constant 112 : index
        %get3A_1554 = tpu.vector_load %arg14[%get3A_1551, %get3A_1552, %get3A_1553] {strides = array<i32>} : memref<4x64x128xf32, #tpu.memory_space<vmem>>, vector<16xf32>,
        %get3A_1555 = arith.constant 0 : i32
        %get3A_1556 = arith.index_cast %get3A_1555 : i32 to index
        %get3A_1557 = arith.index_cast %add3A_901 : i32 to index
        %get3A_1558 = arith.constant 112 : index
        %get3A_1559 = tpu.vector_load %arg15[%get3A_1556, %get3A_1557, %get3A_1558] {strides = array<i32>} : memref<4x16x128xf32, #tpu.memory_space<vmem>>, vector<16xf32>,
        %get3A_1560 = arith.constant 0 : i32
        %get3A_1561 = arith.index_cast %get3A_1560 : i32 to index
        %get3A_1562 = arith.index_cast %add3A_901 : i32 to index
        %get3A_1563 = arith.constant 112 : index
        %get3A_1564 = tpu.vector_load %arg16[%get3A_1561, %get3A_1562, %get3A_1563] {strides = array<i32>} : memref<4x16x128xf32, #tpu.memory_space<vmem>>, vector<16xf32>,
        %mul3A_1565 = arith.mulf %get3A_1507, %get3A_1559 : vector<16xf32>
        %mul3A_1566 = arith.mulf %get3A_1512, %get3A_1564 : vector<16xf32>
        %sub3A_1567 = arith.subf %mul3A_1565, %mul3A_1566 : vector<16xf32>
        %sub3A_1568 = arith.subf %sub3A_1567, %get3A_1519 : vector<16xf32>
        %mul3A_1569 = arith.mulf %get3A_1507, %get3A_1564 : vector<16xf32>
        %mul3A_1570 = arith.mulf %get3A_1512, %get3A_1559 : vector<16xf32>
        %add3A_1571 = arith.addf %mul3A_1569, %mul3A_1570 : vector<16xf32>
        %sub3A_1572 = arith.subf %add3A_1571, %get3A_1526 : vector<16xf32>
        %mul3A_1573 = arith.mulf %sub3A_1568, %sub3A_1568 : vector<16xf32>
        %add3A_1574 = arith.addf %add3A_1490, %mul3A_1573 : vector<16xf32>
        %mul3A_1575 = arith.mulf %sub3A_1572, %sub3A_1572 : vector<16xf32>
        %add3A_1576 = arith.addf %add3A_1574, %mul3A_1575 : vector<16xf32>
        %mul3A_1577 = arith.mulf %get3A_1533, %get3A_1559 : vector<16xf32>
        %mul3A_1578 = arith.mulf %get3A_1540, %get3A_1564 : vector<16xf32>
        %sub3A_1579 = arith.subf %mul3A_1577, %mul3A_1578 : vector<16xf32>
        %sub3A_1580 = arith.subf %sub3A_1579, %get3A_1547 : vector<16xf32>
        %mul3A_1581 = arith.mulf %get3A_1533, %get3A_1564 : vector<16xf32>
        %mul3A_1582 = arith.mulf %get3A_1540, %get3A_1559 : vector<16xf32>
        %add3A_1583 = arith.addf %mul3A_1581, %mul3A_1582 : vector<16xf32>
        %sub3A_1584 = arith.subf %add3A_1583, %get3A_1554 : vector<16xf32>
        %mul3A_1585 = arith.mulf %sub3A_1580, %sub3A_1580 : vector<16xf32>
        %add3A_1586 = arith.addf %add3A_1502, %mul3A_1585 : vector<16xf32>
        %mul3A_1587 = arith.mulf %sub3A_1584, %sub3A_1584 : vector<16xf32>
        %add3A_1588 = arith.addf %add3A_1586, %mul3A_1587 : vector<16xf32>
        %reduce_sum3A = arith.constant true
        %reduce_sum3A_1589 = vector.broadcast %reduce_sum3A : i1 to vector<16xi1>
        %reduce_sum3A_1590 = tpu.scan <sum>, %add3A_1576 masked %reduce_sum3A_1589 : vector<16xf32>, vector<16xi1> -> vector<16xf32>
        %reduce_sum3A_1591 = vector.extract %reduce_sum3A_1590[15] : f32 from vector<16xf32>
        %reduce_sum3A_1592 = arith.constant true
        %reduce_sum3A_1593 = vector.broadcast %reduce_sum3A_1592 : i1 to vector<16xi1>
        %reduce_sum3A_1594 = tpu.scan <sum>, %add3A_1588 masked %reduce_sum3A_1593 : vector<16xf32>, vector<16xi1> -> vector<16xf32>
        %reduce_sum3A_1595 = vector.extract %reduce_sum3A_1594[15] : f32 from vector<16xf32>
        %eq3A = vector.broadcast %scan3A_897 : i32 to vector<16xi32>
        %eq3A_1596 = arith.cmpi eq, %iota3A, %eq3A : vector<16xi32>
        %broadcast_in_dim3A_1597 = vector.broadcast %reduce_sum3A_1591 : f32 to vector<16xf32>
        %select_n3A = arith.select %eq3A_1596, %broadcast_in_dim3A_1597, %scan3A_898 : vector<16xi1>, vector<16xf32>
        %broadcast_in_dim3A_1598 = vector.broadcast %reduce_sum3A_1595 : f32 to vector<16xf32>
        %select_n3A_1599 = arith.select %eq3A_1596, %broadcast_in_dim3A_1598, %scan3A_899 : vector<16xi1>, vector<16xf32>
        scf.yield %select_n3A, %select_n3A_1599 : vector<16xf32>, vector<16xf32>
      }
      %scan3A_273 = arith.constant 16 : i32
      %max3A = arith.constant 1.000000e-30 : f32
      %max3A_274 = vector.broadcast %max3A : f32 to vector<16xf32>
      %max3A_275 = arith.maximumf %scan3A_272#0, %max3A_274 : vector<16xf32>
      %bitcast_convert_type3A = tpu.bitcast %max3A_275 : vector<16xf32> -> vector<16xi32>
      %shift_right_arithmetic3A = arith.constant 1 : i32
      %shift_right_arithmetic3A_276 = vector.broadcast %shift_right_arithmetic3A : i32 to vector<16xi32>
      %shift_right_arithmetic3A_277 = arith.shrsi %bitcast_convert_type3A, %shift_right_arithmetic3A_276 : vector<16xi32>
      %sub3A_278 = arith.constant 1597463007 : i32
      %sub3A_279 = vector.broadcast %sub3A_278 : i32 to vector<16xi32>
      %sub3A_280 = arith.subi %sub3A_279, %shift_right_arithmetic3A_277 : vector<16xi32>
      %bitcast_convert_type3A_281 = tpu.bitcast %sub3A_280 : vector<16xi32> -> vector<16xf32>
      %mul3A_282 = arith.constant 5.000000e-01 : f32
      %mul3A_283 = vector.broadcast %mul3A_282 : f32 to vector<16xf32>
      %mul3A_284 = arith.mulf %mul3A_283, %max3A_275 : vector<16xf32>
      %mul3A_285 = arith.mulf %mul3A_284, %bitcast_convert_type3A_281 : vector<16xf32>
      %mul3A_286 = arith.mulf %mul3A_285, %bitcast_convert_type3A_281 : vector<16xf32>
      %sub3A_287 = arith.constant 1.500000e+00 : f32
      %sub3A_288 = vector.broadcast %sub3A_287 : f32 to vector<16xf32>
      %sub3A_289 = arith.subf %sub3A_288, %mul3A_286 : vector<16xf32>
      %mul3A_290 = arith.mulf %bitcast_convert_type3A_281, %sub3A_289 : vector<16xf32>
      %mul3A_291 = arith.constant 5.000000e-01 : f32
      %mul3A_292 = vector.broadcast %mul3A_291 : f32 to vector<16xf32>
      %mul3A_293 = arith.mulf %mul3A_292, %max3A_275 : vector<16xf32>
      %mul3A_294 = arith.mulf %mul3A_293, %mul3A_290 : vector<16xf32>
      %mul3A_295 = arith.mulf %mul3A_294, %mul3A_290 : vector<16xf32>
      %sub3A_296 = arith.constant 1.500000e+00 : f32
      %sub3A_297 = vector.broadcast %sub3A_296 : f32 to vector<16xf32>
      %sub3A_298 = arith.subf %sub3A_297, %mul3A_295 : vector<16xf32>
      %mul3A_299 = arith.mulf %mul3A_290, %sub3A_298 : vector<16xf32>
      %mul3A_300 = arith.constant 5.000000e-01 : f32
      %mul3A_301 = vector.broadcast %mul3A_300 : f32 to vector<16xf32>
      %mul3A_302 = arith.mulf %mul3A_301, %max3A_275 : vector<16xf32>
      %mul3A_303 = arith.mulf %mul3A_302, %mul3A_299 : vector<16xf32>
      %mul3A_304 = arith.mulf %mul3A_303, %mul3A_299 : vector<16xf32>
      %sub3A_305 = arith.constant 1.500000e+00 : f32
      %sub3A_306 = vector.broadcast %sub3A_305 : f32 to vector<16xf32>
      %sub3A_307 = arith.subf %sub3A_306, %mul3A_304 : vector<16xf32>
      %mul3A_308 = arith.mulf %mul3A_299, %sub3A_307 : vector<16xf32>
      %mul3A_309 = arith.mulf %max3A_275, %mul3A_308 : vector<16xf32>
      %max3A_310 = arith.constant 1.000000e-30 : f32
      %max3A_311 = vector.broadcast %max3A_310 : f32 to vector<16xf32>
      %max3A_312 = arith.maximumf %scan3A_272#1, %max3A_311 : vector<16xf32>
      %bitcast_convert_type3A_313 = tpu.bitcast %max3A_312 : vector<16xf32> -> vector<16xi32>
      %shift_right_arithmetic3A_314 = arith.constant 1 : i32
      %shift_right_arithmetic3A_315 = vector.broadcast %shift_right_arithmetic3A_314 : i32 to vector<16xi32>
      %shift_right_arithmetic3A_316 = arith.shrsi %bitcast_convert_type3A_313, %shift_right_arithmetic3A_315 : vector<16xi32>
      %sub3A_317 = arith.constant 1597463007 : i32
      %sub3A_318 = vector.broadcast %sub3A_317 : i32 to vector<16xi32>
      %sub3A_319 = arith.subi %sub3A_318, %shift_right_arithmetic3A_316 : vector<16xi32>
      %bitcast_convert_type3A_320 = tpu.bitcast %sub3A_319 : vector<16xi32> -> vector<16xf32>
      %mul3A_321 = arith.constant 5.000000e-01 : f32
      %mul3A_322 = vector.broadcast %mul3A_321 : f32 to vector<16xf32>
      %mul3A_323 = arith.mulf %mul3A_322, %max3A_312 : vector<16xf32>
      %mul3A_324 = arith.mulf %mul3A_323, %bitcast_convert_type3A_320 : vector<16xf32>
      %mul3A_325 = arith.mulf %mul3A_324, %bitcast_convert_type3A_320 : vector<16xf32>
      %sub3A_326 = arith.constant 1.500000e+00 : f32
      %sub3A_327 = vector.broadcast %sub3A_326 : f32 to vector<16xf32>
      %sub3A_328 = arith.subf %sub3A_327, %mul3A_325 : vector<16xf32>
      %mul3A_329 = arith.mulf %bitcast_convert_type3A_320, %sub3A_328 : vector<16xf32>
      %mul3A_330 = arith.constant 5.000000e-01 : f32
      %mul3A_331 = vector.broadcast %mul3A_330 : f32 to vector<16xf32>
      %mul3A_332 = arith.mulf %mul3A_331, %max3A_312 : vector<16xf32>
      %mul3A_333 = arith.mulf %mul3A_332, %mul3A_329 : vector<16xf32>
      %mul3A_334 = arith.mulf %mul3A_333, %mul3A_329 : vector<16xf32>
      %sub3A_335 = arith.constant 1.500000e+00 : f32
      %sub3A_336 = vector.broadcast %sub3A_335 : f32 to vector<16xf32>
      %sub3A_337 = arith.subf %sub3A_336, %mul3A_334 : vector<16xf32>
      %mul3A_338 = arith.mulf %mul3A_329, %sub3A_337 : vector<16xf32>
      %mul3A_339 = arith.constant 5.000000e-01 : f32
      %mul3A_340 = vector.broadcast %mul3A_339 : f32 to vector<16xf32>
      %mul3A_341 = arith.mulf %mul3A_340, %max3A_312 : vector<16xf32>
      %mul3A_342 = arith.mulf %mul3A_341, %mul3A_338 : vector<16xf32>
      %mul3A_343 = arith.mulf %mul3A_342, %mul3A_338 : vector<16xf32>
      %sub3A_344 = arith.constant 1.500000e+00 : f32
      %sub3A_345 = vector.broadcast %sub3A_344 : f32 to vector<16xf32>
      %sub3A_346 = arith.subf %sub3A_345, %mul3A_343 : vector<16xf32>
      %mul3A_347 = arith.mulf %mul3A_338, %sub3A_346 : vector<16xf32>
      %mul3A_348 = arith.mulf %max3A_312, %mul3A_347 : vector<16xf32>
      %add3A_349 = arith.constant 0 : i32
      %add3A_350 = arith.addi %mul3A_267, %add3A_349 : i32
      %swap3A = arith.index_cast %add3A_350 : i32 to index
      %swap3A_351 = tpu.vector_load %arg18[%swap3A] {strides = array<i32>} : memref<512xf32, #tpu.memory_space<vmem>>, vector<16xf32>,
      tpu.vector_store %arg18[%swap3A], %mul3A_309 {strides = array<i32>} : memref<512xf32, #tpu.memory_space<vmem>>, vector<16xf32>,
      %swap3A_352 = arith.index_cast %add3A_350 : i32 to index
      %swap3A_353 = tpu.vector_load %arg19[%swap3A_352] {strides = array<i32>} : memref<512xf32, #tpu.memory_space<vmem>>, vector<16xf32>,
      tpu.vector_store %arg19[%swap3A_352], %mul3A_348 {strides = array<i32>} : memref<512xf32, #tpu.memory_space<vmem>>, vector<16xf32>,
      %sub3A_354 = arith.subf %mul3A_309, %mul3A_348 : vector<16xf32>
      %add3A_355 = arith.constant 1.000000e+00 : f32
      %add3A_356 = vector.broadcast %add3A_355 : f32 to vector<16xf32>
      %add3A_357 = arith.addf %sub3A_354, %add3A_356 : vector<16xf32>
      %max3A_358 = arith.constant 0.000000e+00 : f32
      %max3A_359 = vector.broadcast %max3A_358 : f32 to vector<16xf32>
      %max3A_360 = arith.maximumf %add3A_357, %max3A_359 : vector<16xf32>
      %swap3A_361 = arith.index_cast %add3A_350 : i32 to index
      %swap3A_362 = tpu.vector_load %arg17[%swap3A_361] {strides = array<i32>} : memref<512xf32, #tpu.memory_space<vmem>>, vector<16xf32>,
      tpu.vector_store %arg17[%swap3A_361], %max3A_360 {strides = array<i32>} : memref<512xf32, #tpu.memory_space<vmem>>, vector<16xf32>,
      %add3A_363 = arith.constant 1 : i32
      %add3A_364 = arith.addi %add3A_193, %add3A_363 : i32
      %add3A_365 = arith.constant 4 : i32
      %add3A_366 = arith.addi %add3A_364, %add3A_365 : i32
      %sub3A_367 = arith.constant 1 : i32
      %sub3A_368 = arith.subi %add3A_366, %sub3A_367 : i32
      %lt3A_369 = arith.constant 32 : i32
      %lt3A_370 = arith.cmpi slt, %sub3A_368, %lt3A_369 : i32
      %convert_element_type3A_371 = arith.extui %lt3A_370 : i1 to i32
      %cond3A_372 = arith.constant 0 : i32
      %cond3A_373 = arith.cmpi ne, %convert_element_type3A_371, %cond3A_372 : i32
      scf.if %cond3A_373 {
        %add3A_897 = arith.constant 4 : i32
        %add3A_898 = arith.addi %add3A_364, %add3A_897 : i32
        %sub3A_899 = arith.constant 1 : i32
        %sub3A_900 = arith.subi %add3A_898, %sub3A_899 : i32
        %mul3A_901 = arith.constant 4 : i32
        %mul3A_902 = arith.muli %sub3A_900, %mul3A_901 : i32
        %mul3A_903 = arith.constant 16 : i32
        %mul3A_904 = arith.muli %mul3A_902, %mul3A_903 : i32
        %mul3A_905 = arith.constant 4 : i32
        %mul3A_906 = arith.muli %sub3A_900, %mul3A_905 : i32
        %mul3A_907 = arith.constant 16 : i32
        %mul3A_908 = arith.muli %mul3A_906, %mul3A_907 : i32
        %add3A_909 = arith.constant 32 : i32
        %add3A_910 = arith.addi %mul3A_908, %add3A_909 : i32
        %mul3A_911 = arith.constant 16 : i32
        %mul3A_912 = arith.muli %sub3A_900, %mul3A_911 : i32
        %dma_start3A_913 = arith.constant 0 : i32
        %dma_start3A_914 = arith.constant 0 : i32
        %dma_start3A_915 = arith.constant 0 : i32
        %dma_start3A_916 = tpu.memref_slice %arg13[%dma_start3A_913, %dma_start3A_914, %dma_start3A_915] : memref<4x64x128xf32, #tpu.memory_space<vmem>> -> memref<1x32x128xf32, #tpu.memory_space<vmem>>
        %dma_start3A_917 = tpu.memref_squeeze %dma_start3A_916 : memref<1x32x128xf32, #tpu.memory_space<vmem>> -> memref<32x128xf32, #tpu.memory_space<vmem>>
        %dma_start3A_918 = tpu.memref_slice %arg11[%mul3A_904] : memref<2048xi32, #tpu.memory_space<vmem>> -> memref<32xi32, #tpu.memory_space<vmem>>
        %dma_start3A_919 = arith.constant 0 : i32
        %dma_start3A_920 = arith.constant 0 : i32
        %dma_start3A_921 = tpu.memref_slice %arg4[%dma_start3A_919, %dma_start3A_920] : memref<100000x128xf32, #tpu.memory_space<hbm>> -> memref<100000x128xf32, #tpu.memory_space<hbm>>
        tpu.enqueue_indirect_dma source(%dma_start3A_921 : memref<100000x128xf32, #tpu.memory_space<hbm>>) target(%dma_start3A_917 : memref<32x128xf32, #tpu.memory_space<vmem>>) offsets(%dma_start3A_918 : memref<32xi32, #tpu.memory_space<vmem>>) semaphore(%arg20 : memref<!tpu.dma_semaphore, #tpu.memory_space<semaphore_mem>>)
        %dma_start3A_922 = arith.constant 0 : i32
        %dma_start3A_923 = arith.constant 0 : i32
        %dma_start3A_924 = arith.constant 0 : i32
        %dma_start3A_925 = tpu.memref_slice %arg14[%dma_start3A_922, %dma_start3A_923, %dma_start3A_924] : memref<4x64x128xf32, #tpu.memory_space<vmem>> -> memref<1x32x128xf32, #tpu.memory_space<vmem>>
        %dma_start3A_926 = tpu.memref_squeeze %dma_start3A_925 : memref<1x32x128xf32, #tpu.memory_space<vmem>> -> memref<32x128xf32, #tpu.memory_space<vmem>>
        %dma_start3A_927 = tpu.memref_slice %arg11[%mul3A_904] : memref<2048xi32, #tpu.memory_space<vmem>> -> memref<32xi32, #tpu.memory_space<vmem>>
        %dma_start3A_928 = arith.constant 0 : i32
        %dma_start3A_929 = arith.constant 0 : i32
        %dma_start3A_930 = tpu.memref_slice %arg5[%dma_start3A_928, %dma_start3A_929] : memref<100000x128xf32, #tpu.memory_space<hbm>> -> memref<100000x128xf32, #tpu.memory_space<hbm>>
        tpu.enqueue_indirect_dma source(%dma_start3A_930 : memref<100000x128xf32, #tpu.memory_space<hbm>>) target(%dma_start3A_926 : memref<32x128xf32, #tpu.memory_space<vmem>>) offsets(%dma_start3A_927 : memref<32xi32, #tpu.memory_space<vmem>>) semaphore(%arg20 : memref<!tpu.dma_semaphore, #tpu.memory_space<semaphore_mem>>)
        %dma_start3A_931 = arith.constant 0 : i32
        %dma_start3A_932 = arith.constant 32 : i32
        %dma_start3A_933 = arith.constant 0 : i32
        %dma_start3A_934 = tpu.memref_slice %arg13[%dma_start3A_931, %dma_start3A_932, %dma_start3A_933] : memref<4x64x128xf32, #tpu.memory_space<vmem>> -> memref<1x32x128xf32, #tpu.memory_space<vmem>>
        %dma_start3A_935 = tpu.memref_squeeze %dma_start3A_934 : memref<1x32x128xf32, #tpu.memory_space<vmem>> -> memref<32x128xf32, #tpu.memory_space<vmem>>
        %dma_start3A_936 = tpu.memref_slice %arg11[%add3A_910] : memref<2048xi32, #tpu.memory_space<vmem>> -> memref<32xi32, #tpu.memory_space<vmem>>
        %dma_start3A_937 = arith.constant 0 : i32
        %dma_start3A_938 = arith.constant 0 : i32
        %dma_start3A_939 = tpu.memref_slice %arg4[%dma_start3A_937, %dma_start3A_938] : memref<100000x128xf32, #tpu.memory_space<hbm>> -> memref<100000x128xf32, #tpu.memory_space<hbm>>
        tpu.enqueue_indirect_dma source(%dma_start3A_939 : memref<100000x128xf32, #tpu.memory_space<hbm>>) target(%dma_start3A_935 : memref<32x128xf32, #tpu.memory_space<vmem>>) offsets(%dma_start3A_936 : memref<32xi32, #tpu.memory_space<vmem>>) semaphore(%arg20 : memref<!tpu.dma_semaphore, #tpu.memory_space<semaphore_mem>>)
        %dma_start3A_940 = arith.constant 0 : i32
        %dma_start3A_941 = arith.constant 32 : i32
        %dma_start3A_942 = arith.constant 0 : i32
        %dma_start3A_943 = tpu.memref_slice %arg14[%dma_start3A_940, %dma_start3A_941, %dma_start3A_942] : memref<4x64x128xf32, #tpu.memory_space<vmem>> -> memref<1x32x128xf32, #tpu.memory_space<vmem>>
        %dma_start3A_944 = tpu.memref_squeeze %dma_start3A_943 : memref<1x32x128xf32, #tpu.memory_space<vmem>> -> memref<32x128xf32, #tpu.memory_space<vmem>>
        %dma_start3A_945 = tpu.memref_slice %arg11[%add3A_910] : memref<2048xi32, #tpu.memory_space<vmem>> -> memref<32xi32, #tpu.memory_space<vmem>>
        %dma_start3A_946 = arith.constant 0 : i32
        %dma_start3A_947 = arith.constant 0 : i32
        %dma_start3A_948 = tpu.memref_slice %arg5[%dma_start3A_946, %dma_start3A_947] : memref<100000x128xf32, #tpu.memory_space<hbm>> -> memref<100000x128xf32, #tpu.memory_space<hbm>>
        tpu.enqueue_indirect_dma source(%dma_start3A_948 : memref<100000x128xf32, #tpu.memory_space<hbm>>) target(%dma_start3A_944 : memref<32x128xf32, #tpu.memory_space<vmem>>) offsets(%dma_start3A_945 : memref<32xi32, #tpu.memory_space<vmem>>) semaphore(%arg20 : memref<!tpu.dma_semaphore, #tpu.memory_space<semaphore_mem>>)
        %dma_start3A_949 = arith.constant 0 : i32
        %dma_start3A_950 = arith.constant 0 : i32
        %dma_start3A_951 = arith.constant 0 : i32
        %dma_start3A_952 = tpu.memref_slice %arg15[%dma_start3A_949, %dma_start3A_950, %dma_start3A_951] : memref<4x16x128xf32, #tpu.memory_space<vmem>> -> memref<1x16x128xf32, #tpu.memory_space<vmem>>
        %dma_start3A_953 = tpu.memref_squeeze %dma_start3A_952 : memref<1x16x128xf32, #tpu.memory_space<vmem>> -> memref<16x128xf32, #tpu.memory_space<vmem>>
        %dma_start3A_954 = tpu.memref_slice %arg12[%mul3A_912] : memref<512xi32, #tpu.memory_space<vmem>> -> memref<16xi32, #tpu.memory_space<vmem>>
        %dma_start3A_955 = arith.constant 0 : i32
        %dma_start3A_956 = arith.constant 0 : i32
        %dma_start3A_957 = tpu.memref_slice %arg6[%dma_start3A_955, %dma_start3A_956] : memref<100000x128xf32, #tpu.memory_space<hbm>> -> memref<100000x128xf32, #tpu.memory_space<hbm>>
        tpu.enqueue_indirect_dma source(%dma_start3A_957 : memref<100000x128xf32, #tpu.memory_space<hbm>>) target(%dma_start3A_953 : memref<16x128xf32, #tpu.memory_space<vmem>>) offsets(%dma_start3A_954 : memref<16xi32, #tpu.memory_space<vmem>>) semaphore(%arg20 : memref<!tpu.dma_semaphore, #tpu.memory_space<semaphore_mem>>)
        %dma_start3A_958 = arith.constant 0 : i32
        %dma_start3A_959 = arith.constant 0 : i32
        %dma_start3A_960 = arith.constant 0 : i32
        %dma_start3A_961 = tpu.memref_slice %arg16[%dma_start3A_958, %dma_start3A_959, %dma_start3A_960] : memref<4x16x128xf32, #tpu.memory_space<vmem>> -> memref<1x16x128xf32, #tpu.memory_space<vmem>>
        %dma_start3A_962 = tpu.memref_squeeze %dma_start3A_961 : memref<1x16x128xf32, #tpu.memory_space<vmem>> -> memref<16x128xf32, #tpu.memory_space<vmem>>
        %dma_start3A_963 = tpu.memref_slice %arg12[%mul3A_912] : memref<512xi32, #tpu.memory_space<vmem>> -> memref<16xi32, #tpu.memory_space<vmem>>
        %dma_start3A_964 = arith.constant 0 : i32
        %dma_start3A_965 = arith.constant 0 : i32
        %dma_start3A_966 = tpu.memref_slice %arg7[%dma_start3A_964, %dma_start3A_965] : memref<100000x128xf32, #tpu.memory_space<hbm>> -> memref<100000x128xf32, #tpu.memory_space<hbm>>
        tpu.enqueue_indirect_dma source(%dma_start3A_966 : memref<100000x128xf32, #tpu.memory_space<hbm>>) target(%dma_start3A_962 : memref<16x128xf32, #tpu.memory_space<vmem>>) offsets(%dma_start3A_963 : memref<16xi32, #tpu.memory_space<vmem>>) semaphore(%arg20 : memref<!tpu.dma_semaphore, #tpu.memory_space<semaphore_mem>>)
      } else {
      }
      %mul3A_374 = arith.constant 4 : i32
      %mul3A_375 = arith.muli %add3A_364, %mul3A_374 : i32
      %mul3A_376 = arith.constant 16 : i32
      %mul3A_377 = arith.muli %mul3A_375, %mul3A_376 : i32
      %mul3A_378 = arith.constant 4 : i32
      %mul3A_379 = arith.muli %add3A_364, %mul3A_378 : i32
      %mul3A_380 = arith.constant 16 : i32
      %mul3A_381 = arith.muli %mul3A_379, %mul3A_380 : i32
      %add3A_382 = arith.constant 32 : i32
      %add3A_383 = arith.addi %mul3A_381, %add3A_382 : i32
      %mul3A_384 = arith.constant 16 : i32
      %mul3A_385 = arith.muli %add3A_364, %mul3A_384 : i32
      %dma_wait3A_386 = arith.constant 1 : i32
      %dma_wait3A_387 = arith.constant 0 : i32
      %dma_wait3A_388 = arith.constant 0 : i32
      %dma_wait3A_389 = tpu.memref_slice %arg13[%dma_wait3A_386, %dma_wait3A_387, %dma_wait3A_388] : memref<4x64x128xf32, #tpu.memory_space<vmem>> -> memref<1x32x128xf32, #tpu.memory_space<vmem>>
      %dma_wait3A_390 = tpu.memref_squeeze %dma_wait3A_389 : memref<1x32x128xf32, #tpu.memory_space<vmem>> -> memref<32x128xf32, #tpu.memory_space<vmem>>
      %dma_wait3A_391 = tpu.memref_slice %arg11[%mul3A_377] : memref<2048xi32, #tpu.memory_space<vmem>> -> memref<32xi32, #tpu.memory_space<vmem>>
      %dma_wait3A_392 = arith.constant 0 : i32
      %dma_wait3A_393 = arith.constant 0 : i32
      %dma_wait3A_394 = tpu.memref_slice %arg4[%dma_wait3A_392, %dma_wait3A_393] : memref<100000x128xf32, #tpu.memory_space<hbm>> -> memref<100000x128xf32, #tpu.memory_space<hbm>>
      tpu.wait_indirect_dma semaphore(%arg21 : memref<!tpu.dma_semaphore, #tpu.memory_space<semaphore_mem>>) src(%dma_wait3A_394 : memref<100000x128xf32, #tpu.memory_space<hbm>>) dst(%dma_wait3A_390 : memref<32x128xf32, #tpu.memory_space<vmem>>)
      %dma_wait3A_395 = arith.constant 1 : i32
      %dma_wait3A_396 = arith.constant 0 : i32
      %dma_wait3A_397 = arith.constant 0 : i32
      %dma_wait3A_398 = tpu.memref_slice %arg14[%dma_wait3A_395, %dma_wait3A_396, %dma_wait3A_397] : memref<4x64x128xf32, #tpu.memory_space<vmem>> -> memref<1x32x128xf32, #tpu.memory_space<vmem>>
      %dma_wait3A_399 = tpu.memref_squeeze %dma_wait3A_398 : memref<1x32x128xf32, #tpu.memory_space<vmem>> -> memref<32x128xf32, #tpu.memory_space<vmem>>
      %dma_wait3A_400 = tpu.memref_slice %arg11[%mul3A_377] : memref<2048xi32, #tpu.memory_space<vmem>> -> memref<32xi32, #tpu.memory_space<vmem>>
      %dma_wait3A_401 = arith.constant 0 : i32
      %dma_wait3A_402 = arith.constant 0 : i32
      %dma_wait3A_403 = tpu.memref_slice %arg5[%dma_wait3A_401, %dma_wait3A_402] : memref<100000x128xf32, #tpu.memory_space<hbm>> -> memref<100000x128xf32, #tpu.memory_space<hbm>>
      tpu.wait_indirect_dma semaphore(%arg21 : memref<!tpu.dma_semaphore, #tpu.memory_space<semaphore_mem>>) src(%dma_wait3A_403 : memref<100000x128xf32, #tpu.memory_space<hbm>>) dst(%dma_wait3A_399 : memref<32x128xf32, #tpu.memory_space<vmem>>)
      %dma_wait3A_404 = arith.constant 1 : i32
      %dma_wait3A_405 = arith.constant 32 : i32
      %dma_wait3A_406 = arith.constant 0 : i32
      %dma_wait3A_407 = tpu.memref_slice %arg13[%dma_wait3A_404, %dma_wait3A_405, %dma_wait3A_406] : memref<4x64x128xf32, #tpu.memory_space<vmem>> -> memref<1x32x128xf32, #tpu.memory_space<vmem>>
      %dma_wait3A_408 = tpu.memref_squeeze %dma_wait3A_407 : memref<1x32x128xf32, #tpu.memory_space<vmem>> -> memref<32x128xf32, #tpu.memory_space<vmem>>
      %dma_wait3A_409 = tpu.memref_slice %arg11[%add3A_383] : memref<2048xi32, #tpu.memory_space<vmem>> -> memref<32xi32, #tpu.memory_space<vmem>>
      %dma_wait3A_410 = arith.constant 0 : i32
      %dma_wait3A_411 = arith.constant 0 : i32
      %dma_wait3A_412 = tpu.memref_slice %arg4[%dma_wait3A_410, %dma_wait3A_411] : memref<100000x128xf32, #tpu.memory_space<hbm>> -> memref<100000x128xf32, #tpu.memory_space<hbm>>
      tpu.wait_indirect_dma semaphore(%arg21 : memref<!tpu.dma_semaphore, #tpu.memory_space<semaphore_mem>>) src(%dma_wait3A_412 : memref<100000x128xf32, #tpu.memory_space<hbm>>) dst(%dma_wait3A_408 : memref<32x128xf32, #tpu.memory_space<vmem>>)
      %dma_wait3A_413 = arith.constant 1 : i32
      %dma_wait3A_414 = arith.constant 32 : i32
      %dma_wait3A_415 = arith.constant 0 : i32
      %dma_wait3A_416 = tpu.memref_slice %arg14[%dma_wait3A_413, %dma_wait3A_414, %dma_wait3A_415] : memref<4x64x128xf32, #tpu.memory_space<vmem>> -> memref<1x32x128xf32, #tpu.memory_space<vmem>>
      %dma_wait3A_417 = tpu.memref_squeeze %dma_wait3A_416 : memref<1x32x128xf32, #tpu.memory_space<vmem>> -> memref<32x128xf32, #tpu.memory_space<vmem>>
      %dma_wait3A_418 = tpu.memref_slice %arg11[%add3A_383] : memref<2048xi32, #tpu.memory_space<vmem>> -> memref<32xi32, #tpu.memory_space<vmem>>
      %dma_wait3A_419 = arith.constant 0 : i32
      %dma_wait3A_420 = arith.constant 0 : i32
      %dma_wait3A_421 = tpu.memref_slice %arg5[%dma_wait3A_419, %dma_wait3A_420] : memref<100000x128xf32, #tpu.memory_space<hbm>> -> memref<100000x128xf32, #tpu.memory_space<hbm>>
      tpu.wait_indirect_dma semaphore(%arg21 : memref<!tpu.dma_semaphore, #tpu.memory_space<semaphore_mem>>) src(%dma_wait3A_421 : memref<100000x128xf32, #tpu.memory_space<hbm>>) dst(%dma_wait3A_417 : memref<32x128xf32, #tpu.memory_space<vmem>>)
      %dma_wait3A_422 = arith.constant 1 : i32
      %dma_wait3A_423 = arith.constant 0 : i32
      %dma_wait3A_424 = arith.constant 0 : i32
      %dma_wait3A_425 = tpu.memref_slice %arg15[%dma_wait3A_422, %dma_wait3A_423, %dma_wait3A_424] : memref<4x16x128xf32, #tpu.memory_space<vmem>> -> memref<1x16x128xf32, #tpu.memory_space<vmem>>
      %dma_wait3A_426 = tpu.memref_squeeze %dma_wait3A_425 : memref<1x16x128xf32, #tpu.memory_space<vmem>> -> memref<16x128xf32, #tpu.memory_space<vmem>>
      %dma_wait3A_427 = tpu.memref_slice %arg12[%mul3A_385] : memref<512xi32, #tpu.memory_space<vmem>> -> memref<16xi32, #tpu.memory_space<vmem>>
      %dma_wait3A_428 = arith.constant 0 : i32
      %dma_wait3A_429 = arith.constant 0 : i32
      %dma_wait3A_430 = tpu.memref_slice %arg6[%dma_wait3A_428, %dma_wait3A_429] : memref<100000x128xf32, #tpu.memory_space<hbm>> -> memref<100000x128xf32, #tpu.memory_space<hbm>>
      tpu.wait_indirect_dma semaphore(%arg21 : memref<!tpu.dma_semaphore, #tpu.memory_space<semaphore_mem>>) src(%dma_wait3A_430 : memref<100000x128xf32, #tpu.memory_space<hbm>>) dst(%dma_wait3A_426 : memref<16x128xf32, #tpu.memory_space<vmem>>)
      %dma_wait3A_431 = arith.constant 1 : i32
      %dma_wait3A_432 = arith.constant 0 : i32
      %dma_wait3A_433 = arith.constant 0 : i32
      %dma_wait3A_434 = tpu.memref_slice %arg16[%dma_wait3A_431, %dma_wait3A_432, %dma_wait3A_433] : memref<4x16x128xf32, #tpu.memory_space<vmem>> -> memref<1x16x128xf32, #tpu.memory_space<vmem>>
      %dma_wait3A_435 = tpu.memref_squeeze %dma_wait3A_434 : memref<1x16x128xf32, #tpu.memory_space<vmem>> -> memref<16x128xf32, #tpu.memory_space<vmem>>
      %dma_wait3A_436 = tpu.memref_slice %arg12[%mul3A_385] : memref<512xi32, #tpu.memory_space<vmem>> -> memref<16xi32, #tpu.memory_space<vmem>>
      %dma_wait3A_437 = arith.constant 0 : i32
      %dma_wait3A_438 = arith.constant 0 : i32
      %dma_wait3A_439 = tpu.memref_slice %arg7[%dma_wait3A_437, %dma_wait3A_438] : memref<100000x128xf32, #tpu.memory_space<hbm>> -> memref<100000x128xf32, #tpu.memory_space<hbm>>
      tpu.wait_indirect_dma semaphore(%arg21 : memref<!tpu.dma_semaphore, #tpu.memory_space<semaphore_mem>>) src(%dma_wait3A_439 : memref<100000x128xf32, #tpu.memory_space<hbm>>) dst(%dma_wait3A_435 : memref<16x128xf32, #tpu.memory_space<vmem>>)
      %mul3A_440 = arith.constant 16 : i32
      %mul3A_441 = arith.muli %add3A_364, %mul3A_440 : i32
      %scan3A_442 = arith.constant 0 : i32
      %scan3A_443 = arith.constant 16 : i32
      %scan3A_444 = arith.addi %scan3A_442, %scan3A_443 : i32
      %scan3A_445 = arith.constant 1 : i32
      %scan3A_446:2 = scf.for %scan3A_897 = %scan3A_442 to %scan3A_444 step %scan3A_445 iter_args(%scan3A_898 = %broadcast_in_dim3A_5, %scan3A_899 = %broadcast_in_dim3A_5) -> (vector<16xf32>, vector<16xf32>)  : i32 {
        %add3A_900 = arith.constant 0 : i32
        %add3A_901 = arith.addi %add3A_900, %scan3A_897 : i32
        %get3A = arith.constant 1 : i32
        %get3A_902 = arith.index_cast %get3A : i32 to index
        %get3A_903 = arith.index_cast %add3A_901 : i32 to index
        %get3A_904 = arith.constant 0 : index
        %get3A_905 = tpu.vector_load %arg13[%get3A_902, %get3A_903, %get3A_904] {strides = array<i32>} : memref<4x64x128xf32, #tpu.memory_space<vmem>>, vector<16xf32>,
        %get3A_906 = arith.constant 1 : i32
        %get3A_907 = arith.index_cast %get3A_906 : i32 to index
        %get3A_908 = arith.index_cast %add3A_901 : i32 to index
        %get3A_909 = arith.constant 0 : index
        %get3A_910 = tpu.vector_load %arg14[%get3A_907, %get3A_908, %get3A_909] {strides = array<i32>} : memref<4x64x128xf32, #tpu.memory_space<vmem>>, vector<16xf32>,
        %add3A_911 = arith.constant 16 : i32
        %add3A_912 = arith.addi %add3A_911, %add3A_901 : i32
        %get3A_913 = arith.constant 1 : i32
        %get3A_914 = arith.index_cast %get3A_913 : i32 to index
        %get3A_915 = arith.index_cast %add3A_912 : i32 to index
        %get3A_916 = arith.constant 0 : index
        %get3A_917 = tpu.vector_load %arg13[%get3A_914, %get3A_915, %get3A_916] {strides = array<i32>} : memref<4x64x128xf32, #tpu.memory_space<vmem>>, vector<16xf32>,
        %add3A_918 = arith.constant 16 : i32
        %add3A_919 = arith.addi %add3A_918, %add3A_901 : i32
        %get3A_920 = arith.constant 1 : i32
        %get3A_921 = arith.index_cast %get3A_920 : i32 to index
        %get3A_922 = arith.index_cast %add3A_919 : i32 to index
        %get3A_923 = arith.constant 0 : index
        %get3A_924 = tpu.vector_load %arg14[%get3A_921, %get3A_922, %get3A_923] {strides = array<i32>} : memref<4x64x128xf32, #tpu.memory_space<vmem>>, vector<16xf32>,
        %add3A_925 = arith.constant 32 : i32
        %add3A_926 = arith.addi %add3A_925, %add3A_901 : i32
        %get3A_927 = arith.constant 1 : i32
        %get3A_928 = arith.index_cast %get3A_927 : i32 to index
        %get3A_929 = arith.index_cast %add3A_926 : i32 to index
        %get3A_930 = arith.constant 0 : index
        %get3A_931 = tpu.vector_load %arg13[%get3A_928, %get3A_929, %get3A_930] {strides = array<i32>} : memref<4x64x128xf32, #tpu.memory_space<vmem>>, vector<16xf32>,
        %add3A_932 = arith.constant 32 : i32
        %add3A_933 = arith.addi %add3A_932, %add3A_901 : i32
        %get3A_934 = arith.constant 1 : i32
        %get3A_935 = arith.index_cast %get3A_934 : i32 to index
        %get3A_936 = arith.index_cast %add3A_933 : i32 to index
        %get3A_937 = arith.constant 0 : index
        %get3A_938 = tpu.vector_load %arg14[%get3A_935, %get3A_936, %get3A_937] {strides = array<i32>} : memref<4x64x128xf32, #tpu.memory_space<vmem>>, vector<16xf32>,
        %add3A_939 = arith.constant 48 : i32
        %add3A_940 = arith.addi %add3A_939, %add3A_901 : i32
        %get3A_941 = arith.constant 1 : i32
        %get3A_942 = arith.index_cast %get3A_941 : i32 to index
        %get3A_943 = arith.index_cast %add3A_940 : i32 to index
        %get3A_944 = arith.constant 0 : index
        %get3A_945 = tpu.vector_load %arg13[%get3A_942, %get3A_943, %get3A_944] {strides = array<i32>} : memref<4x64x128xf32, #tpu.memory_space<vmem>>, vector<16xf32>,
        %add3A_946 = arith.constant 48 : i32
        %add3A_947 = arith.addi %add3A_946, %add3A_901 : i32
        %get3A_948 = arith.constant 1 : i32
        %get3A_949 = arith.index_cast %get3A_948 : i32 to index
        %get3A_950 = arith.index_cast %add3A_947 : i32 to index
        %get3A_951 = arith.constant 0 : index
        %get3A_952 = tpu.vector_load %arg14[%get3A_949, %get3A_950, %get3A_951] {strides = array<i32>} : memref<4x64x128xf32, #tpu.memory_space<vmem>>, vector<16xf32>,
        %get3A_953 = arith.constant 1 : i32
        %get3A_954 = arith.index_cast %get3A_953 : i32 to index
        %get3A_955 = arith.index_cast %add3A_901 : i32 to index
        %get3A_956 = arith.constant 0 : index
        %get3A_957 = tpu.vector_load %arg15[%get3A_954, %get3A_955, %get3A_956] {strides = array<i32>} : memref<4x16x128xf32, #tpu.memory_space<vmem>>, vector<16xf32>,
        %get3A_958 = arith.constant 1 : i32
        %get3A_959 = arith.index_cast %get3A_958 : i32 to index
        %get3A_960 = arith.index_cast %add3A_901 : i32 to index
        %get3A_961 = arith.constant 0 : index
        %get3A_962 = tpu.vector_load %arg16[%get3A_959, %get3A_960, %get3A_961] {strides = array<i32>} : memref<4x16x128xf32, #tpu.memory_space<vmem>>, vector<16xf32>,
        %mul3A_963 = arith.mulf %get3A_905, %get3A_957 : vector<16xf32>
        %mul3A_964 = arith.mulf %get3A_910, %get3A_962 : vector<16xf32>
        %sub3A_965 = arith.subf %mul3A_963, %mul3A_964 : vector<16xf32>
        %sub3A_966 = arith.subf %sub3A_965, %get3A_917 : vector<16xf32>
        %mul3A_967 = arith.mulf %get3A_905, %get3A_962 : vector<16xf32>
        %mul3A_968 = arith.mulf %get3A_910, %get3A_957 : vector<16xf32>
        %add3A_969 = arith.addf %mul3A_967, %mul3A_968 : vector<16xf32>
        %sub3A_970 = arith.subf %add3A_969, %get3A_924 : vector<16xf32>
        %mul3A_971 = arith.mulf %sub3A_966, %sub3A_966 : vector<16xf32>
        %add3A_972 = arith.addf %broadcast_in_dim3A_5, %mul3A_971 : vector<16xf32>
        %mul3A_973 = arith.mulf %sub3A_970, %sub3A_970 : vector<16xf32>
        %add3A_974 = arith.addf %add3A_972, %mul3A_973 : vector<16xf32>
        %mul3A_975 = arith.mulf %get3A_931, %get3A_957 : vector<16xf32>
        %mul3A_976 = arith.mulf %get3A_938, %get3A_962 : vector<16xf32>
        %sub3A_977 = arith.subf %mul3A_975, %mul3A_976 : vector<16xf32>
        %sub3A_978 = arith.subf %sub3A_977, %get3A_945 : vector<16xf32>
        %mul3A_979 = arith.mulf %get3A_931, %get3A_962 : vector<16xf32>
        %mul3A_980 = arith.mulf %get3A_938, %get3A_957 : vector<16xf32>
        %add3A_981 = arith.addf %mul3A_979, %mul3A_980 : vector<16xf32>
        %sub3A_982 = arith.subf %add3A_981, %get3A_952 : vector<16xf32>
        %mul3A_983 = arith.mulf %sub3A_978, %sub3A_978 : vector<16xf32>
        %add3A_984 = arith.addf %broadcast_in_dim3A_5, %mul3A_983 : vector<16xf32>
        %mul3A_985 = arith.mulf %sub3A_982, %sub3A_982 : vector<16xf32>
        %add3A_986 = arith.addf %add3A_984, %mul3A_985 : vector<16xf32>
        %get3A_987 = arith.constant 1 : i32
        %get3A_988 = arith.index_cast %get3A_987 : i32 to index
        %get3A_989 = arith.index_cast %add3A_901 : i32 to index
        %get3A_990 = arith.constant 16 : index
        %get3A_991 = tpu.vector_load %arg13[%get3A_988, %get3A_989, %get3A_990] {strides = array<i32>} : memref<4x64x128xf32, #tpu.memory_space<vmem>>, vector<16xf32>,
        %get3A_992 = arith.constant 1 : i32
        %get3A_993 = arith.index_cast %get3A_992 : i32 to index
        %get3A_994 = arith.index_cast %add3A_901 : i32 to index
        %get3A_995 = arith.constant 16 : index
        %get3A_996 = tpu.vector_load %arg14[%get3A_993, %get3A_994, %get3A_995] {strides = array<i32>} : memref<4x64x128xf32, #tpu.memory_space<vmem>>, vector<16xf32>,
        %add3A_997 = arith.constant 16 : i32
        %add3A_998 = arith.addi %add3A_997, %add3A_901 : i32
        %get3A_999 = arith.constant 1 : i32
        %get3A_1000 = arith.index_cast %get3A_999 : i32 to index
        %get3A_1001 = arith.index_cast %add3A_998 : i32 to index
        %get3A_1002 = arith.constant 16 : index
        %get3A_1003 = tpu.vector_load %arg13[%get3A_1000, %get3A_1001, %get3A_1002] {strides = array<i32>} : memref<4x64x128xf32, #tpu.memory_space<vmem>>, vector<16xf32>,
        %add3A_1004 = arith.constant 16 : i32
        %add3A_1005 = arith.addi %add3A_1004, %add3A_901 : i32
        %get3A_1006 = arith.constant 1 : i32
        %get3A_1007 = arith.index_cast %get3A_1006 : i32 to index
        %get3A_1008 = arith.index_cast %add3A_1005 : i32 to index
        %get3A_1009 = arith.constant 16 : index
        %get3A_1010 = tpu.vector_load %arg14[%get3A_1007, %get3A_1008, %get3A_1009] {strides = array<i32>} : memref<4x64x128xf32, #tpu.memory_space<vmem>>, vector<16xf32>,
        %add3A_1011 = arith.constant 32 : i32
        %add3A_1012 = arith.addi %add3A_1011, %add3A_901 : i32
        %get3A_1013 = arith.constant 1 : i32
        %get3A_1014 = arith.index_cast %get3A_1013 : i32 to index
        %get3A_1015 = arith.index_cast %add3A_1012 : i32 to index
        %get3A_1016 = arith.constant 16 : index
        %get3A_1017 = tpu.vector_load %arg13[%get3A_1014, %get3A_1015, %get3A_1016] {strides = array<i32>} : memref<4x64x128xf32, #tpu.memory_space<vmem>>, vector<16xf32>,
        %add3A_1018 = arith.constant 32 : i32
        %add3A_1019 = arith.addi %add3A_1018, %add3A_901 : i32
        %get3A_1020 = arith.constant 1 : i32
        %get3A_1021 = arith.index_cast %get3A_1020 : i32 to index
        %get3A_1022 = arith.index_cast %add3A_1019 : i32 to index
        %get3A_1023 = arith.constant 16 : index
        %get3A_1024 = tpu.vector_load %arg14[%get3A_1021, %get3A_1022, %get3A_1023] {strides = array<i32>} : memref<4x64x128xf32, #tpu.memory_space<vmem>>, vector<16xf32>,
        %add3A_1025 = arith.constant 48 : i32
        %add3A_1026 = arith.addi %add3A_1025, %add3A_901 : i32
        %get3A_1027 = arith.constant 1 : i32
        %get3A_1028 = arith.index_cast %get3A_1027 : i32 to index
        %get3A_1029 = arith.index_cast %add3A_1026 : i32 to index
        %get3A_1030 = arith.constant 16 : index
        %get3A_1031 = tpu.vector_load %arg13[%get3A_1028, %get3A_1029, %get3A_1030] {strides = array<i32>} : memref<4x64x128xf32, #tpu.memory_space<vmem>>, vector<16xf32>,
        %add3A_1032 = arith.constant 48 : i32
        %add3A_1033 = arith.addi %add3A_1032, %add3A_901 : i32
        %get3A_1034 = arith.constant 1 : i32
        %get3A_1035 = arith.index_cast %get3A_1034 : i32 to index
        %get3A_1036 = arith.index_cast %add3A_1033 : i32 to index
        %get3A_1037 = arith.constant 16 : index
        %get3A_1038 = tpu.vector_load %arg14[%get3A_1035, %get3A_1036, %get3A_1037] {strides = array<i32>} : memref<4x64x128xf32, #tpu.memory_space<vmem>>, vector<16xf32>,
        %get3A_1039 = arith.constant 1 : i32
        %get3A_1040 = arith.index_cast %get3A_1039 : i32 to index
        %get3A_1041 = arith.index_cast %add3A_901 : i32 to index
        %get3A_1042 = arith.constant 16 : index
        %get3A_1043 = tpu.vector_load %arg15[%get3A_1040, %get3A_1041, %get3A_1042] {strides = array<i32>} : memref<4x16x128xf32, #tpu.memory_space<vmem>>, vector<16xf32>,
        %get3A_1044 = arith.constant 1 : i32
        %get3A_1045 = arith.index_cast %get3A_1044 : i32 to index
        %get3A_1046 = arith.index_cast %add3A_901 : i32 to index
        %get3A_1047 = arith.constant 16 : index
        %get3A_1048 = tpu.vector_load %arg16[%get3A_1045, %get3A_1046, %get3A_1047] {strides = array<i32>} : memref<4x16x128xf32, #tpu.memory_space<vmem>>, vector<16xf32>,
        %mul3A_1049 = arith.mulf %get3A_991, %get3A_1043 : vector<16xf32>
        %mul3A_1050 = arith.mulf %get3A_996, %get3A_1048 : vector<16xf32>
        %sub3A_1051 = arith.subf %mul3A_1049, %mul3A_1050 : vector<16xf32>
        %sub3A_1052 = arith.subf %sub3A_1051, %get3A_1003 : vector<16xf32>
        %mul3A_1053 = arith.mulf %get3A_991, %get3A_1048 : vector<16xf32>
        %mul3A_1054 = arith.mulf %get3A_996, %get3A_1043 : vector<16xf32>
        %add3A_1055 = arith.addf %mul3A_1053, %mul3A_1054 : vector<16xf32>
        %sub3A_1056 = arith.subf %add3A_1055, %get3A_1010 : vector<16xf32>
        %mul3A_1057 = arith.mulf %sub3A_1052, %sub3A_1052 : vector<16xf32>
        %add3A_1058 = arith.addf %add3A_974, %mul3A_1057 : vector<16xf32>
        %mul3A_1059 = arith.mulf %sub3A_1056, %sub3A_1056 : vector<16xf32>
        %add3A_1060 = arith.addf %add3A_1058, %mul3A_1059 : vector<16xf32>
        %mul3A_1061 = arith.mulf %get3A_1017, %get3A_1043 : vector<16xf32>
        %mul3A_1062 = arith.mulf %get3A_1024, %get3A_1048 : vector<16xf32>
        %sub3A_1063 = arith.subf %mul3A_1061, %mul3A_1062 : vector<16xf32>
        %sub3A_1064 = arith.subf %sub3A_1063, %get3A_1031 : vector<16xf32>
        %mul3A_1065 = arith.mulf %get3A_1017, %get3A_1048 : vector<16xf32>
        %mul3A_1066 = arith.mulf %get3A_1024, %get3A_1043 : vector<16xf32>
        %add3A_1067 = arith.addf %mul3A_1065, %mul3A_1066 : vector<16xf32>
        %sub3A_1068 = arith.subf %add3A_1067, %get3A_1038 : vector<16xf32>
        %mul3A_1069 = arith.mulf %sub3A_1064, %sub3A_1064 : vector<16xf32>
        %add3A_1070 = arith.addf %add3A_986, %mul3A_1069 : vector<16xf32>
        %mul3A_1071 = arith.mulf %sub3A_1068, %sub3A_1068 : vector<16xf32>
        %add3A_1072 = arith.addf %add3A_1070, %mul3A_1071 : vector<16xf32>
        %get3A_1073 = arith.constant 1 : i32
        %get3A_1074 = arith.index_cast %get3A_1073 : i32 to index
        %get3A_1075 = arith.index_cast %add3A_901 : i32 to index
        %get3A_1076 = arith.constant 32 : index
        %get3A_1077 = tpu.vector_load %arg13[%get3A_1074, %get3A_1075, %get3A_1076] {strides = array<i32>} : memref<4x64x128xf32, #tpu.memory_space<vmem>>, vector<16xf32>,
        %get3A_1078 = arith.constant 1 : i32
        %get3A_1079 = arith.index_cast %get3A_1078 : i32 to index
        %get3A_1080 = arith.index_cast %add3A_901 : i32 to index
        %get3A_1081 = arith.constant 32 : index
        %get3A_1082 = tpu.vector_load %arg14[%get3A_1079, %get3A_1080, %get3A_1081] {strides = array<i32>} : memref<4x64x128xf32, #tpu.memory_space<vmem>>, vector<16xf32>,
        %add3A_1083 = arith.constant 16 : i32
        %add3A_1084 = arith.addi %add3A_1083, %add3A_901 : i32
        %get3A_1085 = arith.constant 1 : i32
        %get3A_1086 = arith.index_cast %get3A_1085 : i32 to index
        %get3A_1087 = arith.index_cast %add3A_1084 : i32 to index
        %get3A_1088 = arith.constant 32 : index
        %get3A_1089 = tpu.vector_load %arg13[%get3A_1086, %get3A_1087, %get3A_1088] {strides = array<i32>} : memref<4x64x128xf32, #tpu.memory_space<vmem>>, vector<16xf32>,
        %add3A_1090 = arith.constant 16 : i32
        %add3A_1091 = arith.addi %add3A_1090, %add3A_901 : i32
        %get3A_1092 = arith.constant 1 : i32
        %get3A_1093 = arith.index_cast %get3A_1092 : i32 to index
        %get3A_1094 = arith.index_cast %add3A_1091 : i32 to index
        %get3A_1095 = arith.constant 32 : index
        %get3A_1096 = tpu.vector_load %arg14[%get3A_1093, %get3A_1094, %get3A_1095] {strides = array<i32>} : memref<4x64x128xf32, #tpu.memory_space<vmem>>, vector<16xf32>,
        %add3A_1097 = arith.constant 32 : i32
        %add3A_1098 = arith.addi %add3A_1097, %add3A_901 : i32
        %get3A_1099 = arith.constant 1 : i32
        %get3A_1100 = arith.index_cast %get3A_1099 : i32 to index
        %get3A_1101 = arith.index_cast %add3A_1098 : i32 to index
        %get3A_1102 = arith.constant 32 : index
        %get3A_1103 = tpu.vector_load %arg13[%get3A_1100, %get3A_1101, %get3A_1102] {strides = array<i32>} : memref<4x64x128xf32, #tpu.memory_space<vmem>>, vector<16xf32>,
        %add3A_1104 = arith.constant 32 : i32
        %add3A_1105 = arith.addi %add3A_1104, %add3A_901 : i32
        %get3A_1106 = arith.constant 1 : i32
        %get3A_1107 = arith.index_cast %get3A_1106 : i32 to index
        %get3A_1108 = arith.index_cast %add3A_1105 : i32 to index
        %get3A_1109 = arith.constant 32 : index
        %get3A_1110 = tpu.vector_load %arg14[%get3A_1107, %get3A_1108, %get3A_1109] {strides = array<i32>} : memref<4x64x128xf32, #tpu.memory_space<vmem>>, vector<16xf32>,
        %add3A_1111 = arith.constant 48 : i32
        %add3A_1112 = arith.addi %add3A_1111, %add3A_901 : i32
        %get3A_1113 = arith.constant 1 : i32
        %get3A_1114 = arith.index_cast %get3A_1113 : i32 to index
        %get3A_1115 = arith.index_cast %add3A_1112 : i32 to index
        %get3A_1116 = arith.constant 32 : index
        %get3A_1117 = tpu.vector_load %arg13[%get3A_1114, %get3A_1115, %get3A_1116] {strides = array<i32>} : memref<4x64x128xf32, #tpu.memory_space<vmem>>, vector<16xf32>,
        %add3A_1118 = arith.constant 48 : i32
        %add3A_1119 = arith.addi %add3A_1118, %add3A_901 : i32
        %get3A_1120 = arith.constant 1 : i32
        %get3A_1121 = arith.index_cast %get3A_1120 : i32 to index
        %get3A_1122 = arith.index_cast %add3A_1119 : i32 to index
        %get3A_1123 = arith.constant 32 : index
        %get3A_1124 = tpu.vector_load %arg14[%get3A_1121, %get3A_1122, %get3A_1123] {strides = array<i32>} : memref<4x64x128xf32, #tpu.memory_space<vmem>>, vector<16xf32>,
        %get3A_1125 = arith.constant 1 : i32
        %get3A_1126 = arith.index_cast %get3A_1125 : i32 to index
        %get3A_1127 = arith.index_cast %add3A_901 : i32 to index
        %get3A_1128 = arith.constant 32 : index
        %get3A_1129 = tpu.vector_load %arg15[%get3A_1126, %get3A_1127, %get3A_1128] {strides = array<i32>} : memref<4x16x128xf32, #tpu.memory_space<vmem>>, vector<16xf32>,
        %get3A_1130 = arith.constant 1 : i32
        %get3A_1131 = arith.index_cast %get3A_1130 : i32 to index
        %get3A_1132 = arith.index_cast %add3A_901 : i32 to index
        %get3A_1133 = arith.constant 32 : index
        %get3A_1134 = tpu.vector_load %arg16[%get3A_1131, %get3A_1132, %get3A_1133] {strides = array<i32>} : memref<4x16x128xf32, #tpu.memory_space<vmem>>, vector<16xf32>,
        %mul3A_1135 = arith.mulf %get3A_1077, %get3A_1129 : vector<16xf32>
        %mul3A_1136 = arith.mulf %get3A_1082, %get3A_1134 : vector<16xf32>
        %sub3A_1137 = arith.subf %mul3A_1135, %mul3A_1136 : vector<16xf32>
        %sub3A_1138 = arith.subf %sub3A_1137, %get3A_1089 : vector<16xf32>
        %mul3A_1139 = arith.mulf %get3A_1077, %get3A_1134 : vector<16xf32>
        %mul3A_1140 = arith.mulf %get3A_1082, %get3A_1129 : vector<16xf32>
        %add3A_1141 = arith.addf %mul3A_1139, %mul3A_1140 : vector<16xf32>
        %sub3A_1142 = arith.subf %add3A_1141, %get3A_1096 : vector<16xf32>
        %mul3A_1143 = arith.mulf %sub3A_1138, %sub3A_1138 : vector<16xf32>
        %add3A_1144 = arith.addf %add3A_1060, %mul3A_1143 : vector<16xf32>
        %mul3A_1145 = arith.mulf %sub3A_1142, %sub3A_1142 : vector<16xf32>
        %add3A_1146 = arith.addf %add3A_1144, %mul3A_1145 : vector<16xf32>
        %mul3A_1147 = arith.mulf %get3A_1103, %get3A_1129 : vector<16xf32>
        %mul3A_1148 = arith.mulf %get3A_1110, %get3A_1134 : vector<16xf32>
        %sub3A_1149 = arith.subf %mul3A_1147, %mul3A_1148 : vector<16xf32>
        %sub3A_1150 = arith.subf %sub3A_1149, %get3A_1117 : vector<16xf32>
        %mul3A_1151 = arith.mulf %get3A_1103, %get3A_1134 : vector<16xf32>
        %mul3A_1152 = arith.mulf %get3A_1110, %get3A_1129 : vector<16xf32>
        %add3A_1153 = arith.addf %mul3A_1151, %mul3A_1152 : vector<16xf32>
        %sub3A_1154 = arith.subf %add3A_1153, %get3A_1124 : vector<16xf32>
        %mul3A_1155 = arith.mulf %sub3A_1150, %sub3A_1150 : vector<16xf32>
        %add3A_1156 = arith.addf %add3A_1072, %mul3A_1155 : vector<16xf32>
        %mul3A_1157 = arith.mulf %sub3A_1154, %sub3A_1154 : vector<16xf32>
        %add3A_1158 = arith.addf %add3A_1156, %mul3A_1157 : vector<16xf32>
        %get3A_1159 = arith.constant 1 : i32
        %get3A_1160 = arith.index_cast %get3A_1159 : i32 to index
        %get3A_1161 = arith.index_cast %add3A_901 : i32 to index
        %get3A_1162 = arith.constant 48 : index
        %get3A_1163 = tpu.vector_load %arg13[%get3A_1160, %get3A_1161, %get3A_1162] {strides = array<i32>} : memref<4x64x128xf32, #tpu.memory_space<vmem>>, vector<16xf32>,
        %get3A_1164 = arith.constant 1 : i32
        %get3A_1165 = arith.index_cast %get3A_1164 : i32 to index
        %get3A_1166 = arith.index_cast %add3A_901 : i32 to index
        %get3A_1167 = arith.constant 48 : index
        %get3A_1168 = tpu.vector_load %arg14[%get3A_1165, %get3A_1166, %get3A_1167] {strides = array<i32>} : memref<4x64x128xf32, #tpu.memory_space<vmem>>, vector<16xf32>,
        %add3A_1169 = arith.constant 16 : i32
        %add3A_1170 = arith.addi %add3A_1169, %add3A_901 : i32
        %get3A_1171 = arith.constant 1 : i32
        %get3A_1172 = arith.index_cast %get3A_1171 : i32 to index
        %get3A_1173 = arith.index_cast %add3A_1170 : i32 to index
        %get3A_1174 = arith.constant 48 : index
        %get3A_1175 = tpu.vector_load %arg13[%get3A_1172, %get3A_1173, %get3A_1174] {strides = array<i32>} : memref<4x64x128xf32, #tpu.memory_space<vmem>>, vector<16xf32>,
        %add3A_1176 = arith.constant 16 : i32
        %add3A_1177 = arith.addi %add3A_1176, %add3A_901 : i32
        %get3A_1178 = arith.constant 1 : i32
        %get3A_1179 = arith.index_cast %get3A_1178 : i32 to index
        %get3A_1180 = arith.index_cast %add3A_1177 : i32 to index
        %get3A_1181 = arith.constant 48 : index
        %get3A_1182 = tpu.vector_load %arg14[%get3A_1179, %get3A_1180, %get3A_1181] {strides = array<i32>} : memref<4x64x128xf32, #tpu.memory_space<vmem>>, vector<16xf32>,
        %add3A_1183 = arith.constant 32 : i32
        %add3A_1184 = arith.addi %add3A_1183, %add3A_901 : i32
        %get3A_1185 = arith.constant 1 : i32
        %get3A_1186 = arith.index_cast %get3A_1185 : i32 to index
        %get3A_1187 = arith.index_cast %add3A_1184 : i32 to index
        %get3A_1188 = arith.constant 48 : index
        %get3A_1189 = tpu.vector_load %arg13[%get3A_1186, %get3A_1187, %get3A_1188] {strides = array<i32>} : memref<4x64x128xf32, #tpu.memory_space<vmem>>, vector<16xf32>,
        %add3A_1190 = arith.constant 32 : i32
        %add3A_1191 = arith.addi %add3A_1190, %add3A_901 : i32
        %get3A_1192 = arith.constant 1 : i32
        %get3A_1193 = arith.index_cast %get3A_1192 : i32 to index
        %get3A_1194 = arith.index_cast %add3A_1191 : i32 to index
        %get3A_1195 = arith.constant 48 : index
        %get3A_1196 = tpu.vector_load %arg14[%get3A_1193, %get3A_1194, %get3A_1195] {strides = array<i32>} : memref<4x64x128xf32, #tpu.memory_space<vmem>>, vector<16xf32>,
        %add3A_1197 = arith.constant 48 : i32
        %add3A_1198 = arith.addi %add3A_1197, %add3A_901 : i32
        %get3A_1199 = arith.constant 1 : i32
        %get3A_1200 = arith.index_cast %get3A_1199 : i32 to index
        %get3A_1201 = arith.index_cast %add3A_1198 : i32 to index
        %get3A_1202 = arith.constant 48 : index
        %get3A_1203 = tpu.vector_load %arg13[%get3A_1200, %get3A_1201, %get3A_1202] {strides = array<i32>} : memref<4x64x128xf32, #tpu.memory_space<vmem>>, vector<16xf32>,
        %add3A_1204 = arith.constant 48 : i32
        %add3A_1205 = arith.addi %add3A_1204, %add3A_901 : i32
        %get3A_1206 = arith.constant 1 : i32
        %get3A_1207 = arith.index_cast %get3A_1206 : i32 to index
        %get3A_1208 = arith.index_cast %add3A_1205 : i32 to index
        %get3A_1209 = arith.constant 48 : index
        %get3A_1210 = tpu.vector_load %arg14[%get3A_1207, %get3A_1208, %get3A_1209] {strides = array<i32>} : memref<4x64x128xf32, #tpu.memory_space<vmem>>, vector<16xf32>,
        %get3A_1211 = arith.constant 1 : i32
        %get3A_1212 = arith.index_cast %get3A_1211 : i32 to index
        %get3A_1213 = arith.index_cast %add3A_901 : i32 to index
        %get3A_1214 = arith.constant 48 : index
        %get3A_1215 = tpu.vector_load %arg15[%get3A_1212, %get3A_1213, %get3A_1214] {strides = array<i32>} : memref<4x16x128xf32, #tpu.memory_space<vmem>>, vector<16xf32>,
        %get3A_1216 = arith.constant 1 : i32
        %get3A_1217 = arith.index_cast %get3A_1216 : i32 to index
        %get3A_1218 = arith.index_cast %add3A_901 : i32 to index
        %get3A_1219 = arith.constant 48 : index
        %get3A_1220 = tpu.vector_load %arg16[%get3A_1217, %get3A_1218, %get3A_1219] {strides = array<i32>} : memref<4x16x128xf32, #tpu.memory_space<vmem>>, vector<16xf32>,
        %mul3A_1221 = arith.mulf %get3A_1163, %get3A_1215 : vector<16xf32>
        %mul3A_1222 = arith.mulf %get3A_1168, %get3A_1220 : vector<16xf32>
        %sub3A_1223 = arith.subf %mul3A_1221, %mul3A_1222 : vector<16xf32>
        %sub3A_1224 = arith.subf %sub3A_1223, %get3A_1175 : vector<16xf32>
        %mul3A_1225 = arith.mulf %get3A_1163, %get3A_1220 : vector<16xf32>
        %mul3A_1226 = arith.mulf %get3A_1168, %get3A_1215 : vector<16xf32>
        %add3A_1227 = arith.addf %mul3A_1225, %mul3A_1226 : vector<16xf32>
        %sub3A_1228 = arith.subf %add3A_1227, %get3A_1182 : vector<16xf32>
        %mul3A_1229 = arith.mulf %sub3A_1224, %sub3A_1224 : vector<16xf32>
        %add3A_1230 = arith.addf %add3A_1146, %mul3A_1229 : vector<16xf32>
        %mul3A_1231 = arith.mulf %sub3A_1228, %sub3A_1228 : vector<16xf32>
        %add3A_1232 = arith.addf %add3A_1230, %mul3A_1231 : vector<16xf32>
        %mul3A_1233 = arith.mulf %get3A_1189, %get3A_1215 : vector<16xf32>
        %mul3A_1234 = arith.mulf %get3A_1196, %get3A_1220 : vector<16xf32>
        %sub3A_1235 = arith.subf %mul3A_1233, %mul3A_1234 : vector<16xf32>
        %sub3A_1236 = arith.subf %sub3A_1235, %get3A_1203 : vector<16xf32>
        %mul3A_1237 = arith.mulf %get3A_1189, %get3A_1220 : vector<16xf32>
        %mul3A_1238 = arith.mulf %get3A_1196, %get3A_1215 : vector<16xf32>
        %add3A_1239 = arith.addf %mul3A_1237, %mul3A_1238 : vector<16xf32>
        %sub3A_1240 = arith.subf %add3A_1239, %get3A_1210 : vector<16xf32>
        %mul3A_1241 = arith.mulf %sub3A_1236, %sub3A_1236 : vector<16xf32>
        %add3A_1242 = arith.addf %add3A_1158, %mul3A_1241 : vector<16xf32>
        %mul3A_1243 = arith.mulf %sub3A_1240, %sub3A_1240 : vector<16xf32>
        %add3A_1244 = arith.addf %add3A_1242, %mul3A_1243 : vector<16xf32>
        %get3A_1245 = arith.constant 1 : i32
        %get3A_1246 = arith.index_cast %get3A_1245 : i32 to index
        %get3A_1247 = arith.index_cast %add3A_901 : i32 to index
        %get3A_1248 = arith.constant 64 : index
        %get3A_1249 = tpu.vector_load %arg13[%get3A_1246, %get3A_1247, %get3A_1248] {strides = array<i32>} : memref<4x64x128xf32, #tpu.memory_space<vmem>>, vector<16xf32>,
        %get3A_1250 = arith.constant 1 : i32
        %get3A_1251 = arith.index_cast %get3A_1250 : i32 to index
        %get3A_1252 = arith.index_cast %add3A_901 : i32 to index
        %get3A_1253 = arith.constant 64 : index
        %get3A_1254 = tpu.vector_load %arg14[%get3A_1251, %get3A_1252, %get3A_1253] {strides = array<i32>} : memref<4x64x128xf32, #tpu.memory_space<vmem>>, vector<16xf32>,
        %add3A_1255 = arith.constant 16 : i32
        %add3A_1256 = arith.addi %add3A_1255, %add3A_901 : i32
        %get3A_1257 = arith.constant 1 : i32
        %get3A_1258 = arith.index_cast %get3A_1257 : i32 to index
        %get3A_1259 = arith.index_cast %add3A_1256 : i32 to index
        %get3A_1260 = arith.constant 64 : index
        %get3A_1261 = tpu.vector_load %arg13[%get3A_1258, %get3A_1259, %get3A_1260] {strides = array<i32>} : memref<4x64x128xf32, #tpu.memory_space<vmem>>, vector<16xf32>,
        %add3A_1262 = arith.constant 16 : i32
        %add3A_1263 = arith.addi %add3A_1262, %add3A_901 : i32
        %get3A_1264 = arith.constant 1 : i32
        %get3A_1265 = arith.index_cast %get3A_1264 : i32 to index
        %get3A_1266 = arith.index_cast %add3A_1263 : i32 to index
        %get3A_1267 = arith.constant 64 : index
        %get3A_1268 = tpu.vector_load %arg14[%get3A_1265, %get3A_1266, %get3A_1267] {strides = array<i32>} : memref<4x64x128xf32, #tpu.memory_space<vmem>>, vector<16xf32>,
        %add3A_1269 = arith.constant 32 : i32
        %add3A_1270 = arith.addi %add3A_1269, %add3A_901 : i32
        %get3A_1271 = arith.constant 1 : i32
        %get3A_1272 = arith.index_cast %get3A_1271 : i32 to index
        %get3A_1273 = arith.index_cast %add3A_1270 : i32 to index
        %get3A_1274 = arith.constant 64 : index
        %get3A_1275 = tpu.vector_load %arg13[%get3A_1272, %get3A_1273, %get3A_1274] {strides = array<i32>} : memref<4x64x128xf32, #tpu.memory_space<vmem>>, vector<16xf32>,
        %add3A_1276 = arith.constant 32 : i32
        %add3A_1277 = arith.addi %add3A_1276, %add3A_901 : i32
        %get3A_1278 = arith.constant 1 : i32
        %get3A_1279 = arith.index_cast %get3A_1278 : i32 to index
        %get3A_1280 = arith.index_cast %add3A_1277 : i32 to index
        %get3A_1281 = arith.constant 64 : index
        %get3A_1282 = tpu.vector_load %arg14[%get3A_1279, %get3A_1280, %get3A_1281] {strides = array<i32>} : memref<4x64x128xf32, #tpu.memory_space<vmem>>, vector<16xf32>,
        %add3A_1283 = arith.constant 48 : i32
        %add3A_1284 = arith.addi %add3A_1283, %add3A_901 : i32
        %get3A_1285 = arith.constant 1 : i32
        %get3A_1286 = arith.index_cast %get3A_1285 : i32 to index
        %get3A_1287 = arith.index_cast %add3A_1284 : i32 to index
        %get3A_1288 = arith.constant 64 : index
        %get3A_1289 = tpu.vector_load %arg13[%get3A_1286, %get3A_1287, %get3A_1288] {strides = array<i32>} : memref<4x64x128xf32, #tpu.memory_space<vmem>>, vector<16xf32>,
        %add3A_1290 = arith.constant 48 : i32
        %add3A_1291 = arith.addi %add3A_1290, %add3A_901 : i32
        %get3A_1292 = arith.constant 1 : i32
        %get3A_1293 = arith.index_cast %get3A_1292 : i32 to index
        %get3A_1294 = arith.index_cast %add3A_1291 : i32 to index
        %get3A_1295 = arith.constant 64 : index
        %get3A_1296 = tpu.vector_load %arg14[%get3A_1293, %get3A_1294, %get3A_1295] {strides = array<i32>} : memref<4x64x128xf32, #tpu.memory_space<vmem>>, vector<16xf32>,
        %get3A_1297 = arith.constant 1 : i32
        %get3A_1298 = arith.index_cast %get3A_1297 : i32 to index
        %get3A_1299 = arith.index_cast %add3A_901 : i32 to index
        %get3A_1300 = arith.constant 64 : index
        %get3A_1301 = tpu.vector_load %arg15[%get3A_1298, %get3A_1299, %get3A_1300] {strides = array<i32>} : memref<4x16x128xf32, #tpu.memory_space<vmem>>, vector<16xf32>,
        %get3A_1302 = arith.constant 1 : i32
        %get3A_1303 = arith.index_cast %get3A_1302 : i32 to index
        %get3A_1304 = arith.index_cast %add3A_901 : i32 to index
        %get3A_1305 = arith.constant 64 : index
        %get3A_1306 = tpu.vector_load %arg16[%get3A_1303, %get3A_1304, %get3A_1305] {strides = array<i32>} : memref<4x16x128xf32, #tpu.memory_space<vmem>>, vector<16xf32>,
        %mul3A_1307 = arith.mulf %get3A_1249, %get3A_1301 : vector<16xf32>
        %mul3A_1308 = arith.mulf %get3A_1254, %get3A_1306 : vector<16xf32>
        %sub3A_1309 = arith.subf %mul3A_1307, %mul3A_1308 : vector<16xf32>
        %sub3A_1310 = arith.subf %sub3A_1309, %get3A_1261 : vector<16xf32>
        %mul3A_1311 = arith.mulf %get3A_1249, %get3A_1306 : vector<16xf32>
        %mul3A_1312 = arith.mulf %get3A_1254, %get3A_1301 : vector<16xf32>
        %add3A_1313 = arith.addf %mul3A_1311, %mul3A_1312 : vector<16xf32>
        %sub3A_1314 = arith.subf %add3A_1313, %get3A_1268 : vector<16xf32>
        %mul3A_1315 = arith.mulf %sub3A_1310, %sub3A_1310 : vector<16xf32>
        %add3A_1316 = arith.addf %add3A_1232, %mul3A_1315 : vector<16xf32>
        %mul3A_1317 = arith.mulf %sub3A_1314, %sub3A_1314 : vector<16xf32>
        %add3A_1318 = arith.addf %add3A_1316, %mul3A_1317 : vector<16xf32>
        %mul3A_1319 = arith.mulf %get3A_1275, %get3A_1301 : vector<16xf32>
        %mul3A_1320 = arith.mulf %get3A_1282, %get3A_1306 : vector<16xf32>
        %sub3A_1321 = arith.subf %mul3A_1319, %mul3A_1320 : vector<16xf32>
        %sub3A_1322 = arith.subf %sub3A_1321, %get3A_1289 : vector<16xf32>
        %mul3A_1323 = arith.mulf %get3A_1275, %get3A_1306 : vector<16xf32>
        %mul3A_1324 = arith.mulf %get3A_1282, %get3A_1301 : vector<16xf32>
        %add3A_1325 = arith.addf %mul3A_1323, %mul3A_1324 : vector<16xf32>
        %sub3A_1326 = arith.subf %add3A_1325, %get3A_1296 : vector<16xf32>
        %mul3A_1327 = arith.mulf %sub3A_1322, %sub3A_1322 : vector<16xf32>
        %add3A_1328 = arith.addf %add3A_1244, %mul3A_1327 : vector<16xf32>
        %mul3A_1329 = arith.mulf %sub3A_1326, %sub3A_1326 : vector<16xf32>
        %add3A_1330 = arith.addf %add3A_1328, %mul3A_1329 : vector<16xf32>
        %get3A_1331 = arith.constant 1 : i32
        %get3A_1332 = arith.index_cast %get3A_1331 : i32 to index
        %get3A_1333 = arith.index_cast %add3A_901 : i32 to index
        %get3A_1334 = arith.constant 80 : index
        %get3A_1335 = tpu.vector_load %arg13[%get3A_1332, %get3A_1333, %get3A_1334] {strides = array<i32>} : memref<4x64x128xf32, #tpu.memory_space<vmem>>, vector<16xf32>,
        %get3A_1336 = arith.constant 1 : i32
        %get3A_1337 = arith.index_cast %get3A_1336 : i32 to index
        %get3A_1338 = arith.index_cast %add3A_901 : i32 to index
        %get3A_1339 = arith.constant 80 : index
        %get3A_1340 = tpu.vector_load %arg14[%get3A_1337, %get3A_1338, %get3A_1339] {strides = array<i32>} : memref<4x64x128xf32, #tpu.memory_space<vmem>>, vector<16xf32>,
        %add3A_1341 = arith.constant 16 : i32
        %add3A_1342 = arith.addi %add3A_1341, %add3A_901 : i32
        %get3A_1343 = arith.constant 1 : i32
        %get3A_1344 = arith.index_cast %get3A_1343 : i32 to index
        %get3A_1345 = arith.index_cast %add3A_1342 : i32 to index
        %get3A_1346 = arith.constant 80 : index
        %get3A_1347 = tpu.vector_load %arg13[%get3A_1344, %get3A_1345, %get3A_1346] {strides = array<i32>} : memref<4x64x128xf32, #tpu.memory_space<vmem>>, vector<16xf32>,
        %add3A_1348 = arith.constant 16 : i32
        %add3A_1349 = arith.addi %add3A_1348, %add3A_901 : i32
        %get3A_1350 = arith.constant 1 : i32
        %get3A_1351 = arith.index_cast %get3A_1350 : i32 to index
        %get3A_1352 = arith.index_cast %add3A_1349 : i32 to index
        %get3A_1353 = arith.constant 80 : index
        %get3A_1354 = tpu.vector_load %arg14[%get3A_1351, %get3A_1352, %get3A_1353] {strides = array<i32>} : memref<4x64x128xf32, #tpu.memory_space<vmem>>, vector<16xf32>,
        %add3A_1355 = arith.constant 32 : i32
        %add3A_1356 = arith.addi %add3A_1355, %add3A_901 : i32
        %get3A_1357 = arith.constant 1 : i32
        %get3A_1358 = arith.index_cast %get3A_1357 : i32 to index
        %get3A_1359 = arith.index_cast %add3A_1356 : i32 to index
        %get3A_1360 = arith.constant 80 : index
        %get3A_1361 = tpu.vector_load %arg13[%get3A_1358, %get3A_1359, %get3A_1360] {strides = array<i32>} : memref<4x64x128xf32, #tpu.memory_space<vmem>>, vector<16xf32>,
        %add3A_1362 = arith.constant 32 : i32
        %add3A_1363 = arith.addi %add3A_1362, %add3A_901 : i32
        %get3A_1364 = arith.constant 1 : i32
        %get3A_1365 = arith.index_cast %get3A_1364 : i32 to index
        %get3A_1366 = arith.index_cast %add3A_1363 : i32 to index
        %get3A_1367 = arith.constant 80 : index
        %get3A_1368 = tpu.vector_load %arg14[%get3A_1365, %get3A_1366, %get3A_1367] {strides = array<i32>} : memref<4x64x128xf32, #tpu.memory_space<vmem>>, vector<16xf32>,
        %add3A_1369 = arith.constant 48 : i32
        %add3A_1370 = arith.addi %add3A_1369, %add3A_901 : i32
        %get3A_1371 = arith.constant 1 : i32
        %get3A_1372 = arith.index_cast %get3A_1371 : i32 to index
        %get3A_1373 = arith.index_cast %add3A_1370 : i32 to index
        %get3A_1374 = arith.constant 80 : index
        %get3A_1375 = tpu.vector_load %arg13[%get3A_1372, %get3A_1373, %get3A_1374] {strides = array<i32>} : memref<4x64x128xf32, #tpu.memory_space<vmem>>, vector<16xf32>,
        %add3A_1376 = arith.constant 48 : i32
        %add3A_1377 = arith.addi %add3A_1376, %add3A_901 : i32
        %get3A_1378 = arith.constant 1 : i32
        %get3A_1379 = arith.index_cast %get3A_1378 : i32 to index
        %get3A_1380 = arith.index_cast %add3A_1377 : i32 to index
        %get3A_1381 = arith.constant 80 : index
        %get3A_1382 = tpu.vector_load %arg14[%get3A_1379, %get3A_1380, %get3A_1381] {strides = array<i32>} : memref<4x64x128xf32, #tpu.memory_space<vmem>>, vector<16xf32>,
        %get3A_1383 = arith.constant 1 : i32
        %get3A_1384 = arith.index_cast %get3A_1383 : i32 to index
        %get3A_1385 = arith.index_cast %add3A_901 : i32 to index
        %get3A_1386 = arith.constant 80 : index
        %get3A_1387 = tpu.vector_load %arg15[%get3A_1384, %get3A_1385, %get3A_1386] {strides = array<i32>} : memref<4x16x128xf32, #tpu.memory_space<vmem>>, vector<16xf32>,
        %get3A_1388 = arith.constant 1 : i32
        %get3A_1389 = arith.index_cast %get3A_1388 : i32 to index
        %get3A_1390 = arith.index_cast %add3A_901 : i32 to index
        %get3A_1391 = arith.constant 80 : index
        %get3A_1392 = tpu.vector_load %arg16[%get3A_1389, %get3A_1390, %get3A_1391] {strides = array<i32>} : memref<4x16x128xf32, #tpu.memory_space<vmem>>, vector<16xf32>,
        %mul3A_1393 = arith.mulf %get3A_1335, %get3A_1387 : vector<16xf32>
        %mul3A_1394 = arith.mulf %get3A_1340, %get3A_1392 : vector<16xf32>
        %sub3A_1395 = arith.subf %mul3A_1393, %mul3A_1394 : vector<16xf32>
        %sub3A_1396 = arith.subf %sub3A_1395, %get3A_1347 : vector<16xf32>
        %mul3A_1397 = arith.mulf %get3A_1335, %get3A_1392 : vector<16xf32>
        %mul3A_1398 = arith.mulf %get3A_1340, %get3A_1387 : vector<16xf32>
        %add3A_1399 = arith.addf %mul3A_1397, %mul3A_1398 : vector<16xf32>
        %sub3A_1400 = arith.subf %add3A_1399, %get3A_1354 : vector<16xf32>
        %mul3A_1401 = arith.mulf %sub3A_1396, %sub3A_1396 : vector<16xf32>
        %add3A_1402 = arith.addf %add3A_1318, %mul3A_1401 : vector<16xf32>
        %mul3A_1403 = arith.mulf %sub3A_1400, %sub3A_1400 : vector<16xf32>
        %add3A_1404 = arith.addf %add3A_1402, %mul3A_1403 : vector<16xf32>
        %mul3A_1405 = arith.mulf %get3A_1361, %get3A_1387 : vector<16xf32>
        %mul3A_1406 = arith.mulf %get3A_1368, %get3A_1392 : vector<16xf32>
        %sub3A_1407 = arith.subf %mul3A_1405, %mul3A_1406 : vector<16xf32>
        %sub3A_1408 = arith.subf %sub3A_1407, %get3A_1375 : vector<16xf32>
        %mul3A_1409 = arith.mulf %get3A_1361, %get3A_1392 : vector<16xf32>
        %mul3A_1410 = arith.mulf %get3A_1368, %get3A_1387 : vector<16xf32>
        %add3A_1411 = arith.addf %mul3A_1409, %mul3A_1410 : vector<16xf32>
        %sub3A_1412 = arith.subf %add3A_1411, %get3A_1382 : vector<16xf32>
        %mul3A_1413 = arith.mulf %sub3A_1408, %sub3A_1408 : vector<16xf32>
        %add3A_1414 = arith.addf %add3A_1330, %mul3A_1413 : vector<16xf32>
        %mul3A_1415 = arith.mulf %sub3A_1412, %sub3A_1412 : vector<16xf32>
        %add3A_1416 = arith.addf %add3A_1414, %mul3A_1415 : vector<16xf32>
        %get3A_1417 = arith.constant 1 : i32
        %get3A_1418 = arith.index_cast %get3A_1417 : i32 to index
        %get3A_1419 = arith.index_cast %add3A_901 : i32 to index
        %get3A_1420 = arith.constant 96 : index
        %get3A_1421 = tpu.vector_load %arg13[%get3A_1418, %get3A_1419, %get3A_1420] {strides = array<i32>} : memref<4x64x128xf32, #tpu.memory_space<vmem>>, vector<16xf32>,
        %get3A_1422 = arith.constant 1 : i32
        %get3A_1423 = arith.index_cast %get3A_1422 : i32 to index
        %get3A_1424 = arith.index_cast %add3A_901 : i32 to index
        %get3A_1425 = arith.constant 96 : index
        %get3A_1426 = tpu.vector_load %arg14[%get3A_1423, %get3A_1424, %get3A_1425] {strides = array<i32>} : memref<4x64x128xf32, #tpu.memory_space<vmem>>, vector<16xf32>,
        %add3A_1427 = arith.constant 16 : i32
        %add3A_1428 = arith.addi %add3A_1427, %add3A_901 : i32
        %get3A_1429 = arith.constant 1 : i32
        %get3A_1430 = arith.index_cast %get3A_1429 : i32 to index
        %get3A_1431 = arith.index_cast %add3A_1428 : i32 to index
        %get3A_1432 = arith.constant 96 : index
        %get3A_1433 = tpu.vector_load %arg13[%get3A_1430, %get3A_1431, %get3A_1432] {strides = array<i32>} : memref<4x64x128xf32, #tpu.memory_space<vmem>>, vector<16xf32>,
        %add3A_1434 = arith.constant 16 : i32
        %add3A_1435 = arith.addi %add3A_1434, %add3A_901 : i32
        %get3A_1436 = arith.constant 1 : i32
        %get3A_1437 = arith.index_cast %get3A_1436 : i32 to index
        %get3A_1438 = arith.index_cast %add3A_1435 : i32 to index
        %get3A_1439 = arith.constant 96 : index
        %get3A_1440 = tpu.vector_load %arg14[%get3A_1437, %get3A_1438, %get3A_1439] {strides = array<i32>} : memref<4x64x128xf32, #tpu.memory_space<vmem>>, vector<16xf32>,
        %add3A_1441 = arith.constant 32 : i32
        %add3A_1442 = arith.addi %add3A_1441, %add3A_901 : i32
        %get3A_1443 = arith.constant 1 : i32
        %get3A_1444 = arith.index_cast %get3A_1443 : i32 to index
        %get3A_1445 = arith.index_cast %add3A_1442 : i32 to index
        %get3A_1446 = arith.constant 96 : index
        %get3A_1447 = tpu.vector_load %arg13[%get3A_1444, %get3A_1445, %get3A_1446] {strides = array<i32>} : memref<4x64x128xf32, #tpu.memory_space<vmem>>, vector<16xf32>,
        %add3A_1448 = arith.constant 32 : i32
        %add3A_1449 = arith.addi %add3A_1448, %add3A_901 : i32
        %get3A_1450 = arith.constant 1 : i32
        %get3A_1451 = arith.index_cast %get3A_1450 : i32 to index
        %get3A_1452 = arith.index_cast %add3A_1449 : i32 to index
        %get3A_1453 = arith.constant 96 : index
        %get3A_1454 = tpu.vector_load %arg14[%get3A_1451, %get3A_1452, %get3A_1453] {strides = array<i32>} : memref<4x64x128xf32, #tpu.memory_space<vmem>>, vector<16xf32>,
        %add3A_1455 = arith.constant 48 : i32
        %add3A_1456 = arith.addi %add3A_1455, %add3A_901 : i32
        %get3A_1457 = arith.constant 1 : i32
        %get3A_1458 = arith.index_cast %get3A_1457 : i32 to index
        %get3A_1459 = arith.index_cast %add3A_1456 : i32 to index
        %get3A_1460 = arith.constant 96 : index
        %get3A_1461 = tpu.vector_load %arg13[%get3A_1458, %get3A_1459, %get3A_1460] {strides = array<i32>} : memref<4x64x128xf32, #tpu.memory_space<vmem>>, vector<16xf32>,
        %add3A_1462 = arith.constant 48 : i32
        %add3A_1463 = arith.addi %add3A_1462, %add3A_901 : i32
        %get3A_1464 = arith.constant 1 : i32
        %get3A_1465 = arith.index_cast %get3A_1464 : i32 to index
        %get3A_1466 = arith.index_cast %add3A_1463 : i32 to index
        %get3A_1467 = arith.constant 96 : index
        %get3A_1468 = tpu.vector_load %arg14[%get3A_1465, %get3A_1466, %get3A_1467] {strides = array<i32>} : memref<4x64x128xf32, #tpu.memory_space<vmem>>, vector<16xf32>,
        %get3A_1469 = arith.constant 1 : i32
        %get3A_1470 = arith.index_cast %get3A_1469 : i32 to index
        %get3A_1471 = arith.index_cast %add3A_901 : i32 to index
        %get3A_1472 = arith.constant 96 : index
        %get3A_1473 = tpu.vector_load %arg15[%get3A_1470, %get3A_1471, %get3A_1472] {strides = array<i32>} : memref<4x16x128xf32, #tpu.memory_space<vmem>>, vector<16xf32>,
        %get3A_1474 = arith.constant 1 : i32
        %get3A_1475 = arith.index_cast %get3A_1474 : i32 to index
        %get3A_1476 = arith.index_cast %add3A_901 : i32 to index
        %get3A_1477 = arith.constant 96 : index
        %get3A_1478 = tpu.vector_load %arg16[%get3A_1475, %get3A_1476, %get3A_1477] {strides = array<i32>} : memref<4x16x128xf32, #tpu.memory_space<vmem>>, vector<16xf32>,
        %mul3A_1479 = arith.mulf %get3A_1421, %get3A_1473 : vector<16xf32>
        %mul3A_1480 = arith.mulf %get3A_1426, %get3A_1478 : vector<16xf32>
        %sub3A_1481 = arith.subf %mul3A_1479, %mul3A_1480 : vector<16xf32>
        %sub3A_1482 = arith.subf %sub3A_1481, %get3A_1433 : vector<16xf32>
        %mul3A_1483 = arith.mulf %get3A_1421, %get3A_1478 : vector<16xf32>
        %mul3A_1484 = arith.mulf %get3A_1426, %get3A_1473 : vector<16xf32>
        %add3A_1485 = arith.addf %mul3A_1483, %mul3A_1484 : vector<16xf32>
        %sub3A_1486 = arith.subf %add3A_1485, %get3A_1440 : vector<16xf32>
        %mul3A_1487 = arith.mulf %sub3A_1482, %sub3A_1482 : vector<16xf32>
        %add3A_1488 = arith.addf %add3A_1404, %mul3A_1487 : vector<16xf32>
        %mul3A_1489 = arith.mulf %sub3A_1486, %sub3A_1486 : vector<16xf32>
        %add3A_1490 = arith.addf %add3A_1488, %mul3A_1489 : vector<16xf32>
        %mul3A_1491 = arith.mulf %get3A_1447, %get3A_1473 : vector<16xf32>
        %mul3A_1492 = arith.mulf %get3A_1454, %get3A_1478 : vector<16xf32>
        %sub3A_1493 = arith.subf %mul3A_1491, %mul3A_1492 : vector<16xf32>
        %sub3A_1494 = arith.subf %sub3A_1493, %get3A_1461 : vector<16xf32>
        %mul3A_1495 = arith.mulf %get3A_1447, %get3A_1478 : vector<16xf32>
        %mul3A_1496 = arith.mulf %get3A_1454, %get3A_1473 : vector<16xf32>
        %add3A_1497 = arith.addf %mul3A_1495, %mul3A_1496 : vector<16xf32>
        %sub3A_1498 = arith.subf %add3A_1497, %get3A_1468 : vector<16xf32>
        %mul3A_1499 = arith.mulf %sub3A_1494, %sub3A_1494 : vector<16xf32>
        %add3A_1500 = arith.addf %add3A_1416, %mul3A_1499 : vector<16xf32>
        %mul3A_1501 = arith.mulf %sub3A_1498, %sub3A_1498 : vector<16xf32>
        %add3A_1502 = arith.addf %add3A_1500, %mul3A_1501 : vector<16xf32>
        %get3A_1503 = arith.constant 1 : i32
        %get3A_1504 = arith.index_cast %get3A_1503 : i32 to index
        %get3A_1505 = arith.index_cast %add3A_901 : i32 to index
        %get3A_1506 = arith.constant 112 : index
        %get3A_1507 = tpu.vector_load %arg13[%get3A_1504, %get3A_1505, %get3A_1506] {strides = array<i32>} : memref<4x64x128xf32, #tpu.memory_space<vmem>>, vector<16xf32>,
        %get3A_1508 = arith.constant 1 : i32
        %get3A_1509 = arith.index_cast %get3A_1508 : i32 to index
        %get3A_1510 = arith.index_cast %add3A_901 : i32 to index
        %get3A_1511 = arith.constant 112 : index
        %get3A_1512 = tpu.vector_load %arg14[%get3A_1509, %get3A_1510, %get3A_1511] {strides = array<i32>} : memref<4x64x128xf32, #tpu.memory_space<vmem>>, vector<16xf32>,
        %add3A_1513 = arith.constant 16 : i32
        %add3A_1514 = arith.addi %add3A_1513, %add3A_901 : i32
        %get3A_1515 = arith.constant 1 : i32
        %get3A_1516 = arith.index_cast %get3A_1515 : i32 to index
        %get3A_1517 = arith.index_cast %add3A_1514 : i32 to index
        %get3A_1518 = arith.constant 112 : index
        %get3A_1519 = tpu.vector_load %arg13[%get3A_1516, %get3A_1517, %get3A_1518] {strides = array<i32>} : memref<4x64x128xf32, #tpu.memory_space<vmem>>, vector<16xf32>,
        %add3A_1520 = arith.constant 16 : i32
        %add3A_1521 = arith.addi %add3A_1520, %add3A_901 : i32
        %get3A_1522 = arith.constant 1 : i32
        %get3A_1523 = arith.index_cast %get3A_1522 : i32 to index
        %get3A_1524 = arith.index_cast %add3A_1521 : i32 to index
        %get3A_1525 = arith.constant 112 : index
        %get3A_1526 = tpu.vector_load %arg14[%get3A_1523, %get3A_1524, %get3A_1525] {strides = array<i32>} : memref<4x64x128xf32, #tpu.memory_space<vmem>>, vector<16xf32>,
        %add3A_1527 = arith.constant 32 : i32
        %add3A_1528 = arith.addi %add3A_1527, %add3A_901 : i32
        %get3A_1529 = arith.constant 1 : i32
        %get3A_1530 = arith.index_cast %get3A_1529 : i32 to index
        %get3A_1531 = arith.index_cast %add3A_1528 : i32 to index
        %get3A_1532 = arith.constant 112 : index
        %get3A_1533 = tpu.vector_load %arg13[%get3A_1530, %get3A_1531, %get3A_1532] {strides = array<i32>} : memref<4x64x128xf32, #tpu.memory_space<vmem>>, vector<16xf32>,
        %add3A_1534 = arith.constant 32 : i32
        %add3A_1535 = arith.addi %add3A_1534, %add3A_901 : i32
        %get3A_1536 = arith.constant 1 : i32
        %get3A_1537 = arith.index_cast %get3A_1536 : i32 to index
        %get3A_1538 = arith.index_cast %add3A_1535 : i32 to index
        %get3A_1539 = arith.constant 112 : index
        %get3A_1540 = tpu.vector_load %arg14[%get3A_1537, %get3A_1538, %get3A_1539] {strides = array<i32>} : memref<4x64x128xf32, #tpu.memory_space<vmem>>, vector<16xf32>,
        %add3A_1541 = arith.constant 48 : i32
        %add3A_1542 = arith.addi %add3A_1541, %add3A_901 : i32
        %get3A_1543 = arith.constant 1 : i32
        %get3A_1544 = arith.index_cast %get3A_1543 : i32 to index
        %get3A_1545 = arith.index_cast %add3A_1542 : i32 to index
        %get3A_1546 = arith.constant 112 : index
        %get3A_1547 = tpu.vector_load %arg13[%get3A_1544, %get3A_1545, %get3A_1546] {strides = array<i32>} : memref<4x64x128xf32, #tpu.memory_space<vmem>>, vector<16xf32>,
        %add3A_1548 = arith.constant 48 : i32
        %add3A_1549 = arith.addi %add3A_1548, %add3A_901 : i32
        %get3A_1550 = arith.constant 1 : i32
        %get3A_1551 = arith.index_cast %get3A_1550 : i32 to index
        %get3A_1552 = arith.index_cast %add3A_1549 : i32 to index
        %get3A_1553 = arith.constant 112 : index
        %get3A_1554 = tpu.vector_load %arg14[%get3A_1551, %get3A_1552, %get3A_1553] {strides = array<i32>} : memref<4x64x128xf32, #tpu.memory_space<vmem>>, vector<16xf32>,
        %get3A_1555 = arith.constant 1 : i32
        %get3A_1556 = arith.index_cast %get3A_1555 : i32 to index
        %get3A_1557 = arith.index_cast %add3A_901 : i32 to index
        %get3A_1558 = arith.constant 112 : index
        %get3A_1559 = tpu.vector_load %arg15[%get3A_1556, %get3A_1557, %get3A_1558] {strides = array<i32>} : memref<4x16x128xf32, #tpu.memory_space<vmem>>, vector<16xf32>,
        %get3A_1560 = arith.constant 1 : i32
        %get3A_1561 = arith.index_cast %get3A_1560 : i32 to index
        %get3A_1562 = arith.index_cast %add3A_901 : i32 to index
        %get3A_1563 = arith.constant 112 : index
        %get3A_1564 = tpu.vector_load %arg16[%get3A_1561, %get3A_1562, %get3A_1563] {strides = array<i32>} : memref<4x16x128xf32, #tpu.memory_space<vmem>>, vector<16xf32>,
        %mul3A_1565 = arith.mulf %get3A_1507, %get3A_1559 : vector<16xf32>
        %mul3A_1566 = arith.mulf %get3A_1512, %get3A_1564 : vector<16xf32>
        %sub3A_1567 = arith.subf %mul3A_1565, %mul3A_1566 : vector<16xf32>
        %sub3A_1568 = arith.subf %sub3A_1567, %get3A_1519 : vector<16xf32>
        %mul3A_1569 = arith.mulf %get3A_1507, %get3A_1564 : vector<16xf32>
        %mul3A_1570 = arith.mulf %get3A_1512, %get3A_1559 : vector<16xf32>
        %add3A_1571 = arith.addf %mul3A_1569, %mul3A_1570 : vector<16xf32>
        %sub3A_1572 = arith.subf %add3A_1571, %get3A_1526 : vector<16xf32>
        %mul3A_1573 = arith.mulf %sub3A_1568, %sub3A_1568 : vector<16xf32>
        %add3A_1574 = arith.addf %add3A_1490, %mul3A_1573 : vector<16xf32>
        %mul3A_1575 = arith.mulf %sub3A_1572, %sub3A_1572 : vector<16xf32>
        %add3A_1576 = arith.addf %add3A_1574, %mul3A_1575 : vector<16xf32>
        %mul3A_1577 = arith.mulf %get3A_1533, %get3A_1559 : vector<16xf32>
        %mul3A_1578 = arith.mulf %get3A_1540, %get3A_1564 : vector<16xf32>
        %sub3A_1579 = arith.subf %mul3A_1577, %mul3A_1578 : vector<16xf32>
        %sub3A_1580 = arith.subf %sub3A_1579, %get3A_1547 : vector<16xf32>
        %mul3A_1581 = arith.mulf %get3A_1533, %get3A_1564 : vector<16xf32>
        %mul3A_1582 = arith.mulf %get3A_1540, %get3A_1559 : vector<16xf32>
        %add3A_1583 = arith.addf %mul3A_1581, %mul3A_1582 : vector<16xf32>
        %sub3A_1584 = arith.subf %add3A_1583, %get3A_1554 : vector<16xf32>
        %mul3A_1585 = arith.mulf %sub3A_1580, %sub3A_1580 : vector<16xf32>
        %add3A_1586 = arith.addf %add3A_1502, %mul3A_1585 : vector<16xf32>
        %mul3A_1587 = arith.mulf %sub3A_1584, %sub3A_1584 : vector<16xf32>
        %add3A_1588 = arith.addf %add3A_1586, %mul3A_1587 : vector<16xf32>
        %reduce_sum3A = arith.constant true
        %reduce_sum3A_1589 = vector.broadcast %reduce_sum3A : i1 to vector<16xi1>
        %reduce_sum3A_1590 = tpu.scan <sum>, %add3A_1576 masked %reduce_sum3A_1589 : vector<16xf32>, vector<16xi1> -> vector<16xf32>
        %reduce_sum3A_1591 = vector.extract %reduce_sum3A_1590[15] : f32 from vector<16xf32>
        %reduce_sum3A_1592 = arith.constant true
        %reduce_sum3A_1593 = vector.broadcast %reduce_sum3A_1592 : i1 to vector<16xi1>
        %reduce_sum3A_1594 = tpu.scan <sum>, %add3A_1588 masked %reduce_sum3A_1593 : vector<16xf32>, vector<16xi1> -> vector<16xf32>
        %reduce_sum3A_1595 = vector.extract %reduce_sum3A_1594[15] : f32 from vector<16xf32>
        %eq3A = vector.broadcast %scan3A_897 : i32 to vector<16xi32>
        %eq3A_1596 = arith.cmpi eq, %iota3A, %eq3A : vector<16xi32>
        %broadcast_in_dim3A_1597 = vector.broadcast %reduce_sum3A_1591 : f32 to vector<16xf32>
        %select_n3A = arith.select %eq3A_1596, %broadcast_in_dim3A_1597, %scan3A_898 : vector<16xi1>, vector<16xf32>
        %broadcast_in_dim3A_1598 = vector.broadcast %reduce_sum3A_1595 : f32 to vector<16xf32>
        %select_n3A_1599 = arith.select %eq3A_1596, %broadcast_in_dim3A_1598, %scan3A_899 : vector<16xi1>, vector<16xf32>
        scf.yield %select_n3A, %select_n3A_1599 : vector<16xf32>, vector<16xf32>
      }
      %scan3A_447 = arith.constant 16 : i32
      %max3A_448 = arith.constant 1.000000e-30 : f32
      %max3A_449 = vector.broadcast %max3A_448 : f32 to vector<16xf32>
      %max3A_450 = arith.maximumf %scan3A_446#0, %max3A_449 : vector<16xf32>
      %bitcast_convert_type3A_451 = tpu.bitcast %max3A_450 : vector<16xf32> -> vector<16xi32>
      %shift_right_arithmetic3A_452 = arith.constant 1 : i32
      %shift_right_arithmetic3A_453 = vector.broadcast %shift_right_arithmetic3A_452 : i32 to vector<16xi32>
      %shift_right_arithmetic3A_454 = arith.shrsi %bitcast_convert_type3A_451, %shift_right_arithmetic3A_453 : vector<16xi32>
      %sub3A_455 = arith.constant 1597463007 : i32
      %sub3A_456 = vector.broadcast %sub3A_455 : i32 to vector<16xi32>
      %sub3A_457 = arith.subi %sub3A_456, %shift_right_arithmetic3A_454 : vector<16xi32>
      %bitcast_convert_type3A_458 = tpu.bitcast %sub3A_457 : vector<16xi32> -> vector<16xf32>
      %mul3A_459 = arith.constant 5.000000e-01 : f32
      %mul3A_460 = vector.broadcast %mul3A_459 : f32 to vector<16xf32>
      %mul3A_461 = arith.mulf %mul3A_460, %max3A_450 : vector<16xf32>
      %mul3A_462 = arith.mulf %mul3A_461, %bitcast_convert_type3A_458 : vector<16xf32>
      %mul3A_463 = arith.mulf %mul3A_462, %bitcast_convert_type3A_458 : vector<16xf32>
      %sub3A_464 = arith.constant 1.500000e+00 : f32
      %sub3A_465 = vector.broadcast %sub3A_464 : f32 to vector<16xf32>
      %sub3A_466 = arith.subf %sub3A_465, %mul3A_463 : vector<16xf32>
      %mul3A_467 = arith.mulf %bitcast_convert_type3A_458, %sub3A_466 : vector<16xf32>
      %mul3A_468 = arith.constant 5.000000e-01 : f32
      %mul3A_469 = vector.broadcast %mul3A_468 : f32 to vector<16xf32>
      %mul3A_470 = arith.mulf %mul3A_469, %max3A_450 : vector<16xf32>
      %mul3A_471 = arith.mulf %mul3A_470, %mul3A_467 : vector<16xf32>
      %mul3A_472 = arith.mulf %mul3A_471, %mul3A_467 : vector<16xf32>
      %sub3A_473 = arith.constant 1.500000e+00 : f32
      %sub3A_474 = vector.broadcast %sub3A_473 : f32 to vector<16xf32>
      %sub3A_475 = arith.subf %sub3A_474, %mul3A_472 : vector<16xf32>
      %mul3A_476 = arith.mulf %mul3A_467, %sub3A_475 : vector<16xf32>
      %mul3A_477 = arith.constant 5.000000e-01 : f32
      %mul3A_478 = vector.broadcast %mul3A_477 : f32 to vector<16xf32>
      %mul3A_479 = arith.mulf %mul3A_478, %max3A_450 : vector<16xf32>
      %mul3A_480 = arith.mulf %mul3A_479, %mul3A_476 : vector<16xf32>
      %mul3A_481 = arith.mulf %mul3A_480, %mul3A_476 : vector<16xf32>
      %sub3A_482 = arith.constant 1.500000e+00 : f32
      %sub3A_483 = vector.broadcast %sub3A_482 : f32 to vector<16xf32>
      %sub3A_484 = arith.subf %sub3A_483, %mul3A_481 : vector<16xf32>
      %mul3A_485 = arith.mulf %mul3A_476, %sub3A_484 : vector<16xf32>
      %mul3A_486 = arith.mulf %max3A_450, %mul3A_485 : vector<16xf32>
      %max3A_487 = arith.constant 1.000000e-30 : f32
      %max3A_488 = vector.broadcast %max3A_487 : f32 to vector<16xf32>
      %max3A_489 = arith.maximumf %scan3A_446#1, %max3A_488 : vector<16xf32>
      %bitcast_convert_type3A_490 = tpu.bitcast %max3A_489 : vector<16xf32> -> vector<16xi32>
      %shift_right_arithmetic3A_491 = arith.constant 1 : i32
      %shift_right_arithmetic3A_492 = vector.broadcast %shift_right_arithmetic3A_491 : i32 to vector<16xi32>
      %shift_right_arithmetic3A_493 = arith.shrsi %bitcast_convert_type3A_490, %shift_right_arithmetic3A_492 : vector<16xi32>
      %sub3A_494 = arith.constant 1597463007 : i32
      %sub3A_495 = vector.broadcast %sub3A_494 : i32 to vector<16xi32>
      %sub3A_496 = arith.subi %sub3A_495, %shift_right_arithmetic3A_493 : vector<16xi32>
      %bitcast_convert_type3A_497 = tpu.bitcast %sub3A_496 : vector<16xi32> -> vector<16xf32>
      %mul3A_498 = arith.constant 5.000000e-01 : f32
      %mul3A_499 = vector.broadcast %mul3A_498 : f32 to vector<16xf32>
      %mul3A_500 = arith.mulf %mul3A_499, %max3A_489 : vector<16xf32>
      %mul3A_501 = arith.mulf %mul3A_500, %bitcast_convert_type3A_497 : vector<16xf32>
      %mul3A_502 = arith.mulf %mul3A_501, %bitcast_convert_type3A_497 : vector<16xf32>
      %sub3A_503 = arith.constant 1.500000e+00 : f32
      %sub3A_504 = vector.broadcast %sub3A_503 : f32 to vector<16xf32>
      %sub3A_505 = arith.subf %sub3A_504, %mul3A_502 : vector<16xf32>
      %mul3A_506 = arith.mulf %bitcast_convert_type3A_497, %sub3A_505 : vector<16xf32>
      %mul3A_507 = arith.constant 5.000000e-01 : f32
      %mul3A_508 = vector.broadcast %mul3A_507 : f32 to vector<16xf32>
      %mul3A_509 = arith.mulf %mul3A_508, %max3A_489 : vector<16xf32>
      %mul3A_510 = arith.mulf %mul3A_509, %mul3A_506 : vector<16xf32>
      %mul3A_511 = arith.mulf %mul3A_510, %mul3A_506 : vector<16xf32>
      %sub3A_512 = arith.constant 1.500000e+00 : f32
      %sub3A_513 = vector.broadcast %sub3A_512 : f32 to vector<16xf32>
      %sub3A_514 = arith.subf %sub3A_513, %mul3A_511 : vector<16xf32>
      %mul3A_515 = arith.mulf %mul3A_506, %sub3A_514 : vector<16xf32>
      %mul3A_516 = arith.constant 5.000000e-01 : f32
      %mul3A_517 = vector.broadcast %mul3A_516 : f32 to vector<16xf32>
      %mul3A_518 = arith.mulf %mul3A_517, %max3A_489 : vector<16xf32>
      %mul3A_519 = arith.mulf %mul3A_518, %mul3A_515 : vector<16xf32>
      %mul3A_520 = arith.mulf %mul3A_519, %mul3A_515 : vector<16xf32>
      %sub3A_521 = arith.constant 1.500000e+00 : f32
      %sub3A_522 = vector.broadcast %sub3A_521 : f32 to vector<16xf32>
      %sub3A_523 = arith.subf %sub3A_522, %mul3A_520 : vector<16xf32>
      %mul3A_524 = arith.mulf %mul3A_515, %sub3A_523 : vector<16xf32>
      %mul3A_525 = arith.mulf %max3A_489, %mul3A_524 : vector<16xf32>
      %add3A_526 = arith.constant 0 : i32
      %add3A_527 = arith.addi %mul3A_441, %add3A_526 : i32
      %swap3A_528 = arith.index_cast %add3A_527 : i32 to index
      %swap3A_529 = tpu.vector_load %arg18[%swap3A_528] {strides = array<i32>} : memref<512xf32, #tpu.memory_space<vmem>>, vector<16xf32>,
      tpu.vector_store %arg18[%swap3A_528], %mul3A_486 {strides = array<i32>} : memref<512xf32, #tpu.memory_space<vmem>>, vector<16xf32>,
      %swap3A_530 = arith.index_cast %add3A_527 : i32 to index
      %swap3A_531 = tpu.vector_load %arg19[%swap3A_530] {strides = array<i32>} : memref<512xf32, #tpu.memory_space<vmem>>, vector<16xf32>,
      tpu.vector_store %arg19[%swap3A_530], %mul3A_525 {strides = array<i32>} : memref<512xf32, #tpu.memory_space<vmem>>, vector<16xf32>,
      %sub3A_532 = arith.subf %mul3A_486, %mul3A_525 : vector<16xf32>
      %add3A_533 = arith.constant 1.000000e+00 : f32
      %add3A_534 = vector.broadcast %add3A_533 : f32 to vector<16xf32>
      %add3A_535 = arith.addf %sub3A_532, %add3A_534 : vector<16xf32>
      %max3A_536 = arith.constant 0.000000e+00 : f32
      %max3A_537 = vector.broadcast %max3A_536 : f32 to vector<16xf32>
      %max3A_538 = arith.maximumf %add3A_535, %max3A_537 : vector<16xf32>
      %swap3A_539 = arith.index_cast %add3A_527 : i32 to index
      %swap3A_540 = tpu.vector_load %arg17[%swap3A_539] {strides = array<i32>} : memref<512xf32, #tpu.memory_space<vmem>>, vector<16xf32>,
      tpu.vector_store %arg17[%swap3A_539], %max3A_538 {strides = array<i32>} : memref<512xf32, #tpu.memory_space<vmem>>, vector<16xf32>,
      %add3A_541 = arith.constant 2 : i32
      %add3A_542 = arith.addi %add3A_193, %add3A_541 : i32
      %add3A_543 = arith.constant 4 : i32
      %add3A_544 = arith.addi %add3A_542, %add3A_543 : i32
      %sub3A_545 = arith.constant 1 : i32
      %sub3A_546 = arith.subi %add3A_544, %sub3A_545 : i32
      %lt3A_547 = arith.constant 32 : i32
      %lt3A_548 = arith.cmpi slt, %sub3A_546, %lt3A_547 : i32
      %convert_element_type3A_549 = arith.extui %lt3A_548 : i1 to i32
      %cond3A_550 = arith.constant 0 : i32
      %cond3A_551 = arith.cmpi ne, %convert_element_type3A_549, %cond3A_550 : i32
      scf.if %cond3A_551 {
        %add3A_897 = arith.constant 4 : i32
        %add3A_898 = arith.addi %add3A_542, %add3A_897 : i32
        %sub3A_899 = arith.constant 1 : i32
        %sub3A_900 = arith.subi %add3A_898, %sub3A_899 : i32
        %mul3A_901 = arith.constant 4 : i32
        %mul3A_902 = arith.muli %sub3A_900, %mul3A_901 : i32
        %mul3A_903 = arith.constant 16 : i32
        %mul3A_904 = arith.muli %mul3A_902, %mul3A_903 : i32
        %mul3A_905 = arith.constant 4 : i32
        %mul3A_906 = arith.muli %sub3A_900, %mul3A_905 : i32
        %mul3A_907 = arith.constant 16 : i32
        %mul3A_908 = arith.muli %mul3A_906, %mul3A_907 : i32
        %add3A_909 = arith.constant 32 : i32
        %add3A_910 = arith.addi %mul3A_908, %add3A_909 : i32
        %mul3A_911 = arith.constant 16 : i32
        %mul3A_912 = arith.muli %sub3A_900, %mul3A_911 : i32
        %dma_start3A_913 = arith.constant 1 : i32
        %dma_start3A_914 = arith.constant 0 : i32
        %dma_start3A_915 = arith.constant 0 : i32
        %dma_start3A_916 = tpu.memref_slice %arg13[%dma_start3A_913, %dma_start3A_914, %dma_start3A_915] : memref<4x64x128xf32, #tpu.memory_space<vmem>> -> memref<1x32x128xf32, #tpu.memory_space<vmem>>
        %dma_start3A_917 = tpu.memref_squeeze %dma_start3A_916 : memref<1x32x128xf32, #tpu.memory_space<vmem>> -> memref<32x128xf32, #tpu.memory_space<vmem>>
        %dma_start3A_918 = tpu.memref_slice %arg11[%mul3A_904] : memref<2048xi32, #tpu.memory_space<vmem>> -> memref<32xi32, #tpu.memory_space<vmem>>
        %dma_start3A_919 = arith.constant 0 : i32
        %dma_start3A_920 = arith.constant 0 : i32
        %dma_start3A_921 = tpu.memref_slice %arg4[%dma_start3A_919, %dma_start3A_920] : memref<100000x128xf32, #tpu.memory_space<hbm>> -> memref<100000x128xf32, #tpu.memory_space<hbm>>
        tpu.enqueue_indirect_dma source(%dma_start3A_921 : memref<100000x128xf32, #tpu.memory_space<hbm>>) target(%dma_start3A_917 : memref<32x128xf32, #tpu.memory_space<vmem>>) offsets(%dma_start3A_918 : memref<32xi32, #tpu.memory_space<vmem>>) semaphore(%arg21 : memref<!tpu.dma_semaphore, #tpu.memory_space<semaphore_mem>>)
        %dma_start3A_922 = arith.constant 1 : i32
        %dma_start3A_923 = arith.constant 0 : i32
        %dma_start3A_924 = arith.constant 0 : i32
        %dma_start3A_925 = tpu.memref_slice %arg14[%dma_start3A_922, %dma_start3A_923, %dma_start3A_924] : memref<4x64x128xf32, #tpu.memory_space<vmem>> -> memref<1x32x128xf32, #tpu.memory_space<vmem>>
        %dma_start3A_926 = tpu.memref_squeeze %dma_start3A_925 : memref<1x32x128xf32, #tpu.memory_space<vmem>> -> memref<32x128xf32, #tpu.memory_space<vmem>>
        %dma_start3A_927 = tpu.memref_slice %arg11[%mul3A_904] : memref<2048xi32, #tpu.memory_space<vmem>> -> memref<32xi32, #tpu.memory_space<vmem>>
        %dma_start3A_928 = arith.constant 0 : i32
        %dma_start3A_929 = arith.constant 0 : i32
        %dma_start3A_930 = tpu.memref_slice %arg5[%dma_start3A_928, %dma_start3A_929] : memref<100000x128xf32, #tpu.memory_space<hbm>> -> memref<100000x128xf32, #tpu.memory_space<hbm>>
        tpu.enqueue_indirect_dma source(%dma_start3A_930 : memref<100000x128xf32, #tpu.memory_space<hbm>>) target(%dma_start3A_926 : memref<32x128xf32, #tpu.memory_space<vmem>>) offsets(%dma_start3A_927 : memref<32xi32, #tpu.memory_space<vmem>>) semaphore(%arg21 : memref<!tpu.dma_semaphore, #tpu.memory_space<semaphore_mem>>)
        %dma_start3A_931 = arith.constant 1 : i32
        %dma_start3A_932 = arith.constant 32 : i32
        %dma_start3A_933 = arith.constant 0 : i32
        %dma_start3A_934 = tpu.memref_slice %arg13[%dma_start3A_931, %dma_start3A_932, %dma_start3A_933] : memref<4x64x128xf32, #tpu.memory_space<vmem>> -> memref<1x32x128xf32, #tpu.memory_space<vmem>>
        %dma_start3A_935 = tpu.memref_squeeze %dma_start3A_934 : memref<1x32x128xf32, #tpu.memory_space<vmem>> -> memref<32x128xf32, #tpu.memory_space<vmem>>
        %dma_start3A_936 = tpu.memref_slice %arg11[%add3A_910] : memref<2048xi32, #tpu.memory_space<vmem>> -> memref<32xi32, #tpu.memory_space<vmem>>
        %dma_start3A_937 = arith.constant 0 : i32
        %dma_start3A_938 = arith.constant 0 : i32
        %dma_start3A_939 = tpu.memref_slice %arg4[%dma_start3A_937, %dma_start3A_938] : memref<100000x128xf32, #tpu.memory_space<hbm>> -> memref<100000x128xf32, #tpu.memory_space<hbm>>
        tpu.enqueue_indirect_dma source(%dma_start3A_939 : memref<100000x128xf32, #tpu.memory_space<hbm>>) target(%dma_start3A_935 : memref<32x128xf32, #tpu.memory_space<vmem>>) offsets(%dma_start3A_936 : memref<32xi32, #tpu.memory_space<vmem>>) semaphore(%arg21 : memref<!tpu.dma_semaphore, #tpu.memory_space<semaphore_mem>>)
        %dma_start3A_940 = arith.constant 1 : i32
        %dma_start3A_941 = arith.constant 32 : i32
        %dma_start3A_942 = arith.constant 0 : i32
        %dma_start3A_943 = tpu.memref_slice %arg14[%dma_start3A_940, %dma_start3A_941, %dma_start3A_942] : memref<4x64x128xf32, #tpu.memory_space<vmem>> -> memref<1x32x128xf32, #tpu.memory_space<vmem>>
        %dma_start3A_944 = tpu.memref_squeeze %dma_start3A_943 : memref<1x32x128xf32, #tpu.memory_space<vmem>> -> memref<32x128xf32, #tpu.memory_space<vmem>>
        %dma_start3A_945 = tpu.memref_slice %arg11[%add3A_910] : memref<2048xi32, #tpu.memory_space<vmem>> -> memref<32xi32, #tpu.memory_space<vmem>>
        %dma_start3A_946 = arith.constant 0 : i32
        %dma_start3A_947 = arith.constant 0 : i32
        %dma_start3A_948 = tpu.memref_slice %arg5[%dma_start3A_946, %dma_start3A_947] : memref<100000x128xf32, #tpu.memory_space<hbm>> -> memref<100000x128xf32, #tpu.memory_space<hbm>>
        tpu.enqueue_indirect_dma source(%dma_start3A_948 : memref<100000x128xf32, #tpu.memory_space<hbm>>) target(%dma_start3A_944 : memref<32x128xf32, #tpu.memory_space<vmem>>) offsets(%dma_start3A_945 : memref<32xi32, #tpu.memory_space<vmem>>) semaphore(%arg21 : memref<!tpu.dma_semaphore, #tpu.memory_space<semaphore_mem>>)
        %dma_start3A_949 = arith.constant 1 : i32
        %dma_start3A_950 = arith.constant 0 : i32
        %dma_start3A_951 = arith.constant 0 : i32
        %dma_start3A_952 = tpu.memref_slice %arg15[%dma_start3A_949, %dma_start3A_950, %dma_start3A_951] : memref<4x16x128xf32, #tpu.memory_space<vmem>> -> memref<1x16x128xf32, #tpu.memory_space<vmem>>
        %dma_start3A_953 = tpu.memref_squeeze %dma_start3A_952 : memref<1x16x128xf32, #tpu.memory_space<vmem>> -> memref<16x128xf32, #tpu.memory_space<vmem>>
        %dma_start3A_954 = tpu.memref_slice %arg12[%mul3A_912] : memref<512xi32, #tpu.memory_space<vmem>> -> memref<16xi32, #tpu.memory_space<vmem>>
        %dma_start3A_955 = arith.constant 0 : i32
        %dma_start3A_956 = arith.constant 0 : i32
        %dma_start3A_957 = tpu.memref_slice %arg6[%dma_start3A_955, %dma_start3A_956] : memref<100000x128xf32, #tpu.memory_space<hbm>> -> memref<100000x128xf32, #tpu.memory_space<hbm>>
        tpu.enqueue_indirect_dma source(%dma_start3A_957 : memref<100000x128xf32, #tpu.memory_space<hbm>>) target(%dma_start3A_953 : memref<16x128xf32, #tpu.memory_space<vmem>>) offsets(%dma_start3A_954 : memref<16xi32, #tpu.memory_space<vmem>>) semaphore(%arg21 : memref<!tpu.dma_semaphore, #tpu.memory_space<semaphore_mem>>)
        %dma_start3A_958 = arith.constant 1 : i32
        %dma_start3A_959 = arith.constant 0 : i32
        %dma_start3A_960 = arith.constant 0 : i32
        %dma_start3A_961 = tpu.memref_slice %arg16[%dma_start3A_958, %dma_start3A_959, %dma_start3A_960] : memref<4x16x128xf32, #tpu.memory_space<vmem>> -> memref<1x16x128xf32, #tpu.memory_space<vmem>>
        %dma_start3A_962 = tpu.memref_squeeze %dma_start3A_961 : memref<1x16x128xf32, #tpu.memory_space<vmem>> -> memref<16x128xf32, #tpu.memory_space<vmem>>
        %dma_start3A_963 = tpu.memref_slice %arg12[%mul3A_912] : memref<512xi32, #tpu.memory_space<vmem>> -> memref<16xi32, #tpu.memory_space<vmem>>
        %dma_start3A_964 = arith.constant 0 : i32
        %dma_start3A_965 = arith.constant 0 : i32
        %dma_start3A_966 = tpu.memref_slice %arg7[%dma_start3A_964, %dma_start3A_965] : memref<100000x128xf32, #tpu.memory_space<hbm>> -> memref<100000x128xf32, #tpu.memory_space<hbm>>
        tpu.enqueue_indirect_dma source(%dma_start3A_966 : memref<100000x128xf32, #tpu.memory_space<hbm>>) target(%dma_start3A_962 : memref<16x128xf32, #tpu.memory_space<vmem>>) offsets(%dma_start3A_963 : memref<16xi32, #tpu.memory_space<vmem>>) semaphore(%arg21 : memref<!tpu.dma_semaphore, #tpu.memory_space<semaphore_mem>>)
      } else {
      }
      %mul3A_552 = arith.constant 4 : i32
      %mul3A_553 = arith.muli %add3A_542, %mul3A_552 : i32
      %mul3A_554 = arith.constant 16 : i32
      %mul3A_555 = arith.muli %mul3A_553, %mul3A_554 : i32
      %mul3A_556 = arith.constant 4 : i32
      %mul3A_557 = arith.muli %add3A_542, %mul3A_556 : i32
      %mul3A_558 = arith.constant 16 : i32
      %mul3A_559 = arith.muli %mul3A_557, %mul3A_558 : i32
      %add3A_560 = arith.constant 32 : i32
      %add3A_561 = arith.addi %mul3A_559, %add3A_560 : i32
      %mul3A_562 = arith.constant 16 : i32
      %mul3A_563 = arith.muli %add3A_542, %mul3A_562 : i32
      %dma_wait3A_564 = arith.constant 2 : i32
      %dma_wait3A_565 = arith.constant 0 : i32
      %dma_wait3A_566 = arith.constant 0 : i32
      %dma_wait3A_567 = tpu.memref_slice %arg13[%dma_wait3A_564, %dma_wait3A_565, %dma_wait3A_566] : memref<4x64x128xf32, #tpu.memory_space<vmem>> -> memref<1x32x128xf32, #tpu.memory_space<vmem>>
      %dma_wait3A_568 = tpu.memref_squeeze %dma_wait3A_567 : memref<1x32x128xf32, #tpu.memory_space<vmem>> -> memref<32x128xf32, #tpu.memory_space<vmem>>
      %dma_wait3A_569 = tpu.memref_slice %arg11[%mul3A_555] : memref<2048xi32, #tpu.memory_space<vmem>> -> memref<32xi32, #tpu.memory_space<vmem>>
      %dma_wait3A_570 = arith.constant 0 : i32
      %dma_wait3A_571 = arith.constant 0 : i32
      %dma_wait3A_572 = tpu.memref_slice %arg4[%dma_wait3A_570, %dma_wait3A_571] : memref<100000x128xf32, #tpu.memory_space<hbm>> -> memref<100000x128xf32, #tpu.memory_space<hbm>>
      tpu.wait_indirect_dma semaphore(%arg22 : memref<!tpu.dma_semaphore, #tpu.memory_space<semaphore_mem>>) src(%dma_wait3A_572 : memref<100000x128xf32, #tpu.memory_space<hbm>>) dst(%dma_wait3A_568 : memref<32x128xf32, #tpu.memory_space<vmem>>)
      %dma_wait3A_573 = arith.constant 2 : i32
      %dma_wait3A_574 = arith.constant 0 : i32
      %dma_wait3A_575 = arith.constant 0 : i32
      %dma_wait3A_576 = tpu.memref_slice %arg14[%dma_wait3A_573, %dma_wait3A_574, %dma_wait3A_575] : memref<4x64x128xf32, #tpu.memory_space<vmem>> -> memref<1x32x128xf32, #tpu.memory_space<vmem>>
      %dma_wait3A_577 = tpu.memref_squeeze %dma_wait3A_576 : memref<1x32x128xf32, #tpu.memory_space<vmem>> -> memref<32x128xf32, #tpu.memory_space<vmem>>
      %dma_wait3A_578 = tpu.memref_slice %arg11[%mul3A_555] : memref<2048xi32, #tpu.memory_space<vmem>> -> memref<32xi32, #tpu.memory_space<vmem>>
      %dma_wait3A_579 = arith.constant 0 : i32
      %dma_wait3A_580 = arith.constant 0 : i32
      %dma_wait3A_581 = tpu.memref_slice %arg5[%dma_wait3A_579, %dma_wait3A_580] : memref<100000x128xf32, #tpu.memory_space<hbm>> -> memref<100000x128xf32, #tpu.memory_space<hbm>>
      tpu.wait_indirect_dma semaphore(%arg22 : memref<!tpu.dma_semaphore, #tpu.memory_space<semaphore_mem>>) src(%dma_wait3A_581 : memref<100000x128xf32, #tpu.memory_space<hbm>>) dst(%dma_wait3A_577 : memref<32x128xf32, #tpu.memory_space<vmem>>)
      %dma_wait3A_582 = arith.constant 2 : i32
      %dma_wait3A_583 = arith.constant 32 : i32
      %dma_wait3A_584 = arith.constant 0 : i32
      %dma_wait3A_585 = tpu.memref_slice %arg13[%dma_wait3A_582, %dma_wait3A_583, %dma_wait3A_584] : memref<4x64x128xf32, #tpu.memory_space<vmem>> -> memref<1x32x128xf32, #tpu.memory_space<vmem>>
      %dma_wait3A_586 = tpu.memref_squeeze %dma_wait3A_585 : memref<1x32x128xf32, #tpu.memory_space<vmem>> -> memref<32x128xf32, #tpu.memory_space<vmem>>
      %dma_wait3A_587 = tpu.memref_slice %arg11[%add3A_561] : memref<2048xi32, #tpu.memory_space<vmem>> -> memref<32xi32, #tpu.memory_space<vmem>>
      %dma_wait3A_588 = arith.constant 0 : i32
      %dma_wait3A_589 = arith.constant 0 : i32
      %dma_wait3A_590 = tpu.memref_slice %arg4[%dma_wait3A_588, %dma_wait3A_589] : memref<100000x128xf32, #tpu.memory_space<hbm>> -> memref<100000x128xf32, #tpu.memory_space<hbm>>
      tpu.wait_indirect_dma semaphore(%arg22 : memref<!tpu.dma_semaphore, #tpu.memory_space<semaphore_mem>>) src(%dma_wait3A_590 : memref<100000x128xf32, #tpu.memory_space<hbm>>) dst(%dma_wait3A_586 : memref<32x128xf32, #tpu.memory_space<vmem>>)
      %dma_wait3A_591 = arith.constant 2 : i32
      %dma_wait3A_592 = arith.constant 32 : i32
      %dma_wait3A_593 = arith.constant 0 : i32
      %dma_wait3A_594 = tpu.memref_slice %arg14[%dma_wait3A_591, %dma_wait3A_592, %dma_wait3A_593] : memref<4x64x128xf32, #tpu.memory_space<vmem>> -> memref<1x32x128xf32, #tpu.memory_space<vmem>>
      %dma_wait3A_595 = tpu.memref_squeeze %dma_wait3A_594 : memref<1x32x128xf32, #tpu.memory_space<vmem>> -> memref<32x128xf32, #tpu.memory_space<vmem>>
      %dma_wait3A_596 = tpu.memref_slice %arg11[%add3A_561] : memref<2048xi32, #tpu.memory_space<vmem>> -> memref<32xi32, #tpu.memory_space<vmem>>
      %dma_wait3A_597 = arith.constant 0 : i32
      %dma_wait3A_598 = arith.constant 0 : i32
      %dma_wait3A_599 = tpu.memref_slice %arg5[%dma_wait3A_597, %dma_wait3A_598] : memref<100000x128xf32, #tpu.memory_space<hbm>> -> memref<100000x128xf32, #tpu.memory_space<hbm>>
      tpu.wait_indirect_dma semaphore(%arg22 : memref<!tpu.dma_semaphore, #tpu.memory_space<semaphore_mem>>) src(%dma_wait3A_599 : memref<100000x128xf32, #tpu.memory_space<hbm>>) dst(%dma_wait3A_595 : memref<32x128xf32, #tpu.memory_space<vmem>>)
      %dma_wait3A_600 = arith.constant 2 : i32
      %dma_wait3A_601 = arith.constant 0 : i32
      %dma_wait3A_602 = arith.constant 0 : i32
      %dma_wait3A_603 = tpu.memref_slice %arg15[%dma_wait3A_600, %dma_wait3A_601, %dma_wait3A_602] : memref<4x16x128xf32, #tpu.memory_space<vmem>> -> memref<1x16x128xf32, #tpu.memory_space<vmem>>
      %dma_wait3A_604 = tpu.memref_squeeze %dma_wait3A_603 : memref<1x16x128xf32, #tpu.memory_space<vmem>> -> memref<16x128xf32, #tpu.memory_space<vmem>>
      %dma_wait3A_605 = tpu.memref_slice %arg12[%mul3A_563] : memref<512xi32, #tpu.memory_space<vmem>> -> memref<16xi32, #tpu.memory_space<vmem>>
      %dma_wait3A_606 = arith.constant 0 : i32
      %dma_wait3A_607 = arith.constant 0 : i32
      %dma_wait3A_608 = tpu.memref_slice %arg6[%dma_wait3A_606, %dma_wait3A_607] : memref<100000x128xf32, #tpu.memory_space<hbm>> -> memref<100000x128xf32, #tpu.memory_space<hbm>>
      tpu.wait_indirect_dma semaphore(%arg22 : memref<!tpu.dma_semaphore, #tpu.memory_space<semaphore_mem>>) src(%dma_wait3A_608 : memref<100000x128xf32, #tpu.memory_space<hbm>>) dst(%dma_wait3A_604 : memref<16x128xf32, #tpu.memory_space<vmem>>)
      %dma_wait3A_609 = arith.constant 2 : i32
      %dma_wait3A_610 = arith.constant 0 : i32
      %dma_wait3A_611 = arith.constant 0 : i32
      %dma_wait3A_612 = tpu.memref_slice %arg16[%dma_wait3A_609, %dma_wait3A_610, %dma_wait3A_611] : memref<4x16x128xf32, #tpu.memory_space<vmem>> -> memref<1x16x128xf32, #tpu.memory_space<vmem>>
      %dma_wait3A_613 = tpu.memref_squeeze %dma_wait3A_612 : memref<1x16x128xf32, #tpu.memory_space<vmem>> -> memref<16x128xf32, #tpu.memory_space<vmem>>
      %dma_wait3A_614 = tpu.memref_slice %arg12[%mul3A_563] : memref<512xi32, #tpu.memory_space<vmem>> -> memref<16xi32, #tpu.memory_space<vmem>>
      %dma_wait3A_615 = arith.constant 0 : i32
      %dma_wait3A_616 = arith.constant 0 : i32
      %dma_wait3A_617 = tpu.memref_slice %arg7[%dma_wait3A_615, %dma_wait3A_616] : memref<100000x128xf32, #tpu.memory_space<hbm>> -> memref<100000x128xf32, #tpu.memory_space<hbm>>
      tpu.wait_indirect_dma semaphore(%arg22 : memref<!tpu.dma_semaphore, #tpu.memory_space<semaphore_mem>>) src(%dma_wait3A_617 : memref<100000x128xf32, #tpu.memory_space<hbm>>) dst(%dma_wait3A_613 : memref<16x128xf32, #tpu.memory_space<vmem>>)
      %mul3A_618 = arith.constant 16 : i32
      %mul3A_619 = arith.muli %add3A_542, %mul3A_618 : i32
      %scan3A_620 = arith.constant 0 : i32
      %scan3A_621 = arith.constant 16 : i32
      %scan3A_622 = arith.addi %scan3A_620, %scan3A_621 : i32
      %scan3A_623 = arith.constant 1 : i32
      %scan3A_624:2 = scf.for %scan3A_897 = %scan3A_620 to %scan3A_622 step %scan3A_623 iter_args(%scan3A_898 = %broadcast_in_dim3A_5, %scan3A_899 = %broadcast_in_dim3A_5) -> (vector<16xf32>, vector<16xf32>)  : i32 {
        %add3A_900 = arith.constant 0 : i32
        %add3A_901 = arith.addi %add3A_900, %scan3A_897 : i32
        %get3A = arith.constant 2 : i32
        %get3A_902 = arith.index_cast %get3A : i32 to index
        %get3A_903 = arith.index_cast %add3A_901 : i32 to index
        %get3A_904 = arith.constant 0 : index
        %get3A_905 = tpu.vector_load %arg13[%get3A_902, %get3A_903, %get3A_904] {strides = array<i32>} : memref<4x64x128xf32, #tpu.memory_space<vmem>>, vector<16xf32>,
        %get3A_906 = arith.constant 2 : i32
        %get3A_907 = arith.index_cast %get3A_906 : i32 to index
        %get3A_908 = arith.index_cast %add3A_901 : i32 to index
        %get3A_909 = arith.constant 0 : index
        %get3A_910 = tpu.vector_load %arg14[%get3A_907, %get3A_908, %get3A_909] {strides = array<i32>} : memref<4x64x128xf32, #tpu.memory_space<vmem>>, vector<16xf32>,
        %add3A_911 = arith.constant 16 : i32
        %add3A_912 = arith.addi %add3A_911, %add3A_901 : i32
        %get3A_913 = arith.constant 2 : i32
        %get3A_914 = arith.index_cast %get3A_913 : i32 to index
        %get3A_915 = arith.index_cast %add3A_912 : i32 to index
        %get3A_916 = arith.constant 0 : index
        %get3A_917 = tpu.vector_load %arg13[%get3A_914, %get3A_915, %get3A_916] {strides = array<i32>} : memref<4x64x128xf32, #tpu.memory_space<vmem>>, vector<16xf32>,
        %add3A_918 = arith.constant 16 : i32
        %add3A_919 = arith.addi %add3A_918, %add3A_901 : i32
        %get3A_920 = arith.constant 2 : i32
        %get3A_921 = arith.index_cast %get3A_920 : i32 to index
        %get3A_922 = arith.index_cast %add3A_919 : i32 to index
        %get3A_923 = arith.constant 0 : index
        %get3A_924 = tpu.vector_load %arg14[%get3A_921, %get3A_922, %get3A_923] {strides = array<i32>} : memref<4x64x128xf32, #tpu.memory_space<vmem>>, vector<16xf32>,
        %add3A_925 = arith.constant 32 : i32
        %add3A_926 = arith.addi %add3A_925, %add3A_901 : i32
        %get3A_927 = arith.constant 2 : i32
        %get3A_928 = arith.index_cast %get3A_927 : i32 to index
        %get3A_929 = arith.index_cast %add3A_926 : i32 to index
        %get3A_930 = arith.constant 0 : index
        %get3A_931 = tpu.vector_load %arg13[%get3A_928, %get3A_929, %get3A_930] {strides = array<i32>} : memref<4x64x128xf32, #tpu.memory_space<vmem>>, vector<16xf32>,
        %add3A_932 = arith.constant 32 : i32
        %add3A_933 = arith.addi %add3A_932, %add3A_901 : i32
        %get3A_934 = arith.constant 2 : i32
        %get3A_935 = arith.index_cast %get3A_934 : i32 to index
        %get3A_936 = arith.index_cast %add3A_933 : i32 to index
        %get3A_937 = arith.constant 0 : index
        %get3A_938 = tpu.vector_load %arg14[%get3A_935, %get3A_936, %get3A_937] {strides = array<i32>} : memref<4x64x128xf32, #tpu.memory_space<vmem>>, vector<16xf32>,
        %add3A_939 = arith.constant 48 : i32
        %add3A_940 = arith.addi %add3A_939, %add3A_901 : i32
        %get3A_941 = arith.constant 2 : i32
        %get3A_942 = arith.index_cast %get3A_941 : i32 to index
        %get3A_943 = arith.index_cast %add3A_940 : i32 to index
        %get3A_944 = arith.constant 0 : index
        %get3A_945 = tpu.vector_load %arg13[%get3A_942, %get3A_943, %get3A_944] {strides = array<i32>} : memref<4x64x128xf32, #tpu.memory_space<vmem>>, vector<16xf32>,
        %add3A_946 = arith.constant 48 : i32
        %add3A_947 = arith.addi %add3A_946, %add3A_901 : i32
        %get3A_948 = arith.constant 2 : i32
        %get3A_949 = arith.index_cast %get3A_948 : i32 to index
        %get3A_950 = arith.index_cast %add3A_947 : i32 to index
        %get3A_951 = arith.constant 0 : index
        %get3A_952 = tpu.vector_load %arg14[%get3A_949, %get3A_950, %get3A_951] {strides = array<i32>} : memref<4x64x128xf32, #tpu.memory_space<vmem>>, vector<16xf32>,
        %get3A_953 = arith.constant 2 : i32
        %get3A_954 = arith.index_cast %get3A_953 : i32 to index
        %get3A_955 = arith.index_cast %add3A_901 : i32 to index
        %get3A_956 = arith.constant 0 : index
        %get3A_957 = tpu.vector_load %arg15[%get3A_954, %get3A_955, %get3A_956] {strides = array<i32>} : memref<4x16x128xf32, #tpu.memory_space<vmem>>, vector<16xf32>,
        %get3A_958 = arith.constant 2 : i32
        %get3A_959 = arith.index_cast %get3A_958 : i32 to index
        %get3A_960 = arith.index_cast %add3A_901 : i32 to index
        %get3A_961 = arith.constant 0 : index
        %get3A_962 = tpu.vector_load %arg16[%get3A_959, %get3A_960, %get3A_961] {strides = array<i32>} : memref<4x16x128xf32, #tpu.memory_space<vmem>>, vector<16xf32>,
        %mul3A_963 = arith.mulf %get3A_905, %get3A_957 : vector<16xf32>
        %mul3A_964 = arith.mulf %get3A_910, %get3A_962 : vector<16xf32>
        %sub3A_965 = arith.subf %mul3A_963, %mul3A_964 : vector<16xf32>
        %sub3A_966 = arith.subf %sub3A_965, %get3A_917 : vector<16xf32>
        %mul3A_967 = arith.mulf %get3A_905, %get3A_962 : vector<16xf32>
        %mul3A_968 = arith.mulf %get3A_910, %get3A_957 : vector<16xf32>
        %add3A_969 = arith.addf %mul3A_967, %mul3A_968 : vector<16xf32>
        %sub3A_970 = arith.subf %add3A_969, %get3A_924 : vector<16xf32>
        %mul3A_971 = arith.mulf %sub3A_966, %sub3A_966 : vector<16xf32>
        %add3A_972 = arith.addf %broadcast_in_dim3A_5, %mul3A_971 : vector<16xf32>
        %mul3A_973 = arith.mulf %sub3A_970, %sub3A_970 : vector<16xf32>
        %add3A_974 = arith.addf %add3A_972, %mul3A_973 : vector<16xf32>
        %mul3A_975 = arith.mulf %get3A_931, %get3A_957 : vector<16xf32>
        %mul3A_976 = arith.mulf %get3A_938, %get3A_962 : vector<16xf32>
        %sub3A_977 = arith.subf %mul3A_975, %mul3A_976 : vector<16xf32>
        %sub3A_978 = arith.subf %sub3A_977, %get3A_945 : vector<16xf32>
        %mul3A_979 = arith.mulf %get3A_931, %get3A_962 : vector<16xf32>
        %mul3A_980 = arith.mulf %get3A_938, %get3A_957 : vector<16xf32>
        %add3A_981 = arith.addf %mul3A_979, %mul3A_980 : vector<16xf32>
        %sub3A_982 = arith.subf %add3A_981, %get3A_952 : vector<16xf32>
        %mul3A_983 = arith.mulf %sub3A_978, %sub3A_978 : vector<16xf32>
        %add3A_984 = arith.addf %broadcast_in_dim3A_5, %mul3A_983 : vector<16xf32>
        %mul3A_985 = arith.mulf %sub3A_982, %sub3A_982 : vector<16xf32>
        %add3A_986 = arith.addf %add3A_984, %mul3A_985 : vector<16xf32>
        %get3A_987 = arith.constant 2 : i32
        %get3A_988 = arith.index_cast %get3A_987 : i32 to index
        %get3A_989 = arith.index_cast %add3A_901 : i32 to index
        %get3A_990 = arith.constant 16 : index
        %get3A_991 = tpu.vector_load %arg13[%get3A_988, %get3A_989, %get3A_990] {strides = array<i32>} : memref<4x64x128xf32, #tpu.memory_space<vmem>>, vector<16xf32>,
        %get3A_992 = arith.constant 2 : i32
        %get3A_993 = arith.index_cast %get3A_992 : i32 to index
        %get3A_994 = arith.index_cast %add3A_901 : i32 to index
        %get3A_995 = arith.constant 16 : index
        %get3A_996 = tpu.vector_load %arg14[%get3A_993, %get3A_994, %get3A_995] {strides = array<i32>} : memref<4x64x128xf32, #tpu.memory_space<vmem>>, vector<16xf32>,
        %add3A_997 = arith.constant 16 : i32
        %add3A_998 = arith.addi %add3A_997, %add3A_901 : i32
        %get3A_999 = arith.constant 2 : i32
        %get3A_1000 = arith.index_cast %get3A_999 : i32 to index
        %get3A_1001 = arith.index_cast %add3A_998 : i32 to index
        %get3A_1002 = arith.constant 16 : index
        %get3A_1003 = tpu.vector_load %arg13[%get3A_1000, %get3A_1001, %get3A_1002] {strides = array<i32>} : memref<4x64x128xf32, #tpu.memory_space<vmem>>, vector<16xf32>,
        %add3A_1004 = arith.constant 16 : i32
        %add3A_1005 = arith.addi %add3A_1004, %add3A_901 : i32
        %get3A_1006 = arith.constant 2 : i32
        %get3A_1007 = arith.index_cast %get3A_1006 : i32 to index
        %get3A_1008 = arith.index_cast %add3A_1005 : i32 to index
        %get3A_1009 = arith.constant 16 : index
        %get3A_1010 = tpu.vector_load %arg14[%get3A_1007, %get3A_1008, %get3A_1009] {strides = array<i32>} : memref<4x64x128xf32, #tpu.memory_space<vmem>>, vector<16xf32>,
        %add3A_1011 = arith.constant 32 : i32
        %add3A_1012 = arith.addi %add3A_1011, %add3A_901 : i32
        %get3A_1013 = arith.constant 2 : i32
        %get3A_1014 = arith.index_cast %get3A_1013 : i32 to index
        %get3A_1015 = arith.index_cast %add3A_1012 : i32 to index
        %get3A_1016 = arith.constant 16 : index
        %get3A_1017 = tpu.vector_load %arg13[%get3A_1014, %get3A_1015, %get3A_1016] {strides = array<i32>} : memref<4x64x128xf32, #tpu.memory_space<vmem>>, vector<16xf32>,
        %add3A_1018 = arith.constant 32 : i32
        %add3A_1019 = arith.addi %add3A_1018, %add3A_901 : i32
        %get3A_1020 = arith.constant 2 : i32
        %get3A_1021 = arith.index_cast %get3A_1020 : i32 to index
        %get3A_1022 = arith.index_cast %add3A_1019 : i32 to index
        %get3A_1023 = arith.constant 16 : index
        %get3A_1024 = tpu.vector_load %arg14[%get3A_1021, %get3A_1022, %get3A_1023] {strides = array<i32>} : memref<4x64x128xf32, #tpu.memory_space<vmem>>, vector<16xf32>,
        %add3A_1025 = arith.constant 48 : i32
        %add3A_1026 = arith.addi %add3A_1025, %add3A_901 : i32
        %get3A_1027 = arith.constant 2 : i32
        %get3A_1028 = arith.index_cast %get3A_1027 : i32 to index
        %get3A_1029 = arith.index_cast %add3A_1026 : i32 to index
        %get3A_1030 = arith.constant 16 : index
        %get3A_1031 = tpu.vector_load %arg13[%get3A_1028, %get3A_1029, %get3A_1030] {strides = array<i32>} : memref<4x64x128xf32, #tpu.memory_space<vmem>>, vector<16xf32>,
        %add3A_1032 = arith.constant 48 : i32
        %add3A_1033 = arith.addi %add3A_1032, %add3A_901 : i32
        %get3A_1034 = arith.constant 2 : i32
        %get3A_1035 = arith.index_cast %get3A_1034 : i32 to index
        %get3A_1036 = arith.index_cast %add3A_1033 : i32 to index
        %get3A_1037 = arith.constant 16 : index
        %get3A_1038 = tpu.vector_load %arg14[%get3A_1035, %get3A_1036, %get3A_1037] {strides = array<i32>} : memref<4x64x128xf32, #tpu.memory_space<vmem>>, vector<16xf32>,
        %get3A_1039 = arith.constant 2 : i32
        %get3A_1040 = arith.index_cast %get3A_1039 : i32 to index
        %get3A_1041 = arith.index_cast %add3A_901 : i32 to index
        %get3A_1042 = arith.constant 16 : index
        %get3A_1043 = tpu.vector_load %arg15[%get3A_1040, %get3A_1041, %get3A_1042] {strides = array<i32>} : memref<4x16x128xf32, #tpu.memory_space<vmem>>, vector<16xf32>,
        %get3A_1044 = arith.constant 2 : i32
        %get3A_1045 = arith.index_cast %get3A_1044 : i32 to index
        %get3A_1046 = arith.index_cast %add3A_901 : i32 to index
        %get3A_1047 = arith.constant 16 : index
        %get3A_1048 = tpu.vector_load %arg16[%get3A_1045, %get3A_1046, %get3A_1047] {strides = array<i32>} : memref<4x16x128xf32, #tpu.memory_space<vmem>>, vector<16xf32>,
        %mul3A_1049 = arith.mulf %get3A_991, %get3A_1043 : vector<16xf32>
        %mul3A_1050 = arith.mulf %get3A_996, %get3A_1048 : vector<16xf32>
        %sub3A_1051 = arith.subf %mul3A_1049, %mul3A_1050 : vector<16xf32>
        %sub3A_1052 = arith.subf %sub3A_1051, %get3A_1003 : vector<16xf32>
        %mul3A_1053 = arith.mulf %get3A_991, %get3A_1048 : vector<16xf32>
        %mul3A_1054 = arith.mulf %get3A_996, %get3A_1043 : vector<16xf32>
        %add3A_1055 = arith.addf %mul3A_1053, %mul3A_1054 : vector<16xf32>
        %sub3A_1056 = arith.subf %add3A_1055, %get3A_1010 : vector<16xf32>
        %mul3A_1057 = arith.mulf %sub3A_1052, %sub3A_1052 : vector<16xf32>
        %add3A_1058 = arith.addf %add3A_974, %mul3A_1057 : vector<16xf32>
        %mul3A_1059 = arith.mulf %sub3A_1056, %sub3A_1056 : vector<16xf32>
        %add3A_1060 = arith.addf %add3A_1058, %mul3A_1059 : vector<16xf32>
        %mul3A_1061 = arith.mulf %get3A_1017, %get3A_1043 : vector<16xf32>
        %mul3A_1062 = arith.mulf %get3A_1024, %get3A_1048 : vector<16xf32>
        %sub3A_1063 = arith.subf %mul3A_1061, %mul3A_1062 : vector<16xf32>
        %sub3A_1064 = arith.subf %sub3A_1063, %get3A_1031 : vector<16xf32>
        %mul3A_1065 = arith.mulf %get3A_1017, %get3A_1048 : vector<16xf32>
        %mul3A_1066 = arith.mulf %get3A_1024, %get3A_1043 : vector<16xf32>
        %add3A_1067 = arith.addf %mul3A_1065, %mul3A_1066 : vector<16xf32>
        %sub3A_1068 = arith.subf %add3A_1067, %get3A_1038 : vector<16xf32>
        %mul3A_1069 = arith.mulf %sub3A_1064, %sub3A_1064 : vector<16xf32>
        %add3A_1070 = arith.addf %add3A_986, %mul3A_1069 : vector<16xf32>
        %mul3A_1071 = arith.mulf %sub3A_1068, %sub3A_1068 : vector<16xf32>
        %add3A_1072 = arith.addf %add3A_1070, %mul3A_1071 : vector<16xf32>
        %get3A_1073 = arith.constant 2 : i32
        %get3A_1074 = arith.index_cast %get3A_1073 : i32 to index
        %get3A_1075 = arith.index_cast %add3A_901 : i32 to index
        %get3A_1076 = arith.constant 32 : index
        %get3A_1077 = tpu.vector_load %arg13[%get3A_1074, %get3A_1075, %get3A_1076] {strides = array<i32>} : memref<4x64x128xf32, #tpu.memory_space<vmem>>, vector<16xf32>,
        %get3A_1078 = arith.constant 2 : i32
        %get3A_1079 = arith.index_cast %get3A_1078 : i32 to index
        %get3A_1080 = arith.index_cast %add3A_901 : i32 to index
        %get3A_1081 = arith.constant 32 : index
        %get3A_1082 = tpu.vector_load %arg14[%get3A_1079, %get3A_1080, %get3A_1081] {strides = array<i32>} : memref<4x64x128xf32, #tpu.memory_space<vmem>>, vector<16xf32>,
        %add3A_1083 = arith.constant 16 : i32
        %add3A_1084 = arith.addi %add3A_1083, %add3A_901 : i32
        %get3A_1085 = arith.constant 2 : i32
        %get3A_1086 = arith.index_cast %get3A_1085 : i32 to index
        %get3A_1087 = arith.index_cast %add3A_1084 : i32 to index
        %get3A_1088 = arith.constant 32 : index
        %get3A_1089 = tpu.vector_load %arg13[%get3A_1086, %get3A_1087, %get3A_1088] {strides = array<i32>} : memref<4x64x128xf32, #tpu.memory_space<vmem>>, vector<16xf32>,
        %add3A_1090 = arith.constant 16 : i32
        %add3A_1091 = arith.addi %add3A_1090, %add3A_901 : i32
        %get3A_1092 = arith.constant 2 : i32
        %get3A_1093 = arith.index_cast %get3A_1092 : i32 to index
        %get3A_1094 = arith.index_cast %add3A_1091 : i32 to index
        %get3A_1095 = arith.constant 32 : index
        %get3A_1096 = tpu.vector_load %arg14[%get3A_1093, %get3A_1094, %get3A_1095] {strides = array<i32>} : memref<4x64x128xf32, #tpu.memory_space<vmem>>, vector<16xf32>,
        %add3A_1097 = arith.constant 32 : i32
        %add3A_1098 = arith.addi %add3A_1097, %add3A_901 : i32
        %get3A_1099 = arith.constant 2 : i32
        %get3A_1100 = arith.index_cast %get3A_1099 : i32 to index
        %get3A_1101 = arith.index_cast %add3A_1098 : i32 to index
        %get3A_1102 = arith.constant 32 : index
        %get3A_1103 = tpu.vector_load %arg13[%get3A_1100, %get3A_1101, %get3A_1102] {strides = array<i32>} : memref<4x64x128xf32, #tpu.memory_space<vmem>>, vector<16xf32>,
        %add3A_1104 = arith.constant 32 : i32
        %add3A_1105 = arith.addi %add3A_1104, %add3A_901 : i32
        %get3A_1106 = arith.constant 2 : i32
        %get3A_1107 = arith.index_cast %get3A_1106 : i32 to index
        %get3A_1108 = arith.index_cast %add3A_1105 : i32 to index
        %get3A_1109 = arith.constant 32 : index
        %get3A_1110 = tpu.vector_load %arg14[%get3A_1107, %get3A_1108, %get3A_1109] {strides = array<i32>} : memref<4x64x128xf32, #tpu.memory_space<vmem>>, vector<16xf32>,
        %add3A_1111 = arith.constant 48 : i32
        %add3A_1112 = arith.addi %add3A_1111, %add3A_901 : i32
        %get3A_1113 = arith.constant 2 : i32
        %get3A_1114 = arith.index_cast %get3A_1113 : i32 to index
        %get3A_1115 = arith.index_cast %add3A_1112 : i32 to index
        %get3A_1116 = arith.constant 32 : index
        %get3A_1117 = tpu.vector_load %arg13[%get3A_1114, %get3A_1115, %get3A_1116] {strides = array<i32>} : memref<4x64x128xf32, #tpu.memory_space<vmem>>, vector<16xf32>,
        %add3A_1118 = arith.constant 48 : i32
        %add3A_1119 = arith.addi %add3A_1118, %add3A_901 : i32
        %get3A_1120 = arith.constant 2 : i32
        %get3A_1121 = arith.index_cast %get3A_1120 : i32 to index
        %get3A_1122 = arith.index_cast %add3A_1119 : i32 to index
        %get3A_1123 = arith.constant 32 : index
        %get3A_1124 = tpu.vector_load %arg14[%get3A_1121, %get3A_1122, %get3A_1123] {strides = array<i32>} : memref<4x64x128xf32, #tpu.memory_space<vmem>>, vector<16xf32>,
        %get3A_1125 = arith.constant 2 : i32
        %get3A_1126 = arith.index_cast %get3A_1125 : i32 to index
        %get3A_1127 = arith.index_cast %add3A_901 : i32 to index
        %get3A_1128 = arith.constant 32 : index
        %get3A_1129 = tpu.vector_load %arg15[%get3A_1126, %get3A_1127, %get3A_1128] {strides = array<i32>} : memref<4x16x128xf32, #tpu.memory_space<vmem>>, vector<16xf32>,
        %get3A_1130 = arith.constant 2 : i32
        %get3A_1131 = arith.index_cast %get3A_1130 : i32 to index
        %get3A_1132 = arith.index_cast %add3A_901 : i32 to index
        %get3A_1133 = arith.constant 32 : index
        %get3A_1134 = tpu.vector_load %arg16[%get3A_1131, %get3A_1132, %get3A_1133] {strides = array<i32>} : memref<4x16x128xf32, #tpu.memory_space<vmem>>, vector<16xf32>,
        %mul3A_1135 = arith.mulf %get3A_1077, %get3A_1129 : vector<16xf32>
        %mul3A_1136 = arith.mulf %get3A_1082, %get3A_1134 : vector<16xf32>
        %sub3A_1137 = arith.subf %mul3A_1135, %mul3A_1136 : vector<16xf32>
        %sub3A_1138 = arith.subf %sub3A_1137, %get3A_1089 : vector<16xf32>
        %mul3A_1139 = arith.mulf %get3A_1077, %get3A_1134 : vector<16xf32>
        %mul3A_1140 = arith.mulf %get3A_1082, %get3A_1129 : vector<16xf32>
        %add3A_1141 = arith.addf %mul3A_1139, %mul3A_1140 : vector<16xf32>
        %sub3A_1142 = arith.subf %add3A_1141, %get3A_1096 : vector<16xf32>
        %mul3A_1143 = arith.mulf %sub3A_1138, %sub3A_1138 : vector<16xf32>
        %add3A_1144 = arith.addf %add3A_1060, %mul3A_1143 : vector<16xf32>
        %mul3A_1145 = arith.mulf %sub3A_1142, %sub3A_1142 : vector<16xf32>
        %add3A_1146 = arith.addf %add3A_1144, %mul3A_1145 : vector<16xf32>
        %mul3A_1147 = arith.mulf %get3A_1103, %get3A_1129 : vector<16xf32>
        %mul3A_1148 = arith.mulf %get3A_1110, %get3A_1134 : vector<16xf32>
        %sub3A_1149 = arith.subf %mul3A_1147, %mul3A_1148 : vector<16xf32>
        %sub3A_1150 = arith.subf %sub3A_1149, %get3A_1117 : vector<16xf32>
        %mul3A_1151 = arith.mulf %get3A_1103, %get3A_1134 : vector<16xf32>
        %mul3A_1152 = arith.mulf %get3A_1110, %get3A_1129 : vector<16xf32>
        %add3A_1153 = arith.addf %mul3A_1151, %mul3A_1152 : vector<16xf32>
        %sub3A_1154 = arith.subf %add3A_1153, %get3A_1124 : vector<16xf32>
        %mul3A_1155 = arith.mulf %sub3A_1150, %sub3A_1150 : vector<16xf32>
        %add3A_1156 = arith.addf %add3A_1072, %mul3A_1155 : vector<16xf32>
        %mul3A_1157 = arith.mulf %sub3A_1154, %sub3A_1154 : vector<16xf32>
        %add3A_1158 = arith.addf %add3A_1156, %mul3A_1157 : vector<16xf32>
        %get3A_1159 = arith.constant 2 : i32
        %get3A_1160 = arith.index_cast %get3A_1159 : i32 to index
        %get3A_1161 = arith.index_cast %add3A_901 : i32 to index
        %get3A_1162 = arith.constant 48 : index
        %get3A_1163 = tpu.vector_load %arg13[%get3A_1160, %get3A_1161, %get3A_1162] {strides = array<i32>} : memref<4x64x128xf32, #tpu.memory_space<vmem>>, vector<16xf32>,
        %get3A_1164 = arith.constant 2 : i32
        %get3A_1165 = arith.index_cast %get3A_1164 : i32 to index
        %get3A_1166 = arith.index_cast %add3A_901 : i32 to index
        %get3A_1167 = arith.constant 48 : index
        %get3A_1168 = tpu.vector_load %arg14[%get3A_1165, %get3A_1166, %get3A_1167] {strides = array<i32>} : memref<4x64x128xf32, #tpu.memory_space<vmem>>, vector<16xf32>,
        %add3A_1169 = arith.constant 16 : i32
        %add3A_1170 = arith.addi %add3A_1169, %add3A_901 : i32
        %get3A_1171 = arith.constant 2 : i32
        %get3A_1172 = arith.index_cast %get3A_1171 : i32 to index
        %get3A_1173 = arith.index_cast %add3A_1170 : i32 to index
        %get3A_1174 = arith.constant 48 : index
        %get3A_1175 = tpu.vector_load %arg13[%get3A_1172, %get3A_1173, %get3A_1174] {strides = array<i32>} : memref<4x64x128xf32, #tpu.memory_space<vmem>>, vector<16xf32>,
        %add3A_1176 = arith.constant 16 : i32
        %add3A_1177 = arith.addi %add3A_1176, %add3A_901 : i32
        %get3A_1178 = arith.constant 2 : i32
        %get3A_1179 = arith.index_cast %get3A_1178 : i32 to index
        %get3A_1180 = arith.index_cast %add3A_1177 : i32 to index
        %get3A_1181 = arith.constant 48 : index
        %get3A_1182 = tpu.vector_load %arg14[%get3A_1179, %get3A_1180, %get3A_1181] {strides = array<i32>} : memref<4x64x128xf32, #tpu.memory_space<vmem>>, vector<16xf32>,
        %add3A_1183 = arith.constant 32 : i32
        %add3A_1184 = arith.addi %add3A_1183, %add3A_901 : i32
        %get3A_1185 = arith.constant 2 : i32
        %get3A_1186 = arith.index_cast %get3A_1185 : i32 to index
        %get3A_1187 = arith.index_cast %add3A_1184 : i32 to index
        %get3A_1188 = arith.constant 48 : index
        %get3A_1189 = tpu.vector_load %arg13[%get3A_1186, %get3A_1187, %get3A_1188] {strides = array<i32>} : memref<4x64x128xf32, #tpu.memory_space<vmem>>, vector<16xf32>,
        %add3A_1190 = arith.constant 32 : i32
        %add3A_1191 = arith.addi %add3A_1190, %add3A_901 : i32
        %get3A_1192 = arith.constant 2 : i32
        %get3A_1193 = arith.index_cast %get3A_1192 : i32 to index
        %get3A_1194 = arith.index_cast %add3A_1191 : i32 to index
        %get3A_1195 = arith.constant 48 : index
        %get3A_1196 = tpu.vector_load %arg14[%get3A_1193, %get3A_1194, %get3A_1195] {strides = array<i32>} : memref<4x64x128xf32, #tpu.memory_space<vmem>>, vector<16xf32>,
        %add3A_1197 = arith.constant 48 : i32
        %add3A_1198 = arith.addi %add3A_1197, %add3A_901 : i32
        %get3A_1199 = arith.constant 2 : i32
        %get3A_1200 = arith.index_cast %get3A_1199 : i32 to index
        %get3A_1201 = arith.index_cast %add3A_1198 : i32 to index
        %get3A_1202 = arith.constant 48 : index
        %get3A_1203 = tpu.vector_load %arg13[%get3A_1200, %get3A_1201, %get3A_1202] {strides = array<i32>} : memref<4x64x128xf32, #tpu.memory_space<vmem>>, vector<16xf32>,
        %add3A_1204 = arith.constant 48 : i32
        %add3A_1205 = arith.addi %add3A_1204, %add3A_901 : i32
        %get3A_1206 = arith.constant 2 : i32
        %get3A_1207 = arith.index_cast %get3A_1206 : i32 to index
        %get3A_1208 = arith.index_cast %add3A_1205 : i32 to index
        %get3A_1209 = arith.constant 48 : index
        %get3A_1210 = tpu.vector_load %arg14[%get3A_1207, %get3A_1208, %get3A_1209] {strides = array<i32>} : memref<4x64x128xf32, #tpu.memory_space<vmem>>, vector<16xf32>,
        %get3A_1211 = arith.constant 2 : i32
        %get3A_1212 = arith.index_cast %get3A_1211 : i32 to index
        %get3A_1213 = arith.index_cast %add3A_901 : i32 to index
        %get3A_1214 = arith.constant 48 : index
        %get3A_1215 = tpu.vector_load %arg15[%get3A_1212, %get3A_1213, %get3A_1214] {strides = array<i32>} : memref<4x16x128xf32, #tpu.memory_space<vmem>>, vector<16xf32>,
        %get3A_1216 = arith.constant 2 : i32
        %get3A_1217 = arith.index_cast %get3A_1216 : i32 to index
        %get3A_1218 = arith.index_cast %add3A_901 : i32 to index
        %get3A_1219 = arith.constant 48 : index
        %get3A_1220 = tpu.vector_load %arg16[%get3A_1217, %get3A_1218, %get3A_1219] {strides = array<i32>} : memref<4x16x128xf32, #tpu.memory_space<vmem>>, vector<16xf32>,
        %mul3A_1221 = arith.mulf %get3A_1163, %get3A_1215 : vector<16xf32>
        %mul3A_1222 = arith.mulf %get3A_1168, %get3A_1220 : vector<16xf32>
        %sub3A_1223 = arith.subf %mul3A_1221, %mul3A_1222 : vector<16xf32>
        %sub3A_1224 = arith.subf %sub3A_1223, %get3A_1175 : vector<16xf32>
        %mul3A_1225 = arith.mulf %get3A_1163, %get3A_1220 : vector<16xf32>
        %mul3A_1226 = arith.mulf %get3A_1168, %get3A_1215 : vector<16xf32>
        %add3A_1227 = arith.addf %mul3A_1225, %mul3A_1226 : vector<16xf32>
        %sub3A_1228 = arith.subf %add3A_1227, %get3A_1182 : vector<16xf32>
        %mul3A_1229 = arith.mulf %sub3A_1224, %sub3A_1224 : vector<16xf32>
        %add3A_1230 = arith.addf %add3A_1146, %mul3A_1229 : vector<16xf32>
        %mul3A_1231 = arith.mulf %sub3A_1228, %sub3A_1228 : vector<16xf32>
        %add3A_1232 = arith.addf %add3A_1230, %mul3A_1231 : vector<16xf32>
        %mul3A_1233 = arith.mulf %get3A_1189, %get3A_1215 : vector<16xf32>
        %mul3A_1234 = arith.mulf %get3A_1196, %get3A_1220 : vector<16xf32>
        %sub3A_1235 = arith.subf %mul3A_1233, %mul3A_1234 : vector<16xf32>
        %sub3A_1236 = arith.subf %sub3A_1235, %get3A_1203 : vector<16xf32>
        %mul3A_1237 = arith.mulf %get3A_1189, %get3A_1220 : vector<16xf32>
        %mul3A_1238 = arith.mulf %get3A_1196, %get3A_1215 : vector<16xf32>
        %add3A_1239 = arith.addf %mul3A_1237, %mul3A_1238 : vector<16xf32>
        %sub3A_1240 = arith.subf %add3A_1239, %get3A_1210 : vector<16xf32>
        %mul3A_1241 = arith.mulf %sub3A_1236, %sub3A_1236 : vector<16xf32>
        %add3A_1242 = arith.addf %add3A_1158, %mul3A_1241 : vector<16xf32>
        %mul3A_1243 = arith.mulf %sub3A_1240, %sub3A_1240 : vector<16xf32>
        %add3A_1244 = arith.addf %add3A_1242, %mul3A_1243 : vector<16xf32>
        %get3A_1245 = arith.constant 2 : i32
        %get3A_1246 = arith.index_cast %get3A_1245 : i32 to index
        %get3A_1247 = arith.index_cast %add3A_901 : i32 to index
        %get3A_1248 = arith.constant 64 : index
        %get3A_1249 = tpu.vector_load %arg13[%get3A_1246, %get3A_1247, %get3A_1248] {strides = array<i32>} : memref<4x64x128xf32, #tpu.memory_space<vmem>>, vector<16xf32>,
        %get3A_1250 = arith.constant 2 : i32
        %get3A_1251 = arith.index_cast %get3A_1250 : i32 to index
        %get3A_1252 = arith.index_cast %add3A_901 : i32 to index
        %get3A_1253 = arith.constant 64 : index
        %get3A_1254 = tpu.vector_load %arg14[%get3A_1251, %get3A_1252, %get3A_1253] {strides = array<i32>} : memref<4x64x128xf32, #tpu.memory_space<vmem>>, vector<16xf32>,
        %add3A_1255 = arith.constant 16 : i32
        %add3A_1256 = arith.addi %add3A_1255, %add3A_901 : i32
        %get3A_1257 = arith.constant 2 : i32
        %get3A_1258 = arith.index_cast %get3A_1257 : i32 to index
        %get3A_1259 = arith.index_cast %add3A_1256 : i32 to index
        %get3A_1260 = arith.constant 64 : index
        %get3A_1261 = tpu.vector_load %arg13[%get3A_1258, %get3A_1259, %get3A_1260] {strides = array<i32>} : memref<4x64x128xf32, #tpu.memory_space<vmem>>, vector<16xf32>,
        %add3A_1262 = arith.constant 16 : i32
        %add3A_1263 = arith.addi %add3A_1262, %add3A_901 : i32
        %get3A_1264 = arith.constant 2 : i32
        %get3A_1265 = arith.index_cast %get3A_1264 : i32 to index
        %get3A_1266 = arith.index_cast %add3A_1263 : i32 to index
        %get3A_1267 = arith.constant 64 : index
        %get3A_1268 = tpu.vector_load %arg14[%get3A_1265, %get3A_1266, %get3A_1267] {strides = array<i32>} : memref<4x64x128xf32, #tpu.memory_space<vmem>>, vector<16xf32>,
        %add3A_1269 = arith.constant 32 : i32
        %add3A_1270 = arith.addi %add3A_1269, %add3A_901 : i32
        %get3A_1271 = arith.constant 2 : i32
        %get3A_1272 = arith.index_cast %get3A_1271 : i32 to index
        %get3A_1273 = arith.index_cast %add3A_1270 : i32 to index
        %get3A_1274 = arith.constant 64 : index
        %get3A_1275 = tpu.vector_load %arg13[%get3A_1272, %get3A_1273, %get3A_1274] {strides = array<i32>} : memref<4x64x128xf32, #tpu.memory_space<vmem>>, vector<16xf32>,
        %add3A_1276 = arith.constant 32 : i32
        %add3A_1277 = arith.addi %add3A_1276, %add3A_901 : i32
        %get3A_1278 = arith.constant 2 : i32
        %get3A_1279 = arith.index_cast %get3A_1278 : i32 to index
        %get3A_1280 = arith.index_cast %add3A_1277 : i32 to index
        %get3A_1281 = arith.constant 64 : index
        %get3A_1282 = tpu.vector_load %arg14[%get3A_1279, %get3A_1280, %get3A_1281] {strides = array<i32>} : memref<4x64x128xf32, #tpu.memory_space<vmem>>, vector<16xf32>,
        %add3A_1283 = arith.constant 48 : i32
        %add3A_1284 = arith.addi %add3A_1283, %add3A_901 : i32
        %get3A_1285 = arith.constant 2 : i32
        %get3A_1286 = arith.index_cast %get3A_1285 : i32 to index
        %get3A_1287 = arith.index_cast %add3A_1284 : i32 to index
        %get3A_1288 = arith.constant 64 : index
        %get3A_1289 = tpu.vector_load %arg13[%get3A_1286, %get3A_1287, %get3A_1288] {strides = array<i32>} : memref<4x64x128xf32, #tpu.memory_space<vmem>>, vector<16xf32>,
        %add3A_1290 = arith.constant 48 : i32
        %add3A_1291 = arith.addi %add3A_1290, %add3A_901 : i32
        %get3A_1292 = arith.constant 2 : i32
        %get3A_1293 = arith.index_cast %get3A_1292 : i32 to index
        %get3A_1294 = arith.index_cast %add3A_1291 : i32 to index
        %get3A_1295 = arith.constant 64 : index
        %get3A_1296 = tpu.vector_load %arg14[%get3A_1293, %get3A_1294, %get3A_1295] {strides = array<i32>} : memref<4x64x128xf32, #tpu.memory_space<vmem>>, vector<16xf32>,
        %get3A_1297 = arith.constant 2 : i32
        %get3A_1298 = arith.index_cast %get3A_1297 : i32 to index
        %get3A_1299 = arith.index_cast %add3A_901 : i32 to index
        %get3A_1300 = arith.constant 64 : index
        %get3A_1301 = tpu.vector_load %arg15[%get3A_1298, %get3A_1299, %get3A_1300] {strides = array<i32>} : memref<4x16x128xf32, #tpu.memory_space<vmem>>, vector<16xf32>,
        %get3A_1302 = arith.constant 2 : i32
        %get3A_1303 = arith.index_cast %get3A_1302 : i32 to index
        %get3A_1304 = arith.index_cast %add3A_901 : i32 to index
        %get3A_1305 = arith.constant 64 : index
        %get3A_1306 = tpu.vector_load %arg16[%get3A_1303, %get3A_1304, %get3A_1305] {strides = array<i32>} : memref<4x16x128xf32, #tpu.memory_space<vmem>>, vector<16xf32>,
        %mul3A_1307 = arith.mulf %get3A_1249, %get3A_1301 : vector<16xf32>
        %mul3A_1308 = arith.mulf %get3A_1254, %get3A_1306 : vector<16xf32>
        %sub3A_1309 = arith.subf %mul3A_1307, %mul3A_1308 : vector<16xf32>
        %sub3A_1310 = arith.subf %sub3A_1309, %get3A_1261 : vector<16xf32>
        %mul3A_1311 = arith.mulf %get3A_1249, %get3A_1306 : vector<16xf32>
        %mul3A_1312 = arith.mulf %get3A_1254, %get3A_1301 : vector<16xf32>
        %add3A_1313 = arith.addf %mul3A_1311, %mul3A_1312 : vector<16xf32>
        %sub3A_1314 = arith.subf %add3A_1313, %get3A_1268 : vector<16xf32>
        %mul3A_1315 = arith.mulf %sub3A_1310, %sub3A_1310 : vector<16xf32>
        %add3A_1316 = arith.addf %add3A_1232, %mul3A_1315 : vector<16xf32>
        %mul3A_1317 = arith.mulf %sub3A_1314, %sub3A_1314 : vector<16xf32>
        %add3A_1318 = arith.addf %add3A_1316, %mul3A_1317 : vector<16xf32>
        %mul3A_1319 = arith.mulf %get3A_1275, %get3A_1301 : vector<16xf32>
        %mul3A_1320 = arith.mulf %get3A_1282, %get3A_1306 : vector<16xf32>
        %sub3A_1321 = arith.subf %mul3A_1319, %mul3A_1320 : vector<16xf32>
        %sub3A_1322 = arith.subf %sub3A_1321, %get3A_1289 : vector<16xf32>
        %mul3A_1323 = arith.mulf %get3A_1275, %get3A_1306 : vector<16xf32>
        %mul3A_1324 = arith.mulf %get3A_1282, %get3A_1301 : vector<16xf32>
        %add3A_1325 = arith.addf %mul3A_1323, %mul3A_1324 : vector<16xf32>
        %sub3A_1326 = arith.subf %add3A_1325, %get3A_1296 : vector<16xf32>
        %mul3A_1327 = arith.mulf %sub3A_1322, %sub3A_1322 : vector<16xf32>
        %add3A_1328 = arith.addf %add3A_1244, %mul3A_1327 : vector<16xf32>
        %mul3A_1329 = arith.mulf %sub3A_1326, %sub3A_1326 : vector<16xf32>
        %add3A_1330 = arith.addf %add3A_1328, %mul3A_1329 : vector<16xf32>
        %get3A_1331 = arith.constant 2 : i32
        %get3A_1332 = arith.index_cast %get3A_1331 : i32 to index
        %get3A_1333 = arith.index_cast %add3A_901 : i32 to index
        %get3A_1334 = arith.constant 80 : index
        %get3A_1335 = tpu.vector_load %arg13[%get3A_1332, %get3A_1333, %get3A_1334] {strides = array<i32>} : memref<4x64x128xf32, #tpu.memory_space<vmem>>, vector<16xf32>,
        %get3A_1336 = arith.constant 2 : i32
        %get3A_1337 = arith.index_cast %get3A_1336 : i32 to index
        %get3A_1338 = arith.index_cast %add3A_901 : i32 to index
        %get3A_1339 = arith.constant 80 : index
        %get3A_1340 = tpu.vector_load %arg14[%get3A_1337, %get3A_1338, %get3A_1339] {strides = array<i32>} : memref<4x64x128xf32, #tpu.memory_space<vmem>>, vector<16xf32>,
        %add3A_1341 = arith.constant 16 : i32
        %add3A_1342 = arith.addi %add3A_1341, %add3A_901 : i32
        %get3A_1343 = arith.constant 2 : i32
        %get3A_1344 = arith.index_cast %get3A_1343 : i32 to index
        %get3A_1345 = arith.index_cast %add3A_1342 : i32 to index
        %get3A_1346 = arith.constant 80 : index
        %get3A_1347 = tpu.vector_load %arg13[%get3A_1344, %get3A_1345, %get3A_1346] {strides = array<i32>} : memref<4x64x128xf32, #tpu.memory_space<vmem>>, vector<16xf32>,
        %add3A_1348 = arith.constant 16 : i32
        %add3A_1349 = arith.addi %add3A_1348, %add3A_901 : i32
        %get3A_1350 = arith.constant 2 : i32
        %get3A_1351 = arith.index_cast %get3A_1350 : i32 to index
        %get3A_1352 = arith.index_cast %add3A_1349 : i32 to index
        %get3A_1353 = arith.constant 80 : index
        %get3A_1354 = tpu.vector_load %arg14[%get3A_1351, %get3A_1352, %get3A_1353] {strides = array<i32>} : memref<4x64x128xf32, #tpu.memory_space<vmem>>, vector<16xf32>,
        %add3A_1355 = arith.constant 32 : i32
        %add3A_1356 = arith.addi %add3A_1355, %add3A_901 : i32
        %get3A_1357 = arith.constant 2 : i32
        %get3A_1358 = arith.index_cast %get3A_1357 : i32 to index
        %get3A_1359 = arith.index_cast %add3A_1356 : i32 to index
        %get3A_1360 = arith.constant 80 : index
        %get3A_1361 = tpu.vector_load %arg13[%get3A_1358, %get3A_1359, %get3A_1360] {strides = array<i32>} : memref<4x64x128xf32, #tpu.memory_space<vmem>>, vector<16xf32>,
        %add3A_1362 = arith.constant 32 : i32
        %add3A_1363 = arith.addi %add3A_1362, %add3A_901 : i32
        %get3A_1364 = arith.constant 2 : i32
        %get3A_1365 = arith.index_cast %get3A_1364 : i32 to index
        %get3A_1366 = arith.index_cast %add3A_1363 : i32 to index
        %get3A_1367 = arith.constant 80 : index
        %get3A_1368 = tpu.vector_load %arg14[%get3A_1365, %get3A_1366, %get3A_1367] {strides = array<i32>} : memref<4x64x128xf32, #tpu.memory_space<vmem>>, vector<16xf32>,
        %add3A_1369 = arith.constant 48 : i32
        %add3A_1370 = arith.addi %add3A_1369, %add3A_901 : i32
        %get3A_1371 = arith.constant 2 : i32
        %get3A_1372 = arith.index_cast %get3A_1371 : i32 to index
        %get3A_1373 = arith.index_cast %add3A_1370 : i32 to index
        %get3A_1374 = arith.constant 80 : index
        %get3A_1375 = tpu.vector_load %arg13[%get3A_1372, %get3A_1373, %get3A_1374] {strides = array<i32>} : memref<4x64x128xf32, #tpu.memory_space<vmem>>, vector<16xf32>,
        %add3A_1376 = arith.constant 48 : i32
        %add3A_1377 = arith.addi %add3A_1376, %add3A_901 : i32
        %get3A_1378 = arith.constant 2 : i32
        %get3A_1379 = arith.index_cast %get3A_1378 : i32 to index
        %get3A_1380 = arith.index_cast %add3A_1377 : i32 to index
        %get3A_1381 = arith.constant 80 : index
        %get3A_1382 = tpu.vector_load %arg14[%get3A_1379, %get3A_1380, %get3A_1381] {strides = array<i32>} : memref<4x64x128xf32, #tpu.memory_space<vmem>>, vector<16xf32>,
        %get3A_1383 = arith.constant 2 : i32
        %get3A_1384 = arith.index_cast %get3A_1383 : i32 to index
        %get3A_1385 = arith.index_cast %add3A_901 : i32 to index
        %get3A_1386 = arith.constant 80 : index
        %get3A_1387 = tpu.vector_load %arg15[%get3A_1384, %get3A_1385, %get3A_1386] {strides = array<i32>} : memref<4x16x128xf32, #tpu.memory_space<vmem>>, vector<16xf32>,
        %get3A_1388 = arith.constant 2 : i32
        %get3A_1389 = arith.index_cast %get3A_1388 : i32 to index
        %get3A_1390 = arith.index_cast %add3A_901 : i32 to index
        %get3A_1391 = arith.constant 80 : index
        %get3A_1392 = tpu.vector_load %arg16[%get3A_1389, %get3A_1390, %get3A_1391] {strides = array<i32>} : memref<4x16x128xf32, #tpu.memory_space<vmem>>, vector<16xf32>,
        %mul3A_1393 = arith.mulf %get3A_1335, %get3A_1387 : vector<16xf32>
        %mul3A_1394 = arith.mulf %get3A_1340, %get3A_1392 : vector<16xf32>
        %sub3A_1395 = arith.subf %mul3A_1393, %mul3A_1394 : vector<16xf32>
        %sub3A_1396 = arith.subf %sub3A_1395, %get3A_1347 : vector<16xf32>
        %mul3A_1397 = arith.mulf %get3A_1335, %get3A_1392 : vector<16xf32>
        %mul3A_1398 = arith.mulf %get3A_1340, %get3A_1387 : vector<16xf32>
        %add3A_1399 = arith.addf %mul3A_1397, %mul3A_1398 : vector<16xf32>
        %sub3A_1400 = arith.subf %add3A_1399, %get3A_1354 : vector<16xf32>
        %mul3A_1401 = arith.mulf %sub3A_1396, %sub3A_1396 : vector<16xf32>
        %add3A_1402 = arith.addf %add3A_1318, %mul3A_1401 : vector<16xf32>
        %mul3A_1403 = arith.mulf %sub3A_1400, %sub3A_1400 : vector<16xf32>
        %add3A_1404 = arith.addf %add3A_1402, %mul3A_1403 : vector<16xf32>
        %mul3A_1405 = arith.mulf %get3A_1361, %get3A_1387 : vector<16xf32>
        %mul3A_1406 = arith.mulf %get3A_1368, %get3A_1392 : vector<16xf32>
        %sub3A_1407 = arith.subf %mul3A_1405, %mul3A_1406 : vector<16xf32>
        %sub3A_1408 = arith.subf %sub3A_1407, %get3A_1375 : vector<16xf32>
        %mul3A_1409 = arith.mulf %get3A_1361, %get3A_1392 : vector<16xf32>
        %mul3A_1410 = arith.mulf %get3A_1368, %get3A_1387 : vector<16xf32>
        %add3A_1411 = arith.addf %mul3A_1409, %mul3A_1410 : vector<16xf32>
        %sub3A_1412 = arith.subf %add3A_1411, %get3A_1382 : vector<16xf32>
        %mul3A_1413 = arith.mulf %sub3A_1408, %sub3A_1408 : vector<16xf32>
        %add3A_1414 = arith.addf %add3A_1330, %mul3A_1413 : vector<16xf32>
        %mul3A_1415 = arith.mulf %sub3A_1412, %sub3A_1412 : vector<16xf32>
        %add3A_1416 = arith.addf %add3A_1414, %mul3A_1415 : vector<16xf32>
        %get3A_1417 = arith.constant 2 : i32
        %get3A_1418 = arith.index_cast %get3A_1417 : i32 to index
        %get3A_1419 = arith.index_cast %add3A_901 : i32 to index
        %get3A_1420 = arith.constant 96 : index
        %get3A_1421 = tpu.vector_load %arg13[%get3A_1418, %get3A_1419, %get3A_1420] {strides = array<i32>} : memref<4x64x128xf32, #tpu.memory_space<vmem>>, vector<16xf32>,
        %get3A_1422 = arith.constant 2 : i32
        %get3A_1423 = arith.index_cast %get3A_1422 : i32 to index
        %get3A_1424 = arith.index_cast %add3A_901 : i32 to index
        %get3A_1425 = arith.constant 96 : index
        %get3A_1426 = tpu.vector_load %arg14[%get3A_1423, %get3A_1424, %get3A_1425] {strides = array<i32>} : memref<4x64x128xf32, #tpu.memory_space<vmem>>, vector<16xf32>,
        %add3A_1427 = arith.constant 16 : i32
        %add3A_1428 = arith.addi %add3A_1427, %add3A_901 : i32
        %get3A_1429 = arith.constant 2 : i32
        %get3A_1430 = arith.index_cast %get3A_1429 : i32 to index
        %get3A_1431 = arith.index_cast %add3A_1428 : i32 to index
        %get3A_1432 = arith.constant 96 : index
        %get3A_1433 = tpu.vector_load %arg13[%get3A_1430, %get3A_1431, %get3A_1432] {strides = array<i32>} : memref<4x64x128xf32, #tpu.memory_space<vmem>>, vector<16xf32>,
        %add3A_1434 = arith.constant 16 : i32
        %add3A_1435 = arith.addi %add3A_1434, %add3A_901 : i32
        %get3A_1436 = arith.constant 2 : i32
        %get3A_1437 = arith.index_cast %get3A_1436 : i32 to index
        %get3A_1438 = arith.index_cast %add3A_1435 : i32 to index
        %get3A_1439 = arith.constant 96 : index
        %get3A_1440 = tpu.vector_load %arg14[%get3A_1437, %get3A_1438, %get3A_1439] {strides = array<i32>} : memref<4x64x128xf32, #tpu.memory_space<vmem>>, vector<16xf32>,
        %add3A_1441 = arith.constant 32 : i32
        %add3A_1442 = arith.addi %add3A_1441, %add3A_901 : i32
        %get3A_1443 = arith.constant 2 : i32
        %get3A_1444 = arith.index_cast %get3A_1443 : i32 to index
        %get3A_1445 = arith.index_cast %add3A_1442 : i32 to index
        %get3A_1446 = arith.constant 96 : index
        %get3A_1447 = tpu.vector_load %arg13[%get3A_1444, %get3A_1445, %get3A_1446] {strides = array<i32>} : memref<4x64x128xf32, #tpu.memory_space<vmem>>, vector<16xf32>,
        %add3A_1448 = arith.constant 32 : i32
        %add3A_1449 = arith.addi %add3A_1448, %add3A_901 : i32
        %get3A_1450 = arith.constant 2 : i32
        %get3A_1451 = arith.index_cast %get3A_1450 : i32 to index
        %get3A_1452 = arith.index_cast %add3A_1449 : i32 to index
        %get3A_1453 = arith.constant 96 : index
        %get3A_1454 = tpu.vector_load %arg14[%get3A_1451, %get3A_1452, %get3A_1453] {strides = array<i32>} : memref<4x64x128xf32, #tpu.memory_space<vmem>>, vector<16xf32>,
        %add3A_1455 = arith.constant 48 : i32
        %add3A_1456 = arith.addi %add3A_1455, %add3A_901 : i32
        %get3A_1457 = arith.constant 2 : i32
        %get3A_1458 = arith.index_cast %get3A_1457 : i32 to index
        %get3A_1459 = arith.index_cast %add3A_1456 : i32 to index
        %get3A_1460 = arith.constant 96 : index
        %get3A_1461 = tpu.vector_load %arg13[%get3A_1458, %get3A_1459, %get3A_1460] {strides = array<i32>} : memref<4x64x128xf32, #tpu.memory_space<vmem>>, vector<16xf32>,
        %add3A_1462 = arith.constant 48 : i32
        %add3A_1463 = arith.addi %add3A_1462, %add3A_901 : i32
        %get3A_1464 = arith.constant 2 : i32
        %get3A_1465 = arith.index_cast %get3A_1464 : i32 to index
        %get3A_1466 = arith.index_cast %add3A_1463 : i32 to index
        %get3A_1467 = arith.constant 96 : index
        %get3A_1468 = tpu.vector_load %arg14[%get3A_1465, %get3A_1466, %get3A_1467] {strides = array<i32>} : memref<4x64x128xf32, #tpu.memory_space<vmem>>, vector<16xf32>,
        %get3A_1469 = arith.constant 2 : i32
        %get3A_1470 = arith.index_cast %get3A_1469 : i32 to index
        %get3A_1471 = arith.index_cast %add3A_901 : i32 to index
        %get3A_1472 = arith.constant 96 : index
        %get3A_1473 = tpu.vector_load %arg15[%get3A_1470, %get3A_1471, %get3A_1472] {strides = array<i32>} : memref<4x16x128xf32, #tpu.memory_space<vmem>>, vector<16xf32>,
        %get3A_1474 = arith.constant 2 : i32
        %get3A_1475 = arith.index_cast %get3A_1474 : i32 to index
        %get3A_1476 = arith.index_cast %add3A_901 : i32 to index
        %get3A_1477 = arith.constant 96 : index
        %get3A_1478 = tpu.vector_load %arg16[%get3A_1475, %get3A_1476, %get3A_1477] {strides = array<i32>} : memref<4x16x128xf32, #tpu.memory_space<vmem>>, vector<16xf32>,
        %mul3A_1479 = arith.mulf %get3A_1421, %get3A_1473 : vector<16xf32>
        %mul3A_1480 = arith.mulf %get3A_1426, %get3A_1478 : vector<16xf32>
        %sub3A_1481 = arith.subf %mul3A_1479, %mul3A_1480 : vector<16xf32>
        %sub3A_1482 = arith.subf %sub3A_1481, %get3A_1433 : vector<16xf32>
        %mul3A_1483 = arith.mulf %get3A_1421, %get3A_1478 : vector<16xf32>
        %mul3A_1484 = arith.mulf %get3A_1426, %get3A_1473 : vector<16xf32>
        %add3A_1485 = arith.addf %mul3A_1483, %mul3A_1484 : vector<16xf32>
        %sub3A_1486 = arith.subf %add3A_1485, %get3A_1440 : vector<16xf32>
        %mul3A_1487 = arith.mulf %sub3A_1482, %sub3A_1482 : vector<16xf32>
        %add3A_1488 = arith.addf %add3A_1404, %mul3A_1487 : vector<16xf32>
        %mul3A_1489 = arith.mulf %sub3A_1486, %sub3A_1486 : vector<16xf32>
        %add3A_1490 = arith.addf %add3A_1488, %mul3A_1489 : vector<16xf32>
        %mul3A_1491 = arith.mulf %get3A_1447, %get3A_1473 : vector<16xf32>
        %mul3A_1492 = arith.mulf %get3A_1454, %get3A_1478 : vector<16xf32>
        %sub3A_1493 = arith.subf %mul3A_1491, %mul3A_1492 : vector<16xf32>
        %sub3A_1494 = arith.subf %sub3A_1493, %get3A_1461 : vector<16xf32>
        %mul3A_1495 = arith.mulf %get3A_1447, %get3A_1478 : vector<16xf32>
        %mul3A_1496 = arith.mulf %get3A_1454, %get3A_1473 : vector<16xf32>
        %add3A_1497 = arith.addf %mul3A_1495, %mul3A_1496 : vector<16xf32>
        %sub3A_1498 = arith.subf %add3A_1497, %get3A_1468 : vector<16xf32>
        %mul3A_1499 = arith.mulf %sub3A_1494, %sub3A_1494 : vector<16xf32>
        %add3A_1500 = arith.addf %add3A_1416, %mul3A_1499 : vector<16xf32>
        %mul3A_1501 = arith.mulf %sub3A_1498, %sub3A_1498 : vector<16xf32>
        %add3A_1502 = arith.addf %add3A_1500, %mul3A_1501 : vector<16xf32>
        %get3A_1503 = arith.constant 2 : i32
        %get3A_1504 = arith.index_cast %get3A_1503 : i32 to index
        %get3A_1505 = arith.index_cast %add3A_901 : i32 to index
        %get3A_1506 = arith.constant 112 : index
        %get3A_1507 = tpu.vector_load %arg13[%get3A_1504, %get3A_1505, %get3A_1506] {strides = array<i32>} : memref<4x64x128xf32, #tpu.memory_space<vmem>>, vector<16xf32>,
        %get3A_1508 = arith.constant 2 : i32
        %get3A_1509 = arith.index_cast %get3A_1508 : i32 to index
        %get3A_1510 = arith.index_cast %add3A_901 : i32 to index
        %get3A_1511 = arith.constant 112 : index
        %get3A_1512 = tpu.vector_load %arg14[%get3A_1509, %get3A_1510, %get3A_1511] {strides = array<i32>} : memref<4x64x128xf32, #tpu.memory_space<vmem>>, vector<16xf32>,
        %add3A_1513 = arith.constant 16 : i32
        %add3A_1514 = arith.addi %add3A_1513, %add3A_901 : i32
        %get3A_1515 = arith.constant 2 : i32
        %get3A_1516 = arith.index_cast %get3A_1515 : i32 to index
        %get3A_1517 = arith.index_cast %add3A_1514 : i32 to index
        %get3A_1518 = arith.constant 112 : index
        %get3A_1519 = tpu.vector_load %arg13[%get3A_1516, %get3A_1517, %get3A_1518] {strides = array<i32>} : memref<4x64x128xf32, #tpu.memory_space<vmem>>, vector<16xf32>,
        %add3A_1520 = arith.constant 16 : i32
        %add3A_1521 = arith.addi %add3A_1520, %add3A_901 : i32
        %get3A_1522 = arith.constant 2 : i32
        %get3A_1523 = arith.index_cast %get3A_1522 : i32 to index
        %get3A_1524 = arith.index_cast %add3A_1521 : i32 to index
        %get3A_1525 = arith.constant 112 : index
        %get3A_1526 = tpu.vector_load %arg14[%get3A_1523, %get3A_1524, %get3A_1525] {strides = array<i32>} : memref<4x64x128xf32, #tpu.memory_space<vmem>>, vector<16xf32>,
        %add3A_1527 = arith.constant 32 : i32
        %add3A_1528 = arith.addi %add3A_1527, %add3A_901 : i32
        %get3A_1529 = arith.constant 2 : i32
        %get3A_1530 = arith.index_cast %get3A_1529 : i32 to index
        %get3A_1531 = arith.index_cast %add3A_1528 : i32 to index
        %get3A_1532 = arith.constant 112 : index
        %get3A_1533 = tpu.vector_load %arg13[%get3A_1530, %get3A_1531, %get3A_1532] {strides = array<i32>} : memref<4x64x128xf32, #tpu.memory_space<vmem>>, vector<16xf32>,
        %add3A_1534 = arith.constant 32 : i32
        %add3A_1535 = arith.addi %add3A_1534, %add3A_901 : i32
        %get3A_1536 = arith.constant 2 : i32
        %get3A_1537 = arith.index_cast %get3A_1536 : i32 to index
        %get3A_1538 = arith.index_cast %add3A_1535 : i32 to index
        %get3A_1539 = arith.constant 112 : index
        %get3A_1540 = tpu.vector_load %arg14[%get3A_1537, %get3A_1538, %get3A_1539] {strides = array<i32>} : memref<4x64x128xf32, #tpu.memory_space<vmem>>, vector<16xf32>,
        %add3A_1541 = arith.constant 48 : i32
        %add3A_1542 = arith.addi %add3A_1541, %add3A_901 : i32
        %get3A_1543 = arith.constant 2 : i32
        %get3A_1544 = arith.index_cast %get3A_1543 : i32 to index
        %get3A_1545 = arith.index_cast %add3A_1542 : i32 to index
        %get3A_1546 = arith.constant 112 : index
        %get3A_1547 = tpu.vector_load %arg13[%get3A_1544, %get3A_1545, %get3A_1546] {strides = array<i32>} : memref<4x64x128xf32, #tpu.memory_space<vmem>>, vector<16xf32>,
        %add3A_1548 = arith.constant 48 : i32
        %add3A_1549 = arith.addi %add3A_1548, %add3A_901 : i32
        %get3A_1550 = arith.constant 2 : i32
        %get3A_1551 = arith.index_cast %get3A_1550 : i32 to index
        %get3A_1552 = arith.index_cast %add3A_1549 : i32 to index
        %get3A_1553 = arith.constant 112 : index
        %get3A_1554 = tpu.vector_load %arg14[%get3A_1551, %get3A_1552, %get3A_1553] {strides = array<i32>} : memref<4x64x128xf32, #tpu.memory_space<vmem>>, vector<16xf32>,
        %get3A_1555 = arith.constant 2 : i32
        %get3A_1556 = arith.index_cast %get3A_1555 : i32 to index
        %get3A_1557 = arith.index_cast %add3A_901 : i32 to index
        %get3A_1558 = arith.constant 112 : index
        %get3A_1559 = tpu.vector_load %arg15[%get3A_1556, %get3A_1557, %get3A_1558] {strides = array<i32>} : memref<4x16x128xf32, #tpu.memory_space<vmem>>, vector<16xf32>,
        %get3A_1560 = arith.constant 2 : i32
        %get3A_1561 = arith.index_cast %get3A_1560 : i32 to index
        %get3A_1562 = arith.index_cast %add3A_901 : i32 to index
        %get3A_1563 = arith.constant 112 : index
        %get3A_1564 = tpu.vector_load %arg16[%get3A_1561, %get3A_1562, %get3A_1563] {strides = array<i32>} : memref<4x16x128xf32, #tpu.memory_space<vmem>>, vector<16xf32>,
        %mul3A_1565 = arith.mulf %get3A_1507, %get3A_1559 : vector<16xf32>
        %mul3A_1566 = arith.mulf %get3A_1512, %get3A_1564 : vector<16xf32>
        %sub3A_1567 = arith.subf %mul3A_1565, %mul3A_1566 : vector<16xf32>
        %sub3A_1568 = arith.subf %sub3A_1567, %get3A_1519 : vector<16xf32>
        %mul3A_1569 = arith.mulf %get3A_1507, %get3A_1564 : vector<16xf32>
        %mul3A_1570 = arith.mulf %get3A_1512, %get3A_1559 : vector<16xf32>
        %add3A_1571 = arith.addf %mul3A_1569, %mul3A_1570 : vector<16xf32>
        %sub3A_1572 = arith.subf %add3A_1571, %get3A_1526 : vector<16xf32>
        %mul3A_1573 = arith.mulf %sub3A_1568, %sub3A_1568 : vector<16xf32>
        %add3A_1574 = arith.addf %add3A_1490, %mul3A_1573 : vector<16xf32>
        %mul3A_1575 = arith.mulf %sub3A_1572, %sub3A_1572 : vector<16xf32>
        %add3A_1576 = arith.addf %add3A_1574, %mul3A_1575 : vector<16xf32>
        %mul3A_1577 = arith.mulf %get3A_1533, %get3A_1559 : vector<16xf32>
        %mul3A_1578 = arith.mulf %get3A_1540, %get3A_1564 : vector<16xf32>
        %sub3A_1579 = arith.subf %mul3A_1577, %mul3A_1578 : vector<16xf32>
        %sub3A_1580 = arith.subf %sub3A_1579, %get3A_1547 : vector<16xf32>
        %mul3A_1581 = arith.mulf %get3A_1533, %get3A_1564 : vector<16xf32>
        %mul3A_1582 = arith.mulf %get3A_1540, %get3A_1559 : vector<16xf32>
        %add3A_1583 = arith.addf %mul3A_1581, %mul3A_1582 : vector<16xf32>
        %sub3A_1584 = arith.subf %add3A_1583, %get3A_1554 : vector<16xf32>
        %mul3A_1585 = arith.mulf %sub3A_1580, %sub3A_1580 : vector<16xf32>
        %add3A_1586 = arith.addf %add3A_1502, %mul3A_1585 : vector<16xf32>
        %mul3A_1587 = arith.mulf %sub3A_1584, %sub3A_1584 : vector<16xf32>
        %add3A_1588 = arith.addf %add3A_1586, %mul3A_1587 : vector<16xf32>
        %reduce_sum3A = arith.constant true
        %reduce_sum3A_1589 = vector.broadcast %reduce_sum3A : i1 to vector<16xi1>
        %reduce_sum3A_1590 = tpu.scan <sum>, %add3A_1576 masked %reduce_sum3A_1589 : vector<16xf32>, vector<16xi1> -> vector<16xf32>
        %reduce_sum3A_1591 = vector.extract %reduce_sum3A_1590[15] : f32 from vector<16xf32>
        %reduce_sum3A_1592 = arith.constant true
        %reduce_sum3A_1593 = vector.broadcast %reduce_sum3A_1592 : i1 to vector<16xi1>
        %reduce_sum3A_1594 = tpu.scan <sum>, %add3A_1588 masked %reduce_sum3A_1593 : vector<16xf32>, vector<16xi1> -> vector<16xf32>
        %reduce_sum3A_1595 = vector.extract %reduce_sum3A_1594[15] : f32 from vector<16xf32>
        %eq3A = vector.broadcast %scan3A_897 : i32 to vector<16xi32>
        %eq3A_1596 = arith.cmpi eq, %iota3A, %eq3A : vector<16xi32>
        %broadcast_in_dim3A_1597 = vector.broadcast %reduce_sum3A_1591 : f32 to vector<16xf32>
        %select_n3A = arith.select %eq3A_1596, %broadcast_in_dim3A_1597, %scan3A_898 : vector<16xi1>, vector<16xf32>
        %broadcast_in_dim3A_1598 = vector.broadcast %reduce_sum3A_1595 : f32 to vector<16xf32>
        %select_n3A_1599 = arith.select %eq3A_1596, %broadcast_in_dim3A_1598, %scan3A_899 : vector<16xi1>, vector<16xf32>
        scf.yield %select_n3A, %select_n3A_1599 : vector<16xf32>, vector<16xf32>
      }
      %scan3A_625 = arith.constant 16 : i32
      %max3A_626 = arith.constant 1.000000e-30 : f32
      %max3A_627 = vector.broadcast %max3A_626 : f32 to vector<16xf32>
      %max3A_628 = arith.maximumf %scan3A_624#0, %max3A_627 : vector<16xf32>
      %bitcast_convert_type3A_629 = tpu.bitcast %max3A_628 : vector<16xf32> -> vector<16xi32>
      %shift_right_arithmetic3A_630 = arith.constant 1 : i32
      %shift_right_arithmetic3A_631 = vector.broadcast %shift_right_arithmetic3A_630 : i32 to vector<16xi32>
      %shift_right_arithmetic3A_632 = arith.shrsi %bitcast_convert_type3A_629, %shift_right_arithmetic3A_631 : vector<16xi32>
      %sub3A_633 = arith.constant 1597463007 : i32
      %sub3A_634 = vector.broadcast %sub3A_633 : i32 to vector<16xi32>
      %sub3A_635 = arith.subi %sub3A_634, %shift_right_arithmetic3A_632 : vector<16xi32>
      %bitcast_convert_type3A_636 = tpu.bitcast %sub3A_635 : vector<16xi32> -> vector<16xf32>
      %mul3A_637 = arith.constant 5.000000e-01 : f32
      %mul3A_638 = vector.broadcast %mul3A_637 : f32 to vector<16xf32>
      %mul3A_639 = arith.mulf %mul3A_638, %max3A_628 : vector<16xf32>
      %mul3A_640 = arith.mulf %mul3A_639, %bitcast_convert_type3A_636 : vector<16xf32>
      %mul3A_641 = arith.mulf %mul3A_640, %bitcast_convert_type3A_636 : vector<16xf32>
      %sub3A_642 = arith.constant 1.500000e+00 : f32
      %sub3A_643 = vector.broadcast %sub3A_642 : f32 to vector<16xf32>
      %sub3A_644 = arith.subf %sub3A_643, %mul3A_641 : vector<16xf32>
      %mul3A_645 = arith.mulf %bitcast_convert_type3A_636, %sub3A_644 : vector<16xf32>
      %mul3A_646 = arith.constant 5.000000e-01 : f32
      %mul3A_647 = vector.broadcast %mul3A_646 : f32 to vector<16xf32>
      %mul3A_648 = arith.mulf %mul3A_647, %max3A_628 : vector<16xf32>
      %mul3A_649 = arith.mulf %mul3A_648, %mul3A_645 : vector<16xf32>
      %mul3A_650 = arith.mulf %mul3A_649, %mul3A_645 : vector<16xf32>
      %sub3A_651 = arith.constant 1.500000e+00 : f32
      %sub3A_652 = vector.broadcast %sub3A_651 : f32 to vector<16xf32>
      %sub3A_653 = arith.subf %sub3A_652, %mul3A_650 : vector<16xf32>
      %mul3A_654 = arith.mulf %mul3A_645, %sub3A_653 : vector<16xf32>
      %mul3A_655 = arith.constant 5.000000e-01 : f32
      %mul3A_656 = vector.broadcast %mul3A_655 : f32 to vector<16xf32>
      %mul3A_657 = arith.mulf %mul3A_656, %max3A_628 : vector<16xf32>
      %mul3A_658 = arith.mulf %mul3A_657, %mul3A_654 : vector<16xf32>
      %mul3A_659 = arith.mulf %mul3A_658, %mul3A_654 : vector<16xf32>
      %sub3A_660 = arith.constant 1.500000e+00 : f32
      %sub3A_661 = vector.broadcast %sub3A_660 : f32 to vector<16xf32>
      %sub3A_662 = arith.subf %sub3A_661, %mul3A_659 : vector<16xf32>
      %mul3A_663 = arith.mulf %mul3A_654, %sub3A_662 : vector<16xf32>
      %mul3A_664 = arith.mulf %max3A_628, %mul3A_663 : vector<16xf32>
      %max3A_665 = arith.constant 1.000000e-30 : f32
      %max3A_666 = vector.broadcast %max3A_665 : f32 to vector<16xf32>
      %max3A_667 = arith.maximumf %scan3A_624#1, %max3A_666 : vector<16xf32>
      %bitcast_convert_type3A_668 = tpu.bitcast %max3A_667 : vector<16xf32> -> vector<16xi32>
      %shift_right_arithmetic3A_669 = arith.constant 1 : i32
      %shift_right_arithmetic3A_670 = vector.broadcast %shift_right_arithmetic3A_669 : i32 to vector<16xi32>
      %shift_right_arithmetic3A_671 = arith.shrsi %bitcast_convert_type3A_668, %shift_right_arithmetic3A_670 : vector<16xi32>
      %sub3A_672 = arith.constant 1597463007 : i32
      %sub3A_673 = vector.broadcast %sub3A_672 : i32 to vector<16xi32>
      %sub3A_674 = arith.subi %sub3A_673, %shift_right_arithmetic3A_671 : vector<16xi32>
      %bitcast_convert_type3A_675 = tpu.bitcast %sub3A_674 : vector<16xi32> -> vector<16xf32>
      %mul3A_676 = arith.constant 5.000000e-01 : f32
      %mul3A_677 = vector.broadcast %mul3A_676 : f32 to vector<16xf32>
      %mul3A_678 = arith.mulf %mul3A_677, %max3A_667 : vector<16xf32>
      %mul3A_679 = arith.mulf %mul3A_678, %bitcast_convert_type3A_675 : vector<16xf32>
      %mul3A_680 = arith.mulf %mul3A_679, %bitcast_convert_type3A_675 : vector<16xf32>
      %sub3A_681 = arith.constant 1.500000e+00 : f32
      %sub3A_682 = vector.broadcast %sub3A_681 : f32 to vector<16xf32>
      %sub3A_683 = arith.subf %sub3A_682, %mul3A_680 : vector<16xf32>
      %mul3A_684 = arith.mulf %bitcast_convert_type3A_675, %sub3A_683 : vector<16xf32>
      %mul3A_685 = arith.constant 5.000000e-01 : f32
      %mul3A_686 = vector.broadcast %mul3A_685 : f32 to vector<16xf32>
      %mul3A_687 = arith.mulf %mul3A_686, %max3A_667 : vector<16xf32>
      %mul3A_688 = arith.mulf %mul3A_687, %mul3A_684 : vector<16xf32>
      %mul3A_689 = arith.mulf %mul3A_688, %mul3A_684 : vector<16xf32>
      %sub3A_690 = arith.constant 1.500000e+00 : f32
      %sub3A_691 = vector.broadcast %sub3A_690 : f32 to vector<16xf32>
      %sub3A_692 = arith.subf %sub3A_691, %mul3A_689 : vector<16xf32>
      %mul3A_693 = arith.mulf %mul3A_684, %sub3A_692 : vector<16xf32>
      %mul3A_694 = arith.constant 5.000000e-01 : f32
      %mul3A_695 = vector.broadcast %mul3A_694 : f32 to vector<16xf32>
      %mul3A_696 = arith.mulf %mul3A_695, %max3A_667 : vector<16xf32>
      %mul3A_697 = arith.mulf %mul3A_696, %mul3A_693 : vector<16xf32>
      %mul3A_698 = arith.mulf %mul3A_697, %mul3A_693 : vector<16xf32>
      %sub3A_699 = arith.constant 1.500000e+00 : f32
      %sub3A_700 = vector.broadcast %sub3A_699 : f32 to vector<16xf32>
      %sub3A_701 = arith.subf %sub3A_700, %mul3A_698 : vector<16xf32>
      %mul3A_702 = arith.mulf %mul3A_693, %sub3A_701 : vector<16xf32>
      %mul3A_703 = arith.mulf %max3A_667, %mul3A_702 : vector<16xf32>
      %add3A_704 = arith.constant 0 : i32
      %add3A_705 = arith.addi %mul3A_619, %add3A_704 : i32
      %swap3A_706 = arith.index_cast %add3A_705 : i32 to index
      %swap3A_707 = tpu.vector_load %arg18[%swap3A_706] {strides = array<i32>} : memref<512xf32, #tpu.memory_space<vmem>>, vector<16xf32>,
      tpu.vector_store %arg18[%swap3A_706], %mul3A_664 {strides = array<i32>} : memref<512xf32, #tpu.memory_space<vmem>>, vector<16xf32>,
      %swap3A_708 = arith.index_cast %add3A_705 : i32 to index
      %swap3A_709 = tpu.vector_load %arg19[%swap3A_708] {strides = array<i32>} : memref<512xf32, #tpu.memory_space<vmem>>, vector<16xf32>,
      tpu.vector_store %arg19[%swap3A_708], %mul3A_703 {strides = array<i32>} : memref<512xf32, #tpu.memory_space<vmem>>, vector<16xf32>,
      %sub3A_710 = arith.subf %mul3A_664, %mul3A_703 : vector<16xf32>
      %add3A_711 = arith.constant 1.000000e+00 : f32
      %add3A_712 = vector.broadcast %add3A_711 : f32 to vector<16xf32>
      %add3A_713 = arith.addf %sub3A_710, %add3A_712 : vector<16xf32>
      %max3A_714 = arith.constant 0.000000e+00 : f32
      %max3A_715 = vector.broadcast %max3A_714 : f32 to vector<16xf32>
      %max3A_716 = arith.maximumf %add3A_713, %max3A_715 : vector<16xf32>
      %swap3A_717 = arith.index_cast %add3A_705 : i32 to index
      %swap3A_718 = tpu.vector_load %arg17[%swap3A_717] {strides = array<i32>} : memref<512xf32, #tpu.memory_space<vmem>>, vector<16xf32>,
      tpu.vector_store %arg17[%swap3A_717], %max3A_716 {strides = array<i32>} : memref<512xf32, #tpu.memory_space<vmem>>, vector<16xf32>,
      %add3A_719 = arith.constant 3 : i32
      %add3A_720 = arith.addi %add3A_193, %add3A_719 : i32
      %add3A_721 = arith.constant 4 : i32
      %add3A_722 = arith.addi %add3A_720, %add3A_721 : i32
      %sub3A_723 = arith.constant 1 : i32
      %sub3A_724 = arith.subi %add3A_722, %sub3A_723 : i32
      %lt3A_725 = arith.constant 32 : i32
      %lt3A_726 = arith.cmpi slt, %sub3A_724, %lt3A_725 : i32
      %convert_element_type3A_727 = arith.extui %lt3A_726 : i1 to i32
      %cond3A_728 = arith.constant 0 : i32
      %cond3A_729 = arith.cmpi ne, %convert_element_type3A_727, %cond3A_728 : i32
      scf.if %cond3A_729 {
        %add3A_897 = arith.constant 4 : i32
        %add3A_898 = arith.addi %add3A_720, %add3A_897 : i32
        %sub3A_899 = arith.constant 1 : i32
        %sub3A_900 = arith.subi %add3A_898, %sub3A_899 : i32
        %mul3A_901 = arith.constant 4 : i32
        %mul3A_902 = arith.muli %sub3A_900, %mul3A_901 : i32
        %mul3A_903 = arith.constant 16 : i32
        %mul3A_904 = arith.muli %mul3A_902, %mul3A_903 : i32
        %mul3A_905 = arith.constant 4 : i32
        %mul3A_906 = arith.muli %sub3A_900, %mul3A_905 : i32
        %mul3A_907 = arith.constant 16 : i32
        %mul3A_908 = arith.muli %mul3A_906, %mul3A_907 : i32
        %add3A_909 = arith.constant 32 : i32
        %add3A_910 = arith.addi %mul3A_908, %add3A_909 : i32
        %mul3A_911 = arith.constant 16 : i32
        %mul3A_912 = arith.muli %sub3A_900, %mul3A_911 : i32
        %dma_start3A_913 = arith.constant 2 : i32
        %dma_start3A_914 = arith.constant 0 : i32
        %dma_start3A_915 = arith.constant 0 : i32
        %dma_start3A_916 = tpu.memref_slice %arg13[%dma_start3A_913, %dma_start3A_914, %dma_start3A_915] : memref<4x64x128xf32, #tpu.memory_space<vmem>> -> memref<1x32x128xf32, #tpu.memory_space<vmem>>
        %dma_start3A_917 = tpu.memref_squeeze %dma_start3A_916 : memref<1x32x128xf32, #tpu.memory_space<vmem>> -> memref<32x128xf32, #tpu.memory_space<vmem>>
        %dma_start3A_918 = tpu.memref_slice %arg11[%mul3A_904] : memref<2048xi32, #tpu.memory_space<vmem>> -> memref<32xi32, #tpu.memory_space<vmem>>
        %dma_start3A_919 = arith.constant 0 : i32
        %dma_start3A_920 = arith.constant 0 : i32
        %dma_start3A_921 = tpu.memref_slice %arg4[%dma_start3A_919, %dma_start3A_920] : memref<100000x128xf32, #tpu.memory_space<hbm>> -> memref<100000x128xf32, #tpu.memory_space<hbm>>
        tpu.enqueue_indirect_dma source(%dma_start3A_921 : memref<100000x128xf32, #tpu.memory_space<hbm>>) target(%dma_start3A_917 : memref<32x128xf32, #tpu.memory_space<vmem>>) offsets(%dma_start3A_918 : memref<32xi32, #tpu.memory_space<vmem>>) semaphore(%arg22 : memref<!tpu.dma_semaphore, #tpu.memory_space<semaphore_mem>>)
        %dma_start3A_922 = arith.constant 2 : i32
        %dma_start3A_923 = arith.constant 0 : i32
        %dma_start3A_924 = arith.constant 0 : i32
        %dma_start3A_925 = tpu.memref_slice %arg14[%dma_start3A_922, %dma_start3A_923, %dma_start3A_924] : memref<4x64x128xf32, #tpu.memory_space<vmem>> -> memref<1x32x128xf32, #tpu.memory_space<vmem>>
        %dma_start3A_926 = tpu.memref_squeeze %dma_start3A_925 : memref<1x32x128xf32, #tpu.memory_space<vmem>> -> memref<32x128xf32, #tpu.memory_space<vmem>>
        %dma_start3A_927 = tpu.memref_slice %arg11[%mul3A_904] : memref<2048xi32, #tpu.memory_space<vmem>> -> memref<32xi32, #tpu.memory_space<vmem>>
        %dma_start3A_928 = arith.constant 0 : i32
        %dma_start3A_929 = arith.constant 0 : i32
        %dma_start3A_930 = tpu.memref_slice %arg5[%dma_start3A_928, %dma_start3A_929] : memref<100000x128xf32, #tpu.memory_space<hbm>> -> memref<100000x128xf32, #tpu.memory_space<hbm>>
        tpu.enqueue_indirect_dma source(%dma_start3A_930 : memref<100000x128xf32, #tpu.memory_space<hbm>>) target(%dma_start3A_926 : memref<32x128xf32, #tpu.memory_space<vmem>>) offsets(%dma_start3A_927 : memref<32xi32, #tpu.memory_space<vmem>>) semaphore(%arg22 : memref<!tpu.dma_semaphore, #tpu.memory_space<semaphore_mem>>)
        %dma_start3A_931 = arith.constant 2 : i32
        %dma_start3A_932 = arith.constant 32 : i32
        %dma_start3A_933 = arith.constant 0 : i32
        %dma_start3A_934 = tpu.memref_slice %arg13[%dma_start3A_931, %dma_start3A_932, %dma_start3A_933] : memref<4x64x128xf32, #tpu.memory_space<vmem>> -> memref<1x32x128xf32, #tpu.memory_space<vmem>>
        %dma_start3A_935 = tpu.memref_squeeze %dma_start3A_934 : memref<1x32x128xf32, #tpu.memory_space<vmem>> -> memref<32x128xf32, #tpu.memory_space<vmem>>
        %dma_start3A_936 = tpu.memref_slice %arg11[%add3A_910] : memref<2048xi32, #tpu.memory_space<vmem>> -> memref<32xi32, #tpu.memory_space<vmem>>
        %dma_start3A_937 = arith.constant 0 : i32
        %dma_start3A_938 = arith.constant 0 : i32
        %dma_start3A_939 = tpu.memref_slice %arg4[%dma_start3A_937, %dma_start3A_938] : memref<100000x128xf32, #tpu.memory_space<hbm>> -> memref<100000x128xf32, #tpu.memory_space<hbm>>
        tpu.enqueue_indirect_dma source(%dma_start3A_939 : memref<100000x128xf32, #tpu.memory_space<hbm>>) target(%dma_start3A_935 : memref<32x128xf32, #tpu.memory_space<vmem>>) offsets(%dma_start3A_936 : memref<32xi32, #tpu.memory_space<vmem>>) semaphore(%arg22 : memref<!tpu.dma_semaphore, #tpu.memory_space<semaphore_mem>>)
        %dma_start3A_940 = arith.constant 2 : i32
        %dma_start3A_941 = arith.constant 32 : i32
        %dma_start3A_942 = arith.constant 0 : i32
        %dma_start3A_943 = tpu.memref_slice %arg14[%dma_start3A_940, %dma_start3A_941, %dma_start3A_942] : memref<4x64x128xf32, #tpu.memory_space<vmem>> -> memref<1x32x128xf32, #tpu.memory_space<vmem>>
        %dma_start3A_944 = tpu.memref_squeeze %dma_start3A_943 : memref<1x32x128xf32, #tpu.memory_space<vmem>> -> memref<32x128xf32, #tpu.memory_space<vmem>>
        %dma_start3A_945 = tpu.memref_slice %arg11[%add3A_910] : memref<2048xi32, #tpu.memory_space<vmem>> -> memref<32xi32, #tpu.memory_space<vmem>>
        %dma_start3A_946 = arith.constant 0 : i32
        %dma_start3A_947 = arith.constant 0 : i32
        %dma_start3A_948 = tpu.memref_slice %arg5[%dma_start3A_946, %dma_start3A_947] : memref<100000x128xf32, #tpu.memory_space<hbm>> -> memref<100000x128xf32, #tpu.memory_space<hbm>>
        tpu.enqueue_indirect_dma source(%dma_start3A_948 : memref<100000x128xf32, #tpu.memory_space<hbm>>) target(%dma_start3A_944 : memref<32x128xf32, #tpu.memory_space<vmem>>) offsets(%dma_start3A_945 : memref<32xi32, #tpu.memory_space<vmem>>) semaphore(%arg22 : memref<!tpu.dma_semaphore, #tpu.memory_space<semaphore_mem>>)
        %dma_start3A_949 = arith.constant 2 : i32
        %dma_start3A_950 = arith.constant 0 : i32
        %dma_start3A_951 = arith.constant 0 : i32
        %dma_start3A_952 = tpu.memref_slice %arg15[%dma_start3A_949, %dma_start3A_950, %dma_start3A_951] : memref<4x16x128xf32, #tpu.memory_space<vmem>> -> memref<1x16x128xf32, #tpu.memory_space<vmem>>
        %dma_start3A_953 = tpu.memref_squeeze %dma_start3A_952 : memref<1x16x128xf32, #tpu.memory_space<vmem>> -> memref<16x128xf32, #tpu.memory_space<vmem>>
        %dma_start3A_954 = tpu.memref_slice %arg12[%mul3A_912] : memref<512xi32, #tpu.memory_space<vmem>> -> memref<16xi32, #tpu.memory_space<vmem>>
        %dma_start3A_955 = arith.constant 0 : i32
        %dma_start3A_956 = arith.constant 0 : i32
        %dma_start3A_957 = tpu.memref_slice %arg6[%dma_start3A_955, %dma_start3A_956] : memref<100000x128xf32, #tpu.memory_space<hbm>> -> memref<100000x128xf32, #tpu.memory_space<hbm>>
        tpu.enqueue_indirect_dma source(%dma_start3A_957 : memref<100000x128xf32, #tpu.memory_space<hbm>>) target(%dma_start3A_953 : memref<16x128xf32, #tpu.memory_space<vmem>>) offsets(%dma_start3A_954 : memref<16xi32, #tpu.memory_space<vmem>>) semaphore(%arg22 : memref<!tpu.dma_semaphore, #tpu.memory_space<semaphore_mem>>)
        %dma_start3A_958 = arith.constant 2 : i32
        %dma_start3A_959 = arith.constant 0 : i32
        %dma_start3A_960 = arith.constant 0 : i32
        %dma_start3A_961 = tpu.memref_slice %arg16[%dma_start3A_958, %dma_start3A_959, %dma_start3A_960] : memref<4x16x128xf32, #tpu.memory_space<vmem>> -> memref<1x16x128xf32, #tpu.memory_space<vmem>>
        %dma_start3A_962 = tpu.memref_squeeze %dma_start3A_961 : memref<1x16x128xf32, #tpu.memory_space<vmem>> -> memref<16x128xf32, #tpu.memory_space<vmem>>
        %dma_start3A_963 = tpu.memref_slice %arg12[%mul3A_912] : memref<512xi32, #tpu.memory_space<vmem>> -> memref<16xi32, #tpu.memory_space<vmem>>
        %dma_start3A_964 = arith.constant 0 : i32
        %dma_start3A_965 = arith.constant 0 : i32
        %dma_start3A_966 = tpu.memref_slice %arg7[%dma_start3A_964, %dma_start3A_965] : memref<100000x128xf32, #tpu.memory_space<hbm>> -> memref<100000x128xf32, #tpu.memory_space<hbm>>
        tpu.enqueue_indirect_dma source(%dma_start3A_966 : memref<100000x128xf32, #tpu.memory_space<hbm>>) target(%dma_start3A_962 : memref<16x128xf32, #tpu.memory_space<vmem>>) offsets(%dma_start3A_963 : memref<16xi32, #tpu.memory_space<vmem>>) semaphore(%arg22 : memref<!tpu.dma_semaphore, #tpu.memory_space<semaphore_mem>>)
      } else {
      }
      %mul3A_730 = arith.constant 4 : i32
      %mul3A_731 = arith.muli %add3A_720, %mul3A_730 : i32
      %mul3A_732 = arith.constant 16 : i32
      %mul3A_733 = arith.muli %mul3A_731, %mul3A_732 : i32
      %mul3A_734 = arith.constant 4 : i32
      %mul3A_735 = arith.muli %add3A_720, %mul3A_734 : i32
      %mul3A_736 = arith.constant 16 : i32
      %mul3A_737 = arith.muli %mul3A_735, %mul3A_736 : i32
      %add3A_738 = arith.constant 32 : i32
      %add3A_739 = arith.addi %mul3A_737, %add3A_738 : i32
      %mul3A_740 = arith.constant 16 : i32
      %mul3A_741 = arith.muli %add3A_720, %mul3A_740 : i32
      %dma_wait3A_742 = arith.constant 3 : i32
      %dma_wait3A_743 = arith.constant 0 : i32
      %dma_wait3A_744 = arith.constant 0 : i32
      %dma_wait3A_745 = tpu.memref_slice %arg13[%dma_wait3A_742, %dma_wait3A_743, %dma_wait3A_744] : memref<4x64x128xf32, #tpu.memory_space<vmem>> -> memref<1x32x128xf32, #tpu.memory_space<vmem>>
      %dma_wait3A_746 = tpu.memref_squeeze %dma_wait3A_745 : memref<1x32x128xf32, #tpu.memory_space<vmem>> -> memref<32x128xf32, #tpu.memory_space<vmem>>
      %dma_wait3A_747 = tpu.memref_slice %arg11[%mul3A_733] : memref<2048xi32, #tpu.memory_space<vmem>> -> memref<32xi32, #tpu.memory_space<vmem>>
      %dma_wait3A_748 = arith.constant 0 : i32
      %dma_wait3A_749 = arith.constant 0 : i32
      %dma_wait3A_750 = tpu.memref_slice %arg4[%dma_wait3A_748, %dma_wait3A_749] : memref<100000x128xf32, #tpu.memory_space<hbm>> -> memref<100000x128xf32, #tpu.memory_space<hbm>>
      tpu.wait_indirect_dma semaphore(%arg23 : memref<!tpu.dma_semaphore, #tpu.memory_space<semaphore_mem>>) src(%dma_wait3A_750 : memref<100000x128xf32, #tpu.memory_space<hbm>>) dst(%dma_wait3A_746 : memref<32x128xf32, #tpu.memory_space<vmem>>)
      %dma_wait3A_751 = arith.constant 3 : i32
      %dma_wait3A_752 = arith.constant 0 : i32
      %dma_wait3A_753 = arith.constant 0 : i32
      %dma_wait3A_754 = tpu.memref_slice %arg14[%dma_wait3A_751, %dma_wait3A_752, %dma_wait3A_753] : memref<4x64x128xf32, #tpu.memory_space<vmem>> -> memref<1x32x128xf32, #tpu.memory_space<vmem>>
      %dma_wait3A_755 = tpu.memref_squeeze %dma_wait3A_754 : memref<1x32x128xf32, #tpu.memory_space<vmem>> -> memref<32x128xf32, #tpu.memory_space<vmem>>
      %dma_wait3A_756 = tpu.memref_slice %arg11[%mul3A_733] : memref<2048xi32, #tpu.memory_space<vmem>> -> memref<32xi32, #tpu.memory_space<vmem>>
      %dma_wait3A_757 = arith.constant 0 : i32
      %dma_wait3A_758 = arith.constant 0 : i32
      %dma_wait3A_759 = tpu.memref_slice %arg5[%dma_wait3A_757, %dma_wait3A_758] : memref<100000x128xf32, #tpu.memory_space<hbm>> -> memref<100000x128xf32, #tpu.memory_space<hbm>>
      tpu.wait_indirect_dma semaphore(%arg23 : memref<!tpu.dma_semaphore, #tpu.memory_space<semaphore_mem>>) src(%dma_wait3A_759 : memref<100000x128xf32, #tpu.memory_space<hbm>>) dst(%dma_wait3A_755 : memref<32x128xf32, #tpu.memory_space<vmem>>)
      %dma_wait3A_760 = arith.constant 3 : i32
      %dma_wait3A_761 = arith.constant 32 : i32
      %dma_wait3A_762 = arith.constant 0 : i32
      %dma_wait3A_763 = tpu.memref_slice %arg13[%dma_wait3A_760, %dma_wait3A_761, %dma_wait3A_762] : memref<4x64x128xf32, #tpu.memory_space<vmem>> -> memref<1x32x128xf32, #tpu.memory_space<vmem>>
      %dma_wait3A_764 = tpu.memref_squeeze %dma_wait3A_763 : memref<1x32x128xf32, #tpu.memory_space<vmem>> -> memref<32x128xf32, #tpu.memory_space<vmem>>
      %dma_wait3A_765 = tpu.memref_slice %arg11[%add3A_739] : memref<2048xi32, #tpu.memory_space<vmem>> -> memref<32xi32, #tpu.memory_space<vmem>>
      %dma_wait3A_766 = arith.constant 0 : i32
      %dma_wait3A_767 = arith.constant 0 : i32
      %dma_wait3A_768 = tpu.memref_slice %arg4[%dma_wait3A_766, %dma_wait3A_767] : memref<100000x128xf32, #tpu.memory_space<hbm>> -> memref<100000x128xf32, #tpu.memory_space<hbm>>
      tpu.wait_indirect_dma semaphore(%arg23 : memref<!tpu.dma_semaphore, #tpu.memory_space<semaphore_mem>>) src(%dma_wait3A_768 : memref<100000x128xf32, #tpu.memory_space<hbm>>) dst(%dma_wait3A_764 : memref<32x128xf32, #tpu.memory_space<vmem>>)
      %dma_wait3A_769 = arith.constant 3 : i32
      %dma_wait3A_770 = arith.constant 32 : i32
      %dma_wait3A_771 = arith.constant 0 : i32
      %dma_wait3A_772 = tpu.memref_slice %arg14[%dma_wait3A_769, %dma_wait3A_770, %dma_wait3A_771] : memref<4x64x128xf32, #tpu.memory_space<vmem>> -> memref<1x32x128xf32, #tpu.memory_space<vmem>>
      %dma_wait3A_773 = tpu.memref_squeeze %dma_wait3A_772 : memref<1x32x128xf32, #tpu.memory_space<vmem>> -> memref<32x128xf32, #tpu.memory_space<vmem>>
      %dma_wait3A_774 = tpu.memref_slice %arg11[%add3A_739] : memref<2048xi32, #tpu.memory_space<vmem>> -> memref<32xi32, #tpu.memory_space<vmem>>
      %dma_wait3A_775 = arith.constant 0 : i32
      %dma_wait3A_776 = arith.constant 0 : i32
      %dma_wait3A_777 = tpu.memref_slice %arg5[%dma_wait3A_775, %dma_wait3A_776] : memref<100000x128xf32, #tpu.memory_space<hbm>> -> memref<100000x128xf32, #tpu.memory_space<hbm>>
      tpu.wait_indirect_dma semaphore(%arg23 : memref<!tpu.dma_semaphore, #tpu.memory_space<semaphore_mem>>) src(%dma_wait3A_777 : memref<100000x128xf32, #tpu.memory_space<hbm>>) dst(%dma_wait3A_773 : memref<32x128xf32, #tpu.memory_space<vmem>>)
      %dma_wait3A_778 = arith.constant 3 : i32
      %dma_wait3A_779 = arith.constant 0 : i32
      %dma_wait3A_780 = arith.constant 0 : i32
      %dma_wait3A_781 = tpu.memref_slice %arg15[%dma_wait3A_778, %dma_wait3A_779, %dma_wait3A_780] : memref<4x16x128xf32, #tpu.memory_space<vmem>> -> memref<1x16x128xf32, #tpu.memory_space<vmem>>
      %dma_wait3A_782 = tpu.memref_squeeze %dma_wait3A_781 : memref<1x16x128xf32, #tpu.memory_space<vmem>> -> memref<16x128xf32, #tpu.memory_space<vmem>>
      %dma_wait3A_783 = tpu.memref_slice %arg12[%mul3A_741] : memref<512xi32, #tpu.memory_space<vmem>> -> memref<16xi32, #tpu.memory_space<vmem>>
      %dma_wait3A_784 = arith.constant 0 : i32
      %dma_wait3A_785 = arith.constant 0 : i32
      %dma_wait3A_786 = tpu.memref_slice %arg6[%dma_wait3A_784, %dma_wait3A_785] : memref<100000x128xf32, #tpu.memory_space<hbm>> -> memref<100000x128xf32, #tpu.memory_space<hbm>>
      tpu.wait_indirect_dma semaphore(%arg23 : memref<!tpu.dma_semaphore, #tpu.memory_space<semaphore_mem>>) src(%dma_wait3A_786 : memref<100000x128xf32, #tpu.memory_space<hbm>>) dst(%dma_wait3A_782 : memref<16x128xf32, #tpu.memory_space<vmem>>)
      %dma_wait3A_787 = arith.constant 3 : i32
      %dma_wait3A_788 = arith.constant 0 : i32
      %dma_wait3A_789 = arith.constant 0 : i32
      %dma_wait3A_790 = tpu.memref_slice %arg16[%dma_wait3A_787, %dma_wait3A_788, %dma_wait3A_789] : memref<4x16x128xf32, #tpu.memory_space<vmem>> -> memref<1x16x128xf32, #tpu.memory_space<vmem>>
      %dma_wait3A_791 = tpu.memref_squeeze %dma_wait3A_790 : memref<1x16x128xf32, #tpu.memory_space<vmem>> -> memref<16x128xf32, #tpu.memory_space<vmem>>
      %dma_wait3A_792 = tpu.memref_slice %arg12[%mul3A_741] : memref<512xi32, #tpu.memory_space<vmem>> -> memref<16xi32, #tpu.memory_space<vmem>>
      %dma_wait3A_793 = arith.constant 0 : i32
      %dma_wait3A_794 = arith.constant 0 : i32
      %dma_wait3A_795 = tpu.memref_slice %arg7[%dma_wait3A_793, %dma_wait3A_794] : memref<100000x128xf32, #tpu.memory_space<hbm>> -> memref<100000x128xf32, #tpu.memory_space<hbm>>
      tpu.wait_indirect_dma semaphore(%arg23 : memref<!tpu.dma_semaphore, #tpu.memory_space<semaphore_mem>>) src(%dma_wait3A_795 : memref<100000x128xf32, #tpu.memory_space<hbm>>) dst(%dma_wait3A_791 : memref<16x128xf32, #tpu.memory_space<vmem>>)
      %mul3A_796 = arith.constant 16 : i32
      %mul3A_797 = arith.muli %add3A_720, %mul3A_796 : i32
      %scan3A_798 = arith.constant 0 : i32
      %scan3A_799 = arith.constant 16 : i32
      %scan3A_800 = arith.addi %scan3A_798, %scan3A_799 : i32
      %scan3A_801 = arith.constant 1 : i32
      %scan3A_802:2 = scf.for %scan3A_897 = %scan3A_798 to %scan3A_800 step %scan3A_801 iter_args(%scan3A_898 = %broadcast_in_dim3A_5, %scan3A_899 = %broadcast_in_dim3A_5) -> (vector<16xf32>, vector<16xf32>)  : i32 {
        %add3A_900 = arith.constant 0 : i32
        %add3A_901 = arith.addi %add3A_900, %scan3A_897 : i32
        %get3A = arith.constant 3 : i32
        %get3A_902 = arith.index_cast %get3A : i32 to index
        %get3A_903 = arith.index_cast %add3A_901 : i32 to index
        %get3A_904 = arith.constant 0 : index
        %get3A_905 = tpu.vector_load %arg13[%get3A_902, %get3A_903, %get3A_904] {strides = array<i32>} : memref<4x64x128xf32, #tpu.memory_space<vmem>>, vector<16xf32>,
        %get3A_906 = arith.constant 3 : i32
        %get3A_907 = arith.index_cast %get3A_906 : i32 to index
        %get3A_908 = arith.index_cast %add3A_901 : i32 to index
        %get3A_909 = arith.constant 0 : index
        %get3A_910 = tpu.vector_load %arg14[%get3A_907, %get3A_908, %get3A_909] {strides = array<i32>} : memref<4x64x128xf32, #tpu.memory_space<vmem>>, vector<16xf32>,
        %add3A_911 = arith.constant 16 : i32
        %add3A_912 = arith.addi %add3A_911, %add3A_901 : i32
        %get3A_913 = arith.constant 3 : i32
        %get3A_914 = arith.index_cast %get3A_913 : i32 to index
        %get3A_915 = arith.index_cast %add3A_912 : i32 to index
        %get3A_916 = arith.constant 0 : index
        %get3A_917 = tpu.vector_load %arg13[%get3A_914, %get3A_915, %get3A_916] {strides = array<i32>} : memref<4x64x128xf32, #tpu.memory_space<vmem>>, vector<16xf32>,
        %add3A_918 = arith.constant 16 : i32
        %add3A_919 = arith.addi %add3A_918, %add3A_901 : i32
        %get3A_920 = arith.constant 3 : i32
        %get3A_921 = arith.index_cast %get3A_920 : i32 to index
        %get3A_922 = arith.index_cast %add3A_919 : i32 to index
        %get3A_923 = arith.constant 0 : index
        %get3A_924 = tpu.vector_load %arg14[%get3A_921, %get3A_922, %get3A_923] {strides = array<i32>} : memref<4x64x128xf32, #tpu.memory_space<vmem>>, vector<16xf32>,
        %add3A_925 = arith.constant 32 : i32
        %add3A_926 = arith.addi %add3A_925, %add3A_901 : i32
        %get3A_927 = arith.constant 3 : i32
        %get3A_928 = arith.index_cast %get3A_927 : i32 to index
        %get3A_929 = arith.index_cast %add3A_926 : i32 to index
        %get3A_930 = arith.constant 0 : index
        %get3A_931 = tpu.vector_load %arg13[%get3A_928, %get3A_929, %get3A_930] {strides = array<i32>} : memref<4x64x128xf32, #tpu.memory_space<vmem>>, vector<16xf32>,
        %add3A_932 = arith.constant 32 : i32
        %add3A_933 = arith.addi %add3A_932, %add3A_901 : i32
        %get3A_934 = arith.constant 3 : i32
        %get3A_935 = arith.index_cast %get3A_934 : i32 to index
        %get3A_936 = arith.index_cast %add3A_933 : i32 to index
        %get3A_937 = arith.constant 0 : index
        %get3A_938 = tpu.vector_load %arg14[%get3A_935, %get3A_936, %get3A_937] {strides = array<i32>} : memref<4x64x128xf32, #tpu.memory_space<vmem>>, vector<16xf32>,
        %add3A_939 = arith.constant 48 : i32
        %add3A_940 = arith.addi %add3A_939, %add3A_901 : i32
        %get3A_941 = arith.constant 3 : i32
        %get3A_942 = arith.index_cast %get3A_941 : i32 to index
        %get3A_943 = arith.index_cast %add3A_940 : i32 to index
        %get3A_944 = arith.constant 0 : index
        %get3A_945 = tpu.vector_load %arg13[%get3A_942, %get3A_943, %get3A_944] {strides = array<i32>} : memref<4x64x128xf32, #tpu.memory_space<vmem>>, vector<16xf32>,
        %add3A_946 = arith.constant 48 : i32
        %add3A_947 = arith.addi %add3A_946, %add3A_901 : i32
        %get3A_948 = arith.constant 3 : i32
        %get3A_949 = arith.index_cast %get3A_948 : i32 to index
        %get3A_950 = arith.index_cast %add3A_947 : i32 to index
        %get3A_951 = arith.constant 0 : index
        %get3A_952 = tpu.vector_load %arg14[%get3A_949, %get3A_950, %get3A_951] {strides = array<i32>} : memref<4x64x128xf32, #tpu.memory_space<vmem>>, vector<16xf32>,
        %get3A_953 = arith.constant 3 : i32
        %get3A_954 = arith.index_cast %get3A_953 : i32 to index
        %get3A_955 = arith.index_cast %add3A_901 : i32 to index
        %get3A_956 = arith.constant 0 : index
        %get3A_957 = tpu.vector_load %arg15[%get3A_954, %get3A_955, %get3A_956] {strides = array<i32>} : memref<4x16x128xf32, #tpu.memory_space<vmem>>, vector<16xf32>,
        %get3A_958 = arith.constant 3 : i32
        %get3A_959 = arith.index_cast %get3A_958 : i32 to index
        %get3A_960 = arith.index_cast %add3A_901 : i32 to index
        %get3A_961 = arith.constant 0 : index
        %get3A_962 = tpu.vector_load %arg16[%get3A_959, %get3A_960, %get3A_961] {strides = array<i32>} : memref<4x16x128xf32, #tpu.memory_space<vmem>>, vector<16xf32>,
        %mul3A_963 = arith.mulf %get3A_905, %get3A_957 : vector<16xf32>
        %mul3A_964 = arith.mulf %get3A_910, %get3A_962 : vector<16xf32>
        %sub3A_965 = arith.subf %mul3A_963, %mul3A_964 : vector<16xf32>
        %sub3A_966 = arith.subf %sub3A_965, %get3A_917 : vector<16xf32>
        %mul3A_967 = arith.mulf %get3A_905, %get3A_962 : vector<16xf32>
        %mul3A_968 = arith.mulf %get3A_910, %get3A_957 : vector<16xf32>
        %add3A_969 = arith.addf %mul3A_967, %mul3A_968 : vector<16xf32>
        %sub3A_970 = arith.subf %add3A_969, %get3A_924 : vector<16xf32>
        %mul3A_971 = arith.mulf %sub3A_966, %sub3A_966 : vector<16xf32>
        %add3A_972 = arith.addf %broadcast_in_dim3A_5, %mul3A_971 : vector<16xf32>
        %mul3A_973 = arith.mulf %sub3A_970, %sub3A_970 : vector<16xf32>
        %add3A_974 = arith.addf %add3A_972, %mul3A_973 : vector<16xf32>
        %mul3A_975 = arith.mulf %get3A_931, %get3A_957 : vector<16xf32>
        %mul3A_976 = arith.mulf %get3A_938, %get3A_962 : vector<16xf32>
        %sub3A_977 = arith.subf %mul3A_975, %mul3A_976 : vector<16xf32>
        %sub3A_978 = arith.subf %sub3A_977, %get3A_945 : vector<16xf32>
        %mul3A_979 = arith.mulf %get3A_931, %get3A_962 : vector<16xf32>
        %mul3A_980 = arith.mulf %get3A_938, %get3A_957 : vector<16xf32>
        %add3A_981 = arith.addf %mul3A_979, %mul3A_980 : vector<16xf32>
        %sub3A_982 = arith.subf %add3A_981, %get3A_952 : vector<16xf32>
        %mul3A_983 = arith.mulf %sub3A_978, %sub3A_978 : vector<16xf32>
        %add3A_984 = arith.addf %broadcast_in_dim3A_5, %mul3A_983 : vector<16xf32>
        %mul3A_985 = arith.mulf %sub3A_982, %sub3A_982 : vector<16xf32>
        %add3A_986 = arith.addf %add3A_984, %mul3A_985 : vector<16xf32>
        %get3A_987 = arith.constant 3 : i32
        %get3A_988 = arith.index_cast %get3A_987 : i32 to index
        %get3A_989 = arith.index_cast %add3A_901 : i32 to index
        %get3A_990 = arith.constant 16 : index
        %get3A_991 = tpu.vector_load %arg13[%get3A_988, %get3A_989, %get3A_990] {strides = array<i32>} : memref<4x64x128xf32, #tpu.memory_space<vmem>>, vector<16xf32>,
        %get3A_992 = arith.constant 3 : i32
        %get3A_993 = arith.index_cast %get3A_992 : i32 to index
        %get3A_994 = arith.index_cast %add3A_901 : i32 to index
        %get3A_995 = arith.constant 16 : index
        %get3A_996 = tpu.vector_load %arg14[%get3A_993, %get3A_994, %get3A_995] {strides = array<i32>} : memref<4x64x128xf32, #tpu.memory_space<vmem>>, vector<16xf32>,
        %add3A_997 = arith.constant 16 : i32
        %add3A_998 = arith.addi %add3A_997, %add3A_901 : i32
        %get3A_999 = arith.constant 3 : i32
        %get3A_1000 = arith.index_cast %get3A_999 : i32 to index
        %get3A_1001 = arith.index_cast %add3A_998 : i32 to index
        %get3A_1002 = arith.constant 16 : index
        %get3A_1003 = tpu.vector_load %arg13[%get3A_1000, %get3A_1001, %get3A_1002] {strides = array<i32>} : memref<4x64x128xf32, #tpu.memory_space<vmem>>, vector<16xf32>,
        %add3A_1004 = arith.constant 16 : i32
        %add3A_1005 = arith.addi %add3A_1004, %add3A_901 : i32
        %get3A_1006 = arith.constant 3 : i32
        %get3A_1007 = arith.index_cast %get3A_1006 : i32 to index
        %get3A_1008 = arith.index_cast %add3A_1005 : i32 to index
        %get3A_1009 = arith.constant 16 : index
        %get3A_1010 = tpu.vector_load %arg14[%get3A_1007, %get3A_1008, %get3A_1009] {strides = array<i32>} : memref<4x64x128xf32, #tpu.memory_space<vmem>>, vector<16xf32>,
        %add3A_1011 = arith.constant 32 : i32
        %add3A_1012 = arith.addi %add3A_1011, %add3A_901 : i32
        %get3A_1013 = arith.constant 3 : i32
        %get3A_1014 = arith.index_cast %get3A_1013 : i32 to index
        %get3A_1015 = arith.index_cast %add3A_1012 : i32 to index
        %get3A_1016 = arith.constant 16 : index
        %get3A_1017 = tpu.vector_load %arg13[%get3A_1014, %get3A_1015, %get3A_1016] {strides = array<i32>} : memref<4x64x128xf32, #tpu.memory_space<vmem>>, vector<16xf32>,
        %add3A_1018 = arith.constant 32 : i32
        %add3A_1019 = arith.addi %add3A_1018, %add3A_901 : i32
        %get3A_1020 = arith.constant 3 : i32
        %get3A_1021 = arith.index_cast %get3A_1020 : i32 to index
        %get3A_1022 = arith.index_cast %add3A_1019 : i32 to index
        %get3A_1023 = arith.constant 16 : index
        %get3A_1024 = tpu.vector_load %arg14[%get3A_1021, %get3A_1022, %get3A_1023] {strides = array<i32>} : memref<4x64x128xf32, #tpu.memory_space<vmem>>, vector<16xf32>,
        %add3A_1025 = arith.constant 48 : i32
        %add3A_1026 = arith.addi %add3A_1025, %add3A_901 : i32
        %get3A_1027 = arith.constant 3 : i32
        %get3A_1028 = arith.index_cast %get3A_1027 : i32 to index
        %get3A_1029 = arith.index_cast %add3A_1026 : i32 to index
        %get3A_1030 = arith.constant 16 : index
        %get3A_1031 = tpu.vector_load %arg13[%get3A_1028, %get3A_1029, %get3A_1030] {strides = array<i32>} : memref<4x64x128xf32, #tpu.memory_space<vmem>>, vector<16xf32>,
        %add3A_1032 = arith.constant 48 : i32
        %add3A_1033 = arith.addi %add3A_1032, %add3A_901 : i32
        %get3A_1034 = arith.constant 3 : i32
        %get3A_1035 = arith.index_cast %get3A_1034 : i32 to index
        %get3A_1036 = arith.index_cast %add3A_1033 : i32 to index
        %get3A_1037 = arith.constant 16 : index
        %get3A_1038 = tpu.vector_load %arg14[%get3A_1035, %get3A_1036, %get3A_1037] {strides = array<i32>} : memref<4x64x128xf32, #tpu.memory_space<vmem>>, vector<16xf32>,
        %get3A_1039 = arith.constant 3 : i32
        %get3A_1040 = arith.index_cast %get3A_1039 : i32 to index
        %get3A_1041 = arith.index_cast %add3A_901 : i32 to index
        %get3A_1042 = arith.constant 16 : index
        %get3A_1043 = tpu.vector_load %arg15[%get3A_1040, %get3A_1041, %get3A_1042] {strides = array<i32>} : memref<4x16x128xf32, #tpu.memory_space<vmem>>, vector<16xf32>,
        %get3A_1044 = arith.constant 3 : i32
        %get3A_1045 = arith.index_cast %get3A_1044 : i32 to index
        %get3A_1046 = arith.index_cast %add3A_901 : i32 to index
        %get3A_1047 = arith.constant 16 : index
        %get3A_1048 = tpu.vector_load %arg16[%get3A_1045, %get3A_1046, %get3A_1047] {strides = array<i32>} : memref<4x16x128xf32, #tpu.memory_space<vmem>>, vector<16xf32>,
        %mul3A_1049 = arith.mulf %get3A_991, %get3A_1043 : vector<16xf32>
        %mul3A_1050 = arith.mulf %get3A_996, %get3A_1048 : vector<16xf32>
        %sub3A_1051 = arith.subf %mul3A_1049, %mul3A_1050 : vector<16xf32>
        %sub3A_1052 = arith.subf %sub3A_1051, %get3A_1003 : vector<16xf32>
        %mul3A_1053 = arith.mulf %get3A_991, %get3A_1048 : vector<16xf32>
        %mul3A_1054 = arith.mulf %get3A_996, %get3A_1043 : vector<16xf32>
        %add3A_1055 = arith.addf %mul3A_1053, %mul3A_1054 : vector<16xf32>
        %sub3A_1056 = arith.subf %add3A_1055, %get3A_1010 : vector<16xf32>
        %mul3A_1057 = arith.mulf %sub3A_1052, %sub3A_1052 : vector<16xf32>
        %add3A_1058 = arith.addf %add3A_974, %mul3A_1057 : vector<16xf32>
        %mul3A_1059 = arith.mulf %sub3A_1056, %sub3A_1056 : vector<16xf32>
        %add3A_1060 = arith.addf %add3A_1058, %mul3A_1059 : vector<16xf32>
        %mul3A_1061 = arith.mulf %get3A_1017, %get3A_1043 : vector<16xf32>
        %mul3A_1062 = arith.mulf %get3A_1024, %get3A_1048 : vector<16xf32>
        %sub3A_1063 = arith.subf %mul3A_1061, %mul3A_1062 : vector<16xf32>
        %sub3A_1064 = arith.subf %sub3A_1063, %get3A_1031 : vector<16xf32>
        %mul3A_1065 = arith.mulf %get3A_1017, %get3A_1048 : vector<16xf32>
        %mul3A_1066 = arith.mulf %get3A_1024, %get3A_1043 : vector<16xf32>
        %add3A_1067 = arith.addf %mul3A_1065, %mul3A_1066 : vector<16xf32>
        %sub3A_1068 = arith.subf %add3A_1067, %get3A_1038 : vector<16xf32>
        %mul3A_1069 = arith.mulf %sub3A_1064, %sub3A_1064 : vector<16xf32>
        %add3A_1070 = arith.addf %add3A_986, %mul3A_1069 : vector<16xf32>
        %mul3A_1071 = arith.mulf %sub3A_1068, %sub3A_1068 : vector<16xf32>
        %add3A_1072 = arith.addf %add3A_1070, %mul3A_1071 : vector<16xf32>
        %get3A_1073 = arith.constant 3 : i32
        %get3A_1074 = arith.index_cast %get3A_1073 : i32 to index
        %get3A_1075 = arith.index_cast %add3A_901 : i32 to index
        %get3A_1076 = arith.constant 32 : index
        %get3A_1077 = tpu.vector_load %arg13[%get3A_1074, %get3A_1075, %get3A_1076] {strides = array<i32>} : memref<4x64x128xf32, #tpu.memory_space<vmem>>, vector<16xf32>,
        %get3A_1078 = arith.constant 3 : i32
        %get3A_1079 = arith.index_cast %get3A_1078 : i32 to index
        %get3A_1080 = arith.index_cast %add3A_901 : i32 to index
        %get3A_1081 = arith.constant 32 : index
        %get3A_1082 = tpu.vector_load %arg14[%get3A_1079, %get3A_1080, %get3A_1081] {strides = array<i32>} : memref<4x64x128xf32, #tpu.memory_space<vmem>>, vector<16xf32>,
        %add3A_1083 = arith.constant 16 : i32
        %add3A_1084 = arith.addi %add3A_1083, %add3A_901 : i32
        %get3A_1085 = arith.constant 3 : i32
        %get3A_1086 = arith.index_cast %get3A_1085 : i32 to index
        %get3A_1087 = arith.index_cast %add3A_1084 : i32 to index
        %get3A_1088 = arith.constant 32 : index
        %get3A_1089 = tpu.vector_load %arg13[%get3A_1086, %get3A_1087, %get3A_1088] {strides = array<i32>} : memref<4x64x128xf32, #tpu.memory_space<vmem>>, vector<16xf32>,
        %add3A_1090 = arith.constant 16 : i32
        %add3A_1091 = arith.addi %add3A_1090, %add3A_901 : i32
        %get3A_1092 = arith.constant 3 : i32
        %get3A_1093 = arith.index_cast %get3A_1092 : i32 to index
        %get3A_1094 = arith.index_cast %add3A_1091 : i32 to index
        %get3A_1095 = arith.constant 32 : index
        %get3A_1096 = tpu.vector_load %arg14[%get3A_1093, %get3A_1094, %get3A_1095] {strides = array<i32>} : memref<4x64x128xf32, #tpu.memory_space<vmem>>, vector<16xf32>,
        %add3A_1097 = arith.constant 32 : i32
        %add3A_1098 = arith.addi %add3A_1097, %add3A_901 : i32
        %get3A_1099 = arith.constant 3 : i32
        %get3A_1100 = arith.index_cast %get3A_1099 : i32 to index
        %get3A_1101 = arith.index_cast %add3A_1098 : i32 to index
        %get3A_1102 = arith.constant 32 : index
        %get3A_1103 = tpu.vector_load %arg13[%get3A_1100, %get3A_1101, %get3A_1102] {strides = array<i32>} : memref<4x64x128xf32, #tpu.memory_space<vmem>>, vector<16xf32>,
        %add3A_1104 = arith.constant 32 : i32
        %add3A_1105 = arith.addi %add3A_1104, %add3A_901 : i32
        %get3A_1106 = arith.constant 3 : i32
        %get3A_1107 = arith.index_cast %get3A_1106 : i32 to index
        %get3A_1108 = arith.index_cast %add3A_1105 : i32 to index
        %get3A_1109 = arith.constant 32 : index
        %get3A_1110 = tpu.vector_load %arg14[%get3A_1107, %get3A_1108, %get3A_1109] {strides = array<i32>} : memref<4x64x128xf32, #tpu.memory_space<vmem>>, vector<16xf32>,
        %add3A_1111 = arith.constant 48 : i32
        %add3A_1112 = arith.addi %add3A_1111, %add3A_901 : i32
        %get3A_1113 = arith.constant 3 : i32
        %get3A_1114 = arith.index_cast %get3A_1113 : i32 to index
        %get3A_1115 = arith.index_cast %add3A_1112 : i32 to index
        %get3A_1116 = arith.constant 32 : index
        %get3A_1117 = tpu.vector_load %arg13[%get3A_1114, %get3A_1115, %get3A_1116] {strides = array<i32>} : memref<4x64x128xf32, #tpu.memory_space<vmem>>, vector<16xf32>,
        %add3A_1118 = arith.constant 48 : i32
        %add3A_1119 = arith.addi %add3A_1118, %add3A_901 : i32
        %get3A_1120 = arith.constant 3 : i32
        %get3A_1121 = arith.index_cast %get3A_1120 : i32 to index
        %get3A_1122 = arith.index_cast %add3A_1119 : i32 to index
        %get3A_1123 = arith.constant 32 : index
        %get3A_1124 = tpu.vector_load %arg14[%get3A_1121, %get3A_1122, %get3A_1123] {strides = array<i32>} : memref<4x64x128xf32, #tpu.memory_space<vmem>>, vector<16xf32>,
        %get3A_1125 = arith.constant 3 : i32
        %get3A_1126 = arith.index_cast %get3A_1125 : i32 to index
        %get3A_1127 = arith.index_cast %add3A_901 : i32 to index
        %get3A_1128 = arith.constant 32 : index
        %get3A_1129 = tpu.vector_load %arg15[%get3A_1126, %get3A_1127, %get3A_1128] {strides = array<i32>} : memref<4x16x128xf32, #tpu.memory_space<vmem>>, vector<16xf32>,
        %get3A_1130 = arith.constant 3 : i32
        %get3A_1131 = arith.index_cast %get3A_1130 : i32 to index
        %get3A_1132 = arith.index_cast %add3A_901 : i32 to index
        %get3A_1133 = arith.constant 32 : index
        %get3A_1134 = tpu.vector_load %arg16[%get3A_1131, %get3A_1132, %get3A_1133] {strides = array<i32>} : memref<4x16x128xf32, #tpu.memory_space<vmem>>, vector<16xf32>,
        %mul3A_1135 = arith.mulf %get3A_1077, %get3A_1129 : vector<16xf32>
        %mul3A_1136 = arith.mulf %get3A_1082, %get3A_1134 : vector<16xf32>
        %sub3A_1137 = arith.subf %mul3A_1135, %mul3A_1136 : vector<16xf32>
        %sub3A_1138 = arith.subf %sub3A_1137, %get3A_1089 : vector<16xf32>
        %mul3A_1139 = arith.mulf %get3A_1077, %get3A_1134 : vector<16xf32>
        %mul3A_1140 = arith.mulf %get3A_1082, %get3A_1129 : vector<16xf32>
        %add3A_1141 = arith.addf %mul3A_1139, %mul3A_1140 : vector<16xf32>
        %sub3A_1142 = arith.subf %add3A_1141, %get3A_1096 : vector<16xf32>
        %mul3A_1143 = arith.mulf %sub3A_1138, %sub3A_1138 : vector<16xf32>
        %add3A_1144 = arith.addf %add3A_1060, %mul3A_1143 : vector<16xf32>
        %mul3A_1145 = arith.mulf %sub3A_1142, %sub3A_1142 : vector<16xf32>
        %add3A_1146 = arith.addf %add3A_1144, %mul3A_1145 : vector<16xf32>
        %mul3A_1147 = arith.mulf %get3A_1103, %get3A_1129 : vector<16xf32>
        %mul3A_1148 = arith.mulf %get3A_1110, %get3A_1134 : vector<16xf32>
        %sub3A_1149 = arith.subf %mul3A_1147, %mul3A_1148 : vector<16xf32>
        %sub3A_1150 = arith.subf %sub3A_1149, %get3A_1117 : vector<16xf32>
        %mul3A_1151 = arith.mulf %get3A_1103, %get3A_1134 : vector<16xf32>
        %mul3A_1152 = arith.mulf %get3A_1110, %get3A_1129 : vector<16xf32>
        %add3A_1153 = arith.addf %mul3A_1151, %mul3A_1152 : vector<16xf32>
        %sub3A_1154 = arith.subf %add3A_1153, %get3A_1124 : vector<16xf32>
        %mul3A_1155 = arith.mulf %sub3A_1150, %sub3A_1150 : vector<16xf32>
        %add3A_1156 = arith.addf %add3A_1072, %mul3A_1155 : vector<16xf32>
        %mul3A_1157 = arith.mulf %sub3A_1154, %sub3A_1154 : vector<16xf32>
        %add3A_1158 = arith.addf %add3A_1156, %mul3A_1157 : vector<16xf32>
        %get3A_1159 = arith.constant 3 : i32
        %get3A_1160 = arith.index_cast %get3A_1159 : i32 to index
        %get3A_1161 = arith.index_cast %add3A_901 : i32 to index
        %get3A_1162 = arith.constant 48 : index
        %get3A_1163 = tpu.vector_load %arg13[%get3A_1160, %get3A_1161, %get3A_1162] {strides = array<i32>} : memref<4x64x128xf32, #tpu.memory_space<vmem>>, vector<16xf32>,
        %get3A_1164 = arith.constant 3 : i32
        %get3A_1165 = arith.index_cast %get3A_1164 : i32 to index
        %get3A_1166 = arith.index_cast %add3A_901 : i32 to index
        %get3A_1167 = arith.constant 48 : index
        %get3A_1168 = tpu.vector_load %arg14[%get3A_1165, %get3A_1166, %get3A_1167] {strides = array<i32>} : memref<4x64x128xf32, #tpu.memory_space<vmem>>, vector<16xf32>,
        %add3A_1169 = arith.constant 16 : i32
        %add3A_1170 = arith.addi %add3A_1169, %add3A_901 : i32
        %get3A_1171 = arith.constant 3 : i32
        %get3A_1172 = arith.index_cast %get3A_1171 : i32 to index
        %get3A_1173 = arith.index_cast %add3A_1170 : i32 to index
        %get3A_1174 = arith.constant 48 : index
        %get3A_1175 = tpu.vector_load %arg13[%get3A_1172, %get3A_1173, %get3A_1174] {strides = array<i32>} : memref<4x64x128xf32, #tpu.memory_space<vmem>>, vector<16xf32>,
        %add3A_1176 = arith.constant 16 : i32
        %add3A_1177 = arith.addi %add3A_1176, %add3A_901 : i32
        %get3A_1178 = arith.constant 3 : i32
        %get3A_1179 = arith.index_cast %get3A_1178 : i32 to index
        %get3A_1180 = arith.index_cast %add3A_1177 : i32 to index
        %get3A_1181 = arith.constant 48 : index
        %get3A_1182 = tpu.vector_load %arg14[%get3A_1179, %get3A_1180, %get3A_1181] {strides = array<i32>} : memref<4x64x128xf32, #tpu.memory_space<vmem>>, vector<16xf32>,
        %add3A_1183 = arith.constant 32 : i32
        %add3A_1184 = arith.addi %add3A_1183, %add3A_901 : i32
        %get3A_1185 = arith.constant 3 : i32
        %get3A_1186 = arith.index_cast %get3A_1185 : i32 to index
        %get3A_1187 = arith.index_cast %add3A_1184 : i32 to index
        %get3A_1188 = arith.constant 48 : index
        %get3A_1189 = tpu.vector_load %arg13[%get3A_1186, %get3A_1187, %get3A_1188] {strides = array<i32>} : memref<4x64x128xf32, #tpu.memory_space<vmem>>, vector<16xf32>,
        %add3A_1190 = arith.constant 32 : i32
        %add3A_1191 = arith.addi %add3A_1190, %add3A_901 : i32
        %get3A_1192 = arith.constant 3 : i32
        %get3A_1193 = arith.index_cast %get3A_1192 : i32 to index
        %get3A_1194 = arith.index_cast %add3A_1191 : i32 to index
        %get3A_1195 = arith.constant 48 : index
        %get3A_1196 = tpu.vector_load %arg14[%get3A_1193, %get3A_1194, %get3A_1195] {strides = array<i32>} : memref<4x64x128xf32, #tpu.memory_space<vmem>>, vector<16xf32>,
        %add3A_1197 = arith.constant 48 : i32
        %add3A_1198 = arith.addi %add3A_1197, %add3A_901 : i32
        %get3A_1199 = arith.constant 3 : i32
        %get3A_1200 = arith.index_cast %get3A_1199 : i32 to index
        %get3A_1201 = arith.index_cast %add3A_1198 : i32 to index
        %get3A_1202 = arith.constant 48 : index
        %get3A_1203 = tpu.vector_load %arg13[%get3A_1200, %get3A_1201, %get3A_1202] {strides = array<i32>} : memref<4x64x128xf32, #tpu.memory_space<vmem>>, vector<16xf32>,
        %add3A_1204 = arith.constant 48 : i32
        %add3A_1205 = arith.addi %add3A_1204, %add3A_901 : i32
        %get3A_1206 = arith.constant 3 : i32
        %get3A_1207 = arith.index_cast %get3A_1206 : i32 to index
        %get3A_1208 = arith.index_cast %add3A_1205 : i32 to index
        %get3A_1209 = arith.constant 48 : index
        %get3A_1210 = tpu.vector_load %arg14[%get3A_1207, %get3A_1208, %get3A_1209] {strides = array<i32>} : memref<4x64x128xf32, #tpu.memory_space<vmem>>, vector<16xf32>,
        %get3A_1211 = arith.constant 3 : i32
        %get3A_1212 = arith.index_cast %get3A_1211 : i32 to index
        %get3A_1213 = arith.index_cast %add3A_901 : i32 to index
        %get3A_1214 = arith.constant 48 : index
        %get3A_1215 = tpu.vector_load %arg15[%get3A_1212, %get3A_1213, %get3A_1214] {strides = array<i32>} : memref<4x16x128xf32, #tpu.memory_space<vmem>>, vector<16xf32>,
        %get3A_1216 = arith.constant 3 : i32
        %get3A_1217 = arith.index_cast %get3A_1216 : i32 to index
        %get3A_1218 = arith.index_cast %add3A_901 : i32 to index
        %get3A_1219 = arith.constant 48 : index
        %get3A_1220 = tpu.vector_load %arg16[%get3A_1217, %get3A_1218, %get3A_1219] {strides = array<i32>} : memref<4x16x128xf32, #tpu.memory_space<vmem>>, vector<16xf32>,
        %mul3A_1221 = arith.mulf %get3A_1163, %get3A_1215 : vector<16xf32>
        %mul3A_1222 = arith.mulf %get3A_1168, %get3A_1220 : vector<16xf32>
        %sub3A_1223 = arith.subf %mul3A_1221, %mul3A_1222 : vector<16xf32>
        %sub3A_1224 = arith.subf %sub3A_1223, %get3A_1175 : vector<16xf32>
        %mul3A_1225 = arith.mulf %get3A_1163, %get3A_1220 : vector<16xf32>
        %mul3A_1226 = arith.mulf %get3A_1168, %get3A_1215 : vector<16xf32>
        %add3A_1227 = arith.addf %mul3A_1225, %mul3A_1226 : vector<16xf32>
        %sub3A_1228 = arith.subf %add3A_1227, %get3A_1182 : vector<16xf32>
        %mul3A_1229 = arith.mulf %sub3A_1224, %sub3A_1224 : vector<16xf32>
        %add3A_1230 = arith.addf %add3A_1146, %mul3A_1229 : vector<16xf32>
        %mul3A_1231 = arith.mulf %sub3A_1228, %sub3A_1228 : vector<16xf32>
        %add3A_1232 = arith.addf %add3A_1230, %mul3A_1231 : vector<16xf32>
        %mul3A_1233 = arith.mulf %get3A_1189, %get3A_1215 : vector<16xf32>
        %mul3A_1234 = arith.mulf %get3A_1196, %get3A_1220 : vector<16xf32>
        %sub3A_1235 = arith.subf %mul3A_1233, %mul3A_1234 : vector<16xf32>
        %sub3A_1236 = arith.subf %sub3A_1235, %get3A_1203 : vector<16xf32>
        %mul3A_1237 = arith.mulf %get3A_1189, %get3A_1220 : vector<16xf32>
        %mul3A_1238 = arith.mulf %get3A_1196, %get3A_1215 : vector<16xf32>
        %add3A_1239 = arith.addf %mul3A_1237, %mul3A_1238 : vector<16xf32>
        %sub3A_1240 = arith.subf %add3A_1239, %get3A_1210 : vector<16xf32>
        %mul3A_1241 = arith.mulf %sub3A_1236, %sub3A_1236 : vector<16xf32>
        %add3A_1242 = arith.addf %add3A_1158, %mul3A_1241 : vector<16xf32>
        %mul3A_1243 = arith.mulf %sub3A_1240, %sub3A_1240 : vector<16xf32>
        %add3A_1244 = arith.addf %add3A_1242, %mul3A_1243 : vector<16xf32>
        %get3A_1245 = arith.constant 3 : i32
        %get3A_1246 = arith.index_cast %get3A_1245 : i32 to index
        %get3A_1247 = arith.index_cast %add3A_901 : i32 to index
        %get3A_1248 = arith.constant 64 : index
        %get3A_1249 = tpu.vector_load %arg13[%get3A_1246, %get3A_1247, %get3A_1248] {strides = array<i32>} : memref<4x64x128xf32, #tpu.memory_space<vmem>>, vector<16xf32>,
        %get3A_1250 = arith.constant 3 : i32
        %get3A_1251 = arith.index_cast %get3A_1250 : i32 to index
        %get3A_1252 = arith.index_cast %add3A_901 : i32 to index
        %get3A_1253 = arith.constant 64 : index
        %get3A_1254 = tpu.vector_load %arg14[%get3A_1251, %get3A_1252, %get3A_1253] {strides = array<i32>} : memref<4x64x128xf32, #tpu.memory_space<vmem>>, vector<16xf32>,
        %add3A_1255 = arith.constant 16 : i32
        %add3A_1256 = arith.addi %add3A_1255, %add3A_901 : i32
        %get3A_1257 = arith.constant 3 : i32
        %get3A_1258 = arith.index_cast %get3A_1257 : i32 to index
        %get3A_1259 = arith.index_cast %add3A_1256 : i32 to index
        %get3A_1260 = arith.constant 64 : index
        %get3A_1261 = tpu.vector_load %arg13[%get3A_1258, %get3A_1259, %get3A_1260] {strides = array<i32>} : memref<4x64x128xf32, #tpu.memory_space<vmem>>, vector<16xf32>,
        %add3A_1262 = arith.constant 16 : i32
        %add3A_1263 = arith.addi %add3A_1262, %add3A_901 : i32
        %get3A_1264 = arith.constant 3 : i32
        %get3A_1265 = arith.index_cast %get3A_1264 : i32 to index
        %get3A_1266 = arith.index_cast %add3A_1263 : i32 to index
        %get3A_1267 = arith.constant 64 : index
        %get3A_1268 = tpu.vector_load %arg14[%get3A_1265, %get3A_1266, %get3A_1267] {strides = array<i32>} : memref<4x64x128xf32, #tpu.memory_space<vmem>>, vector<16xf32>,
        %add3A_1269 = arith.constant 32 : i32
        %add3A_1270 = arith.addi %add3A_1269, %add3A_901 : i32
        %get3A_1271 = arith.constant 3 : i32
        %get3A_1272 = arith.index_cast %get3A_1271 : i32 to index
        %get3A_1273 = arith.index_cast %add3A_1270 : i32 to index
        %get3A_1274 = arith.constant 64 : index
        %get3A_1275 = tpu.vector_load %arg13[%get3A_1272, %get3A_1273, %get3A_1274] {strides = array<i32>} : memref<4x64x128xf32, #tpu.memory_space<vmem>>, vector<16xf32>,
        %add3A_1276 = arith.constant 32 : i32
        %add3A_1277 = arith.addi %add3A_1276, %add3A_901 : i32
        %get3A_1278 = arith.constant 3 : i32
        %get3A_1279 = arith.index_cast %get3A_1278 : i32 to index
        %get3A_1280 = arith.index_cast %add3A_1277 : i32 to index
        %get3A_1281 = arith.constant 64 : index
        %get3A_1282 = tpu.vector_load %arg14[%get3A_1279, %get3A_1280, %get3A_1281] {strides = array<i32>} : memref<4x64x128xf32, #tpu.memory_space<vmem>>, vector<16xf32>,
        %add3A_1283 = arith.constant 48 : i32
        %add3A_1284 = arith.addi %add3A_1283, %add3A_901 : i32
        %get3A_1285 = arith.constant 3 : i32
        %get3A_1286 = arith.index_cast %get3A_1285 : i32 to index
        %get3A_1287 = arith.index_cast %add3A_1284 : i32 to index
        %get3A_1288 = arith.constant 64 : index
        %get3A_1289 = tpu.vector_load %arg13[%get3A_1286, %get3A_1287, %get3A_1288] {strides = array<i32>} : memref<4x64x128xf32, #tpu.memory_space<vmem>>, vector<16xf32>,
        %add3A_1290 = arith.constant 48 : i32
        %add3A_1291 = arith.addi %add3A_1290, %add3A_901 : i32
        %get3A_1292 = arith.constant 3 : i32
        %get3A_1293 = arith.index_cast %get3A_1292 : i32 to index
        %get3A_1294 = arith.index_cast %add3A_1291 : i32 to index
        %get3A_1295 = arith.constant 64 : index
        %get3A_1296 = tpu.vector_load %arg14[%get3A_1293, %get3A_1294, %get3A_1295] {strides = array<i32>} : memref<4x64x128xf32, #tpu.memory_space<vmem>>, vector<16xf32>,
        %get3A_1297 = arith.constant 3 : i32
        %get3A_1298 = arith.index_cast %get3A_1297 : i32 to index
        %get3A_1299 = arith.index_cast %add3A_901 : i32 to index
        %get3A_1300 = arith.constant 64 : index
        %get3A_1301 = tpu.vector_load %arg15[%get3A_1298, %get3A_1299, %get3A_1300] {strides = array<i32>} : memref<4x16x128xf32, #tpu.memory_space<vmem>>, vector<16xf32>,
        %get3A_1302 = arith.constant 3 : i32
        %get3A_1303 = arith.index_cast %get3A_1302 : i32 to index
        %get3A_1304 = arith.index_cast %add3A_901 : i32 to index
        %get3A_1305 = arith.constant 64 : index
        %get3A_1306 = tpu.vector_load %arg16[%get3A_1303, %get3A_1304, %get3A_1305] {strides = array<i32>} : memref<4x16x128xf32, #tpu.memory_space<vmem>>, vector<16xf32>,
        %mul3A_1307 = arith.mulf %get3A_1249, %get3A_1301 : vector<16xf32>
        %mul3A_1308 = arith.mulf %get3A_1254, %get3A_1306 : vector<16xf32>
        %sub3A_1309 = arith.subf %mul3A_1307, %mul3A_1308 : vector<16xf32>
        %sub3A_1310 = arith.subf %sub3A_1309, %get3A_1261 : vector<16xf32>
        %mul3A_1311 = arith.mulf %get3A_1249, %get3A_1306 : vector<16xf32>
        %mul3A_1312 = arith.mulf %get3A_1254, %get3A_1301 : vector<16xf32>
        %add3A_1313 = arith.addf %mul3A_1311, %mul3A_1312 : vector<16xf32>
        %sub3A_1314 = arith.subf %add3A_1313, %get3A_1268 : vector<16xf32>
        %mul3A_1315 = arith.mulf %sub3A_1310, %sub3A_1310 : vector<16xf32>
        %add3A_1316 = arith.addf %add3A_1232, %mul3A_1315 : vector<16xf32>
        %mul3A_1317 = arith.mulf %sub3A_1314, %sub3A_1314 : vector<16xf32>
        %add3A_1318 = arith.addf %add3A_1316, %mul3A_1317 : vector<16xf32>
        %mul3A_1319 = arith.mulf %get3A_1275, %get3A_1301 : vector<16xf32>
        %mul3A_1320 = arith.mulf %get3A_1282, %get3A_1306 : vector<16xf32>
        %sub3A_1321 = arith.subf %mul3A_1319, %mul3A_1320 : vector<16xf32>
        %sub3A_1322 = arith.subf %sub3A_1321, %get3A_1289 : vector<16xf32>
        %mul3A_1323 = arith.mulf %get3A_1275, %get3A_1306 : vector<16xf32>
        %mul3A_1324 = arith.mulf %get3A_1282, %get3A_1301 : vector<16xf32>
        %add3A_1325 = arith.addf %mul3A_1323, %mul3A_1324 : vector<16xf32>
        %sub3A_1326 = arith.subf %add3A_1325, %get3A_1296 : vector<16xf32>
        %mul3A_1327 = arith.mulf %sub3A_1322, %sub3A_1322 : vector<16xf32>
        %add3A_1328 = arith.addf %add3A_1244, %mul3A_1327 : vector<16xf32>
        %mul3A_1329 = arith.mulf %sub3A_1326, %sub3A_1326 : vector<16xf32>
        %add3A_1330 = arith.addf %add3A_1328, %mul3A_1329 : vector<16xf32>
        %get3A_1331 = arith.constant 3 : i32
        %get3A_1332 = arith.index_cast %get3A_1331 : i32 to index
        %get3A_1333 = arith.index_cast %add3A_901 : i32 to index
        %get3A_1334 = arith.constant 80 : index
        %get3A_1335 = tpu.vector_load %arg13[%get3A_1332, %get3A_1333, %get3A_1334] {strides = array<i32>} : memref<4x64x128xf32, #tpu.memory_space<vmem>>, vector<16xf32>,
        %get3A_1336 = arith.constant 3 : i32
        %get3A_1337 = arith.index_cast %get3A_1336 : i32 to index
        %get3A_1338 = arith.index_cast %add3A_901 : i32 to index
        %get3A_1339 = arith.constant 80 : index
        %get3A_1340 = tpu.vector_load %arg14[%get3A_1337, %get3A_1338, %get3A_1339] {strides = array<i32>} : memref<4x64x128xf32, #tpu.memory_space<vmem>>, vector<16xf32>,
        %add3A_1341 = arith.constant 16 : i32
        %add3A_1342 = arith.addi %add3A_1341, %add3A_901 : i32
        %get3A_1343 = arith.constant 3 : i32
        %get3A_1344 = arith.index_cast %get3A_1343 : i32 to index
        %get3A_1345 = arith.index_cast %add3A_1342 : i32 to index
        %get3A_1346 = arith.constant 80 : index
        %get3A_1347 = tpu.vector_load %arg13[%get3A_1344, %get3A_1345, %get3A_1346] {strides = array<i32>} : memref<4x64x128xf32, #tpu.memory_space<vmem>>, vector<16xf32>,
        %add3A_1348 = arith.constant 16 : i32
        %add3A_1349 = arith.addi %add3A_1348, %add3A_901 : i32
        %get3A_1350 = arith.constant 3 : i32
        %get3A_1351 = arith.index_cast %get3A_1350 : i32 to index
        %get3A_1352 = arith.index_cast %add3A_1349 : i32 to index
        %get3A_1353 = arith.constant 80 : index
        %get3A_1354 = tpu.vector_load %arg14[%get3A_1351, %get3A_1352, %get3A_1353] {strides = array<i32>} : memref<4x64x128xf32, #tpu.memory_space<vmem>>, vector<16xf32>,
        %add3A_1355 = arith.constant 32 : i32
        %add3A_1356 = arith.addi %add3A_1355, %add3A_901 : i32
        %get3A_1357 = arith.constant 3 : i32
        %get3A_1358 = arith.index_cast %get3A_1357 : i32 to index
        %get3A_1359 = arith.index_cast %add3A_1356 : i32 to index
        %get3A_1360 = arith.constant 80 : index
        %get3A_1361 = tpu.vector_load %arg13[%get3A_1358, %get3A_1359, %get3A_1360] {strides = array<i32>} : memref<4x64x128xf32, #tpu.memory_space<vmem>>, vector<16xf32>,
        %add3A_1362 = arith.constant 32 : i32
        %add3A_1363 = arith.addi %add3A_1362, %add3A_901 : i32
        %get3A_1364 = arith.constant 3 : i32
        %get3A_1365 = arith.index_cast %get3A_1364 : i32 to index
        %get3A_1366 = arith.index_cast %add3A_1363 : i32 to index
        %get3A_1367 = arith.constant 80 : index
        %get3A_1368 = tpu.vector_load %arg14[%get3A_1365, %get3A_1366, %get3A_1367] {strides = array<i32>} : memref<4x64x128xf32, #tpu.memory_space<vmem>>, vector<16xf32>,
        %add3A_1369 = arith.constant 48 : i32
        %add3A_1370 = arith.addi %add3A_1369, %add3A_901 : i32
        %get3A_1371 = arith.constant 3 : i32
        %get3A_1372 = arith.index_cast %get3A_1371 : i32 to index
        %get3A_1373 = arith.index_cast %add3A_1370 : i32 to index
        %get3A_1374 = arith.constant 80 : index
        %get3A_1375 = tpu.vector_load %arg13[%get3A_1372, %get3A_1373, %get3A_1374] {strides = array<i32>} : memref<4x64x128xf32, #tpu.memory_space<vmem>>, vector<16xf32>,
        %add3A_1376 = arith.constant 48 : i32
        %add3A_1377 = arith.addi %add3A_1376, %add3A_901 : i32
        %get3A_1378 = arith.constant 3 : i32
        %get3A_1379 = arith.index_cast %get3A_1378 : i32 to index
        %get3A_1380 = arith.index_cast %add3A_1377 : i32 to index
        %get3A_1381 = arith.constant 80 : index
        %get3A_1382 = tpu.vector_load %arg14[%get3A_1379, %get3A_1380, %get3A_1381] {strides = array<i32>} : memref<4x64x128xf32, #tpu.memory_space<vmem>>, vector<16xf32>,
        %get3A_1383 = arith.constant 3 : i32
        %get3A_1384 = arith.index_cast %get3A_1383 : i32 to index
        %get3A_1385 = arith.index_cast %add3A_901 : i32 to index
        %get3A_1386 = arith.constant 80 : index
        %get3A_1387 = tpu.vector_load %arg15[%get3A_1384, %get3A_1385, %get3A_1386] {strides = array<i32>} : memref<4x16x128xf32, #tpu.memory_space<vmem>>, vector<16xf32>,
        %get3A_1388 = arith.constant 3 : i32
        %get3A_1389 = arith.index_cast %get3A_1388 : i32 to index
        %get3A_1390 = arith.index_cast %add3A_901 : i32 to index
        %get3A_1391 = arith.constant 80 : index
        %get3A_1392 = tpu.vector_load %arg16[%get3A_1389, %get3A_1390, %get3A_1391] {strides = array<i32>} : memref<4x16x128xf32, #tpu.memory_space<vmem>>, vector<16xf32>,
        %mul3A_1393 = arith.mulf %get3A_1335, %get3A_1387 : vector<16xf32>
        %mul3A_1394 = arith.mulf %get3A_1340, %get3A_1392 : vector<16xf32>
        %sub3A_1395 = arith.subf %mul3A_1393, %mul3A_1394 : vector<16xf32>
        %sub3A_1396 = arith.subf %sub3A_1395, %get3A_1347 : vector<16xf32>
        %mul3A_1397 = arith.mulf %get3A_1335, %get3A_1392 : vector<16xf32>
        %mul3A_1398 = arith.mulf %get3A_1340, %get3A_1387 : vector<16xf32>
        %add3A_1399 = arith.addf %mul3A_1397, %mul3A_1398 : vector<16xf32>
        %sub3A_1400 = arith.subf %add3A_1399, %get3A_1354 : vector<16xf32>
        %mul3A_1401 = arith.mulf %sub3A_1396, %sub3A_1396 : vector<16xf32>
        %add3A_1402 = arith.addf %add3A_1318, %mul3A_1401 : vector<16xf32>
        %mul3A_1403 = arith.mulf %sub3A_1400, %sub3A_1400 : vector<16xf32>
        %add3A_1404 = arith.addf %add3A_1402, %mul3A_1403 : vector<16xf32>
        %mul3A_1405 = arith.mulf %get3A_1361, %get3A_1387 : vector<16xf32>
        %mul3A_1406 = arith.mulf %get3A_1368, %get3A_1392 : vector<16xf32>
        %sub3A_1407 = arith.subf %mul3A_1405, %mul3A_1406 : vector<16xf32>
        %sub3A_1408 = arith.subf %sub3A_1407, %get3A_1375 : vector<16xf32>
        %mul3A_1409 = arith.mulf %get3A_1361, %get3A_1392 : vector<16xf32>
        %mul3A_1410 = arith.mulf %get3A_1368, %get3A_1387 : vector<16xf32>
        %add3A_1411 = arith.addf %mul3A_1409, %mul3A_1410 : vector<16xf32>
        %sub3A_1412 = arith.subf %add3A_1411, %get3A_1382 : vector<16xf32>
        %mul3A_1413 = arith.mulf %sub3A_1408, %sub3A_1408 : vector<16xf32>
        %add3A_1414 = arith.addf %add3A_1330, %mul3A_1413 : vector<16xf32>
        %mul3A_1415 = arith.mulf %sub3A_1412, %sub3A_1412 : vector<16xf32>
        %add3A_1416 = arith.addf %add3A_1414, %mul3A_1415 : vector<16xf32>
        %get3A_1417 = arith.constant 3 : i32
        %get3A_1418 = arith.index_cast %get3A_1417 : i32 to index
        %get3A_1419 = arith.index_cast %add3A_901 : i32 to index
        %get3A_1420 = arith.constant 96 : index
        %get3A_1421 = tpu.vector_load %arg13[%get3A_1418, %get3A_1419, %get3A_1420] {strides = array<i32>} : memref<4x64x128xf32, #tpu.memory_space<vmem>>, vector<16xf32>,
        %get3A_1422 = arith.constant 3 : i32
        %get3A_1423 = arith.index_cast %get3A_1422 : i32 to index
        %get3A_1424 = arith.index_cast %add3A_901 : i32 to index
        %get3A_1425 = arith.constant 96 : index
        %get3A_1426 = tpu.vector_load %arg14[%get3A_1423, %get3A_1424, %get3A_1425] {strides = array<i32>} : memref<4x64x128xf32, #tpu.memory_space<vmem>>, vector<16xf32>,
        %add3A_1427 = arith.constant 16 : i32
        %add3A_1428 = arith.addi %add3A_1427, %add3A_901 : i32
        %get3A_1429 = arith.constant 3 : i32
        %get3A_1430 = arith.index_cast %get3A_1429 : i32 to index
        %get3A_1431 = arith.index_cast %add3A_1428 : i32 to index
        %get3A_1432 = arith.constant 96 : index
        %get3A_1433 = tpu.vector_load %arg13[%get3A_1430, %get3A_1431, %get3A_1432] {strides = array<i32>} : memref<4x64x128xf32, #tpu.memory_space<vmem>>, vector<16xf32>,
        %add3A_1434 = arith.constant 16 : i32
        %add3A_1435 = arith.addi %add3A_1434, %add3A_901 : i32
        %get3A_1436 = arith.constant 3 : i32
        %get3A_1437 = arith.index_cast %get3A_1436 : i32 to index
        %get3A_1438 = arith.index_cast %add3A_1435 : i32 to index
        %get3A_1439 = arith.constant 96 : index
        %get3A_1440 = tpu.vector_load %arg14[%get3A_1437, %get3A_1438, %get3A_1439] {strides = array<i32>} : memref<4x64x128xf32, #tpu.memory_space<vmem>>, vector<16xf32>,
        %add3A_1441 = arith.constant 32 : i32
        %add3A_1442 = arith.addi %add3A_1441, %add3A_901 : i32
        %get3A_1443 = arith.constant 3 : i32
        %get3A_1444 = arith.index_cast %get3A_1443 : i32 to index
        %get3A_1445 = arith.index_cast %add3A_1442 : i32 to index
        %get3A_1446 = arith.constant 96 : index
        %get3A_1447 = tpu.vector_load %arg13[%get3A_1444, %get3A_1445, %get3A_1446] {strides = array<i32>} : memref<4x64x128xf32, #tpu.memory_space<vmem>>, vector<16xf32>,
        %add3A_1448 = arith.constant 32 : i32
        %add3A_1449 = arith.addi %add3A_1448, %add3A_901 : i32
        %get3A_1450 = arith.constant 3 : i32
        %get3A_1451 = arith.index_cast %get3A_1450 : i32 to index
        %get3A_1452 = arith.index_cast %add3A_1449 : i32 to index
        %get3A_1453 = arith.constant 96 : index
        %get3A_1454 = tpu.vector_load %arg14[%get3A_1451, %get3A_1452, %get3A_1453] {strides = array<i32>} : memref<4x64x128xf32, #tpu.memory_space<vmem>>, vector<16xf32>,
        %add3A_1455 = arith.constant 48 : i32
        %add3A_1456 = arith.addi %add3A_1455, %add3A_901 : i32
        %get3A_1457 = arith.constant 3 : i32
        %get3A_1458 = arith.index_cast %get3A_1457 : i32 to index
        %get3A_1459 = arith.index_cast %add3A_1456 : i32 to index
        %get3A_1460 = arith.constant 96 : index
        %get3A_1461 = tpu.vector_load %arg13[%get3A_1458, %get3A_1459, %get3A_1460] {strides = array<i32>} : memref<4x64x128xf32, #tpu.memory_space<vmem>>, vector<16xf32>,
        %add3A_1462 = arith.constant 48 : i32
        %add3A_1463 = arith.addi %add3A_1462, %add3A_901 : i32
        %get3A_1464 = arith.constant 3 : i32
        %get3A_1465 = arith.index_cast %get3A_1464 : i32 to index
        %get3A_1466 = arith.index_cast %add3A_1463 : i32 to index
        %get3A_1467 = arith.constant 96 : index
        %get3A_1468 = tpu.vector_load %arg14[%get3A_1465, %get3A_1466, %get3A_1467] {strides = array<i32>} : memref<4x64x128xf32, #tpu.memory_space<vmem>>, vector<16xf32>,
        %get3A_1469 = arith.constant 3 : i32
        %get3A_1470 = arith.index_cast %get3A_1469 : i32 to index
        %get3A_1471 = arith.index_cast %add3A_901 : i32 to index
        %get3A_1472 = arith.constant 96 : index
        %get3A_1473 = tpu.vector_load %arg15[%get3A_1470, %get3A_1471, %get3A_1472] {strides = array<i32>} : memref<4x16x128xf32, #tpu.memory_space<vmem>>, vector<16xf32>,
        %get3A_1474 = arith.constant 3 : i32
        %get3A_1475 = arith.index_cast %get3A_1474 : i32 to index
        %get3A_1476 = arith.index_cast %add3A_901 : i32 to index
        %get3A_1477 = arith.constant 96 : index
        %get3A_1478 = tpu.vector_load %arg16[%get3A_1475, %get3A_1476, %get3A_1477] {strides = array<i32>} : memref<4x16x128xf32, #tpu.memory_space<vmem>>, vector<16xf32>,
        %mul3A_1479 = arith.mulf %get3A_1421, %get3A_1473 : vector<16xf32>
        %mul3A_1480 = arith.mulf %get3A_1426, %get3A_1478 : vector<16xf32>
        %sub3A_1481 = arith.subf %mul3A_1479, %mul3A_1480 : vector<16xf32>
        %sub3A_1482 = arith.subf %sub3A_1481, %get3A_1433 : vector<16xf32>
        %mul3A_1483 = arith.mulf %get3A_1421, %get3A_1478 : vector<16xf32>
        %mul3A_1484 = arith.mulf %get3A_1426, %get3A_1473 : vector<16xf32>
        %add3A_1485 = arith.addf %mul3A_1483, %mul3A_1484 : vector<16xf32>
        %sub3A_1486 = arith.subf %add3A_1485, %get3A_1440 : vector<16xf32>
        %mul3A_1487 = arith.mulf %sub3A_1482, %sub3A_1482 : vector<16xf32>
        %add3A_1488 = arith.addf %add3A_1404, %mul3A_1487 : vector<16xf32>
        %mul3A_1489 = arith.mulf %sub3A_1486, %sub3A_1486 : vector<16xf32>
        %add3A_1490 = arith.addf %add3A_1488, %mul3A_1489 : vector<16xf32>
        %mul3A_1491 = arith.mulf %get3A_1447, %get3A_1473 : vector<16xf32>
        %mul3A_1492 = arith.mulf %get3A_1454, %get3A_1478 : vector<16xf32>
        %sub3A_1493 = arith.subf %mul3A_1491, %mul3A_1492 : vector<16xf32>
        %sub3A_1494 = arith.subf %sub3A_1493, %get3A_1461 : vector<16xf32>
        %mul3A_1495 = arith.mulf %get3A_1447, %get3A_1478 : vector<16xf32>
        %mul3A_1496 = arith.mulf %get3A_1454, %get3A_1473 : vector<16xf32>
        %add3A_1497 = arith.addf %mul3A_1495, %mul3A_1496 : vector<16xf32>
        %sub3A_1498 = arith.subf %add3A_1497, %get3A_1468 : vector<16xf32>
        %mul3A_1499 = arith.mulf %sub3A_1494, %sub3A_1494 : vector<16xf32>
        %add3A_1500 = arith.addf %add3A_1416, %mul3A_1499 : vector<16xf32>
        %mul3A_1501 = arith.mulf %sub3A_1498, %sub3A_1498 : vector<16xf32>
        %add3A_1502 = arith.addf %add3A_1500, %mul3A_1501 : vector<16xf32>
        %get3A_1503 = arith.constant 3 : i32
        %get3A_1504 = arith.index_cast %get3A_1503 : i32 to index
        %get3A_1505 = arith.index_cast %add3A_901 : i32 to index
        %get3A_1506 = arith.constant 112 : index
        %get3A_1507 = tpu.vector_load %arg13[%get3A_1504, %get3A_1505, %get3A_1506] {strides = array<i32>} : memref<4x64x128xf32, #tpu.memory_space<vmem>>, vector<16xf32>,
        %get3A_1508 = arith.constant 3 : i32
        %get3A_1509 = arith.index_cast %get3A_1508 : i32 to index
        %get3A_1510 = arith.index_cast %add3A_901 : i32 to index
        %get3A_1511 = arith.constant 112 : index
        %get3A_1512 = tpu.vector_load %arg14[%get3A_1509, %get3A_1510, %get3A_1511] {strides = array<i32>} : memref<4x64x128xf32, #tpu.memory_space<vmem>>, vector<16xf32>,
        %add3A_1513 = arith.constant 16 : i32
        %add3A_1514 = arith.addi %add3A_1513, %add3A_901 : i32
        %get3A_1515 = arith.constant 3 : i32
        %get3A_1516 = arith.index_cast %get3A_1515 : i32 to index
        %get3A_1517 = arith.index_cast %add3A_1514 : i32 to index
        %get3A_1518 = arith.constant 112 : index
        %get3A_1519 = tpu.vector_load %arg13[%get3A_1516, %get3A_1517, %get3A_1518] {strides = array<i32>} : memref<4x64x128xf32, #tpu.memory_space<vmem>>, vector<16xf32>,
        %add3A_1520 = arith.constant 16 : i32
        %add3A_1521 = arith.addi %add3A_1520, %add3A_901 : i32
        %get3A_1522 = arith.constant 3 : i32
        %get3A_1523 = arith.index_cast %get3A_1522 : i32 to index
        %get3A_1524 = arith.index_cast %add3A_1521 : i32 to index
        %get3A_1525 = arith.constant 112 : index
        %get3A_1526 = tpu.vector_load %arg14[%get3A_1523, %get3A_1524, %get3A_1525] {strides = array<i32>} : memref<4x64x128xf32, #tpu.memory_space<vmem>>, vector<16xf32>,
        %add3A_1527 = arith.constant 32 : i32
        %add3A_1528 = arith.addi %add3A_1527, %add3A_901 : i32
        %get3A_1529 = arith.constant 3 : i32
        %get3A_1530 = arith.index_cast %get3A_1529 : i32 to index
        %get3A_1531 = arith.index_cast %add3A_1528 : i32 to index
        %get3A_1532 = arith.constant 112 : index
        %get3A_1533 = tpu.vector_load %arg13[%get3A_1530, %get3A_1531, %get3A_1532] {strides = array<i32>} : memref<4x64x128xf32, #tpu.memory_space<vmem>>, vector<16xf32>,
        %add3A_1534 = arith.constant 32 : i32
        %add3A_1535 = arith.addi %add3A_1534, %add3A_901 : i32
        %get3A_1536 = arith.constant 3 : i32
        %get3A_1537 = arith.index_cast %get3A_1536 : i32 to index
        %get3A_1538 = arith.index_cast %add3A_1535 : i32 to index
        %get3A_1539 = arith.constant 112 : index
        %get3A_1540 = tpu.vector_load %arg14[%get3A_1537, %get3A_1538, %get3A_1539] {strides = array<i32>} : memref<4x64x128xf32, #tpu.memory_space<vmem>>, vector<16xf32>,
        %add3A_1541 = arith.constant 48 : i32
        %add3A_1542 = arith.addi %add3A_1541, %add3A_901 : i32
        %get3A_1543 = arith.constant 3 : i32
        %get3A_1544 = arith.index_cast %get3A_1543 : i32 to index
        %get3A_1545 = arith.index_cast %add3A_1542 : i32 to index
        %get3A_1546 = arith.constant 112 : index
        %get3A_1547 = tpu.vector_load %arg13[%get3A_1544, %get3A_1545, %get3A_1546] {strides = array<i32>} : memref<4x64x128xf32, #tpu.memory_space<vmem>>, vector<16xf32>,
        %add3A_1548 = arith.constant 48 : i32
        %add3A_1549 = arith.addi %add3A_1548, %add3A_901 : i32
        %get3A_1550 = arith.constant 3 : i32
        %get3A_1551 = arith.index_cast %get3A_1550 : i32 to index
        %get3A_1552 = arith.index_cast %add3A_1549 : i32 to index
        %get3A_1553 = arith.constant 112 : index
        %get3A_1554 = tpu.vector_load %arg14[%get3A_1551, %get3A_1552, %get3A_1553] {strides = array<i32>} : memref<4x64x128xf32, #tpu.memory_space<vmem>>, vector<16xf32>,
        %get3A_1555 = arith.constant 3 : i32
        %get3A_1556 = arith.index_cast %get3A_1555 : i32 to index
        %get3A_1557 = arith.index_cast %add3A_901 : i32 to index
        %get3A_1558 = arith.constant 112 : index
        %get3A_1559 = tpu.vector_load %arg15[%get3A_1556, %get3A_1557, %get3A_1558] {strides = array<i32>} : memref<4x16x128xf32, #tpu.memory_space<vmem>>, vector<16xf32>,
        %get3A_1560 = arith.constant 3 : i32
        %get3A_1561 = arith.index_cast %get3A_1560 : i32 to index
        %get3A_1562 = arith.index_cast %add3A_901 : i32 to index
        %get3A_1563 = arith.constant 112 : index
        %get3A_1564 = tpu.vector_load %arg16[%get3A_1561, %get3A_1562, %get3A_1563] {strides = array<i32>} : memref<4x16x128xf32, #tpu.memory_space<vmem>>, vector<16xf32>,
        %mul3A_1565 = arith.mulf %get3A_1507, %get3A_1559 : vector<16xf32>
        %mul3A_1566 = arith.mulf %get3A_1512, %get3A_1564 : vector<16xf32>
        %sub3A_1567 = arith.subf %mul3A_1565, %mul3A_1566 : vector<16xf32>
        %sub3A_1568 = arith.subf %sub3A_1567, %get3A_1519 : vector<16xf32>
        %mul3A_1569 = arith.mulf %get3A_1507, %get3A_1564 : vector<16xf32>
        %mul3A_1570 = arith.mulf %get3A_1512, %get3A_1559 : vector<16xf32>
        %add3A_1571 = arith.addf %mul3A_1569, %mul3A_1570 : vector<16xf32>
        %sub3A_1572 = arith.subf %add3A_1571, %get3A_1526 : vector<16xf32>
        %mul3A_1573 = arith.mulf %sub3A_1568, %sub3A_1568 : vector<16xf32>
        %add3A_1574 = arith.addf %add3A_1490, %mul3A_1573 : vector<16xf32>
        %mul3A_1575 = arith.mulf %sub3A_1572, %sub3A_1572 : vector<16xf32>
        %add3A_1576 = arith.addf %add3A_1574, %mul3A_1575 : vector<16xf32>
        %mul3A_1577 = arith.mulf %get3A_1533, %get3A_1559 : vector<16xf32>
        %mul3A_1578 = arith.mulf %get3A_1540, %get3A_1564 : vector<16xf32>
        %sub3A_1579 = arith.subf %mul3A_1577, %mul3A_1578 : vector<16xf32>
        %sub3A_1580 = arith.subf %sub3A_1579, %get3A_1547 : vector<16xf32>
        %mul3A_1581 = arith.mulf %get3A_1533, %get3A_1564 : vector<16xf32>
        %mul3A_1582 = arith.mulf %get3A_1540, %get3A_1559 : vector<16xf32>
        %add3A_1583 = arith.addf %mul3A_1581, %mul3A_1582 : vector<16xf32>
        %sub3A_1584 = arith.subf %add3A_1583, %get3A_1554 : vector<16xf32>
        %mul3A_1585 = arith.mulf %sub3A_1580, %sub3A_1580 : vector<16xf32>
        %add3A_1586 = arith.addf %add3A_1502, %mul3A_1585 : vector<16xf32>
        %mul3A_1587 = arith.mulf %sub3A_1584, %sub3A_1584 : vector<16xf32>
        %add3A_1588 = arith.addf %add3A_1586, %mul3A_1587 : vector<16xf32>
        %reduce_sum3A = arith.constant true
        %reduce_sum3A_1589 = vector.broadcast %reduce_sum3A : i1 to vector<16xi1>
        %reduce_sum3A_1590 = tpu.scan <sum>, %add3A_1576 masked %reduce_sum3A_1589 : vector<16xf32>, vector<16xi1> -> vector<16xf32>
        %reduce_sum3A_1591 = vector.extract %reduce_sum3A_1590[15] : f32 from vector<16xf32>
        %reduce_sum3A_1592 = arith.constant true
        %reduce_sum3A_1593 = vector.broadcast %reduce_sum3A_1592 : i1 to vector<16xi1>
        %reduce_sum3A_1594 = tpu.scan <sum>, %add3A_1588 masked %reduce_sum3A_1593 : vector<16xf32>, vector<16xi1> -> vector<16xf32>
        %reduce_sum3A_1595 = vector.extract %reduce_sum3A_1594[15] : f32 from vector<16xf32>
        %eq3A = vector.broadcast %scan3A_897 : i32 to vector<16xi32>
        %eq3A_1596 = arith.cmpi eq, %iota3A, %eq3A : vector<16xi32>
        %broadcast_in_dim3A_1597 = vector.broadcast %reduce_sum3A_1591 : f32 to vector<16xf32>
        %select_n3A = arith.select %eq3A_1596, %broadcast_in_dim3A_1597, %scan3A_898 : vector<16xi1>, vector<16xf32>
        %broadcast_in_dim3A_1598 = vector.broadcast %reduce_sum3A_1595 : f32 to vector<16xf32>
        %select_n3A_1599 = arith.select %eq3A_1596, %broadcast_in_dim3A_1598, %scan3A_899 : vector<16xi1>, vector<16xf32>
        scf.yield %select_n3A, %select_n3A_1599 : vector<16xf32>, vector<16xf32>
      }
      %scan3A_803 = arith.constant 16 : i32
      %max3A_804 = arith.constant 1.000000e-30 : f32
      %max3A_805 = vector.broadcast %max3A_804 : f32 to vector<16xf32>
      %max3A_806 = arith.maximumf %scan3A_802#0, %max3A_805 : vector<16xf32>
      %bitcast_convert_type3A_807 = tpu.bitcast %max3A_806 : vector<16xf32> -> vector<16xi32>
      %shift_right_arithmetic3A_808 = arith.constant 1 : i32
      %shift_right_arithmetic3A_809 = vector.broadcast %shift_right_arithmetic3A_808 : i32 to vector<16xi32>
      %shift_right_arithmetic3A_810 = arith.shrsi %bitcast_convert_type3A_807, %shift_right_arithmetic3A_809 : vector<16xi32>
      %sub3A_811 = arith.constant 1597463007 : i32
      %sub3A_812 = vector.broadcast %sub3A_811 : i32 to vector<16xi32>
      %sub3A_813 = arith.subi %sub3A_812, %shift_right_arithmetic3A_810 : vector<16xi32>
      %bitcast_convert_type3A_814 = tpu.bitcast %sub3A_813 : vector<16xi32> -> vector<16xf32>
      %mul3A_815 = arith.constant 5.000000e-01 : f32
      %mul3A_816 = vector.broadcast %mul3A_815 : f32 to vector<16xf32>
      %mul3A_817 = arith.mulf %mul3A_816, %max3A_806 : vector<16xf32>
      %mul3A_818 = arith.mulf %mul3A_817, %bitcast_convert_type3A_814 : vector<16xf32>
      %mul3A_819 = arith.mulf %mul3A_818, %bitcast_convert_type3A_814 : vector<16xf32>
      %sub3A_820 = arith.constant 1.500000e+00 : f32
      %sub3A_821 = vector.broadcast %sub3A_820 : f32 to vector<16xf32>
      %sub3A_822 = arith.subf %sub3A_821, %mul3A_819 : vector<16xf32>
      %mul3A_823 = arith.mulf %bitcast_convert_type3A_814, %sub3A_822 : vector<16xf32>
      %mul3A_824 = arith.constant 5.000000e-01 : f32
      %mul3A_825 = vector.broadcast %mul3A_824 : f32 to vector<16xf32>
      %mul3A_826 = arith.mulf %mul3A_825, %max3A_806 : vector<16xf32>
      %mul3A_827 = arith.mulf %mul3A_826, %mul3A_823 : vector<16xf32>
      %mul3A_828 = arith.mulf %mul3A_827, %mul3A_823 : vector<16xf32>
      %sub3A_829 = arith.constant 1.500000e+00 : f32
      %sub3A_830 = vector.broadcast %sub3A_829 : f32 to vector<16xf32>
      %sub3A_831 = arith.subf %sub3A_830, %mul3A_828 : vector<16xf32>
      %mul3A_832 = arith.mulf %mul3A_823, %sub3A_831 : vector<16xf32>
      %mul3A_833 = arith.constant 5.000000e-01 : f32
      %mul3A_834 = vector.broadcast %mul3A_833 : f32 to vector<16xf32>
      %mul3A_835 = arith.mulf %mul3A_834, %max3A_806 : vector<16xf32>
      %mul3A_836 = arith.mulf %mul3A_835, %mul3A_832 : vector<16xf32>
      %mul3A_837 = arith.mulf %mul3A_836, %mul3A_832 : vector<16xf32>
      %sub3A_838 = arith.constant 1.500000e+00 : f32
      %sub3A_839 = vector.broadcast %sub3A_838 : f32 to vector<16xf32>
      %sub3A_840 = arith.subf %sub3A_839, %mul3A_837 : vector<16xf32>
      %mul3A_841 = arith.mulf %mul3A_832, %sub3A_840 : vector<16xf32>
      %mul3A_842 = arith.mulf %max3A_806, %mul3A_841 : vector<16xf32>
      %max3A_843 = arith.constant 1.000000e-30 : f32
      %max3A_844 = vector.broadcast %max3A_843 : f32 to vector<16xf32>
      %max3A_845 = arith.maximumf %scan3A_802#1, %max3A_844 : vector<16xf32>
      %bitcast_convert_type3A_846 = tpu.bitcast %max3A_845 : vector<16xf32> -> vector<16xi32>
      %shift_right_arithmetic3A_847 = arith.constant 1 : i32
      %shift_right_arithmetic3A_848 = vector.broadcast %shift_right_arithmetic3A_847 : i32 to vector<16xi32>
      %shift_right_arithmetic3A_849 = arith.shrsi %bitcast_convert_type3A_846, %shift_right_arithmetic3A_848 : vector<16xi32>
      %sub3A_850 = arith.constant 1597463007 : i32
      %sub3A_851 = vector.broadcast %sub3A_850 : i32 to vector<16xi32>
      %sub3A_852 = arith.subi %sub3A_851, %shift_right_arithmetic3A_849 : vector<16xi32>
      %bitcast_convert_type3A_853 = tpu.bitcast %sub3A_852 : vector<16xi32> -> vector<16xf32>
      %mul3A_854 = arith.constant 5.000000e-01 : f32
      %mul3A_855 = vector.broadcast %mul3A_854 : f32 to vector<16xf32>
      %mul3A_856 = arith.mulf %mul3A_855, %max3A_845 : vector<16xf32>
      %mul3A_857 = arith.mulf %mul3A_856, %bitcast_convert_type3A_853 : vector<16xf32>
      %mul3A_858 = arith.mulf %mul3A_857, %bitcast_convert_type3A_853 : vector<16xf32>
      %sub3A_859 = arith.constant 1.500000e+00 : f32
      %sub3A_860 = vector.broadcast %sub3A_859 : f32 to vector<16xf32>
      %sub3A_861 = arith.subf %sub3A_860, %mul3A_858 : vector<16xf32>
      %mul3A_862 = arith.mulf %bitcast_convert_type3A_853, %sub3A_861 : vector<16xf32>
      %mul3A_863 = arith.constant 5.000000e-01 : f32
      %mul3A_864 = vector.broadcast %mul3A_863 : f32 to vector<16xf32>
      %mul3A_865 = arith.mulf %mul3A_864, %max3A_845 : vector<16xf32>
      %mul3A_866 = arith.mulf %mul3A_865, %mul3A_862 : vector<16xf32>
      %mul3A_867 = arith.mulf %mul3A_866, %mul3A_862 : vector<16xf32>
      %sub3A_868 = arith.constant 1.500000e+00 : f32
      %sub3A_869 = vector.broadcast %sub3A_868 : f32 to vector<16xf32>
      %sub3A_870 = arith.subf %sub3A_869, %mul3A_867 : vector<16xf32>
      %mul3A_871 = arith.mulf %mul3A_862, %sub3A_870 : vector<16xf32>
      %mul3A_872 = arith.constant 5.000000e-01 : f32
      %mul3A_873 = vector.broadcast %mul3A_872 : f32 to vector<16xf32>
      %mul3A_874 = arith.mulf %mul3A_873, %max3A_845 : vector<16xf32>
      %mul3A_875 = arith.mulf %mul3A_874, %mul3A_871 : vector<16xf32>
      %mul3A_876 = arith.mulf %mul3A_875, %mul3A_871 : vector<16xf32>
      %sub3A_877 = arith.constant 1.500000e+00 : f32
      %sub3A_878 = vector.broadcast %sub3A_877 : f32 to vector<16xf32>
      %sub3A_879 = arith.subf %sub3A_878, %mul3A_876 : vector<16xf32>
      %mul3A_880 = arith.mulf %mul3A_871, %sub3A_879 : vector<16xf32>
      %mul3A_881 = arith.mulf %max3A_845, %mul3A_880 : vector<16xf32>
      %add3A_882 = arith.constant 0 : i32
      %add3A_883 = arith.addi %mul3A_797, %add3A_882 : i32
      %swap3A_884 = arith.index_cast %add3A_883 : i32 to index
      %swap3A_885 = tpu.vector_load %arg18[%swap3A_884] {strides = array<i32>} : memref<512xf32, #tpu.memory_space<vmem>>, vector<16xf32>,
      tpu.vector_store %arg18[%swap3A_884], %mul3A_842 {strides = array<i32>} : memref<512xf32, #tpu.memory_space<vmem>>, vector<16xf32>,
      %swap3A_886 = arith.index_cast %add3A_883 : i32 to index
      %swap3A_887 = tpu.vector_load %arg19[%swap3A_886] {strides = array<i32>} : memref<512xf32, #tpu.memory_space<vmem>>, vector<16xf32>,
      tpu.vector_store %arg19[%swap3A_886], %mul3A_881 {strides = array<i32>} : memref<512xf32, #tpu.memory_space<vmem>>, vector<16xf32>,
      %sub3A_888 = arith.subf %mul3A_842, %mul3A_881 : vector<16xf32>
      %add3A_889 = arith.constant 1.000000e+00 : f32
      %add3A_890 = vector.broadcast %add3A_889 : f32 to vector<16xf32>
      %add3A_891 = arith.addf %sub3A_888, %add3A_890 : vector<16xf32>
      %max3A_892 = arith.constant 0.000000e+00 : f32
      %max3A_893 = vector.broadcast %max3A_892 : f32 to vector<16xf32>
      %max3A_894 = arith.maximumf %add3A_891, %max3A_893 : vector<16xf32>
      %swap3A_895 = arith.index_cast %add3A_883 : i32 to index
      %swap3A_896 = tpu.vector_load %arg17[%swap3A_895] {strides = array<i32>} : memref<512xf32, #tpu.memory_space<vmem>>, vector<16xf32>,
      tpu.vector_store %arg17[%swap3A_895], %max3A_894 {strides = array<i32>} : memref<512xf32, #tpu.memory_space<vmem>>, vector<16xf32>,
    }
    %scan3A_188 = arith.constant 8 : i32
    "tpu.region"() ({
      %run_scoped3A = tpu.sem_alloc : memref<!tpu.dma_semaphore, #tpu.memory_space<semaphore_mem>>
      %dma_start3A_189 = tpu.memref_slice %arg8[%mul3A_2] : memref<16384xf32, #tpu.memory_space<hbm>> -> memref<512xf32, #tpu.memory_space<hbm>>
      %dma_start3A_190 = tpu.memref_slice %arg8[%mul3A_2] : memref<16384xf32, #tpu.memory_space<hbm>> -> memref<512xf32, #tpu.memory_space<hbm>>
      tpu.enqueue_dma source(%arg17 : memref<512xf32, #tpu.memory_space<vmem>>) target(%dma_start3A_190 : memref<512xf32, #tpu.memory_space<hbm>>) target_semaphore(%run_scoped3A : memref<!tpu.dma_semaphore, #tpu.memory_space<semaphore_mem>>)
      %dma_wait3A = tpu.memref_slice %arg8[%mul3A_2] : memref<16384xf32, #tpu.memory_space<hbm>> -> memref<512xf32, #tpu.memory_space<hbm>>
      %dma_wait3A_191 = tpu.memref_slice %arg8[%mul3A_2] : memref<16384xf32, #tpu.memory_space<hbm>> -> memref<512xf32, #tpu.memory_space<hbm>>
      tpu.wait_dma2 semaphore(%run_scoped3A : memref<!tpu.dma_semaphore, #tpu.memory_space<semaphore_mem>>) src(%arg17 : memref<512xf32, #tpu.memory_space<vmem>>) dst(%dma_wait3A_191 : memref<512xf32, #tpu.memory_space<hbm>>)
      tpu.yield
    }) : () -> ()
    "tpu.region"() ({
      %run_scoped3A = tpu.sem_alloc : memref<!tpu.dma_semaphore, #tpu.memory_space<semaphore_mem>>
      %dma_start3A_189 = tpu.memref_slice %arg9[%mul3A_2] : memref<16384xf32, #tpu.memory_space<hbm>> -> memref<512xf32, #tpu.memory_space<hbm>>
      %dma_start3A_190 = tpu.memref_slice %arg9[%mul3A_2] : memref<16384xf32, #tpu.memory_space<hbm>> -> memref<512xf32, #tpu.memory_space<hbm>>
      tpu.enqueue_dma source(%arg18 : memref<512xf32, #tpu.memory_space<vmem>>) target(%dma_start3A_190 : memref<512xf32, #tpu.memory_space<hbm>>) target_semaphore(%run_scoped3A : memref<!tpu.dma_semaphore, #tpu.memory_space<semaphore_mem>>)
      %dma_wait3A = tpu.memref_slice %arg9[%mul3A_2] : memref<16384xf32, #tpu.memory_space<hbm>> -> memref<512xf32, #tpu.memory_space<hbm>>
      %dma_wait3A_191 = tpu.memref_slice %arg9[%mul3A_2] : memref<16384xf32, #tpu.memory_space<hbm>> -> memref<512xf32, #tpu.memory_space<hbm>>
      tpu.wait_dma2 semaphore(%run_scoped3A : memref<!tpu.dma_semaphore, #tpu.memory_space<semaphore_mem>>) src(%arg18 : memref<512xf32, #tpu.memory_space<vmem>>) dst(%dma_wait3A_191 : memref<512xf32, #tpu.memory_space<hbm>>)
      tpu.yield
    }) : () -> ()
    "tpu.region"() ({
      %run_scoped3A = tpu.sem_alloc : memref<!tpu.dma_semaphore, #tpu.memory_space<semaphore_mem>>
      %dma_start3A_189 = tpu.memref_slice %arg10[%mul3A_2] : memref<16384xf32, #tpu.memory_space<hbm>> -> memref<512xf32, #tpu.memory_space<hbm>>
      %dma_start3A_190 = tpu.memref_slice %arg10[%mul3A_2] : memref<16384xf32, #tpu.memory_space<hbm>> -> memref<512xf32, #tpu.memory_space<hbm>>
      tpu.enqueue_dma source(%arg19 : memref<512xf32, #tpu.memory_space<vmem>>) target(%dma_start3A_190 : memref<512xf32, #tpu.memory_space<hbm>>) target_semaphore(%run_scoped3A : memref<!tpu.dma_semaphore, #tpu.memory_space<semaphore_mem>>)
      %dma_wait3A = tpu.memref_slice %arg10[%mul3A_2] : memref<16384xf32, #tpu.memory_space<hbm>> -> memref<512xf32, #tpu.memory_space<hbm>>
      %dma_wait3A_191 = tpu.memref_slice %arg10[%mul3A_2] : memref<16384xf32, #tpu.memory_space<hbm>> -> memref<512xf32, #tpu.memory_space<hbm>>
      tpu.wait_dma2 semaphore(%run_scoped3A : memref<!tpu.dma_semaphore, #tpu.memory_space<semaphore_mem>>) src(%arg19 : memref<512xf32, #tpu.memory_space<vmem>>) dst(%dma_wait3A_191 : memref<512xf32, #tpu.memory_space<hbm>>)
      tpu.yield
    }) : () -> ()
    return
  }
}

</mosaic_0001>

<sc_bundles>
// kernel: kernel.3.cloned.1.call-start
scs
__scs_entry_jumppad:
0x0: {  	(pc) =	sbr.rel $0x88, $3  }
0x1: {  	(tag) =	ssettag $0x0;
	lr =	simm.s32 $0x1  }
0x2: {  	[smem:$0x3F9B] =	sst lr;
	_ =	strace $0xD0000000  }
0x3: {  	_ = 	snop  }
0x4: {  	_ = 	snop  }
0x5: {  	_ = 	snop  }
0x6: {  	_ = 	snop  }
0x7: {  	_ = 	snop  }
__scs_overlays_trampoline_lowered:
0x8: {  	[smem:$0x3FAA] =	sst s0  }
0x9: {  	[smem:$0x3FAB] =	sst s1  }
0xa: {  	[smem:$0x3FAC] =	sst s2  }
0xb: {  	[smem:$0x3FAD] =	sst s3  }
0xc: {  	[smem:$0x3FAE] =	sst s4  }
0xd: {  	[smem:$0x3FAF] =	sst s5  }
0xe: {  	[smem:$0x3FB0] =	sst s6  }
0xf: {  	[smem:$0x3FB1] =	sst s7  }
0x10: {  	[smem:$0x3FB2] =	sst s8  }
0x11: {  	[smem:$0x3FB3] =	sst s9;
	s0 =	simm.s32 @!p0 $0x0  }
0x12: {  	s1 =	sld [smem:$0x3F99];
	s0 =	simm.s32 @p0 $0x1  }
0x13: {  	[smem:$0x3FB4] =	sst s0;
	s0 =	simm.s32 @!p1 $0x0  }
0x14: {  	s2 =	sld [smem:$0x3F98];
	s0 =	simm.s32 @p1 $0x1  }
0x15: {  	[smem:$0x3FB5] =	sst s0;
	s0 =	simm.s32 @!p2 $0x0  }
0x16: {  	s3 =	sld [smem:$0x3FDB];
	s0 =	simm.s32 @p2 $0x1  }
0x17: {  	s4 =	simm.s32 $0x1BF5;
	[smem:$0x3FB7] =	sst s0  }
0x18: {  	s0 =	sld [smem:$0x3F9A];
	_ =	swait.ge [sflag:s4], $0x0  }
0x19: {  	s7 =	sld [smem:$0x3F9B]  }
0x1a: {  	s8 =	sadd.s32 $0xFFFFE003, lr  }
0x1b: {  	s9 =	sadd.s32 $0xFFFFFEF7, lr;
	s5 =	simm.s32 $0xFFFFFFFF;
	p2 =	slt.u32 s8, $0xFFFFF086  }
0x1c: {  	p1 =	slt.u32 s9, $0xF7A;
	s5 =	simm.s32 @!p2 $0x0  }
0x1d: {  	s5 =	simm.s32 @p1 $0x1;
	p0 =	seq.s32 s7, s2  }
0x1e: {  	s7 =	smul.u32 @!p0 $0xF7A, s2;
	p2 =	seq.s32 @!p0 s5, $0x0  }
0x1f: {  	s9 =	smul.u32 $0xF7A, s1;
	s8 =	simm.s32 @!p0 $0x1BF5;
	p2 =	por !p2, p0  }
0x20: {  	[sflag:s8] =	ssyncset.s32 @!p0 $0xFFFFF086;
	s6 =	sadd.s32 @!p0 s3, s7;
	s7 =	simm.s32 @!p0 $0x108  }
0x21: {  	s3 =	sadd.s32 s3, s9;
	s6 =	sadd.s32 @!p0 $0x88, s6;
	s7 =	simm.s32 @p2 $0x1082  }
0x22: {  	[simem:s7], [sflag:s8] =	dma.local @!p0 [hbm:s6], $0xF7A  }
0x23: {  	s9 =	sor.u32 $0xD0000000, s2;
	s6 =	simm.s32 $0x108;
	_ =	swait.ge @!p0 [sflag:s8], $0x0  }
0x24: {  	s3 =	sadd.s32 $0x88, s3;
	s6 =	simm.s32 @!p1 $0x1082;
	[sflag:s4] =	ssyncset.s32 $0xFFFFF086  }
0x25: {  	[simem:s6], [sflag:s4] =	dma.local [hbm:s3], $0xF7A  }
0x26: {  	[smem:$0x3F9B] =	sst s1;
	(tag) =	ssettag s2;
	_ =	strace s9  }
0x27: {  	s1 =	sld [smem:$0x3FAB]  }
0x28: {  	s2 =	sld [smem:$0x3FAC]  }
0x29: {  	s4 =	sld [smem:$0x3FAE]  }
0x2a: {  	p0 =	seq.s32 s5, $0x0;
	s5 =	sld [smem:$0x3FAF]  }
0x2b: {  	s6 =	sld [smem:$0x3FB0]  }
0x2c: {  	s7 =	sld [smem:$0x3FB1]  }
0x2d: {  	s3 =	simm.s32 $0x108;
	s8 =	sld [smem:$0x3FB2]  }
0x2e: {  	s3 =	simm.s32 @!p0 $0x1082;
	s9 =	sld [smem:$0x3FB3]  }
0x2f: {  	lr =	sadd.s32 s0, s3;
	s0 =	sld [smem:$0x3FAA]  }
0x30: {  	s3 =	sld [smem:$0x3FAD]  }
0x31: {  	[smem:$0x3FB6] =	sst s10  }
0x32: {  	s10 =	sld [smem:$0x3FB4];
	_ =	sdelay $0x3  }
0x33: {  	p0 =	seq.s32 s10, $0x1;
	s10 =	sld [smem:$0x3FB6];
	_ =	sdelay $0x3  }
0x34: {  	[smem:$0x3FB6] =	sst s10  }
0x35: {  	s10 =	sld [smem:$0x3FB5];
	_ =	sdelay $0x3  }
0x36: {  	p1 =	seq.s32 s10, $0x1;
	s10 =	sld [smem:$0x3FB6];
	_ =	sdelay $0x3  }
0x37: {  	[smem:$0x3FB6] =	sst s10  }
0x38: {  	s10 =	sld [smem:$0x3FB7]  }
0x39: {  	_ = 	snop;
	(pc) =	sbr.ind lr, $3  }
0x3a: {  	_ = 	snop  }
0x3b: {  	_ = 	snop  }
0x3c: {  	p2 =	seq.s32 s10, $0x1;
	s10 =	sld [smem:$0x3FB6]  }
0x3d: {  	_ =	shalt  }
0x3e: {  	_ =	shalt  }
0x3f: {  	_ =	shalt  }
0x40: {  	_ =	shalt  }
0x41: {  	_ =	shalt  }
0x42: {  	_ =	shalt  }
0x43: {  	_ =	shalt  }
0x44: {  	_ =	shalt  }
0x45: {  	_ =	shalt  }
0x46: {  	_ =	shalt  }
0x47: {  	_ =	shalt  }
0x48: {  	_ =	shalt  }
0x49: {  	_ =	shalt  }
0x4a: {  	_ =	shalt  }
0x4b: {  	_ =	shalt  }
0x4c: {  	_ =	shalt  }
0x4d: {  	_ =	shalt  }
0x4e: {  	_ =	shalt  }
0x4f: {  	_ =	shalt  }
0x50: {  	_ =	shalt  }
0x51: {  	_ =	shalt  }
0x52: {  	_ =	shalt  }
0x53: {  	_ =	shalt  }
0x54: {  	_ =	shalt  }
0x55: {  	_ =	shalt  }
0x56: {  	_ =	shalt  }
0x57: {  	_ =	shalt  }
0x58: {  	_ =	shalt  }
0x59: {  	_ =	shalt  }
0x5a: {  	_ =	shalt  }
0x5b: {  	_ =	shalt  }
0x5c: {  	_ =	shalt  }
0x5d: {  	_ =	shalt  }
0x5e: {  	_ =	shalt  }
0x5f: {  	_ =	shalt  }
0x60: {  	_ =	shalt  }
0x61: {  	_ =	shalt  }
0x62: {  	_ =	shalt  }
0x63: {  	_ =	shalt  }
0x64: {  	_ =	shalt  }
0x65: {  	_ =	shalt  }
0x66: {  	_ =	shalt  }
0x67: {  	_ =	shalt  }
0x68: {  	_ =	shalt  }
0x69: {  	_ =	shalt  }
0x6a: {  	_ =	shalt  }
0x6b: {  	_ =	shalt  }
0x6c: {  	_ =	shalt  }
0x6d: {  	_ =	shalt  }
0x6e: {  	_ =	shalt  }
0x6f: {  	_ =	shalt  }
0x70: {  	_ =	shalt  }
0x71: {  	_ =	shalt  }
0x72: {  	_ =	shalt  }
0x73: {  	_ =	shalt  }
0x74: {  	_ =	shalt  }
0x75: {  	_ =	shalt  }
0x76: {  	_ =	shalt  }
0x77: {  	_ =	shalt  }
0x78: {  	_ =	shalt  }
0x79: {  	_ =	shalt  }
0x7a: {  	_ =	shalt  }
0x7b: {  	_ =	shalt  }
0x7c: {  	_ =	shalt  }
0x7d: {  	_ =	shalt  }
0x7e: {  	_ =	shalt  }
0x7f: {  	_ =	shalt  }
0x80: {  	_ =	shalt  }
0x81: {  	_ =	shalt  }
0x82: {  	_ =	shalt  }
0x83: {  	_ =	shalt  }
0x84: {  	_ =	shalt  }
0x85: {  	_ =	shalt  }
0x86: {  	_ =	shalt  }
0x87: {  	_ =	shalt  }
.Lfunc_end0:
.L_simem_size_0:
called_computation_lowered:
.L_overlay_start_0:
0x88: {  	s2 =	sld [smem:$0x3FD9]  }
0x89: {  	s3 =	sld [smem:$0x3FFE];
	_ =	sdelay $0x1  }
0x8a: {  	s1 =	srdreg.scid  }
0x8b: {  	s0 =	sand.u32 $0x1, s1  }
0x8c: {  	s14 =	sshll.u32 s0, $0xA;
	s2 =	sadd.s32 s3, s2  }
0x8d: {  	s2 =	sadd.s32 s2, s14  }
0x8e: {  	[smem:$0x3FC2] =	sst s2  }
0x8f: {  	_ = 	snop  }
0x90: {  	s2 =	sld [smem:$0x3FC7]  }
0x91: {  	s15 =	sld [smem:$0x3FD0]  }
0x92: {  	s4 =	sld [smem:$0x3FC6]  }
0x93: {  	s5 =	sld [smem:$0x3FC5]  }
0x94: {  	s7 =	simm.s32 $0xA;
	s8 =	simm.s32 $0x10;
	s6 =	sld [smem:$0x3FC4]  }
0x95: {  	[smem:s8], [sflag:s7] =	dma.local [hbm:s15], $0x1  }
0x96: {  	_ =	swait.eq [sflag:s7], $0x1  }
0x97: {  	s16 =	sld [smem:$0x10];
	[sflag:s7] =	ssyncset.done $0x0  }
0x98: {  	s17 =	sld [smem:$0x11];
	[sflag:s7] =	ssyncadd.s32 $0xFFFFFFFF  }
0x99: {  	s18 =	sld [smem:$0x12];
	(tm) =	ssettm $0x1  }
0x9a: {  	s9 =	sld [smem:$0x3FFB];
	_ =	sdelay $0x3  }
0x9b: {  	_ =	strace s9  }
0x9c: {  	s9 =	sld [smem:$0x3FFC];
	_ =	sdelay $0x3  }
0x9d: {  	_ =	strace s9  }
0x9e: {  	s9 =	sld [smem:$0x3FFD];
	_ =	sdelay $0x3  }
0x9f: {  	_ =	strace s9  }
0xa0: {  	_ =	strace $0x8FFFFFFF  }
0xa1: {  	s19 =	sld [smem:$0x3FDB];
	_ =	sdelay $0x1  }
0xa2: {  	s10 =	simm.s32 $_scs_section_size  }
0xa3: {  	s11 =	simm.s32 $_size__tile_overlayer_lowered;
	s12 =	simm.s32 $_tile_overlayer_lowered  }
0xa4: {  	s22 =	simm.s32 $0x1BFF;
	s21 =	sshll.u32 s12, $0x1;
	s9 =	sadd.s32 s10, s19  }
0xa5: {  	s13 =	simm.s32 $0x0;
	s20 =	sshll.u32 s11, $0x1;
	s11 =	sadd.s32 s21, s9  }
0xa6: {  	[timem:s13], [sflag:s22] =	dma.local [hbm:s11], s20  }
0xa7: {  	_ =	swait.ge [sflag:s22], s20  }
0xa8: {  	s10 =	ssub.s32 $0x0, s20;
	[sflag:s22] =	ssyncset.done $0x0  }
0xa9: {  	[sflag:s22] =	ssyncadd.s32 s10;
	_ =	sdelay $0x1  }
0xaa: {  	s23 =	simm.s32 $0x1B8B  }
0xab: {  	_ =	swait.ge [sflag:s23], $0x1  }
0xac: {  	[sflag:s23] =	ssyncset.done $0x0  }
0xad: {  	s25 =	simm.s32 $0x1B8E;
	s24 =	sld [smem:$0x3FFE];
	[sflag:s23] =	ssyncadd.s32 $0xFFFFFFFF  }
0xae: {  	s26 =	simm.s32 $execute0_lowered;
	[smem:$0x3FD2] =	sst s25  }
0xaf: {  	s11 =	sshll.u32 s26, $0x1;
	_ =	strace $0x80000046;
	[dreg:$0x1] =	wrdreg $0xFFFFFFFF  }
0xb0: {  	s28 =	simm.s32 $_size_execute0_lowered;
	s9 =	sadd.s32 s9, s11;
	[dreg:$0x0] =	wrdreg $0x0  }
0xb1: {  	s11 =	sshll.u32 s28, $0x1;
	[dreg:$0x2] =	wrdreg s9  }
0xb2: {  	[dreg:$0x3] =	wrdreg s11  }
0xb3: {  	[dreg:$0x4] =	wrdreg $0xC0  }
0xb4: {  	_ =	task [dreg:s13], $0x5FFFF  }
0xb5: {  	[dreg:$0x1] =	wrdreg $0xFFFFFFFF  }
0xb6: {  	[dreg:$0x0] =	wrdreg $0x60  }
0xb7: {  	[dreg:$0x2] =	wrdreg s24  }
0xb8: {  	[dreg:$0x3] =	wrdreg s2  }
0xb9: {  	[dreg:$0x4] =	wrdreg s4  }
0xba: {  	[dreg:$0x5] =	wrdreg s5  }
0xbb: {  	[dreg:$0x6] =	wrdreg s6  }
0xbc: {  	[dreg:$0x7] =	wrdreg s16  }
0xbd: {  	[dreg:$0x8] =	wrdreg s17  }
0xbe: {  	[dreg:$0x9] =	wrdreg s18  }
0xbf: {  	[dreg:$0xa] =	wrdreg $0x9  }
0xc0: {  	_ =	task.clear_ibuf [dreg:s13], $0xBFFFF;
	_ =	strace $0x90000046  }
0xc1: {  	s29 =	simm.s32 $0x9;
	_ =	strace $0x80000048  }
0xc2: {  	_ =	swait.ge [sflag:s29], $0x1  }
0xc3: {  	[sflag:s29] =	ssyncadd.s32 $0xFFFFFFFF  }
0xc4: {  	_ =	strace $0x90000048  }
0xc5: {  	_ =	sfence  }
0xc6: {  	s30 =	sld [smem:$0x0];
	_ =	sdelay $0x2  }
0xc7: {  	s31 =	sshll.u32 s1, $0xD;
	s1 =	sshrl.u32 s1, $0x2  }
0xc8: {  	s3 =	sand.u32 $0x4000, s31;
	s1 =	sadd.s32 s1, s30  }
0xc9: {  	s0 =	sor.u32 s3, s0;
	s1 =	sshll.u32 s1, $0x11  }
0xca: {  	s0 =	sor.u32 s1, s0  }
0xcb: {  	s0 =	sadd.s32 $0x8F2B, s0  }
0xcc: {  	[sflag:s0] =	ssyncadd.remote.s32 $0x1  }
0xcd: {  	_ =	sfence.sel $0xFFFF  }
0xce: {  	[dreg:$0x0] =	wrdreg $0xFFFFFFFF;
	(pc) =	sbr.abs _section_cstart, $3  }
0xcf: {  	[dreg:$0x1] =	wrdreg $0xFFFFFFFF  }
0xd0: {  	_ =	task.clear_ibuf [dreg:s13], $0x2FFFF;
	_ =	strace $0x9FFFFFFF  }
0xd1: {  	(tm) =	ssettm $0x7FFFFFFF  }
tec
execute0_lowered:
.L_overlay_start_1:
0x0: {  	(tag) =	ssettag $0x1  }
0x1: {  	s1 =	rddreg [dreg:$0x0]  }
0x2: {  	s0 =	rddreg [dreg:$0x1]  }
0x3: {  	s2 =	rddreg [dreg:$0x2]  }
0x4: {  	s3 =	rddreg [dreg:$0x3]  }
0x5: {  	s4 =	rddreg [dreg:$0x4]  }
0x6: {  	s5 =	rddreg [dreg:$0x5]  }
0x7: {  	s7 =	rddreg [dreg:$0x6]  }
0x8: {  	s8 =	rddreg [dreg:$0x7];
	s9 =	srdreg.scid  }
0x9: {  	s10 =	stileid.u32;
	s6 =	simm.s32 $0x0;
	s13 =	simm.s32 $0x5  }
0xa: {  	s14 =	simm.s32 $0x800;
	s15 =	simm.s32 $0x20;
	s20 =	simm.s32 $0x10  }
0xb: {  	s28 =	simm.s32 $0x6A00;
	s29 =	simm.s32 $0xEA00;
	s31 =	simm.s32 $0x7A00  }
0xc: {  	s16 =	simm.s32 $0x12200;
	s17 =	simm.s32 $0x14200;
	s19 =	simm.s32 $0x1  }
0xd: {  	s21 =	simm.s32 $0x2;
	s9 =	sand.u32 $0x1, s9;
	s10 =	sshll.u32 s10, $0x1  }
0xe: {  	s24 =	simm.s32 $0x3;
	s23 =	simm.s32 $0x0;
	s10 =	sor.u32 s9, s10  }
0xf: {  	[smem:$0x7FF] =	sst s6;
	s11 =	sshll.u32 s10, $0x8;
	s10 =	sshll.u32 s10, $0x6  }
0x10: {  	s9 =	ssub.s32 $0x2, s9;
	s11 =	sadd.s32 s11, s1;
	s1 =	sadd.s32 s1, s10  }
0x11: {  	_ =	strace $0x80000047;
	s25 =	sadd.s32 s5, s10;
	[dreg:$0xa] =	wrdreg s1  }
0x12: {  	s12 =	sshrl.u32 s9, $0x1;
	s26 =	sadd.s32 s7, s10;
	[dreg:$0xb] =	wrdreg s25  }
0x13: {  	s9 =	ssub.s32 s9, s12;
	s30 =	sadd.s32 s8, s10;
	[dreg:$0xc] =	wrdreg s26  }
0x14: {  	s11 =	sadd.s32 $0x800, s11;
	[dreg:$0xd] =	wrdreg s30;
	s12 =	smax.u32 s9, $0x1  }
0x15: {  	v0 =	vlaneseq.u32;
	s1 =	simm.s32 $0xFA00;
	s25 =	simm.s32 $0x4;
	[dreg:$0x9] =	wrdreg s11  }
.LBB2_1:
0x16: {  	s5 =	rddreg [dreg:$0x9]  }
0x17: {  	[tilespmem:s6], [sflag:$0x5] =	stream.linear.gather [hbm4b:s5+s6], $0x800, $0x38;
	[tilespmem:$0x15000] =	vst v63  }
0x18: {  	_ =	swait.ge [sflag:s13], $0x800  }
0x19: {  	[sflag:s13] =	ssyncset.done $0x0  }
0x1a: {  	s8 =	rddreg [dreg:$0xa];
	[sflag:s13] =	ssyncadd.s32 $0xFFFFF800  }
0x1b: {  	[tilespmem:s14], [sflag:$0x5] =	stream.linear.gather [hbm4b:s8+s6], $0x200, $0x38;
	[tilespmem:$0x15000] =	vst v63  }
0x1c: {  	_ =	swait.ge [sflag:s13], $0x200  }
0x1d: {  	[sflag:s13] =	ssyncset.done $0x0  }
0x1e: {  	s9 =	simm.s32 $0xA00;
	[sflag:s13] =	ssyncadd.s32 $0xFFFFFE00  }
0x1f: {  	[tilespmem:s9], [sflag:$0x1] =	stream.indirect.gather [hbm4b:s0+s15], $0x80, s6, s15, $0xb8;
	[tilespmem:$0x15000] =	vst v63  }
0x20: {  	s10 =	simm.s32 $0x8A00  }
0x21: {  	[tilespmem:s10], [sflag:$0x1] =	stream.indirect.gather [hbm4b:s2+s15], $0x80, s6, s15, $0xb8;
	[tilespmem:$0x15000] =	vst v63  }
0x22: {  	s11 =	simm.s32 $0x1A00  }
0x23: {  	[tilespmem:s11], [sflag:$0x1] =	stream.indirect.gather [hbm4b:s0+s15], $0x80, s15, s15, $0xb8;
	[tilespmem:$0x15000] =	vst v63  }
0x24: {  	s18 =	simm.s32 $0x9A00  }
0x25: {  	[tilespmem:s18], [sflag:$0x1] =	stream.indirect.gather [hbm4b:s2+s15], $0x80, s15, s15, $0xb8;
	[tilespmem:$0x15000] =	vst v63  }
0x26: {  	s22 =	simm.s32 $0x10A00  }
0x27: {  	[tilespmem:s22], [sflag:$0x1] =	stream.indirect.gather [hbm4b:s3+s20], $0x80, s14, s20, $0xb8;
	[tilespmem:$0x15000] =	vst v63  }
0x28: {  	s26 =	simm.s32 $0x12A00  }
0x29: {  	[tilespmem:s26], [sflag:$0x1] =	stream.indirect.gather [hbm4b:s4+s20], $0x80, s14, s20, $0xb8;
	[tilespmem:$0x15000] =	vst v63  }
0x2a: {  	s30 =	simm.s32 $0x40;
	s7 =	simm.s32 $0x2A00  }
0x2b: {  	[tilespmem:s7], [sflag:$0x2] =	stream.indirect.gather [hbm4b:s0+s15], $0x80, s30, s15, $0xb8;
	[tilespmem:$0x15000] =	vst v63  }
0x2c: {  	s8 =	simm.s32 $0xAA00  }
0x2d: {  	[tilespmem:s8], [sflag:$0x2] =	stream.indirect.gather [hbm4b:s2+s15], $0x80, s30, s15, $0xb8;
	[tilespmem:$0x15000] =	vst v63  }
0x2e: {  	s9 =	simm.s32 $0x60;
	s10 =	simm.s32 $0x3A00  }
0x2f: {  	[tilespmem:s10], [sflag:$0x2] =	stream.indirect.gather [hbm4b:s0+s15], $0x80, s9, s15, $0xb8;
	[tilespmem:$0x15000] =	vst v63  }
0x30: {  	s11 =	simm.s32 $0xBA00  }
0x31: {  	[tilespmem:s11], [sflag:$0x2] =	stream.indirect.gather [hbm4b:s2+s15], $0x80, s9, s15, $0xb8;
	[tilespmem:$0x15000] =	vst v63  }
0x32: {  	s18 =	simm.s32 $0x810;
	s22 =	simm.s32 $0x11200  }
0x33: {  	[tilespmem:s22], [sflag:$0x2] =	stream.indirect.gather [hbm4b:s3+s20], $0x80, s18, s20, $0xb8;
	[tilespmem:$0x15000] =	vst v63  }
0x34: {  	s26 =	simm.s32 $0x13200  }
0x35: {  	[tilespmem:s26], [sflag:$0x2] =	stream.indirect.gather [hbm4b:s4+s20], $0x80, s18, s20, $0xb8;
	[tilespmem:$0x15000] =	vst v63  }
0x36: {  	s30 =	simm.s32 $0x80;
	s8 =	simm.s32 $0x4A00  }
0x37: {  	[tilespmem:s8], [sflag:$0x3] =	stream.indirect.gather [hbm4b:s0+s15], $0x80, s30, s15, $0xb8;
	[tilespmem:$0x15000] =	vst v63  }
0x38: {  	s9 =	simm.s32 $0xCA00  }
0x39: {  	[tilespmem:s9], [sflag:$0x3] =	stream.indirect.gather [hbm4b:s2+s15], $0x80, s30, s15, $0xb8;
	[tilespmem:$0x15000] =	vst v63  }
0x3a: {  	s10 =	simm.s32 $0xA0;
	s11 =	simm.s32 $0x5A00  }
0x3b: {  	[tilespmem:s11], [sflag:$0x3] =	stream.indirect.gather [hbm4b:s0+s15], $0x80, s10, s15, $0xb8;
	[tilespmem:$0x15000] =	vst v63  }
0x3c: {  	s18 =	simm.s32 $0xDA00  }
0x3d: {  	[tilespmem:s18], [sflag:$0x3] =	stream.indirect.gather [hbm4b:s2+s15], $0x80, s10, s15, $0xb8;
	[tilespmem:$0x15000] =	vst v63  }
0x3e: {  	s22 =	simm.s32 $0x820;
	s26 =	simm.s32 $0x11A00  }
0x3f: {  	[tilespmem:s26], [sflag:$0x3] =	stream.indirect.gather [hbm4b:s3+s20], $0x80, s22, s20, $0xb8;
	[tilespmem:$0x15000] =	vst v63  }
0x40: {  	s30 =	simm.s32 $0x13A00;
	s26 =	simm.s32 $0x0  }
0x41: {  	[tilespmem:s30], [sflag:$0x3] =	stream.indirect.gather [hbm4b:s4+s20], $0x80, s22, s20, $0xb8;
	[tilespmem:$0x15000] =	vst v63  }
.LBB2_2:
0x42: {  	s30 =	sshllo.u32 s26, $0x2  }
0x43: {  	s5 =	sshll.u32 s30, $0x6  }
0x44: {  	[tilespmem:s28], [sflag:$0x4] =	stream.indirect.gather [hbm4b:s0+s15], $0x80, s5, s15, $0xb8;
	[tilespmem:$0x15000] =	vst v63  }
0x45: {  	_ = 	snop  }
0x46: {  	[tilespmem:s29], [sflag:$0x4] =	stream.indirect.gather [hbm4b:s2+s15], $0x80, s5, s15, $0xb8;
	[tilespmem:$0x15000] =	vst v63  }
0x47: {  	s7 =	sor.u32 $0x20, s5  }
0x48: {  	[tilespmem:s31], [sflag:$0x4] =	stream.indirect.gather [hbm4b:s0+s15], $0x80, s7, s15, $0xb8;
	[tilespmem:$0x15000] =	vst v63  }
0x49: {  	s5 =	sshrl.u32 s5, $0x2  }
0x4a: {  	[tilespmem:s1], [sflag:$0x4] =	stream.indirect.gather [hbm4b:s2+s15], $0x80, s7, s15, $0xb8;
	[tilespmem:$0x15000] =	vst v63  }
0x4b: {  	s5 =	sadd.s32 $0x800, s5  }
0x4c: {  	[tilespmem:s16], [sflag:$0x4] =	stream.indirect.gather [hbm4b:s3+s20], $0x80, s5, s20, $0xb8;
	[tilespmem:$0x15000] =	vst v63  }
0x4d: {  	_ = 	snop  }
0x4e: {  	[tilespmem:s17], [sflag:$0x4] =	stream.indirect.gather [hbm4b:s4+s20], $0x80, s5, s20, $0xb8;
	[tilespmem:$0x15000] =	vst v63  }
0x4f: {  	_ =	swait.ge [sflag:s19], $0x1000  }
0x50: {  	[sflag:s19] =	ssyncset.done $0x0  }
0x51: {  	[sflag:s19] =	ssyncadd.s32 $0xFFFFF000  }
0x52: {  	_ =	swait.ge [sflag:s19], $0x1000  }
0x53: {  	[sflag:s19] =	ssyncset.done $0x0  }
0x54: {  	[sflag:s19] =	ssyncadd.s32 $0xFFFFF000  }
0x55: {  	_ =	swait.ge [sflag:s19], $0x1000  }
0x56: {  	[sflag:s19] =	ssyncset.done $0x0  }
0x57: {  	[sflag:s19] =	ssyncadd.s32 $0xFFFFF000  }
0x58: {  	_ =	swait.ge [sflag:s19], $0x1000  }
0x59: {  	[sflag:s19] =	ssyncset.done $0x0  }
0x5a: {  	[sflag:s19] =	ssyncadd.s32 $0xFFFFF000  }
0x5b: {  	_ =	swait.ge [sflag:s19], $0x800  }
0x5c: {  	[sflag:s19] =	ssyncset.done $0x0  }
0x5d: {  	[sflag:s19] =	ssyncadd.s32 $0xFFFFF800  }
0x5e: {  	_ =	swait.ge [sflag:s19], $0x800  }
0x5f: {  	[sflag:s19] =	ssyncset.done $0x0  }
0x60: {  	s11 =	simm.s32 $0x1A00;
	[sflag:s19] =	ssyncadd.s32 $0xFFFFF800  }
0x61: {  	s18 =	simm.s32 $0x9A00;
	v15 =	vld [tilespmem:s11+$0x70]  }
0x62: {  	v16 =	vld [tilespmem:s18+$0x70]  }
0x63: {  	v17 =	vld [tilespmem:s11+$0x60]  }
0x64: {  	v18 =	vld [tilespmem:s18+$0x60]  }
0x65: {  	v19 =	vld [tilespmem:s11+$0x50]  }
0x66: {  	v20 =	vld [tilespmem:s18+$0x50]  }
0x67: {  	v7 =	vld [tilespmem:s11+$0x40]  }
0x68: {  	v21 =	vld [tilespmem:s18+$0x40]  }
0x69: {  	v1 =	vld [tilespmem:s11+$0x30]  }
0x6a: {  	v8 =	vld [tilespmem:s18+$0x30]  }
0x6b: {  	v4 =	vld [tilespmem:s11+$0x20]  }
0x6c: {  	v6 =	vld [tilespmem:s18+$0x20]  }
0x6d: {  	v2 =	vld [tilespmem:s11+$0x10]  }
0x6e: {  	v5 =	vld [tilespmem:s18+$0x10]  }
0x6f: {  	v3 =	vld [tilespmem:s11+$0x0]  }
0x70: {  	s9 =	simm.s32 $0x10A40;
	v22 =	vld [tilespmem:s18+$0x0]  }
0x71: {  	s8 =	simm.s32 $0x12A40;
	v23 =	vld [tilespmem:s9+$0xFFFFFFC0]  }
0x72: {  	v24 =	vld [tilespmem:s8+$0xFFFFFFC0]  }
0x73: {  	v13 =	vld [tilespmem:s9+$0xFFFFFFD0]  }
0x74: {  	v14 =	vld [tilespmem:s8+$0xFFFFFFD0]  }
0x75: {  	v11 =	vld [tilespmem:s9+$0xFFFFFFE0]  }
0x76: {  	v25 =	vld [tilespmem:s11+$0x800]  }
0x77: {  	v26 =	vld [tilespmem:s18+$0x800]  }
0x78: {  	v12 =	vld [tilespmem:s8+$0xFFFFFFE0]  }
0x79: {  	v27 =	vld [tilespmem:s11+$0x810];
	v29 =	vmul.f32 v23, v3;
	v30 =	vmul.f32 v24, v22  }
0x7a: {  	v9 =	vld [tilespmem:s9+$0xFFFFFFF0];
	v31 =	vmul.f32 v24, v3;
	v22 =	vmul.f32 v23, v22  }
0x7b: {  	v10 =	vld [tilespmem:s8+$0xFFFFFFF0];
	v33 =	vmul.f32 v13, v2;
	v34 =	vmul.f32 v14, v5  }
0x7c: {  	v28 =	vld [tilespmem:s18+$0x810];
	v2 =	vmul.f32 v14, v2;
	v57 =	vmul.f32 v13, v5  }
0x7d: {  	v3 =	vld [tilespmem:s9+$0x0];
	v59 =	vmul.f32 v11, v4;
	v60 =	vmul.f32 v12, v6  }
0x7e: {  	v5 =	vld [tilespmem:s8+$0x0];
	v62 =	vmul.f32 v12, v4;
	v29 =	vsub.f32 v29, v30;
	v22 =	vadd.f32 v31, v22  }
0x7f: {  	v32 =	vld [tilespmem:s11+$0x820];
	v6 =	vmul.f32 v11, v6;
	v37 =	vmul.f32 v9, v1;
	v56 =	vsub.f32 v33, v34  }
0x80: {  	v55 =	vld [tilespmem:s18+$0x820];
	v35 =	vmul.f32 v10, v8;
	v25 =	vsub.f32 v29, v25;
	v22 =	vsub.f32 v22, v26  }
0x81: {  	v4 =	vld [tilespmem:s8+$0x10];
	v1 =	vmul.f32 v10, v1;
	v40 =	vmul.f32 v9, v8;
	v58 =	vadd.f32 v2, v57  }
0x82: {  	v8 =	vld [tilespmem:s8+$0x20];
	v27 =	vsub.f32 v56, v27;
	v25 =	vmul.f32 v25, v25;
	v22 =	vmul.f32 v22, v22  }
0x83: {  	v61 =	vld [tilespmem:s18+$0x830];
	v33 =	vsub.f32 v59, v60;
	v43 =	vmul.f32 v3, v7;
	v44 =	vmul.f32 v5, v21  }
0x84: {  	v2 =	vld [tilespmem:s9+$0x10];
	v27 =	vmul.f32 v27, v27;
	v22 =	vadd.f32 v22, v25;
	v25 =	vsub.f32 v58, v28  }
0x85: {  	v36 =	vadd.f32 v62, v6;
	v26 =	vld [tilespmem:s11+$0x830];
	v46 =	vmul.f32 v5, v7;
	v21 =	vmul.f32 v3, v21  }
0x86: {  	v6 =	vld [tilespmem:s9+$0x20];
	v22 =	vadd.f32 v27, v22;
	v25 =	vmul.f32 v25, v25;
	v27 =	vsub.f32 v33, v32  }
0x87: {  	v50 =	vld [tilespmem:s18+$0xFFFFF000];
	v39 =	vsub.f32 v37, v35;
	v49 =	vmul.f32 v4, v20;
	v53 =	vmul.f32 v8, v18  }
0x88: {  	v52 =	vld [tilespmem:s11+$0xFFFFF000];
	v22 =	vadd.f32 v22, v25;
	v25 =	vsub.f32 v36, v55;
	v27 =	vmul.f32 v27, v27  }
0x89: {  	v63 =	vld [tilespmem:s11+$0x840];
	v42 =	vadd.f32 v1, v40;
	v48 =	vmul.f32 v2, v19;
	v19 =	vmul.f32 v4, v19  }
0x8a: {  	v38 =	vld [tilespmem:s18+$0x840];
	v26 =	vsub.f32 v39, v26;
	v22 =	vadd.f32 v27, v22;
	v25 =	vmul.f32 v25, v25  }
0x8b: {  	v41 =	vld [tilespmem:s11+$0x850];
	v45 =	vsub.f32 v43, v44;
	v20 =	vmul.f32 v2, v20;
	v18 =	vmul.f32 v6, v18  }
0x8c: {  	v56 =	vld [tilespmem:s18+$0xFFFFF010];
	v26 =	vmul.f32 v26, v26;
	v22 =	vadd.f32 v22, v25;
	v25 =	vsub.f32 v42, v61  }
0x8d: {  	v1 =	vld [tilespmem:s9+$0x30];
	v21 =	vadd.f32 v46, v21;
	v58 =	vmul.f32 v24, v50;
	v24 =	vmul.f32 v24, v52  }
0x8e: {  	v7 =	vld [tilespmem:s8+$0x30];
	v22 =	vadd.f32 v26, v22;
	v25 =	vmul.f32 v25, v25;
	v26 =	vsub.f32 v45, v63  }
0x8f: {  	v31 =	vsub.f32 v48, v49;
	v19 =	vadd.f32 v19, v20;
	v20 =	vmul.f32 v6, v17;
	v27 =	vld [tilespmem:s18+$0x850]  }
0x90: {  	v47 =	vld [tilespmem:s11+$0x860];
	v21 =	vsub.f32 v21, v38;
	v22 =	vadd.f32 v22, v25;
	v25 =	vmul.f32 v26, v26  }
0x91: {  	v51 =	vld [tilespmem:s18+$0x860];
	v17 =	vmul.f32 v8, v17;
	v60 =	vmul.f32 v14, v56;
	v20 =	vsub.f32 v20, v53  }
0x92: {  	v54 =	vld [tilespmem:s11+$0xFFFFF010];
	v21 =	vmul.f32 v21, v21;
	v22 =	vadd.f32 v25, v22;
	v25 =	vsub.f32 v31, v41  }
0x93: {  	v17 =	vadd.f32 v17, v18;
	v18 =	vmul.f32 v1, v15;
	v15 =	vmul.f32 v7, v15  }
0x94: {  	v55 =	vld [tilespmem:s18+$0x870];
	v19 =	vsub.f32 v19, v27;
	v21 =	vadd.f32 v22, v21;
	v22 =	vmul.f32 v25, v25  }
0x95: {  	v27 =	vmul.f32 v7, v16;
	v16 =	vmul.f32 v1, v16;
	v26 =	vld [tilespmem:s11+$0x870]  }
0x96: {  	v57 =	vld [tilespmem:s18+$0xFFFFF800];
	v20 =	vsub.f32 v20, v47;
	v19 =	vmul.f32 v19, v19;
	v21 =	vadd.f32 v22, v21  }
0x97: {  	v14 =	vmul.f32 v14, v54;
	v17 =	vsub.f32 v17, v51;
	v15 =	vadd.f32 v15, v16;
	v25 =	vld [tilespmem:s11+$0xFFFFF800]  }
0x98: {  	v36 =	vld [tilespmem:s18+$0xFFFFF020];
	v18 =	vsub.f32 v18, v27;
	v19 =	vadd.f32 v21, v19;
	v21 =	vmul.f32 v23, v52  }
0x99: {  	v20 =	vmul.f32 v20, v20;
	v27 =	vld [tilespmem:s11+$0xFFFFF020];
	v15 =	vsub.f32 v15, v55;
	v23 =	vmul.f32 v23, v50  }
0x9a: {  	v62 =	vld [tilespmem:s11+$0xFFFFF040];
	v17 =	vmul.f32 v17, v17;
	v18 =	vsub.f32 v18, v26;
	v16 =	vsub.f32 v21, v58  }
0x9b: {  	v15 =	vmul.f32 v15, v15;
	v22 =	vld [tilespmem:s11+$0xFFFFF810];
	v23 =	vadd.f32 v24, v23;
	v24 =	vmul.f32 v13, v54  }
0x9c: {  	v59 =	vld [tilespmem:s18+$0xFFFFF810];
	v19 =	vadd.f32 v20, v19;
	v13 =	vmul.f32 v13, v56;
	v16 =	vsub.f32 v16, v25  }
0x9d: {  	v61 =	vld [tilespmem:s11+$0xFFFFF030];
	v18 =	vmul.f32 v18, v18;
	v23 =	vsub.f32 v23, v57;
	v24 =	vsub.f32 v24, v60  }
0x9e: {  	v21 =	vld [tilespmem:s11+$0xFFFFF820];
	v13 =	vadd.f32 v14, v13;
	v14 =	vmul.f32 v12, v36;
	v12 =	vmul.f32 v12, v27  }
0x9f: {  	v20 =	vld [tilespmem:s18+$0xFFFFF030];
	v17 =	vadd.f32 v19, v17;
	v19 =	vmul.f32 v3, v62;
	v16 =	vmul.f32 v16, v16  }
0xa0: {  	v25 =	vld [tilespmem:s18+$0xFFFFF820];
	v23 =	vmul.f32 v23, v23;
	v22 =	vsub.f32 v24, v22;
	v24 =	vmul.f32 v11, v27  }
0xa1: {  	v63 =	vld [tilespmem:s18+$0xFFFFF050];
	v11 =	vmul.f32 v11, v36;
	v13 =	vsub.f32 v13, v59;
	v17 =	vadd.f32 v18, v17  }
0xa2: {  	v26 =	vld [tilespmem:s11+$0xFFFFF830];
	v16 =	vadd.f32 v23, v16;
	v22 =	vmul.f32 v22, v22;
	v14 =	vsub.f32 v24, v14  }
0xa3: {  	v27 =	vld [tilespmem:s18+$0xFFFFF040];
	v11 =	vadd.f32 v12, v11;
	v12 =	vmul.f32 v9, v61;
	v13 =	vmul.f32 v13, v13  }
0xa4: {  	v23 =	vld [tilespmem:s18+$0xFFFFF830];
	v16 =	vadd.f32 v22, v16;
	v14 =	vsub.f32 v14, v21;
	v21 =	vmul.f32 v10, v20  }
0xa5: {  	v18 =	vld [tilespmem:s18+$0xFFFFF070];
	v9 =	vmul.f32 v9, v20;
	v11 =	vsub.f32 v11, v25;
	v10 =	vmul.f32 v10, v61  }
0xa6: {  	v22 =	vld [tilespmem:s11+$0xFFFFF050];
	v13 =	vadd.f32 v16, v13;
	v14 =	vmul.f32 v14, v14;
	v12 =	vsub.f32 v12, v21  }
0xa7: {  	v24 =	vld [tilespmem:s11+$0xFFFFF840];
	v15 =	vadd.f32 v17, v15;
	v9 =	vadd.f32 v10, v9;
	v11 =	vmul.f32 v11, v11  }
0xa8: {  	v20 =	vld [tilespmem:s18+$0xFFFFF840];
	v21 =	vmul.f32 v5, v27;
	v13 =	vadd.f32 v14, v13;
	v12 =	vsub.f32 v12, v26  }
0xa9: {  	v25 =	vld [tilespmem:s18+$0xFFFFF850];
	v3 =	vmul.f32 v3, v27;
	v5 =	vmul.f32 v5, v62;
	v9 =	vsub.f32 v9, v23  }
0xaa: {  	v16 =	vld [tilespmem:s11+$0xFFFFF850];
	v19 =	vsub.f32 v19, v21;
	v11 =	vadd.f32 v13, v11;
	v12 =	vmul.f32 v12, v12  }
0xab: {  	v17 =	vmul.f32 v4, v63;
	v10 =	vld [tilespmem:s11+$0xFFFFF060];
	v3 =	vadd.f32 v5, v3;
	v5 =	vmul.f32 v2, v22  }
0xac: {  	v14 =	vld [tilespmem:s18+$0xFFFFF060];
	v9 =	vmul.f32 v9, v9;
	v11 =	vadd.f32 v12, v11;
	v12 =	vsub.f32 v19, v24  }
0xad: {  	v21 =	vld [tilespmem:s11+$0xFFFFF070];
	v3 =	vsub.f32 v3, v20  }
0xae: {  	v23 =	vld [tilespmem:s11+$0xFFFFF870];
	v5 =	vsub.f32 v5, v17;
	v9 =	vadd.f32 v11, v9;
	v11 =	vmul.f32 v12, v12  }
0xaf: {  	v2 =	vmul.f32 v2, v63;
	v13 =	vld [tilespmem:s11+$0xFFFFF860];
	v12 =	vmul.f32 v4, v22  }
0xb0: {  	v20 =	vld [tilespmem:s18+$0xFFFFF870];
	v17 =	vmul.f32 v3, v3;
	v16 =	vsub.f32 v5, v16;
	v9 =	vadd.f32 v11, v9  }
0xb1: {  	s5 =	simm.s32 $0x9A80;
	v19 =	vld [tilespmem:s18+$0xFFFFF860];
	v11 =	vmul.f32 v6, v10;
	v2 =	vadd.f32 v12, v2;
	v12 =	vmul.f32 v8, v14  }
0xb2: {  	s18 =	simm.s32 $0x1A80;
	v3 =	vld [tilespmem:s5+$0x70];
	v8 =	vmul.f32 v8, v10;
	v10 =	vmul.f32 v6, v14;
	v14 =	vadd.f32 v9, v17  }
0xb3: {  	v5 =	vld [tilespmem:s18+$0x60];
	v16 =	vmul.f32 v16, v16;
	v2 =	vsub.f32 v2, v25;
	v12 =	vsub.f32 v11, v12  }
0xb4: {  	(xrf2) =	vadd.scan.msk.f32 $0xffff, v15;
	v15 =	vmul.f32 v1, v21;
	v4 =	vld [tilespmem:s18+$0x70];
	v8 =	vadd.f32 v8, v10;
	v10 =	vmul.f32 v7, v18  }
0xb5: {  	v22 =	vld [tilespmem:s5+$0x0];
	v2 =	vmul.f32 v2, v2;
	v14 =	vadd.f32 v16, v14;
	v16 =	vsub.f32 v12, v13  }
0xb6: {  	v1 =	vmul.f32 v1, v18;
	v6 =	vld [tilespmem:s5+$0x60];
	v7 =	vmul.f32 v7, v21;
	v8 =	vsub.f32 v8, v19  }
0xb7: {  	v9 =	vld [tilespmem:s18+$0x50];
	v10 =	vsub.f32 v15, v10;
	v2 =	vadd.f32 v14, v2;
	v14 =	vmul.f32 v16, v16  }
0xb8: {  	v11 =	vld [tilespmem:s5+$0x50];
	v1 =	vadd.f32 v7, v1  }
0xb9: {  	v17 =	vld [tilespmem:s5+$0x30];
	v10 =	vsub.f32 v10, v23;
	v8 =	vmul.f32 v8, v8;
	v2 =	vadd.f32 v14, v2  }
0xba: {  	v25 =	vld [tilespmem:s5+$0x20]  }
0xbb: {  	v18 =	vld [tilespmem:s18+$0x10];
	v1 =	vsub.f32 v1, v20;
	v7 =	vmul.f32 v10, v10;
	v2 =	vadd.f32 v2, v8  }
0xbc: {  	v12 =	vld [tilespmem:s18+$0x40]  }
0xbd: {  	v13 =	vld [tilespmem:s5+$0x40];
	v1 =	vmul.f32 v1, v1;
	v2 =	vadd.f32 v7, v2  }
0xbe: {  	v15 =	vld [tilespmem:s18+$0x30]  }
0xbf: {  	v20 =	vld [tilespmem:s5+$0x10];
	v19 =	vadd.f32 v2, v1  }
0xc0: {  	s22 =	simm.s32 $0x0;
	v16 =	vld [tilespmem:s18+$0x0]  }
0xc1: {  	s8 =	simm.s32 $0x12AC0;
	v14 =	vld [tilespmem:s18+$0x20];
	v10 =	vmov s22;
	v7, _, _ =	vpop (xrf2);
	(xrf2) =	vadd.scan.msk.f32 $0xffff, v19  }
0xc2: {  	s9 =	simm.s32 $0x10AC0;
	vm0 =	veq.s32 v10, v0;
	v10 =	vld [tilespmem:s8+$0xFFFFFFC0];
	v7 =	vbroadcast v7, $0xF  }
0xc3: {  	v8 =	vld [tilespmem:s9+$0xFFFFFFC0];
	v1 =	vimm.f32 $0.0e+00  }
0xc4: {  	s10 =	simm.s32 $0x2;
	s7 =	simm.s32 $0x1;
	v2 =	vsel vm0, v7, v1;
	v7 =	vld [tilespmem:s9+$0xFFFFFFD0]  }
.LBB2_3:
0xc5: {  	p0 =	sne.s32 s10, $0xF;
	v23 =	vld [tilespmem:s8+$0xFFFFFFD0]  }
0xc6: {  	v19 =	vld [tilespmem:s9+$0xFFFFFFE0]  }
0xc7: {  	v21 =	vld [tilespmem:s18+$0x800]  }
0xc8: {  	v26 =	vmul.f32 v8, v16;
	v24 =	vld [tilespmem:s5+$0x800];
	v27 =	vmul.f32 v10, v22  }
0xc9: {  	v32 =	vmul.f32 v8, v22;
	v16 =	vmul.f32 v10, v16;
	v22 =	vld [tilespmem:s8+$0xFFFFFFE0]  }
0xca: {  	v30 =	vmul.f32 v7, v18;
	v29 =	vld [tilespmem:s18+$0x810];
	v31 =	vmul.f32 v23, v20  }
0xcb: {  	v26 =	vsub.f32 v26, v27;
	v27 =	vadd.f32 v16, v32;
	v16 =	vld [tilespmem:s9+$0xFFFFFFF0];
	v28, _, _ =	vpop (xrf2)  }
0xcc: {  	v18 =	vmul.f32 v23, v18;
	v32 =	vld [tilespmem:s5+$0x810];
	v30 =	vsub.f32 v30, v31;
	v31 =	vmul.f32 v7, v20  }
0xcd: {  	v21 =	vsub.f32 v26, v21;
	v26 =	vsub.f32 v27, v24;
	v20 =	vld [tilespmem:s8+$0xFFFFFFF0];
	v24 =	vbroadcast v28, $0xF  }
0xce: {  	v27 =	vadd.f32 v18, v31;
	v28 =	vld [tilespmem:s18+$0x820];
	v31 =	vmul.f32 v19, v14;
	v33 =	vmul.f32 v22, v25  }
0xcf: {  	v21 =	vmul.f32 v21, v21;
	v26 =	vmul.f32 v26, v26;
	v29 =	vsub.f32 v30, v29;
	v18 =	vld [tilespmem:s9+$0x0]  }
0xd0: {  	v14 =	vmul.f32 v22, v14;
	v25 =	vmul.f32 v19, v25;
	v30 =	vld [tilespmem:s5+$0x820];
	v31 =	vsub.f32 v31, v33  }
0xd1: {  	v26 =	vadd.f32 v26, v21;
	v27 =	vsub.f32 v27, v32;
	v29 =	vmul.f32 v29, v29;
	v21 =	vld [tilespmem:s8+$0x0]  }
0xd2: {  	v25 =	vadd.f32 v14, v25;
	v33 =	vmul.f32 v16, v15;
	v32 =	vld [tilespmem:s18+$0x830];
	v34 =	vmul.f32 v20, v17  }
0xd3: {  	v26 =	vadd.f32 v29, v26;
	v27 =	vmul.f32 v27, v27;
	v28 =	vsub.f32 v31, v28;
	v14 =	vld [tilespmem:s9+$0x10]  }
0xd4: {  	v15 =	vmul.f32 v20, v15;
	v29 =	vld [tilespmem:s5+$0x830];
	v31 =	vsub.f32 v33, v34;
	v33 =	vmul.f32 v16, v17  }
0xd5: {  	v26 =	vadd.f32 v26, v27;
	v25 =	vsub.f32 v25, v30;
	v27 =	vmul.f32 v28, v28;
	v17 =	vld [tilespmem:s8+$0x10]  }
0xd6: {  	v28 =	vadd.f32 v15, v33;
	v30 =	vld [tilespmem:s18+$0x840];
	v33 =	vmul.f32 v18, v12;
	v34 =	vmul.f32 v21, v13  }
0xd7: {  	v26 =	vadd.f32 v27, v26;
	v25 =	vmul.f32 v25, v25;
	v27 =	vsub.f32 v31, v32;
	v15 =	vld [tilespmem:s9+$0x20]  }
0xd8: {  	v12 =	vmul.f32 v21, v12;
	v31 =	vld [tilespmem:s5+$0x840];
	v32 =	vsub.f32 v33, v34;
	v33 =	vmul.f32 v18, v13  }
0xd9: {  	v25 =	vadd.f32 v26, v25;
	v26 =	vsub.f32 v28, v29;
	v27 =	vmul.f32 v27, v27;
	v13 =	vld [tilespmem:s8+$0x20]  }
0xda: {  	v28 =	vadd.f32 v12, v33;
	v29 =	vld [tilespmem:s18+$0x850];
	v33 =	vmul.f32 v14, v9;
	v34 =	vmul.f32 v17, v11  }
0xdb: {  	v25 =	vadd.f32 v27, v25;
	v26 =	vmul.f32 v26, v26;
	v27 =	vsub.f32 v32, v30;
	v12 =	vld [tilespmem:s9+$0x30]  }
0xdc: {  	v11 =	vmul.f32 v14, v11;
	v30 =	vld [tilespmem:s5+$0x850];
	v32 =	vsub.f32 v33, v34;
	v33 =	vmul.f32 v17, v9  }
0xdd: {  	v25 =	vadd.f32 v25, v26;
	v26 =	vsub.f32 v28, v31;
	v27 =	vmul.f32 v27, v27;
	v9 =	vld [tilespmem:s8+$0x30]  }
0xde: {  	v31 =	vmul.f32 v15, v5;
	v11 =	vadd.f32 v33, v11;
	v28 =	vld [tilespmem:s18+$0x860];
	v33 =	vmul.f32 v13, v6  }
0xdf: {  	v34 =	vld [tilespmem:s5+$0xFFFFF000];
	v25 =	vadd.f32 v27, v25;
	v26 =	vmul.f32 v26, v26;
	v27 =	vsub.f32 v32, v29  }
0xe0: {  	v5 =	vmul.f32 v13, v5;
	v6 =	vmul.f32 v15, v6;
	v29 =	vld [tilespmem:s5+$0x860];
	v31 =	vsub.f32 v31, v33  }
0xe1: {  	v32 =	vld [tilespmem:s18+$0xFFFFF000];
	v25 =	vadd.f32 v25, v26;
	v11 =	vsub.f32 v11, v30;
	v26 =	vmul.f32 v27, v27  }
0xe2: {  	v5 =	vadd.f32 v5, v6;
	v27 =	vmul.f32 v12, v4;
	v6 =	vld [tilespmem:s18+$0x870];
	v30 =	vmul.f32 v9, v3  }
0xe3: {  	v33 =	vld [tilespmem:s18+$0xFFFFF010];
	v25 =	vadd.f32 v26, v25;
	v11 =	vmul.f32 v11, v11;
	v26 =	vsub.f32 v31, v28  }
0xe4: {  	v4 =	vmul.f32 v9, v4;
	v3 =	vmul.f32 v12, v3;
	v28 =	vld [tilespmem:s5+$0x870];
	v27 =	vsub.f32 v27, v30  }
0xe5: {  	v30 =	vld [tilespmem:s5+$0xFFFFF010];
	v11 =	vadd.f32 v25, v11;
	v5 =	vsub.f32 v5, v29;
	v25 =	vmul.f32 v26, v26  }
0xe6: {  	v31 =	vmul.f32 v10, v34;
	v3 =	vadd.f32 v4, v3;
	v26 =	vld [tilespmem:s18+$0xFFFFF800];
	v29 =	vmul.f32 v8, v32  }
0xe7: {  	v4 =	vld [tilespmem:s5+$0xFFFFF800];
	v11 =	vadd.f32 v25, v11;
	v5 =	vmul.f32 v5, v5;
	v6 =	vsub.f32 v27, v6  }
0xe8: {  	v10 =	vmul.f32 v10, v32;
	v8 =	vmul.f32 v8, v34;
	v25 =	vsub.f32 v29, v31;
	v27 =	vld [tilespmem:s18+$0xFFFFF810]  }
0xe9: {  	v29 =	vld [tilespmem:s18+$0xFFFFF020];
	v5 =	vadd.f32 v11, v5;
	v3 =	vsub.f32 v3, v28;
	v6 =	vmul.f32 v6, v6  }
0xea: {  	v8 =	vadd.f32 v10, v8;
	v10 =	vmul.f32 v7, v33;
	v11 =	vmul.f32 v23, v30;
	v28 =	vld [tilespmem:s5+$0xFFFFF020]  }
0xeb: {  	v25 =	vsub.f32 v25, v26;
	v26 =	vld [tilespmem:s5+$0xFFFFF810];
	v5 =	vadd.f32 v6, v5;
	v3 =	vmul.f32 v3, v3  }
0xec: {  	v4 =	vsub.f32 v8, v4;
	v6 =	vsub.f32 v10, v11;
	v8 =	vmul.f32 v23, v33;
	v10 =	vld [tilespmem:s18+$0xFFFFF820]  }
0xed: {  	v7 =	vmul.f32 v7, v30;
	v11 =	vmul.f32 v25, v25;
	v23 =	vld [tilespmem:s18+$0xFFFFF030];
	v3 =	vadd.f32 v5, v3  }
0xee: {  	v4 =	vmul.f32 v4, v4;
	v5 =	vsub.f32 v6, v27;
	v6 =	vmul.f32 v19, v29;
	v25 =	vld [tilespmem:s5+$0xFFFFF030]  }
0xef: {  	v7 =	vadd.f32 v8, v7;
	v8 =	vld [tilespmem:s5+$0xFFFFF820];
	v27 =	vmul.f32 v22, v28;
	v22 =	vmul.f32 v22, v29;
	(xrf2) =	vadd.scan.msk.f32 $0xffff, v3  }
0xf0: {  	v3 =	vadd.f32 v4, v11;
	v4 =	vmul.f32 v5, v5;
	v5 =	vmul.f32 v19, v28;
	v11 =	vld [tilespmem:s18+$0xFFFFF830]  }
0xf1: {  	v1 =	vsel vm0, v24, v1;
	v7 =	vsub.f32 v7, v26;
	v6 =	vsub.f32 v6, v27;
	v19 =	vld [tilespmem:s18+$0xFFFFF040]  }
0xf2: {  	v3 =	vadd.f32 v4, v3;
	v4 =	vadd.f32 v22, v5;
	v5 =	vmul.f32 v16, v23;
	v22 =	vld [tilespmem:s5+$0xFFFFF040]  }
0xf3: {  	v7 =	vmul.f32 v7, v7;
	v6 =	vsub.f32 v6, v10;
	v10 =	vld [tilespmem:s5+$0xFFFFF830];
	v24 =	vmul.f32 v20, v25  }
0xf4: {  	v16 =	vmul.f32 v16, v25;
	v4 =	vsub.f32 v4, v8;
	v8 =	vmul.f32 v20, v23;
	v20 =	vld [tilespmem:s18+$0xFFFFF840]  }
0xf5: {  	v3 =	vadd.f32 v3, v7;
	v6 =	vmul.f32 v6, v6;
	v5 =	vsub.f32 v5, v24;
	v7 =	vld [tilespmem:s18+$0xFFFFF050]  }
0xf6: {  	v4 =	vmul.f32 v4, v4;
	v8 =	vadd.f32 v8, v16;
	v24 =	vmul.f32 v18, v19;
	v23 =	vld [tilespmem:s5+$0xFFFFF050]  }
0xf7: {  	v3 =	vadd.f32 v6, v3;
	v5 =	vsub.f32 v5, v11;
	v6 =	vld [tilespmem:s5+$0xFFFFF840];
	v11 =	vmul.f32 v21, v22  }
0xf8: {  	v18 =	vmul.f32 v18, v22;
	v8 =	vsub.f32 v8, v10;
	v10 =	vmul.f32 v21, v19;
	v19 =	vld [tilespmem:s18+$0xFFFFF850]  }
0xf9: {  	v3 =	vadd.f32 v3, v4;
	v4 =	vmul.f32 v5, v5;
	v5 =	vsub.f32 v24, v11;
	v11 =	vld [tilespmem:s18+$0xFFFFF060];
	v16, _, _ =	vpop (xrf2)  }
0xfa: {  	v22 =	vmov s7;
	s7 =	smov.u32 s10;
	v8 =	vmul.f32 v8, v8;
	v21 =	vld [tilespmem:s5+$0xFFFFF060];
	v16 =	vbroadcast v16, $0xF  }
0xfb: {  	vm0 =	veq.s32 v22, v0;
	v3 =	vadd.f32 v4, v3;
	v4 =	vsub.f32 v5, v20;
	v5 =	vld [tilespmem:s5+$0xFFFFF850]  }
0xfc: {  	v10 =	vadd.f32 v10, v18;
	v18 =	vmul.f32 v14, v7;
	v20 =	vld [tilespmem:s18+$0xFFFFF860];
	v2 =	vsel vm0, v16, v2  }
0xfd: {  	v3 =	vadd.f32 v3, v8;
	v4 =	vmul.f32 v4, v4;
	v8 =	vmul.f32 v17, v23;
	v16 =	vld [tilespmem:s18+$0xFFFFF070]  }
0xfe: {  	v7 =	vmul.f32 v17, v7;
	v6 =	vsub.f32 v10, v6;
	v10 =	vmul.f32 v14, v23;
	v14 =	vld [tilespmem:s5+$0xFFFFF070]  }
0xff: {  	v17 =	vmul.f32 v15, v11;
	v3 =	vadd.f32 v4, v3;
	v4 =	vsub.f32 v18, v8;
	v8 =	vld [tilespmem:s5+$0xFFFFF860]  }
0x100: {  	v6 =	vmul.f32 v6, v6;
	v7 =	vadd.f32 v7, v10;
	v10 =	vmul.f32 v13, v21;
	v18 =	vld [tilespmem:s18+$0xFFFFF870]  }
0x101: {  	v11 =	vmul.f32 v13, v11;
	v13 =	vmul.f32 v15, v21;
	s18 =	sadd.s32 $0x80, s18;
	v19 =	vsub.f32 v4, v19;
	v21 =	vld [tilespmem:s5+$0xFFFFF870]  }
0x102: {  	v15 =	vadd.f32 v3, v6;
	v6 =	vsub.f32 v7, v5;
	s5 =	sadd.s32 $0x80, s5;
	v4 =	vld [tilespmem:s18+$0x70];
	v7 =	vmul.f32 v12, v16  }
0x103: {  	v10 =	vsub.f32 v17, v10;
	v11 =	vadd.f32 v11, v13;
	v3 =	vld [tilespmem:s5+$0x70];
	v19 =	vmul.f32 v19, v19  }
0x104: {  	v13 =	vmul.f32 v6, v6;
	v17 =	vmul.f32 v9, v14;
	v5 =	vld [tilespmem:s18+$0x60]  }
0x105: {  	v16 =	vmul.f32 v9, v16;
	v10 =	vsub.f32 v10, v20;
	v6 =	vld [tilespmem:s5+$0x60];
	v15 =	vadd.f32 v19, v15  }
0x106: {  	v14 =	vmul.f32 v12, v14;
	v8 =	vsub.f32 v11, v8;
	v7 =	vsub.f32 v7, v17;
	v9 =	vld [tilespmem:s18+$0x50]  }
0x107: {  	v10 =	vmul.f32 v10, v10;
	v11 =	vld [tilespmem:s5+$0x50];
	v15 =	vadd.f32 v15, v13  }
0x108: {  	v14 =	vadd.f32 v16, v14;
	v8 =	vmul.f32 v8, v8;
	v7 =	vsub.f32 v7, v18;
	v12 =	vld [tilespmem:s18+$0x40]  }
0x109: {  	v13 =	vld [tilespmem:s5+$0x40];
	v10 =	vadd.f32 v10, v15  }
0x10a: {  	v16 =	vsub.f32 v14, v21;
	v7 =	vmul.f32 v7, v7;
	v15 =	vld [tilespmem:s18+$0x30]  }
0x10b: {  	v17 =	vld [tilespmem:s5+$0x30];
	v8 =	vadd.f32 v10, v8  }
0x10c: {  	v10 =	vmul.f32 v16, v16;
	v14 =	vld [tilespmem:s18+$0x20]  }
0x10d: {  	v25 =	vld [tilespmem:s5+$0x20];
	v7 =	vadd.f32 v7, v8  }
0x10e: {  	v18 =	vld [tilespmem:s18+$0x10]  }
0x10f: {  	v20 =	vld [tilespmem:s5+$0x10];
	v7 =	vadd.f32 v7, v10  }
.Ltmp0:
0x110: {  	v16 =	vld [tilespmem:s18+$0x0];
	(pc) =	sbr.rel @p0 .LBB2_3-.Ltmp0, $4  }
0x111: {  	s9 =	sadd.s32 $0x80, s9;
	v22 =	vld [tilespmem:s5+$0x0];
	(xrf2) =	vadd.scan.msk.f32 $0xffff, v7  }
0x112: {  	s8 =	sadd.s32 $0x80, s8;
	v8 =	vld [tilespmem:s9+$0xFFFFFFC0]  }
0x113: {  	v10 =	vld [tilespmem:s8+$0xFFFFFFC0]  }
0x114: {  	s10 =	sadd.s32 $0x1, s10;
	v7 =	vld [tilespmem:s9+$0xFFFFFFD0]  }
0x115: {  	v24 =	vld [tilespmem:s8+$0xFFFFFFD0]  }
0x116: {  	v21 =	vld [tilespmem:s9+$0xFFFFFFE0]  }
0x117: {  	v26 =	vld [tilespmem:s18+$0x800]  }
0x118: {  	v27 =	vld [tilespmem:s5+$0x800]  }
0x119: {  	v23 =	vld [tilespmem:s8+$0xFFFFFFE0]  }
0x11a: {  	v30 =	vld [tilespmem:s18+$0x810]  }
0x11b: {  	v19 =	vld [tilespmem:s9+$0xFFFFFFF0];
	v28 =	vmul.f32 v8, v16  }
0x11c: {  	v33 =	vld [tilespmem:s5+$0x810];
	v29 =	vmul.f32 v10, v22;
	v16 =	vmul.f32 v10, v16  }
0x11d: {  	v62 =	vld [tilespmem:s18+$0x820];
	v22 =	vmul.f32 v8, v22;
	v31 =	vmul.f32 v7, v18  }
0x11e: {  	v55 =	vld [tilespmem:s5+$0xFFFFF000];
	v32 =	vmul.f32 v24, v20;
	v18 =	vmul.f32 v24, v18  }
0x11f: {  	v59 =	vld [tilespmem:s18+$0xFFFFF010];
	v28 =	vsub.f32 v28, v29;
	v20 =	vmul.f32 v7, v20;
	v63 =	vmul.f32 v21, v14  }
0x120: {  	v60 =	vld [tilespmem:s5+$0xFFFFF010];
	v16 =	vadd.f32 v16, v22;
	v36 =	vmul.f32 v23, v25;
	v37 =	vmul.f32 v23, v14  }
0x121: {  	v56 =	vld [tilespmem:s18+$0xFFFFF000];
	v25 =	vmul.f32 v21, v25;
	v61 =	vsub.f32 v31, v32;
	v26 =	vsub.f32 v28, v26  }
0x122: {  	v22 =	vld [tilespmem:s8+$0xFFFFFFF0];
	v27 =	vsub.f32 v16, v27;
	v18 =	vadd.f32 v18, v20  }
0x123: {  	v34 =	vld [tilespmem:s5+$0x820];
	v39 =	vmul.f32 v19, v15;
	v28 =	vsub.f32 v63, v36;
	v25 =	vadd.f32 v37, v25  }
0x124: {  	v14 =	vld [tilespmem:s9+$0x10];
	v26 =	vmul.f32 v26, v26;
	v27 =	vmul.f32 v27, v27;
	v29 =	vsub.f32 v61, v30  }
0x125: {  	v16 =	vld [tilespmem:s9+$0x0];
	v37 =	vmul.f32 v24, v60;
	v24 =	vmul.f32 v24, v59;
	v18 =	vsub.f32 v18, v33  }
0x126: {  	v20 =	vld [tilespmem:s8+$0x0];
	v61 =	vmul.f32 v10, v55;
	v26 =	vadd.f32 v27, v26;
	v27 =	vmul.f32 v29, v29  }
0x127: {  	v38 =	vld [tilespmem:s18+$0x830];
	v28 =	vsub.f32 v28, v62;
	v10 =	vmul.f32 v10, v56;
	v40 =	vmul.f32 v22, v17  }
0x128: {  	v41 =	vld [tilespmem:s5+$0x830];
	v42 =	vmul.f32 v22, v15;
	v26 =	vadd.f32 v27, v26;
	v27 =	vmul.f32 v18, v18  }
0x129: {  	v25 =	vsub.f32 v25, v34;
	v17 =	vmul.f32 v19, v17;
	v15 =	vld [tilespmem:s9+$0x20];
	v51 =	vmul.f32 v14, v9  }
0x12a: {  	v29 =	vsub.f32 v39, v40;
	v18 =	vld [tilespmem:s8+$0x10];
	v26 =	vadd.f32 v26, v27;
	v27 =	vmul.f32 v28, v28  }
0x12b: {  	v43 =	vld [tilespmem:s18+$0x840];
	v44 =	vadd.f32 v42, v17;
	v45 =	vmul.f32 v16, v12;
	v46 =	vmul.f32 v20, v13  }
0x12c: {  	v25 =	vmul.f32 v25, v25;
	v17 =	vld [tilespmem:s8+$0x20];
	v26 =	vadd.f32 v27, v26;
	v27 =	vsub.f32 v29, v38  }
0x12d: {  	v35 =	vld [tilespmem:s5+$0x840];
	v48 =	vmul.f32 v20, v12;
	v13 =	vmul.f32 v16, v13;
	v47 =	vsub.f32 v45, v46  }
0x12e: {  	v12 =	vld [tilespmem:s9+$0x30];
	v25 =	vadd.f32 v26, v25;
	v26 =	vsub.f32 v44, v41;
	v27 =	vmul.f32 v27, v27  }
0x12f: {  	v49 =	vld [tilespmem:s18+$0x850];
	v50 =	vadd.f32 v48, v13;
	v57 =	vmul.f32 v15, v5;
	v52 =	vmul.f32 v18, v11  }
0x130: {  	v25 =	vadd.f32 v27, v25;
	v26 =	vmul.f32 v26, v26;
	v27 =	vsub.f32 v47, v43  }
0x131: {  	v58 =	vmul.f32 v17, v6;
	v5 =	vmul.f32 v17, v5;
	v54 =	vsub.f32 v51, v52  }
0x132: {  	v13 =	vld [tilespmem:s8+$0x30];
	v25 =	vadd.f32 v25, v26;
	v26 =	vsub.f32 v50, v35;
	v27 =	vmul.f32 v27, v27  }
0x133: {  	v53 =	vld [tilespmem:s5+$0x850];
	v6 =	vmul.f32 v15, v6;
	v63 =	vmul.f32 v12, v4  }
0x134: {  	v36 =	vld [tilespmem:s18+$0xFFFFF020];
	v25 =	vadd.f32 v27, v25;
	v26 =	vmul.f32 v26, v26;
	v27 =	vsub.f32 v54, v49  }
0x135: {  	v62 =	vld [tilespmem:s5+$0xFFFFF800];
	v9 =	vmul.f32 v18, v9;
	v5 =	vadd.f32 v5, v6;
	v6 =	vmul.f32 v8, v56  }
0x136: {  	v8 =	vmul.f32 v8, v55;
	v25 =	vadd.f32 v25, v26;
	v26 =	vmul.f32 v27, v27;
	v27 =	vld [tilespmem:s18+$0xFFFFF800]  }
0x137: {  	v38 =	vld [tilespmem:s5+$0xFFFFF020];
	v11 =	vmul.f32 v14, v11;
	v31 =	vsub.f32 v57, v58;
	v39 =	vmul.f32 v13, v3  }
0x138: {  	v4 =	vmul.f32 v13, v4;
	v8 =	vadd.f32 v10, v8;
	v25 =	vadd.f32 v26, v25;
	v26 =	vld [tilespmem:s18+$0xFFFFF810]  }
0x139: {  	v40 =	vld [tilespmem:s18+$0xFFFFF820];
	v9 =	vadd.f32 v9, v11;
	v6 =	vsub.f32 v6, v61;
	v10 =	vmul.f32 v7, v59  }
0x13a: {  	v42 =	vld [tilespmem:s5+$0xFFFFF030];
	v3 =	vmul.f32 v12, v3;
	v28 =	vsub.f32 v63, v39;
	v8 =	vsub.f32 v8, v62  }
0x13b: {  	v7 =	vmul.f32 v7, v60;
	v10 =	vsub.f32 v10, v37;
	v6 =	vsub.f32 v6, v27;
	v27 =	vld [tilespmem:s5+$0xFFFFF810]  }
0x13c: {  	v41 =	vld [tilespmem:s18+$0xFFFFF030];
	v3 =	vadd.f32 v4, v3;
	v9 =	vsub.f32 v9, v53;
	v43 =	vmul.f32 v23, v38  }
0x13d: {  	v44 =	vld [tilespmem:s5+$0x860];
	v8 =	vmul.f32 v8, v8;
	v6 =	vmul.f32 v6, v6;
	v10 =	vsub.f32 v10, v26  }
0x13e: {  	v23 =	vmul.f32 v23, v36;
	v7 =	vadd.f32 v24, v7;
	v24 =	vld [tilespmem:s5+$0xFFFFF820];
	v26 =	vmul.f32 v21, v36  }
0x13f: {  	v11 =	vld [tilespmem:s18+$0x860];
	v6 =	vadd.f32 v8, v6;
	v8 =	vmul.f32 v10, v10;
	v10 =	vmul.f32 v21, v38  }
0x140: {  	v45 =	vmul.f32 v22, v42;
	v21 =	vld [tilespmem:s18+$0xFFFFF830];
	v26 =	vsub.f32 v26, v43;
	v7 =	vsub.f32 v7, v27  }
0x141: {  	v22 =	vmul.f32 v22, v41;
	v27 =	vld [tilespmem:s18+$0xFFFFF040];
	v6 =	vadd.f32 v8, v6;
	v8 =	vadd.f32 v23, v10  }
0x142: {  	v10 =	vmul.f32 v19, v41;
	v23 =	vld [tilespmem:s5+$0xFFFFF040];
	v26 =	vsub.f32 v26, v40;
	v7 =	vmul.f32 v7, v7  }
0x143: {  	v46 =	vld [tilespmem:s5+$0xFFFFF830];
	v5 =	vsub.f32 v5, v44;
	v19 =	vmul.f32 v19, v42;
	v8 =	vsub.f32 v8, v24  }
0x144: {  	v10 =	vsub.f32 v10, v45;
	v6 =	vadd.f32 v6, v7;
	v7 =	vmul.f32 v26, v26  }
0x145: {  	v9 =	vmul.f32 v9, v9;
	v11 =	vsub.f32 v31, v11;
	v24 =	vld [tilespmem:s18+$0xFFFFF840];
	v19 =	vadd.f32 v22, v19  }
0x146: {  	v22 =	vld [tilespmem:s18+$0xFFFFF050];
	v8 =	vmul.f32 v8, v8;
	v6 =	vadd.f32 v7, v6;
	v7 =	vsub.f32 v10, v21  }
0x147: {  	v9 =	vadd.f32 v25, v9;
	v10 =	vmul.f32 v16, v27;
	v21 =	vld [tilespmem:s5+$0xFFFFF050];
	v25 =	vmul.f32 v20, v23  }
0x148: {  	v4 =	vld [tilespmem:s18+$0xFFFFF060];
	v19 =	vsub.f32 v19, v46;
	v6 =	vadd.f32 v6, v8;
	v7 =	vmul.f32 v7, v7  }
0x149: {  	v26 =	vld [tilespmem:s5+$0xFFFFF840];
	v16 =	vmul.f32 v16, v23;
	v8 =	vmul.f32 v20, v27;
	v10 =	vsub.f32 v10, v25  }
0x14a: {  	v11 =	vmul.f32 v11, v11;
	v20 =	vld [tilespmem:s18+$0xFFFFF850];
	v6 =	vadd.f32 v7, v6;
	v7 =	vmul.f32 v19, v19  }
0x14b: {  	v19 =	vld [tilespmem:s5+$0xFFFFF060];
	v10 =	vsub.f32 v10, v24;
	v8 =	vadd.f32 v8, v16;
	v16 =	vmul.f32 v14, v22  }
0x14c: {  	v9 =	vadd.f32 v11, v9;
	v11 =	vld [tilespmem:s5+$0xFFFFF850];
	v23 =	vmul.f32 v18, v21;
	v18 =	vmul.f32 v18, v22  }
0x14d: {  	v14 =	vmul.f32 v14, v21;
	v21 =	vld [tilespmem:s5+$0xFFFFF070];
	v6 =	vadd.f32 v6, v7;
	v7 =	vmul.f32 v10, v10  }
0x14e: {  	v10 =	vld [tilespmem:s18+$0xFFFFF070];
	v8 =	vsub.f32 v8, v26;
	v16 =	vsub.f32 v16, v23  }
0x14f: {  	v22 =	vld [tilespmem:s18+$0xFFFFF860];
	v14 =	vadd.f32 v18, v14;
	v6 =	vadd.f32 v7, v6;
	v7 =	vmul.f32 v15, v4  }
0x150: {  	v23 =	vld [tilespmem:s5+$0xFFFFF860];
	v8 =	vmul.f32 v8, v8;
	v18 =	vmul.f32 v17, v19;
	v16 =	vsub.f32 v16, v20  }
0x151: {  	v4 =	vmul.f32 v17, v4;
	v15 =	vmul.f32 v15, v19;
	v11 =	vsub.f32 v14, v11  }
0x152: {  	v20 =	vld [tilespmem:s18+$0x870];
	v6 =	vadd.f32 v6, v8;
	v14 =	vmul.f32 v16, v16;
	v7 =	vsub.f32 v7, v18  }
0x153: {  	v8 =	vld [tilespmem:s18+$0xFFFFF870];
	v16 =	vmul.f32 v12, v10;
	v4 =	vadd.f32 v4, v15;
	v15 =	vmul.f32 v13, v21  }
0x154: {  	v17 =	vld [tilespmem:s5+$0x870];
	v11 =	vmul.f32 v11, v11;
	v6 =	vadd.f32 v14, v6;
	v7 =	vsub.f32 v7, v22  }
0x155: {  	v10 =	vmul.f32 v13, v10;
	v12 =	vmul.f32 v12, v21;
	v14 =	vld [tilespmem:s5+$0xFFFFF870];
	v4 =	vsub.f32 v4, v23  }
0x156: {  	v13 =	vsub.f32 v16, v15;
	v6 =	vadd.f32 v6, v11;
	v7 =	vmul.f32 v7, v7  }
0x157: {  	v5 =	vmul.f32 v5, v5;
	v10 =	vadd.f32 v10, v12;
	v11 =	vsub.f32 v28, v20  }
0x158: {  	v8 =	vsub.f32 v13, v8;
	v4 =	vmul.f32 v4, v4;
	v6 =	vadd.f32 v7, v6  }
0x159: {  	v5 =	vadd.f32 v9, v5;
	v3 =	vsub.f32 v3, v17;
	v7 =	vmul.f32 v11, v11  }
0x15a: {  	v8 =	vmul.f32 v8, v8;
	v9 =	vsub.f32 v10, v14;
	v4 =	vadd.f32 v6, v4  }
0x15b: {  	v3 =	vmul.f32 v3, v3;
	v5 =	vadd.f32 v7, v5  }
0x15c: {  	v6 =	vmul.f32 v9, v9;
	v4 =	vadd.f32 v8, v4  }
0x15d: {  	v3 =	vadd.f32 v5, v3  }
0x15e: {  	v4 =	vadd.f32 v4, v6  }
0x15f: {  	(xrf2) =	vadd.scan.msk.f32 $0xffff, v3  }
0x160: {  	(xrf2) =	vadd.scan.msk.f32 $0xffff, v4;
	_ =	sdelay $0x6  }
0x161: {  	v3, _, _ =	vpop (xrf2)  }
0x162: {  	v3 =	vbroadcast v3, $0xF  }
0x163: {  	v4, _, _ =	vpop (xrf2)  }
0x164: {  	v6 =	vmov s7;
	v1 =	vsel vm0, v3, v1;
	v3 =	vbroadcast v4, $0xF;
	v5, _, _ =	vpop (xrf2)  }
0x165: {  	vm0 =	veq.s32 v6, v0;
	v5 =	vbroadcast v5, $0xF  }
0x166: {  	v2 =	vsel vm0, v3, v2  }
0x167: {  	v2 =	vmax.f32 v2, $1.000000000e-30;
	v1 =	vsel vm0, v5, v1  }
0x168: {  	v5 =	vshra.s32 v2, $0x1;
	v1 =	vmax.f32 v1, $1.000000000e-30  }
0x169: {  	v6 =	vmul.f32 $5.000000000e-01, v2;
	v3 =	vshra.s32 v1, $0x1;
	v4 =	vmul.f32 $5.000000000e-01, v1  }
0x16a: {  	v5 =	vsub.s32 $0x5F3759DF, v5;
	v3 =	vsub.s32 $0x5F3759DF, v3  }
0x16b: {  	v8 =	vmul.f32 v5, v6;
	v7 =	vmul.f32 v3, v4;
	_ =	sdelay $0x1  }
0x16c: {  	v8 =	vmul.f32 v5, v8;
	v7 =	vmul.f32 v3, v7;
	_ =	sdelay $0x1  }
0x16d: {  	v8 =	vsub.f32 $1.500000000e+00, v8;
	v7 =	vsub.f32 $1.500000000e+00, v7;
	_ =	sdelay $0x1  }
0x16e: {  	v5 =	vmul.f32 v5, v8;
	v3 =	vmul.f32 v3, v7;
	_ =	sdelay $0x1  }
0x16f: {  	v8 =	vmul.f32 v5, v6;
	v7 =	vmul.f32 v3, v4;
	_ =	sdelay $0x1  }
0x170: {  	v8 =	vmul.f32 v8, v5;
	v7 =	vmul.f32 v7, v3;
	_ =	sdelay $0x1  }
0x171: {  	v8 =	vsub.f32 $1.500000000e+00, v8;
	v7 =	vsub.f32 $1.500000000e+00, v7;
	_ =	sdelay $0x1  }
0x172: {  	v5 =	vmul.f32 v8, v5;
	v3 =	vmul.f32 v7, v3;
	_ =	sdelay $0x1  }
0x173: {  	v6 =	vmul.f32 v5, v6;
	v4 =	vmul.f32 v3, v4;
	_ =	sdelay $0x1  }
0x174: {  	v6 =	vmul.f32 v6, v5;
	v4 =	vmul.f32 v4, v3;
	_ =	sdelay $0x1  }
0x175: {  	v6 =	vsub.f32 $1.500000000e+00, v6;
	v4 =	vsub.f32 $1.500000000e+00, v4;
	_ =	sdelay $0x1  }
0x176: {  	v3 =	vmul.f32 v4, v3;
	v4 =	vmul.f32 v6, v5;
	_ =	sdelay $0x1  }
0x177: {  	v1 =	vmul.f32 v3, v1;
	v2 =	vmul.f32 v4, v2;
	_ =	sdelay $0x1  }
0x178: {  	v3 =	vsub.f32 v1, v2;
	_ =	sdelay $0x1  }
0x179: {  	s18 =	sshll.u32 s26, $0x6;
	v3 =	vadd.f32 $1.000000000e+00, v3  }
0x17a: {  	p0 =	seq.s32 s26, $0x7;
	[tilespmem:s18+$0x14C00] =	vst v1  }
0x17b: {  	s5 =	sshll.u32 @!p0 s26, $0x8;
	[tilespmem:s18+$0x14E00] =	vst v2;
	v1 =	vmax.f32 v3, $0.0e+00  }
0x17c: {  	s9 =	simm.s32 @!p0 $0xA00;
	s8 =	simm.s32 @!p0 $0x20;
	s7 =	sadd.s32 @!p0 $0x100, s5;
	[tilespmem:s18+$0x14A00] =	vst v1  }
0x17d: {  	[tilespmem:s9], [sflag:$0x1] =	stream.indirect.gather @!p0 [hbm4b:s0+s8], $0x80, s7, s8, $0xb8;
	[tilespmem:$0x15000] =	vst v63  }
0x17e: {  	s9 =	simm.s32 @!p0 $0x8A00  }
0x17f: {  	[tilespmem:s9], [sflag:$0x1] =	stream.indirect.gather @!p0 [hbm4b:s2+s8], $0x80, s7, s8, $0xb8;
	[tilespmem:$0x15000] =	vst v63  }
0x180: {  	s10 =	simm.s32 @!p0 $0x1A00;
	s9 =	sadd.s32 @!p0 $0x120, s5  }
0x181: {  	[tilespmem:s10], [sflag:$0x1] =	stream.indirect.gather @!p0 [hbm4b:s0+s8], $0x80, s9, s8, $0xb8;
	[tilespmem:$0x15000] =	vst v63  }
0x182: {  	s7 =	sshrl.u32 @!p0 s7, $0x2;
	s10 =	simm.s32 @!p0 $0x9A00  }
0x183: {  	[tilespmem:s10], [sflag:$0x1] =	stream.indirect.gather @!p0 [hbm4b:s2+s8], $0x80, s9, s8, $0xb8;
	[tilespmem:$0x15000] =	vst v63  }
0x184: {  	s7 =	sadd.s32 @!p0 $0x800, s7;
	s8 =	simm.s32 @!p0 $0x10;
	s9 =	simm.s32 @!p0 $0x10A00  }
0x185: {  	[tilespmem:s9], [sflag:$0x1] =	stream.indirect.gather @!p0 [hbm4b:s3+s8], $0x80, s7, s8, $0xb8;
	[tilespmem:$0x15000] =	vst v63  }
0x186: {  	s9 =	simm.s32 @!p0 $0x12A00  }
0x187: {  	[tilespmem:s9], [sflag:$0x1] =	stream.indirect.gather @!p0 [hbm4b:s4+s8], $0x80, s7, s8, $0xb8;
	[tilespmem:$0x15000] =	vst v63  }
0x188: {  	_ =	swait.ge [sflag:s21], $0x1000  }
0x189: {  	[sflag:s21] =	ssyncset.done $0x0  }
0x18a: {  	[sflag:s21] =	ssyncadd.s32 $0xFFFFF000  }
0x18b: {  	_ =	swait.ge [sflag:s21], $0x1000  }
0x18c: {  	[sflag:s21] =	ssyncset.done $0x0  }
0x18d: {  	[sflag:s21] =	ssyncadd.s32 $0xFFFFF000  }
0x18e: {  	_ =	swait.ge [sflag:s21], $0x1000  }
0x18f: {  	[sflag:s21] =	ssyncset.done $0x0  }
0x190: {  	[sflag:s21] =	ssyncadd.s32 $0xFFFFF000  }
0x191: {  	_ =	swait.ge [sflag:s21], $0x1000  }
0x192: {  	[sflag:s21] =	ssyncset.done $0x0  }
0x193: {  	[sflag:s21] =	ssyncadd.s32 $0xFFFFF000  }
0x194: {  	_ =	swait.ge [sflag:s21], $0x800  }
0x195: {  	[sflag:s21] =	ssyncset.done $0x0  }
0x196: {  	[sflag:s21] =	ssyncadd.s32 $0xFFFFF800  }
0x197: {  	_ =	swait.ge [sflag:s21], $0x800  }
0x198: {  	[sflag:s21] =	ssyncset.done $0x0  }
0x199: {  	s8 =	simm.s32 $0x4270;
	[sflag:s21] =	ssyncadd.s32 $0xFFFFF800  }
0x19a: {  	s7 =	simm.s32 $0xC270;
	v15 =	vld [tilespmem:s8+$0xFFFFF800]  }
0x19b: {  	v16 =	vld [tilespmem:s7+$0xFFFFF800]  }
0x19c: {  	v17 =	vld [tilespmem:s8+$0xFFFFF7F0]  }
0x19d: {  	v18 =	vld [tilespmem:s7+$0xFFFFF7F0]  }
0x19e: {  	v19 =	vld [tilespmem:s8+$0xFFFFF7E0]  }
0x19f: {  	v20 =	vld [tilespmem:s7+$0xFFFFF7E0]  }
0x1a0: {  	v7 =	vld [tilespmem:s8+$0xFFFFF7D0]  }
0x1a1: {  	v21 =	vld [tilespmem:s7+$0xFFFFF7D0]  }
0x1a2: {  	v1 =	vld [tilespmem:s8+$0xFFFFF7C0]  }
0x1a3: {  	v8 =	vld [tilespmem:s7+$0xFFFFF7C0]  }
0x1a4: {  	v4 =	vld [tilespmem:s8+$0xFFFFF7B0]  }
0x1a5: {  	v6 =	vld [tilespmem:s7+$0xFFFFF7B0]  }
0x1a6: {  	v2 =	vld [tilespmem:s8+$0xFFFFF7A0]  }
0x1a7: {  	v5 =	vld [tilespmem:s7+$0xFFFFF7A0]  }
0x1a8: {  	v3 =	vld [tilespmem:s8+$0xFFFFF790]  }
0x1a9: {  	s11 =	simm.s32 $0x11270;
	v22 =	vld [tilespmem:s7+$0xFFFFF790]  }
0x1aa: {  	s22 =	simm.s32 $0x13270;
	v23 =	vld [tilespmem:s11+$0xFFFFFF90]  }
0x1ab: {  	v24 =	vld [tilespmem:s22+$0xFFFFFF90]  }
0x1ac: {  	v13 =	vld [tilespmem:s11+$0xFFFFFFA0]  }
0x1ad: {  	v14 =	vld [tilespmem:s22+$0xFFFFFFA0]  }
0x1ae: {  	v11 =	vld [tilespmem:s11+$0xFFFFFFB0]  }
0x1af: {  	v25 =	vld [tilespmem:s8+$0xFFFFFF90]  }
0x1b0: {  	v26 =	vld [tilespmem:s7+$0xFFFFFF90]  }
0x1b1: {  	v12 =	vld [tilespmem:s22+$0xFFFFFFB0];
	v48 =	vmul.f32 v23, v3  }
0x1b2: {  	v27 =	vld [tilespmem:s8+$0xFFFFFFA0];
	v49 =	vmul.f32 v24, v22;
	v50 =	vmul.f32 v24, v3  }
0x1b3: {  	v9 =	vld [tilespmem:s11+$0xFFFFFFC0];
	v22 =	vmul.f32 v23, v22;
	v52 =	vmul.f32 v13, v2  }
0x1b4: {  	v10 =	vld [tilespmem:s22+$0xFFFFFFC0];
	v53 =	vmul.f32 v14, v5;
	v2 =	vmul.f32 v14, v2  }
0x1b5: {  	v47 =	vld [tilespmem:s7+$0xFFFFFFA0];
	v56 =	vmul.f32 v13, v5;
	v58 =	vmul.f32 v11, v4  }
0x1b6: {  	v3 =	vld [tilespmem:s11+$0xFFFFFFD0];
	v59 =	vmul.f32 v12, v6;
	v29 =	vsub.f32 v48, v49;
	v22 =	vadd.f32 v50, v22  }
0x1b7: {  	v51 =	vld [tilespmem:s8+$0xFFFFFFB0];
	v61 =	vmul.f32 v12, v4;
	v6 =	vmul.f32 v11, v6;
	v55 =	vsub.f32 v52, v53  }
0x1b8: {  	v5 =	vld [tilespmem:s22+$0xFFFFFFD0];
	v36 =	vmul.f32 v9, v1;
	v25 =	vsub.f32 v29, v25;
	v22 =	vsub.f32 v22, v26  }
0x1b9: {  	v54 =	vld [tilespmem:s7+$0xFFFFFFB0];
	v37 =	vmul.f32 v10, v8;
	v1 =	vmul.f32 v10, v1;
	v57 =	vadd.f32 v2, v56  }
0x1ba: {  	v4 =	vld [tilespmem:s22+$0xFFFFFFE0];
	v27 =	vsub.f32 v55, v27;
	v25 =	vmul.f32 v25, v25;
	v22 =	vmul.f32 v22, v22  }
0x1bb: {  	v40 =	vmul.f32 v9, v8;
	v8 =	vld [tilespmem:s22+$0xFFFFFFF0];
	v33 =	vsub.f32 v58, v59;
	v43 =	vmul.f32 v3, v7  }
0x1bc: {  	v2 =	vld [tilespmem:s11+$0xFFFFFFE0];
	v27 =	vmul.f32 v27, v27;
	v22 =	vadd.f32 v22, v25;
	v25 =	vsub.f32 v57, v47  }
0x1bd: {  	v63 =	vadd.f32 v61, v6;
	v26 =	vld [tilespmem:s8+$0xFFFFFFC0];
	v44 =	vmul.f32 v5, v21;
	v46 =	vmul.f32 v5, v7  }
0x1be: {  	v60 =	vld [tilespmem:s7+$0xFFFFFFC0];
	v22 =	vadd.f32 v27, v22;
	v25 =	vmul.f32 v25, v25;
	v27 =	vsub.f32 v33, v51  }
0x1bf: {  	v6 =	vld [tilespmem:s11+$0xFFFFFFF0];
	v39 =	vsub.f32 v36, v37;
	v21 =	vmul.f32 v3, v21;
	v49 =	vmul.f32 v4, v20  }
0x1c0: {  	v50 =	vld [tilespmem:s7+$0xFFFFE790];
	v22 =	vadd.f32 v22, v25;
	v25 =	vsub.f32 v63, v54;
	v27 =	vmul.f32 v27, v27  }
0x1c1: {  	v62 =	vld [tilespmem:s8+$0xFFFFFFD0];
	v42 =	vadd.f32 v1, v40;
	v53 =	vmul.f32 v8, v18;
	v48 =	vmul.f32 v2, v19  }
0x1c2: {  	v38 =	vld [tilespmem:s7+$0xFFFFFFD0];
	v26 =	vsub.f32 v39, v26;
	v22 =	vadd.f32 v27, v22;
	v25 =	vmul.f32 v25, v25  }
0x1c3: {  	v41 =	vld [tilespmem:s8+$0xFFFFFFE0];
	v45 =	vsub.f32 v43, v44;
	v19 =	vmul.f32 v4, v19;
	v20 =	vmul.f32 v2, v20  }
0x1c4: {  	v52 =	vld [tilespmem:s8+$0xFFFFE790];
	v26 =	vmul.f32 v26, v26;
	v22 =	vadd.f32 v22, v25;
	v25 =	vsub.f32 v42, v60  }
0x1c5: {  	v1 =	vld [tilespmem:s11+$0x0];
	v21 =	vadd.f32 v46, v21;
	v18 =	vmul.f32 v6, v18;
	v58 =	vmul.f32 v24, v50  }
0x1c6: {  	v7 =	vld [tilespmem:s22+$0x0];
	v22 =	vadd.f32 v26, v22;
	v25 =	vmul.f32 v25, v25;
	v26 =	vsub.f32 v45, v62  }
0x1c7: {  	v31 =	vsub.f32 v48, v49;
	v19 =	vadd.f32 v19, v20;
	v20 =	vmul.f32 v6, v17;
	v27 =	vld [tilespmem:s7+$0xFFFFFFE0]  }
0x1c8: {  	v47 =	vld [tilespmem:s8+$0xFFFFFFF0];
	v21 =	vsub.f32 v21, v38;
	v22 =	vadd.f32 v22, v25;
	v25 =	vmul.f32 v26, v26  }
0x1c9: {  	v24 =	vmul.f32 v24, v52;
	v17 =	vmul.f32 v8, v17;
	v51 =	vld [tilespmem:s7+$0xFFFFFFF0];
	v20 =	vsub.f32 v20, v53  }
0x1ca: {  	v56 =	vld [tilespmem:s7+$0xFFFFE7A0];
	v21 =	vmul.f32 v21, v21;
	v22 =	vadd.f32 v25, v22;
	v25 =	vsub.f32 v31, v41  }
0x1cb: {  	v55 =	vld [tilespmem:s7+$0x0];
	v17 =	vadd.f32 v17, v18;
	v18 =	vmul.f32 v1, v15;
	v15 =	vmul.f32 v7, v15  }
0x1cc: {  	v54 =	vld [tilespmem:s8+$0xFFFFE7A0];
	v19 =	vsub.f32 v19, v27;
	v21 =	vadd.f32 v22, v21;
	v22 =	vmul.f32 v25, v25  }
0x1cd: {  	v20 =	vsub.f32 v20, v47;
	v27 =	vmul.f32 v7, v16;
	v16 =	vmul.f32 v1, v16;
	v26 =	vld [tilespmem:s8+$0x0]  }
0x1ce: {  	v36 =	vld [tilespmem:s7+$0xFFFFE7B0];
	v17 =	vsub.f32 v17, v51;
	v19 =	vmul.f32 v19, v19;
	v21 =	vadd.f32 v22, v21  }
0x1cf: {  	v20 =	vmul.f32 v20, v20;
	v60 =	vmul.f32 v14, v56;
	v15 =	vadd.f32 v15, v16;
	v25 =	vld [tilespmem:s8+$0xFFFFEF90]  }
0x1d0: {  	v57 =	vld [tilespmem:s7+$0xFFFFEF90];
	v18 =	vsub.f32 v18, v27;
	v19 =	vadd.f32 v21, v19;
	v21 =	vmul.f32 v23, v52  }
0x1d1: {  	v14 =	vmul.f32 v14, v54;
	v27 =	vld [tilespmem:s8+$0xFFFFE7B0];
	v15 =	vsub.f32 v15, v55;
	v23 =	vmul.f32 v23, v50  }
0x1d2: {  	v17 =	vmul.f32 v17, v17;
	v62 =	vld [tilespmem:s8+$0xFFFFE7D0];
	v18 =	vsub.f32 v18, v26;
	v16 =	vsub.f32 v21, v58  }
0x1d3: {  	v15 =	vmul.f32 v15, v15;
	v22 =	vld [tilespmem:s8+$0xFFFFEFA0];
	v23 =	vadd.f32 v24, v23;
	v24 =	vmul.f32 v13, v54  }
0x1d4: {  	v59 =	vld [tilespmem:s7+$0xFFFFEFA0];
	v19 =	vadd.f32 v20, v19;
	v13 =	vmul.f32 v13, v56;
	v16 =	vsub.f32 v16, v25  }
0x1d5: {  	v61 =	vld [tilespmem:s8+$0xFFFFE7C0];
	v18 =	vmul.f32 v18, v18;
	v23 =	vsub.f32 v23, v57;
	v24 =	vsub.f32 v24, v60  }
0x1d6: {  	v21 =	vld [tilespmem:s8+$0xFFFFEFB0];
	v13 =	vadd.f32 v14, v13;
	v14 =	vmul.f32 v12, v36;
	v12 =	vmul.f32 v12, v27  }
0x1d7: {  	v20 =	vld [tilespmem:s7+$0xFFFFE7C0];
	v17 =	vadd.f32 v19, v17;
	v19 =	vmul.f32 v3, v62;
	v16 =	vmul.f32 v16, v16  }
0x1d8: {  	v25 =	vld [tilespmem:s7+$0xFFFFEFB0];
	v23 =	vmul.f32 v23, v23;
	v22 =	vsub.f32 v24, v22;
	v24 =	vmul.f32 v11, v27  }
0x1d9: {  	v63 =	vld [tilespmem:s7+$0xFFFFE7E0];
	v11 =	vmul.f32 v11, v36;
	v13 =	vsub.f32 v13, v59;
	v17 =	vadd.f32 v18, v17  }
0x1da: {  	v26 =	vld [tilespmem:s8+$0xFFFFEFC0];
	v16 =	vadd.f32 v23, v16;
	v22 =	vmul.f32 v22, v22;
	v14 =	vsub.f32 v24, v14  }
0x1db: {  	v27 =	vld [tilespmem:s7+$0xFFFFE7D0];
	v11 =	vadd.f32 v12, v11;
	v12 =	vmul.f32 v9, v61;
	v13 =	vmul.f32 v13, v13  }
0x1dc: {  	v23 =	vld [tilespmem:s7+$0xFFFFEFC0];
	v16 =	vadd.f32 v22, v16;
	v14 =	vsub.f32 v14, v21;
	v21 =	vmul.f32 v10, v20  }
0x1dd: {  	v18 =	vld [tilespmem:s7+$0xFFFFE800];
	v9 =	vmul.f32 v9, v20;
	v11 =	vsub.f32 v11, v25;
	v10 =	vmul.f32 v10, v61  }
0x1de: {  	v22 =	vld [tilespmem:s8+$0xFFFFE7E0];
	v13 =	vadd.f32 v16, v13;
	v14 =	vmul.f32 v14, v14;
	v12 =	vsub.f32 v12, v21  }
0x1df: {  	v24 =	vld [tilespmem:s8+$0xFFFFEFD0];
	v15 =	vadd.f32 v17, v15;
	v9 =	vadd.f32 v10, v9;
	v11 =	vmul.f32 v11, v11  }
0x1e0: {  	v20 =	vld [tilespmem:s7+$0xFFFFEFD0];
	v21 =	vmul.f32 v5, v27;
	v13 =	vadd.f32 v14, v13;
	v12 =	vsub.f32 v12, v26  }
0x1e1: {  	v25 =	vld [tilespmem:s7+$0xFFFFEFE0];
	v3 =	vmul.f32 v3, v27;
	v5 =	vmul.f32 v5, v62;
	v9 =	vsub.f32 v9, v23  }
0x1e2: {  	v16 =	vld [tilespmem:s8+$0xFFFFEFE0];
	v19 =	vsub.f32 v19, v21;
	v11 =	vadd.f32 v13, v11;
	v12 =	vmul.f32 v12, v12  }
0x1e3: {  	v17 =	vmul.f32 v4, v63;
	v10 =	vld [tilespmem:s8+$0xFFFFE7F0];
	v3 =	vadd.f32 v5, v3;
	v5 =	vmul.f32 v2, v22  }
0x1e4: {  	v14 =	vld [tilespmem:s7+$0xFFFFE7F0];
	v9 =	vmul.f32 v9, v9;
	v11 =	vadd.f32 v12, v11;
	v12 =	vsub.f32 v19, v24  }
0x1e5: {  	v21 =	vld [tilespmem:s8+$0xFFFFE800];
	v3 =	vsub.f32 v3, v20  }
0x1e6: {  	v23 =	vld [tilespmem:s8+$0xFFFFF000];
	v5 =	vsub.f32 v5, v17;
	v9 =	vadd.f32 v11, v9;
	v11 =	vmul.f32 v12, v12  }
0x1e7: {  	v2 =	vmul.f32 v2, v63;
	v13 =	vld [tilespmem:s8+$0xFFFFEFF0];
	v12 =	vmul.f32 v4, v22  }
0x1e8: {  	v20 =	vld [tilespmem:s7+$0xFFFFF000];
	v17 =	vmul.f32 v3, v3;
	v16 =	vsub.f32 v5, v16;
	v9 =	vadd.f32 v11, v9  }
0x1e9: {  	s22 =	simm.s32 $0xC2F0;
	v19 =	vld [tilespmem:s7+$0xFFFFEFF0];
	v11 =	vmul.f32 v6, v10;
	v2 =	vadd.f32 v12, v2;
	v12 =	vmul.f32 v8, v14  }
0x1ea: {  	s7 =	simm.s32 $0x42F0;
	v3 =	vld [tilespmem:s22+$0xFFFFF800];
	v8 =	vmul.f32 v8, v10;
	v10 =	vmul.f32 v6, v14;
	v14 =	vadd.f32 v9, v17  }
0x1eb: {  	v5 =	vld [tilespmem:s7+$0xFFFFF7F0];
	v16 =	vmul.f32 v16, v16;
	v2 =	vsub.f32 v2, v25;
	v12 =	vsub.f32 v11, v12  }
0x1ec: {  	(xrf2) =	vadd.scan.msk.f32 $0xffff, v15;
	v15 =	vmul.f32 v1, v21;
	v4 =	vld [tilespmem:s7+$0xFFFFF800];
	v8 =	vadd.f32 v8, v10;
	v10 =	vmul.f32 v7, v18  }
0x1ed: {  	v22 =	vld [tilespmem:s22+$0xFFFFF790];
	v2 =	vmul.f32 v2, v2;
	v14 =	vadd.f32 v16, v14;
	v16 =	vsub.f32 v12, v13  }
0x1ee: {  	v1 =	vmul.f32 v1, v18;
	v6 =	vld [tilespmem:s22+$0xFFFFF7F0];
	v7 =	vmul.f32 v7, v21;
	v8 =	vsub.f32 v8, v19  }
0x1ef: {  	v9 =	vld [tilespmem:s7+$0xFFFFF7E0];
	v10 =	vsub.f32 v15, v10;
	v2 =	vadd.f32 v14, v2;
	v14 =	vmul.f32 v16, v16  }
0x1f0: {  	v11 =	vld [tilespmem:s22+$0xFFFFF7E0];
	v1 =	vadd.f32 v7, v1  }
0x1f1: {  	v17 =	vld [tilespmem:s22+$0xFFFFF7C0];
	v10 =	vsub.f32 v10, v23;
	v8 =	vmul.f32 v8, v8;
	v2 =	vadd.f32 v14, v2  }
0x1f2: {  	v25 =	vld [tilespmem:s22+$0xFFFFF7B0]  }
0x1f3: {  	v18 =	vld [tilespmem:s7+$0xFFFFF7A0];
	v1 =	vsub.f32 v1, v20;
	v7 =	vmul.f32 v10, v10;
	v2 =	vadd.f32 v2, v8  }
0x1f4: {  	v12 =	vld [tilespmem:s7+$0xFFFFF7D0]  }
0x1f5: {  	v13 =	vld [tilespmem:s22+$0xFFFFF7D0];
	v1 =	vmul.f32 v1, v1;
	v2 =	vadd.f32 v7, v2  }
0x1f6: {  	v15 =	vld [tilespmem:s7+$0xFFFFF7C0]  }
0x1f7: {  	v20 =	vld [tilespmem:s22+$0xFFFFF7A0];
	v19 =	vadd.f32 v2, v1  }
0x1f8: {  	s11 =	simm.s32 $0x0;
	v16 =	vld [tilespmem:s7+$0xFFFFF790]  }
0x1f9: {  	s9 =	simm.s32 $0x132F0;
	v14 =	vld [tilespmem:s7+$0xFFFFF7B0];
	v10 =	vmov s11;
	v7, _, _ =	vpop (xrf2);
	(xrf2) =	vadd.scan.msk.f32 $0xffff, v19  }
0x1fa: {  	s10 =	simm.s32 $0x112F0;
	vm0 =	veq.s32 v10, v0;
	v10 =	vld [tilespmem:s9+$0xFFFFFF90];
	v7 =	vbroadcast v7, $0xF  }
0x1fb: {  	v8 =	vld [tilespmem:s10+$0xFFFFFF90];
	v1 =	vimm.f32 $0.0e+00  }
0x1fc: {  	s8 =	simm.s32 $0x1;
	s11 =	simm.s32 $0x2;
	v2 =	vsel vm0, v7, v1;
	v7 =	vld [tilespmem:s10+$0xFFFFFFA0]  }
.LBB2_5:
0x1fd: {  	p1 =	sne.s32 s11, $0xF;
	v23 =	vld [tilespmem:s9+$0xFFFFFFA0]  }
0x1fe: {  	v19 =	vld [tilespmem:s10+$0xFFFFFFB0]  }
0x1ff: {  	v21 =	vld [tilespmem:s7+$0xFFFFFF90]  }
0x200: {  	v26 =	vmul.f32 v8, v16;
	v24 =	vld [tilespmem:s22+$0xFFFFFF90];
	v27 =	vmul.f32 v10, v22  }
0x201: {  	v32 =	vmul.f32 v8, v22;
	v16 =	vmul.f32 v10, v16;
	v22 =	vld [tilespmem:s9+$0xFFFFFFB0]  }
0x202: {  	v30 =	vmul.f32 v7, v18;
	v29 =	vld [tilespmem:s7+$0xFFFFFFA0];
	v31 =	vmul.f32 v23, v20  }
0x203: {  	v26 =	vsub.f32 v26, v27;
	v27 =	vadd.f32 v16, v32;
	v16 =	vld [tilespmem:s10+$0xFFFFFFC0];
	v28, _, _ =	vpop (xrf2)  }
0x204: {  	v18 =	vmul.f32 v23, v18;
	v32 =	vld [tilespmem:s22+$0xFFFFFFA0];
	v30 =	vsub.f32 v30, v31;
	v31 =	vmul.f32 v7, v20  }
0x205: {  	v21 =	vsub.f32 v26, v21;
	v26 =	vsub.f32 v27, v24;
	v20 =	vld [tilespmem:s9+$0xFFFFFFC0];
	v24 =	vbroadcast v28, $0xF  }
0x206: {  	v27 =	vadd.f32 v18, v31;
	v28 =	vld [tilespmem:s7+$0xFFFFFFB0];
	v31 =	vmul.f32 v19, v14;
	v33 =	vmul.f32 v22, v25  }
0x207: {  	v21 =	vmul.f32 v21, v21;
	v26 =	vmul.f32 v26, v26;
	v29 =	vsub.f32 v30, v29;
	v18 =	vld [tilespmem:s10+$0xFFFFFFD0]  }
0x208: {  	v14 =	vmul.f32 v22, v14;
	v25 =	vmul.f32 v19, v25;
	v30 =	vld [tilespmem:s22+$0xFFFFFFB0];
	v31 =	vsub.f32 v31, v33  }
0x209: {  	v26 =	vadd.f32 v26, v21;
	v27 =	vsub.f32 v27, v32;
	v29 =	vmul.f32 v29, v29;
	v21 =	vld [tilespmem:s9+$0xFFFFFFD0]  }
0x20a: {  	v25 =	vadd.f32 v14, v25;
	v33 =	vmul.f32 v16, v15;
	v32 =	vld [tilespmem:s7+$0xFFFFFFC0];
	v34 =	vmul.f32 v20, v17  }
0x20b: {  	v26 =	vadd.f32 v29, v26;
	v27 =	vmul.f32 v27, v27;
	v28 =	vsub.f32 v31, v28;
	v14 =	vld [tilespmem:s10+$0xFFFFFFE0]  }
0x20c: {  	v15 =	vmul.f32 v20, v15;
	v29 =	vld [tilespmem:s22+$0xFFFFFFC0];
	v31 =	vsub.f32 v33, v34;
	v33 =	vmul.f32 v16, v17  }
0x20d: {  	v26 =	vadd.f32 v26, v27;
	v25 =	vsub.f32 v25, v30;
	v27 =	vmul.f32 v28, v28;
	v17 =	vld [tilespmem:s9+$0xFFFFFFE0]  }
0x20e: {  	v28 =	vadd.f32 v15, v33;
	v30 =	vld [tilespmem:s7+$0xFFFFFFD0];
	v33 =	vmul.f32 v18, v12;
	v34 =	vmul.f32 v21, v13  }
0x20f: {  	v26 =	vadd.f32 v27, v26;
	v25 =	vmul.f32 v25, v25;
	v27 =	vsub.f32 v31, v32;
	v15 =	vld [tilespmem:s10+$0xFFFFFFF0]  }
0x210: {  	v12 =	vmul.f32 v21, v12;
	v31 =	vld [tilespmem:s22+$0xFFFFFFD0];
	v32 =	vsub.f32 v33, v34;
	v33 =	vmul.f32 v18, v13  }
0x211: {  	v25 =	vadd.f32 v26, v25;
	v26 =	vsub.f32 v28, v29;
	v27 =	vmul.f32 v27, v27;
	v13 =	vld [tilespmem:s9+$0xFFFFFFF0]  }
0x212: {  	v28 =	vadd.f32 v12, v33;
	v29 =	vld [tilespmem:s7+$0xFFFFFFE0];
	v33 =	vmul.f32 v14, v9;
	v34 =	vmul.f32 v17, v11  }
0x213: {  	v25 =	vadd.f32 v27, v25;
	v26 =	vmul.f32 v26, v26;
	v27 =	vsub.f32 v32, v30;
	v12 =	vld [tilespmem:s10+$0x0]  }
0x214: {  	v11 =	vmul.f32 v14, v11;
	v30 =	vld [tilespmem:s22+$0xFFFFFFE0];
	v32 =	vsub.f32 v33, v34;
	v33 =	vmul.f32 v17, v9  }
0x215: {  	v25 =	vadd.f32 v25, v26;
	v26 =	vsub.f32 v28, v31;
	v27 =	vmul.f32 v27, v27;
	v9 =	vld [tilespmem:s9+$0x0]  }
0x216: {  	v31 =	vmul.f32 v15, v5;
	v11 =	vadd.f32 v33, v11;
	v28 =	vld [tilespmem:s7+$0xFFFFFFF0];
	v33 =	vmul.f32 v13, v6  }
0x217: {  	v34 =	vld [tilespmem:s22+$0xFFFFE790];
	v25 =	vadd.f32 v27, v25;
	v26 =	vmul.f32 v26, v26;
	v27 =	vsub.f32 v32, v29  }
0x218: {  	v5 =	vmul.f32 v13, v5;
	v6 =	vmul.f32 v15, v6;
	v29 =	vld [tilespmem:s22+$0xFFFFFFF0];
	v31 =	vsub.f32 v31, v33  }
0x219: {  	v32 =	vld [tilespmem:s7+$0xFFFFE790];
	v25 =	vadd.f32 v25, v26;
	v11 =	vsub.f32 v11, v30;
	v26 =	vmul.f32 v27, v27  }
0x21a: {  	v5 =	vadd.f32 v5, v6;
	v27 =	vmul.f32 v12, v4;
	v6 =	vld [tilespmem:s7+$0x0];
	v30 =	vmul.f32 v9, v3  }
0x21b: {  	v33 =	vld [tilespmem:s7+$0xFFFFE7A0];
	v25 =	vadd.f32 v26, v25;
	v11 =	vmul.f32 v11, v11;
	v26 =	vsub.f32 v31, v28  }
0x21c: {  	v4 =	vmul.f32 v9, v4;
	v3 =	vmul.f32 v12, v3;
	v28 =	vld [tilespmem:s22+$0x0];
	v27 =	vsub.f32 v27, v30  }
0x21d: {  	v30 =	vld [tilespmem:s22+$0xFFFFE7A0];
	v11 =	vadd.f32 v25, v11;
	v5 =	vsub.f32 v5, v29;
	v25 =	vmul.f32 v26, v26  }
0x21e: {  	v31 =	vmul.f32 v10, v34;
	v3 =	vadd.f32 v4, v3;
	v26 =	vld [tilespmem:s7+$0xFFFFEF90];
	v29 =	vmul.f32 v8, v32  }
0x21f: {  	v4 =	vld [tilespmem:s22+$0xFFFFEF90];
	v11 =	vadd.f32 v25, v11;
	v5 =	vmul.f32 v5, v5;
	v6 =	vsub.f32 v27, v6  }
0x220: {  	v10 =	vmul.f32 v10, v32;
	v8 =	vmul.f32 v8, v34;
	v25 =	vsub.f32 v29, v31;
	v27 =	vld [tilespmem:s7+$0xFFFFEFA0]  }
0x221: {  	v29 =	vld [tilespmem:s7+$0xFFFFE7B0];
	v5 =	vadd.f32 v11, v5;
	v3 =	vsub.f32 v3, v28;
	v6 =	vmul.f32 v6, v6  }
0x222: {  	v8 =	vadd.f32 v10, v8;
	v10 =	vmul.f32 v7, v33;
	v11 =	vmul.f32 v23, v30;
	v28 =	vld [tilespmem:s22+$0xFFFFE7B0]  }
0x223: {  	v25 =	vsub.f32 v25, v26;
	v26 =	vld [tilespmem:s22+$0xFFFFEFA0];
	v5 =	vadd.f32 v6, v5;
	v3 =	vmul.f32 v3, v3  }
0x224: {  	v4 =	vsub.f32 v8, v4;
	v6 =	vsub.f32 v10, v11;
	v8 =	vmul.f32 v23, v33;
	v10 =	vld [tilespmem:s7+$0xFFFFEFB0]  }
0x225: {  	v7 =	vmul.f32 v7, v30;
	v11 =	vmul.f32 v25, v25;
	v23 =	vld [tilespmem:s7+$0xFFFFE7C0];
	v3 =	vadd.f32 v5, v3  }
0x226: {  	v4 =	vmul.f32 v4, v4;
	v5 =	vsub.f32 v6, v27;
	v6 =	vmul.f32 v19, v29;
	v25 =	vld [tilespmem:s22+$0xFFFFE7C0]  }
0x227: {  	v7 =	vadd.f32 v8, v7;
	v8 =	vld [tilespmem:s22+$0xFFFFEFB0];
	v27 =	vmul.f32 v22, v28;
	v22 =	vmul.f32 v22, v29;
	(xrf2) =	vadd.scan.msk.f32 $0xffff, v3  }
0x228: {  	v3 =	vadd.f32 v4, v11;
	v4 =	vmul.f32 v5, v5;
	v5 =	vmul.f32 v19, v28;
	v11 =	vld [tilespmem:s7+$0xFFFFEFC0]  }
0x229: {  	v1 =	vsel vm0, v24, v1;
	v7 =	vsub.f32 v7, v26;
	v6 =	vsub.f32 v6, v27;
	v19 =	vld [tilespmem:s7+$0xFFFFE7D0]  }
0x22a: {  	v3 =	vadd.f32 v4, v3;
	v4 =	vadd.f32 v22, v5;
	v5 =	vmul.f32 v16, v23;
	v22 =	vld [tilespmem:s22+$0xFFFFE7D0]  }
0x22b: {  	v7 =	vmul.f32 v7, v7;
	v6 =	vsub.f32 v6, v10;
	v10 =	vld [tilespmem:s22+$0xFFFFEFC0];
	v24 =	vmul.f32 v20, v25  }
0x22c: {  	v16 =	vmul.f32 v16, v25;
	v4 =	vsub.f32 v4, v8;
	v8 =	vmul.f32 v20, v23;
	v20 =	vld [tilespmem:s7+$0xFFFFEFD0]  }
0x22d: {  	v3 =	vadd.f32 v3, v7;
	v6 =	vmul.f32 v6, v6;
	v5 =	vsub.f32 v5, v24;
	v7 =	vld [tilespmem:s7+$0xFFFFE7E0]  }
0x22e: {  	v4 =	vmul.f32 v4, v4;
	v8 =	vadd.f32 v8, v16;
	v24 =	vmul.f32 v18, v19;
	v23 =	vld [tilespmem:s22+$0xFFFFE7E0]  }
0x22f: {  	v3 =	vadd.f32 v6, v3;
	v5 =	vsub.f32 v5, v11;
	v6 =	vld [tilespmem:s22+$0xFFFFEFD0];
	v11 =	vmul.f32 v21, v22  }
0x230: {  	v18 =	vmul.f32 v18, v22;
	v8 =	vsub.f32 v8, v10;
	v10 =	vmul.f32 v21, v19;
	v19 =	vld [tilespmem:s7+$0xFFFFEFE0]  }
0x231: {  	v3 =	vadd.f32 v3, v4;
	v4 =	vmul.f32 v5, v5;
	v5 =	vsub.f32 v24, v11;
	v11 =	vld [tilespmem:s7+$0xFFFFE7F0];
	v16, _, _ =	vpop (xrf2)  }
0x232: {  	v22 =	vmov s8;
	s8 =	smov.u32 s11;
	v8 =	vmul.f32 v8, v8;
	v21 =	vld [tilespmem:s22+$0xFFFFE7F0];
	v16 =	vbroadcast v16, $0xF  }
0x233: {  	vm0 =	veq.s32 v22, v0;
	v3 =	vadd.f32 v4, v3;
	v4 =	vsub.f32 v5, v20;
	v5 =	vld [tilespmem:s22+$0xFFFFEFE0]  }
0x234: {  	v10 =	vadd.f32 v10, v18;
	v18 =	vmul.f32 v14, v7;
	v20 =	vld [tilespmem:s7+$0xFFFFEFF0];
	v2 =	vsel vm0, v16, v2  }
0x235: {  	v3 =	vadd.f32 v3, v8;
	v4 =	vmul.f32 v4, v4;
	v8 =	vmul.f32 v17, v23;
	v16 =	vld [tilespmem:s7+$0xFFFFE800]  }
0x236: {  	v7 =	vmul.f32 v17, v7;
	v6 =	vsub.f32 v10, v6;
	v10 =	vmul.f32 v14, v23;
	v14 =	vld [tilespmem:s22+$0xFFFFE800]  }
0x237: {  	v17 =	vmul.f32 v15, v11;
	v3 =	vadd.f32 v4, v3;
	v4 =	vsub.f32 v18, v8;
	v8 =	vld [tilespmem:s22+$0xFFFFEFF0]  }
0x238: {  	v6 =	vmul.f32 v6, v6;
	v7 =	vadd.f32 v7, v10;
	v10 =	vmul.f32 v13, v21;
	v18 =	vld [tilespmem:s7+$0xFFFFF000]  }
0x239: {  	v11 =	vmul.f32 v13, v11;
	v13 =	vmul.f32 v15, v21;
	s7 =	sadd.s32 $0x80, s7;
	v19 =	vsub.f32 v4, v19;
	v21 =	vld [tilespmem:s22+$0xFFFFF000]  }
0x23a: {  	v15 =	vadd.f32 v3, v6;
	v6 =	vsub.f32 v7, v5;
	s22 =	sadd.s32 $0x80, s22;
	v4 =	vld [tilespmem:s7+$0xFFFFF800];
	v7 =	vmul.f32 v12, v16  }
0x23b: {  	v10 =	vsub.f32 v17, v10;
	v11 =	vadd.f32 v11, v13;
	v3 =	vld [tilespmem:s22+$0xFFFFF800];
	v19 =	vmul.f32 v19, v19  }
0x23c: {  	v13 =	vmul.f32 v6, v6;
	v17 =	vmul.f32 v9, v14;
	v5 =	vld [tilespmem:s7+$0xFFFFF7F0]  }
0x23d: {  	v16 =	vmul.f32 v9, v16;
	v10 =	vsub.f32 v10, v20;
	v6 =	vld [tilespmem:s22+$0xFFFFF7F0];
	v15 =	vadd.f32 v19, v15  }
0x23e: {  	v14 =	vmul.f32 v12, v14;
	v8 =	vsub.f32 v11, v8;
	v7 =	vsub.f32 v7, v17;
	v9 =	vld [tilespmem:s7+$0xFFFFF7E0]  }
0x23f: {  	v10 =	vmul.f32 v10, v10;
	v11 =	vld [tilespmem:s22+$0xFFFFF7E0];
	v15 =	vadd.f32 v15, v13  }
0x240: {  	v14 =	vadd.f32 v16, v14;
	v8 =	vmul.f32 v8, v8;
	v7 =	vsub.f32 v7, v18;
	v12 =	vld [tilespmem:s7+$0xFFFFF7D0]  }
0x241: {  	v13 =	vld [tilespmem:s22+$0xFFFFF7D0];
	v10 =	vadd.f32 v10, v15  }
0x242: {  	v16 =	vsub.f32 v14, v21;
	v7 =	vmul.f32 v7, v7;
	v15 =	vld [tilespmem:s7+$0xFFFFF7C0]  }
0x243: {  	v17 =	vld [tilespmem:s22+$0xFFFFF7C0];
	v8 =	vadd.f32 v10, v8  }
0x244: {  	v10 =	vmul.f32 v16, v16;
	v14 =	vld [tilespmem:s7+$0xFFFFF7B0]  }
0x245: {  	v25 =	vld [tilespmem:s22+$0xFFFFF7B0];
	v7 =	vadd.f32 v7, v8  }
0x246: {  	v18 =	vld [tilespmem:s7+$0xFFFFF7A0]  }
0x247: {  	v20 =	vld [tilespmem:s22+$0xFFFFF7A0];
	v7 =	vadd.f32 v7, v10  }
.Ltmp1:
0x248: {  	v16 =	vld [tilespmem:s7+$0xFFFFF790];
	(pc) =	sbr.rel @p1 .LBB2_5-.Ltmp1, $4  }
0x249: {  	s10 =	sadd.s32 $0x80, s10;
	v22 =	vld [tilespmem:s22+$0xFFFFF790];
	(xrf2) =	vadd.scan.msk.f32 $0xffff, v7  }
0x24a: {  	s9 =	sadd.s32 $0x80, s9;
	v8 =	vld [tilespmem:s10+$0xFFFFFF90]  }
0x24b: {  	v10 =	vld [tilespmem:s9+$0xFFFFFF90]  }
0x24c: {  	s11 =	sadd.s32 $0x1, s11;
	v7 =	vld [tilespmem:s10+$0xFFFFFFA0]  }
0x24d: {  	v24 =	vld [tilespmem:s9+$0xFFFFFFA0]  }
0x24e: {  	v21 =	vld [tilespmem:s10+$0xFFFFFFB0]  }
0x24f: {  	v26 =	vld [tilespmem:s7+$0xFFFFFF90]  }
0x250: {  	v27 =	vld [tilespmem:s22+$0xFFFFFF90]  }
0x251: {  	v23 =	vld [tilespmem:s9+$0xFFFFFFB0]  }
0x252: {  	v30 =	vld [tilespmem:s7+$0xFFFFFFA0]  }
0x253: {  	v19 =	vld [tilespmem:s10+$0xFFFFFFC0]  }
0x254: {  	v33 =	vld [tilespmem:s22+$0xFFFFFFA0]  }
0x255: {  	v51 =	vld [tilespmem:s7+$0xFFFFFFB0];
	v28 =	vmul.f32 v8, v16  }
0x256: {  	v34 =	vld [tilespmem:s22+$0xFFFFFFB0];
	v49 =	vmul.f32 v8, v22;
	v29 =	vmul.f32 v10, v22  }
0x257: {  	v45 =	vld [tilespmem:s7+$0xFFFFE7A0];
	v16 =	vmul.f32 v10, v16;
	v31 =	vmul.f32 v7, v18  }
0x258: {  	v46 =	vld [tilespmem:s22+$0xFFFFE7A0];
	v32 =	vmul.f32 v24, v20;
	v28 =	vsub.f32 v28, v29;
	v18 =	vmul.f32 v24, v18  }
0x259: {  	v22 =	vld [tilespmem:s9+$0xFFFFFFC0];
	v16 =	vadd.f32 v16, v49;
	v20 =	vmul.f32 v7, v20;
	v52 =	vmul.f32 v21, v14  }
0x25a: {  	v55 =	vld [tilespmem:s7+$0xFFFFFFC0];
	v53 =	vmul.f32 v23, v25;
	v54 =	vmul.f32 v23, v14;
	v50 =	vsub.f32 v31, v32  }
0x25b: {  	v58 =	vld [tilespmem:s22+$0xFFFFFFC0];
	v25 =	vmul.f32 v21, v25;
	v26 =	vsub.f32 v28, v26;
	v27 =	vsub.f32 v16, v27  }
0x25c: {  	v60 =	vld [tilespmem:s7+$0xFFFFFFD0];
	v56 =	vmul.f32 v19, v15;
	v49 =	vmul.f32 v7, v45;
	v18 =	vadd.f32 v18, v20  }
0x25d: {  	v35 =	vld [tilespmem:s22+$0xFFFFFFD0];
	v26 =	vmul.f32 v26, v26;
	v27 =	vmul.f32 v27, v27;
	v29 =	vsub.f32 v50, v30  }
0x25e: {  	v37 =	vld [tilespmem:s7+$0xFFFFFFE0];
	v7 =	vmul.f32 v7, v46;
	v28 =	vsub.f32 v52, v53;
	v57 =	vmul.f32 v22, v17  }
0x25f: {  	v16 =	vld [tilespmem:s10+$0xFFFFFFD0];
	v18 =	vsub.f32 v18, v33;
	v26 =	vadd.f32 v27, v26;
	v27 =	vmul.f32 v29, v29  }
0x260: {  	v20 =	vld [tilespmem:s9+$0xFFFFFFD0];
	v25 =	vadd.f32 v54, v25;
	v59 =	vmul.f32 v22, v15;
	v17 =	vmul.f32 v19, v17  }
0x261: {  	v40 =	vld [tilespmem:s22+$0xFFFFFFE0];
	v28 =	vsub.f32 v28, v51;
	v26 =	vadd.f32 v27, v26;
	v27 =	vmul.f32 v18, v18  }
0x262: {  	v42 =	vld [tilespmem:s7+$0xFFFFFFF0];
	v25 =	vsub.f32 v25, v34;
	v50 =	vmul.f32 v24, v46;
	v24 =	vmul.f32 v24, v45  }
0x263: {  	v14 =	vld [tilespmem:s10+$0xFFFFFFE0];
	v29 =	vsub.f32 v56, v57;
	v26 =	vadd.f32 v26, v27;
	v27 =	vmul.f32 v28, v28  }
0x264: {  	v61 =	vadd.f32 v59, v17;
	v25 =	vmul.f32 v25, v25;
	v62 =	vmul.f32 v16, v12;
	v18 =	vld [tilespmem:s9+$0xFFFFFFE0]  }
0x265: {  	v15 =	vld [tilespmem:s10+$0xFFFFFFF0];
	v63 =	vmul.f32 v20, v13;
	v26 =	vadd.f32 v27, v26;
	v27 =	vsub.f32 v29, v55  }
0x266: {  	v17 =	vld [tilespmem:s9+$0xFFFFFFF0];
	v7 =	vadd.f32 v24, v7;
	v36 =	vmul.f32 v20, v12;
	v13 =	vmul.f32 v16, v13  }
0x267: {  	v47 =	vld [tilespmem:s7+$0xFFFFEF90];
	v25 =	vadd.f32 v26, v25;
	v26 =	vsub.f32 v61, v58;
	v27 =	vmul.f32 v27, v27  }
0x268: {  	v53 =	vld [tilespmem:s22+$0xFFFFEFA0];
	v39 =	vmul.f32 v14, v9;
	v38 =	vsub.f32 v62, v63;
	v29 =	vadd.f32 v36, v13  }
0x269: {  	v48 =	vld [tilespmem:s22+$0xFFFFEF90];
	v41 =	vmul.f32 v18, v11;
	v25 =	vadd.f32 v27, v25;
	v26 =	vmul.f32 v26, v26  }
0x26a: {  	v57 =	vld [tilespmem:s22+$0xFFFFE7C0];
	v9 =	vmul.f32 v18, v9;
	v11 =	vmul.f32 v14, v11;
	v27 =	vsub.f32 v38, v60  }
0x26b: {  	v43 =	vmul.f32 v15, v5;
	v44 =	vmul.f32 v17, v6;
	v25 =	vadd.f32 v25, v26;
	v26 =	vld [tilespmem:s7+$0xFFFFE790]  }
0x26c: {  	v29 =	vsub.f32 v29, v35;
	v9 =	vadd.f32 v9, v11;
	v11 =	vld [tilespmem:s22+$0xFFFFE790];
	v27 =	vmul.f32 v27, v27  }
0x26d: {  	v51 =	vld [tilespmem:s22+$0xFFFFE7B0];
	v7 =	vsub.f32 v7, v53;
	v5 =	vmul.f32 v17, v5;
	v6 =	vmul.f32 v15, v6  }
0x26e: {  	v32 =	vld [tilespmem:s22+$0xFFFFE7E0];
	v28 =	vsub.f32 v49, v50;
	v25 =	vadd.f32 v27, v25;
	v27 =	vmul.f32 v29, v29  }
0x26f: {  	v7 =	vmul.f32 v7, v7;
	v62 =	vmul.f32 v22, v57;
	v13 =	vld [tilespmem:s9+$0x0];
	v30 =	vsub.f32 v39, v41  }
0x270: {  	v55 =	vld [tilespmem:s7+$0xFFFFE7C0];
	v25 =	vadd.f32 v25, v27;
	v27 =	vmul.f32 v8, v26;
	v26 =	vmul.f32 v10, v26  }
0x271: {  	v12 =	vld [tilespmem:s10+$0x0];
	v31 =	vsub.f32 v43, v44;
	v10 =	vmul.f32 v10, v11;
	v8 =	vmul.f32 v8, v11  }
0x272: {  	v5 =	vadd.f32 v5, v6;
	v58 =	vmul.f32 v23, v51;
	v30 =	vsub.f32 v30, v37;
	v11 =	vld [tilespmem:s7+$0xFFFFEFA0]  }
0x273: {  	v35 =	vmul.f32 v18, v32;
	v10 =	vsub.f32 v27, v10;
	v27 =	vld [tilespmem:s7+$0xFFFFE7B0];
	v8 =	vadd.f32 v26, v8  }
0x274: {  	v9 =	vsub.f32 v9, v40;
	v52 =	vmul.f32 v13, v3;
	v30 =	vmul.f32 v30, v30  }
0x275: {  	v22 =	vmul.f32 v22, v55;
	v10 =	vsub.f32 v10, v47;
	v8 =	vsub.f32 v8, v48  }
0x276: {  	v54 =	vld [tilespmem:s7+$0xFFFFEFB0];
	v3 =	vmul.f32 v12, v3;
	v6 =	vadd.f32 v30, v25;
	v25 =	vmul.f32 v12, v4  }
0x277: {  	v59 =	vld [tilespmem:s7+$0xFFFFEFC0];
	v11 =	vsub.f32 v28, v11;
	v10 =	vmul.f32 v10, v10;
	v8 =	vmul.f32 v8, v8  }
0x278: {  	v24 =	vld [tilespmem:s22+$0xFFFFEFB0];
	v26 =	vsub.f32 v31, v42;
	v56 =	vmul.f32 v21, v27;
	v23 =	vmul.f32 v23, v27  }
0x279: {  	v63 =	vld [tilespmem:s22+$0xFFFFEFC0];
	v8 =	vadd.f32 v8, v10;
	v10 =	vmul.f32 v11, v11;
	v11 =	vmul.f32 v21, v51  }
0x27a: {  	v61 =	vld [tilespmem:s22+$0xFFFFE7D0];
	v9 =	vmul.f32 v9, v9;
	v25 =	vsub.f32 v25, v52;
	v28 =	vsub.f32 v56, v58  }
0x27b: {  	v60 =	vld [tilespmem:s7+$0xFFFFE7D0];
	v4 =	vmul.f32 v13, v4;
	v8 =	vadd.f32 v10, v8;
	v10 =	vadd.f32 v23, v11  }
0x27c: {  	v6 =	vadd.f32 v6, v9;
	v27 =	vld [tilespmem:s22+$0xFFFFFFF0];
	v11 =	vmul.f32 v19, v55;
	v28 =	vsub.f32 v28, v54  }
0x27d: {  	v3 =	vadd.f32 v4, v3;
	v19 =	vmul.f32 v19, v57;
	v10 =	vsub.f32 v10, v24  }
0x27e: {  	v7 =	vadd.f32 v8, v7;
	v11 =	vsub.f32 v11, v62;
	v8 =	vmul.f32 v28, v28  }
0x27f: {  	v9 =	vld [tilespmem:s7+$0xFFFFEFD0];
	v19 =	vadd.f32 v22, v19;
	v24 =	vmul.f32 v20, v61;
	v10 =	vmul.f32 v10, v10  }
0x280: {  	v30 =	vld [tilespmem:s7+$0xFFFFE7E0];
	v7 =	vadd.f32 v8, v7;
	v8 =	vsub.f32 v11, v59;
	v11 =	vmul.f32 v16, v60  }
0x281: {  	v4 =	vld [tilespmem:s7+$0xFFFFE7F0];
	v34 =	vmul.f32 v26, v26;
	v5 =	vsub.f32 v5, v27;
	v19 =	vsub.f32 v19, v63  }
0x282: {  	v27 =	vld [tilespmem:s22+$0xFFFFEFD0];
	v7 =	vadd.f32 v7, v10;
	v8 =	vmul.f32 v8, v8;
	v11 =	vsub.f32 v11, v24  }
0x283: {  	v6 =	vadd.f32 v34, v6;
	v16 =	vmul.f32 v16, v61;
	v10 =	vmul.f32 v20, v60;
	v20 =	vld [tilespmem:s7+$0xFFFFEFE0]  }
0x284: {  	v7 =	vadd.f32 v8, v7;
	v8 =	vmul.f32 v19, v19;
	v19 =	vld [tilespmem:s22+$0xFFFFE7F0];
	v9 =	vsub.f32 v11, v9  }
0x285: {  	v18 =	vmul.f32 v18, v30;
	v10 =	vadd.f32 v10, v16;
	v11 =	vld [tilespmem:s22+$0xFFFFEFE0];
	v16 =	vmul.f32 v14, v30  }
0x286: {  	v36 =	vld [tilespmem:s22+$0xFFFFE800];
	v14 =	vmul.f32 v14, v32;
	v7 =	vadd.f32 v7, v8;
	v8 =	vmul.f32 v9, v9  }
0x287: {  	v9 =	vld [tilespmem:s7+$0xFFFFE800];
	v10 =	vsub.f32 v10, v27;
	v16 =	vsub.f32 v16, v35  }
0x288: {  	v37 =	vld [tilespmem:s7+$0xFFFFEFF0];
	v14 =	vadd.f32 v18, v14;
	v7 =	vadd.f32 v8, v7;
	v8 =	vmul.f32 v15, v4  }
0x289: {  	v38 =	vld [tilespmem:s22+$0xFFFFEFF0];
	v10 =	vmul.f32 v10, v10;
	v16 =	vsub.f32 v16, v20;
	v18 =	vmul.f32 v17, v19  }
0x28a: {  	v4 =	vmul.f32 v17, v4;
	v15 =	vmul.f32 v15, v19;
	v11 =	vsub.f32 v14, v11  }
0x28b: {  	v20 =	vld [tilespmem:s7+$0x0];
	v7 =	vadd.f32 v7, v10;
	v14 =	vmul.f32 v16, v16;
	v8 =	vsub.f32 v8, v18  }
0x28c: {  	v10 =	vld [tilespmem:s7+$0xFFFFF000];
	v16 =	vmul.f32 v12, v9;
	v4 =	vadd.f32 v4, v15;
	v15 =	vmul.f32 v13, v36  }
0x28d: {  	v17 =	vld [tilespmem:s22+$0x0];
	v11 =	vmul.f32 v11, v11;
	v7 =	vadd.f32 v14, v7;
	v8 =	vsub.f32 v8, v37  }
0x28e: {  	v9 =	vmul.f32 v13, v9;
	v12 =	vmul.f32 v12, v36;
	v14 =	vld [tilespmem:s22+$0xFFFFF000];
	v4 =	vsub.f32 v4, v38  }
0x28f: {  	v13 =	vsub.f32 v16, v15;
	v7 =	vadd.f32 v7, v11;
	v8 =	vmul.f32 v8, v8  }
0x290: {  	v5 =	vmul.f32 v5, v5;
	v9 =	vadd.f32 v9, v12;
	v11 =	vsub.f32 v25, v20  }
0x291: {  	v10 =	vsub.f32 v13, v10;
	v4 =	vmul.f32 v4, v4;
	v7 =	vadd.f32 v8, v7  }
0x292: {  	v5 =	vadd.f32 v6, v5;
	v3 =	vsub.f32 v3, v17;
	v6 =	vmul.f32 v11, v11  }
0x293: {  	v8 =	vsub.f32 v9, v14;
	v9 =	vmul.f32 v10, v10;
	v4 =	vadd.f32 v7, v4  }
0x294: {  	v3 =	vmul.f32 v3, v3;
	v5 =	vadd.f32 v6, v5  }
0x295: {  	v6 =	vmul.f32 v8, v8;
	v4 =	vadd.f32 v9, v4  }
0x296: {  	v3 =	vadd.f32 v5, v3  }
0x297: {  	v4 =	vadd.f32 v4, v6  }
0x298: {  	(xrf2) =	vadd.scan.msk.f32 $0xffff, v3  }
0x299: {  	(xrf2) =	vadd.scan.msk.f32 $0xffff, v4;
	_ =	sdelay $0x6  }
0x29a: {  	v3, _, _ =	vpop (xrf2)  }
0x29b: {  	v3 =	vbroadcast v3, $0xF  }
0x29c: {  	v4, _, _ =	vpop (xrf2)  }
0x29d: {  	v6 =	vmov s8;
	v1 =	vsel vm0, v3, v1;
	v3 =	vbroadcast v4, $0xF;
	v5, _, _ =	vpop (xrf2)  }
0x29e: {  	vm0 =	veq.s32 v6, v0;
	v5 =	vbroadcast v5, $0xF  }
0x29f: {  	v2 =	vsel vm0, v3, v2  }
0x2a0: {  	v2 =	vmax.f32 v2, $1.000000000e-30;
	v1 =	vsel vm0, v5, v1  }
0x2a1: {  	v6 =	vmul.f32 $5.000000000e-01, v2;
	v1 =	vmax.f32 v1, $1.000000000e-30  }
0x2a2: {  	v5 =	vshra.s32 v2, $0x1;
	v3 =	vshra.s32 v1, $0x1;
	v4 =	vmul.f32 $5.000000000e-01, v1  }
0x2a3: {  	v5 =	vsub.s32 $0x5F3759DF, v5;
	v3 =	vsub.s32 $0x5F3759DF, v3  }
0x2a4: {  	v8 =	vmul.f32 v5, v6;
	v7 =	vmul.f32 v3, v4;
	_ =	sdelay $0x1  }
0x2a5: {  	v8 =	vmul.f32 v5, v8;
	v7 =	vmul.f32 v3, v7;
	_ =	sdelay $0x1  }
0x2a6: {  	v8 =	vsub.f32 $1.500000000e+00, v8;
	v7 =	vsub.f32 $1.500000000e+00, v7;
	_ =	sdelay $0x1  }
0x2a7: {  	v5 =	vmul.f32 v5, v8;
	v3 =	vmul.f32 v3, v7;
	_ =	sdelay $0x1  }
0x2a8: {  	v8 =	vmul.f32 v5, v6;
	v7 =	vmul.f32 v3, v4;
	_ =	sdelay $0x1  }
0x2a9: {  	v8 =	vmul.f32 v8, v5;
	v7 =	vmul.f32 v7, v3;
	_ =	sdelay $0x1  }
0x2aa: {  	v8 =	vsub.f32 $1.500000000e+00, v8;
	v7 =	vsub.f32 $1.500000000e+00, v7;
	_ =	sdelay $0x1  }
0x2ab: {  	v5 =	vmul.f32 v8, v5;
	v3 =	vmul.f32 v7, v3;
	_ =	sdelay $0x1  }
0x2ac: {  	v6 =	vmul.f32 v5, v6;
	v4 =	vmul.f32 v3, v4;
	_ =	sdelay $0x1  }
0x2ad: {  	v6 =	vmul.f32 v6, v5;
	v4 =	vmul.f32 v4, v3;
	_ =	sdelay $0x1  }
0x2ae: {  	v6 =	vsub.f32 $1.500000000e+00, v6;
	v4 =	vsub.f32 $1.500000000e+00, v4;
	_ =	sdelay $0x1  }
0x2af: {  	v3 =	vmul.f32 v4, v3;
	v4 =	vmul.f32 v6, v5;
	_ =	sdelay $0x1  }
0x2b0: {  	v1 =	vmul.f32 v3, v1;
	v2 =	vmul.f32 v4, v2;
	_ =	sdelay $0x1  }
0x2b1: {  	v3 =	vsub.f32 v1, v2;
	_ =	sdelay $0x1  }
0x2b2: {  	v3 =	vadd.f32 $1.000000000e+00, v3  }
0x2b3: {  	[tilespmem:s18+$0x14C10] =	vst v1  }
0x2b4: {  	[tilespmem:s18+$0x14E10] =	vst v2;
	v1 =	vmax.f32 v3, $0.0e+00  }
0x2b5: {  	s9 =	simm.s32 @!p0 $0x2A00;
	s7 =	sadd.s32 @!p0 $0x140, s5;
	s8 =	simm.s32 @!p0 $0x20;
	[tilespmem:s18+$0x14A10] =	vst v1  }
0x2b6: {  	[tilespmem:s9], [sflag:$0x2] =	stream.indirect.gather @!p0 [hbm4b:s0+s8], $0x80, s7, s8, $0xb8;
	[tilespmem:$0x15000] =	vst v63  }
0x2b7: {  	s9 =	simm.s32 @!p0 $0xAA00  }
0x2b8: {  	[tilespmem:s9], [sflag:$0x2] =	stream.indirect.gather @!p0 [hbm4b:s2+s8], $0x80, s7, s8, $0xb8;
	[tilespmem:$0x15000] =	vst v63  }
0x2b9: {  	s10 =	simm.s32 @!p0 $0x3A00;
	s9 =	sadd.s32 @!p0 $0x160, s5  }
0x2ba: {  	[tilespmem:s10], [sflag:$0x2] =	stream.indirect.gather @!p0 [hbm4b:s0+s8], $0x80, s9, s8, $0xb8;
	[tilespmem:$0x15000] =	vst v63  }
0x2bb: {  	s7 =	sshrl.u32 @!p0 s7, $0x2;
	s10 =	simm.s32 @!p0 $0xBA00  }
0x2bc: {  	[tilespmem:s10], [sflag:$0x2] =	stream.indirect.gather @!p0 [hbm4b:s2+s8], $0x80, s9, s8, $0xb8;
	[tilespmem:$0x15000] =	vst v63  }
0x2bd: {  	s7 =	sadd.s32 @!p0 $0x800, s7;
	s8 =	simm.s32 @!p0 $0x10;
	s9 =	simm.s32 @!p0 $0x11200  }
0x2be: {  	[tilespmem:s9], [sflag:$0x2] =	stream.indirect.gather @!p0 [hbm4b:s3+s8], $0x80, s7, s8, $0xb8;
	[tilespmem:$0x15000] =	vst v63  }
0x2bf: {  	s9 =	simm.s32 @!p0 $0x13200  }
0x2c0: {  	[tilespmem:s9], [sflag:$0x2] =	stream.indirect.gather @!p0 [hbm4b:s4+s8], $0x80, s7, s8, $0xb8;
	[tilespmem:$0x15000] =	vst v63  }
0x2c1: {  	_ =	swait.ge [sflag:s24], $0x1000  }
0x2c2: {  	[sflag:s24] =	ssyncset.done $0x0  }
0x2c3: {  	[sflag:s24] =	ssyncadd.s32 $0xFFFFF000  }
0x2c4: {  	_ =	swait.ge [sflag:s24], $0x1000  }
0x2c5: {  	[sflag:s24] =	ssyncset.done $0x0  }
0x2c6: {  	[sflag:s24] =	ssyncadd.s32 $0xFFFFF000  }
0x2c7: {  	_ =	swait.ge [sflag:s24], $0x1000  }
0x2c8: {  	[sflag:s24] =	ssyncset.done $0x0  }
0x2c9: {  	[sflag:s24] =	ssyncadd.s32 $0xFFFFF000  }
0x2ca: {  	_ =	swait.ge [sflag:s24], $0x1000  }
0x2cb: {  	[sflag:s24] =	ssyncset.done $0x0  }
0x2cc: {  	[sflag:s24] =	ssyncadd.s32 $0xFFFFF000  }
0x2cd: {  	_ =	swait.ge [sflag:s24], $0x800  }
0x2ce: {  	[sflag:s24] =	ssyncset.done $0x0  }
0x2cf: {  	[sflag:s24] =	ssyncadd.s32 $0xFFFFF800  }
0x2d0: {  	_ =	swait.ge [sflag:s24], $0x800  }
0x2d1: {  	[sflag:s24] =	ssyncset.done $0x0  }
0x2d2: {  	s11 =	simm.s32 $0x0;
	[sflag:s24] =	ssyncadd.s32 $0xFFFFF800  }
0x2d3: {  	v15 =	vld [tilespmem:s11+$0x5A70]  }
0x2d4: {  	v16 =	vld [tilespmem:s11+$0xDA70]  }
0x2d5: {  	v17 =	vld [tilespmem:s11+$0x5A60]  }
0x2d6: {  	v18 =	vld [tilespmem:s11+$0xDA60]  }
0x2d7: {  	v20 =	vld [tilespmem:s11+$0xDA50]  }
0x2d8: {  	v7 =	vld [tilespmem:s11+$0x5A40]  }
0x2d9: {  	v39 =	vld [tilespmem:s11+$0xDA40]  }
0x2da: {  	v1 =	vld [tilespmem:s11+$0x5A30]  }
0x2db: {  	v6 =	vld [tilespmem:s11+$0xDA30]  }
0x2dc: {  	v4 =	vld [tilespmem:s11+$0x5A20]  }
0x2dd: {  	v5 =	vld [tilespmem:s11+$0xDA20]  }
0x2de: {  	v2 =	vld [tilespmem:s11+$0x5A10]  }
0x2df: {  	v8 =	vld [tilespmem:s11+$0xDA10]  }
0x2e0: {  	v3 =	vld [tilespmem:s11+$0x5A00]  }
0x2e1: {  	v10 =	vld [tilespmem:s11+$0xDA00]  }
0x2e2: {  	v22 =	vld [tilespmem:s11+$0x11A00]  }
0x2e3: {  	v23 =	vld [tilespmem:s11+$0x13A00]  }
0x2e4: {  	v13 =	vld [tilespmem:s11+$0x11A10]  }
0x2e5: {  	v14 =	vld [tilespmem:s11+$0x13A10]  }
0x2e6: {  	v11 =	vld [tilespmem:s11+$0x11A20]  }
0x2e7: {  	v24 =	vld [tilespmem:s11+$0x6200]  }
0x2e8: {  	v25 =	vld [tilespmem:s11+$0xE200]  }
0x2e9: {  	v12 =	vld [tilespmem:s11+$0x13A20]  }
0x2ea: {  	v26 =	vld [tilespmem:s11+$0x6210]  }
0x2eb: {  	v9 =	vld [tilespmem:s11+$0x11A30];
	v27 =	vmul.f32 v22, v3;
	v40 =	vmul.f32 v23, v10  }
0x2ec: {  	v41 =	vld [tilespmem:s11+$0xE210];
	v3 =	vmul.f32 v23, v3;
	v42 =	vmul.f32 v22, v10  }
0x2ed: {  	v45 =	vld [tilespmem:s11+$0x6220];
	v43 =	vmul.f32 v13, v2;
	v44 =	vmul.f32 v14, v8  }
0x2ee: {  	v10 =	vld [tilespmem:s11+$0x13A30];
	v2 =	vmul.f32 v14, v2;
	v48 =	vmul.f32 v13, v8  }
0x2ef: {  	v8 =	vld [tilespmem:s11+$0x13A40];
	v50 =	vmul.f32 v11, v4;
	v51 =	vmul.f32 v12, v5  }
0x2f0: {  	v49 =	vld [tilespmem:s11+$0xE220];
	v53 =	vmul.f32 v12, v4;
	v27 =	vsub.f32 v27, v40;
	v46 =	vadd.f32 v3, v42  }
0x2f1: {  	v5 =	vmul.f32 v11, v5;
	v55 =	vmul.f32 v9, v1;
	v3 =	vld [tilespmem:s11+$0x11A40];
	v47 =	vsub.f32 v43, v44  }
0x2f2: {  	v60 =	vld [tilespmem:s11+$0xE240];
	v59 =	vmul.f32 v9, v6;
	v24 =	vsub.f32 v27, v24;
	v25 =	vsub.f32 v46, v25  }
0x2f3: {  	v4 =	vld [tilespmem:s11+$0x13A50];
	v27 =	vadd.f32 v2, v48;
	v56 =	vmul.f32 v10, v6;
	v1 =	vmul.f32 v10, v1  }
0x2f4: {  	v26 =	vsub.f32 v47, v26;
	v2 =	vld [tilespmem:s11+$0x11A50];
	v62 =	vmul.f32 v8, v39;
	v37 =	vmul.f32 v8, v7  }
0x2f5: {  	v28 =	vsub.f32 v50, v51;
	v6 =	vld [tilespmem:s11+$0x13A60];
	v24 =	vmul.f32 v24, v24;
	v25 =	vmul.f32 v25, v25  }
0x2f6: {  	v52 =	vld [tilespmem:s11+$0x6230];
	v26 =	vmul.f32 v26, v26;
	v58 =	vsub.f32 v55, v56;
	v21 =	vmul.f32 v3, v39  }
0x2f7: {  	v61 =	vmul.f32 v3, v7;
	v7 =	vld [tilespmem:s11+$0x13A70];
	v24 =	vadd.f32 v25, v24;
	v25 =	vsub.f32 v27, v41  }
0x2f8: {  	v39 =	vmul.f32 v4, v20;
	v27 =	vadd.f32 v53, v5;
	v5 =	vld [tilespmem:s11+$0x11A60];
	v21 =	vadd.f32 v37, v21  }
0x2f9: {  	v41 =	vld [tilespmem:s11+$0x4A00];
	v24 =	vadd.f32 v26, v24;
	v25 =	vmul.f32 v25, v25;
	v26 =	vsub.f32 v28, v45  }
0x2fa: {  	v54 =	vld [tilespmem:s11+$0xE230];
	v20 =	vmul.f32 v2, v20;
	v43 =	vmul.f32 v6, v18;
	v21 =	vsub.f32 v21, v60  }
0x2fb: {  	v19 =	vld [tilespmem:s11+$0x5A50];
	v24 =	vadd.f32 v24, v25;
	v25 =	vsub.f32 v27, v49;
	v26 =	vmul.f32 v26, v26  }
0x2fc: {  	v57 =	vld [tilespmem:s11+$0x6240];
	v27 =	vadd.f32 v1, v59;
	v46 =	vmul.f32 v7, v16;
	v21 =	vmul.f32 v21, v21  }
0x2fd: {  	v63 =	vld [tilespmem:s11+$0x6250];
	v24 =	vadd.f32 v26, v24;
	v25 =	vmul.f32 v25, v25;
	v26 =	vsub.f32 v58, v52  }
0x2fe: {  	v38 =	vld [tilespmem:s11+$0xE250];
	v36 =	vsub.f32 v61, v62;
	v18 =	vmul.f32 v5, v18;
	v49 =	vmul.f32 v22, v41  }
0x2ff: {  	v1 =	vld [tilespmem:s11+$0x11A70];
	v24 =	vadd.f32 v24, v25;
	v25 =	vsub.f32 v27, v54;
	v26 =	vmul.f32 v26, v26  }
0x300: {  	v40 =	vld [tilespmem:s11+$0x6260];
	v27 =	vmul.f32 v2, v19;
	v19 =	vmul.f32 v4, v19  }
0x301: {  	v42 =	vld [tilespmem:s11+$0xE260];
	v24 =	vadd.f32 v26, v24;
	v25 =	vmul.f32 v25, v25;
	v26 =	vsub.f32 v36, v57  }
0x302: {  	v44 =	vld [tilespmem:s11+$0x6270];
	v27 =	vsub.f32 v27, v39;
	v19 =	vadd.f32 v19, v20;
	v20 =	vmul.f32 v5, v17  }
0x303: {  	v51 =	vld [tilespmem:s11+$0x4A20];
	v17 =	vmul.f32 v6, v17;
	v24 =	vadd.f32 v24, v25;
	v25 =	vmul.f32 v26, v26  }
0x304: {  	v16 =	vmul.f32 v1, v16;
	v26 =	vld [tilespmem:s11+$0xCA00];
	v20 =	vsub.f32 v20, v43;
	v19 =	vsub.f32 v19, v38  }
0x305: {  	v45 =	vld [tilespmem:s11+$0xE270];
	v17 =	vadd.f32 v17, v18;
	v18 =	vmul.f32 v1, v15;
	v24 =	vadd.f32 v25, v24  }
0x306: {  	v47 =	vld [tilespmem:s11+$0x5200];
	v15 =	vmul.f32 v7, v15;
	v25 =	vsub.f32 v27, v63;
	v20 =	vsub.f32 v20, v40  }
0x307: {  	v27 =	vld [tilespmem:s11+$0x4A10];
	v19 =	vmul.f32 v19, v19;
	v18 =	vsub.f32 v18, v46;
	v17 =	vsub.f32 v17, v42  }
0x308: {  	v15 =	vadd.f32 v15, v16;
	v21 =	vadd.f32 v24, v21;
	v24 =	vmul.f32 v25, v25;
	v25 =	vld [tilespmem:s11+$0xCA10]  }
0x309: {  	v48 =	vld [tilespmem:s11+$0x5210];
	v20 =	vmul.f32 v20, v20;
	v18 =	vsub.f32 v18, v44;
	v50 =	vmul.f32 v23, v26  }
0x30a: {  	v15 =	vsub.f32 v15, v45;
	v23 =	vmul.f32 v23, v41;
	v22 =	vmul.f32 v22, v26;
	v26 =	vld [tilespmem:s11+$0xCA20]  }
0x30b: {  	v17 =	vmul.f32 v17, v17;
	v21 =	vadd.f32 v24, v21;
	v24 =	vld [tilespmem:s11+$0xD200];
	v18 =	vmul.f32 v18, v18  }
0x30c: {  	v59 =	vld [tilespmem:s11+$0xCA40];
	v15 =	vmul.f32 v15, v15;
	v16 =	vsub.f32 v49, v50;
	v22 =	vadd.f32 v23, v22  }
0x30d: {  	v52 =	vld [tilespmem:s11+$0xD210];
	v53 =	vmul.f32 v13, v27;
	v19 =	vadd.f32 v21, v19;
	v54 =	vmul.f32 v14, v25  }
0x30e: {  	v57 =	vld [tilespmem:s11+$0x4A40];
	v16 =	vsub.f32 v16, v47;
	v14 =	vmul.f32 v14, v27;
	v13 =	vmul.f32 v13, v25  }
0x30f: {  	v55 =	vld [tilespmem:s11+$0x5220];
	v27 =	vmul.f32 v11, v51;
	v19 =	vadd.f32 v20, v19;
	v11 =	vmul.f32 v11, v26  }
0x310: {  	v20 =	vld [tilespmem:s11+$0x4A30];
	v22 =	vsub.f32 v22, v24;
	v23 =	vsub.f32 v53, v54;
	v16 =	vmul.f32 v16, v16  }
0x311: {  	v24 =	vld [tilespmem:s11+$0xCA30];
	v13 =	vadd.f32 v14, v13;
	v14 =	vmul.f32 v12, v26;
	v12 =	vmul.f32 v12, v51  }
0x312: {  	v25 =	vld [tilespmem:s11+$0xD220];
	v17 =	vadd.f32 v19, v17;
	v22 =	vmul.f32 v22, v22;
	v23 =	vsub.f32 v23, v48  }
0x313: {  	v19 =	vmul.f32 v3, v57;
	v3 =	vmul.f32 v3, v59;
	v13 =	vsub.f32 v13, v52  }
0x314: {  	v56 =	vld [tilespmem:s11+$0x5230];
	v14 =	vsub.f32 v27, v14;
	v16 =	vadd.f32 v22, v16;
	v58 =	vmul.f32 v23, v23  }
0x315: {  	v61 =	vld [tilespmem:s11+$0x5240];
	v11 =	vadd.f32 v12, v11;
	v12 =	vmul.f32 v9, v20;
	v13 =	vmul.f32 v13, v13  }
0x316: {  	v60 =	vld [tilespmem:s11+$0xD230];
	v14 =	vsub.f32 v14, v55;
	v26 =	vmul.f32 v10, v24;
	v16 =	vadd.f32 v58, v16  }
0x317: {  	v27 =	vld [tilespmem:s11+$0x4A50];
	v11 =	vsub.f32 v11, v25;
	v10 =	vmul.f32 v10, v20;
	v9 =	vmul.f32 v9, v24  }
0x318: {  	v20 =	vld [tilespmem:s11+$0xCA50];
	v14 =	vmul.f32 v14, v14;
	v12 =	vsub.f32 v12, v26;
	v13 =	vadd.f32 v16, v13  }
0x319: {  	v62 =	vld [tilespmem:s11+$0x5260];
	v17 =	vadd.f32 v18, v17;
	v24 =	vmul.f32 v8, v59;
	v9 =	vadd.f32 v10, v9  }
0x31a: {  	v63 =	vld [tilespmem:s11+$0xD260];
	v11 =	vmul.f32 v11, v11;
	v12 =	vsub.f32 v12, v56;
	v13 =	vadd.f32 v14, v13  }
0x31b: {  	v8 =	vmul.f32 v8, v57;
	v15 =	vadd.f32 v17, v15;
	v19 =	vsub.f32 v19, v24;
	v16 =	vld [tilespmem:s11+$0xD240]  }
0x31c: {  	v25 =	vld [tilespmem:s11+$0xCA60];
	v9 =	vsub.f32 v9, v60;
	v12 =	vmul.f32 v12, v12;
	v11 =	vadd.f32 v13, v11  }
0x31d: {  	v10 =	vld [tilespmem:s11+$0x5250];
	v17 =	vmul.f32 v2, v27;
	v18 =	vsub.f32 v19, v61;
	v19 =	vmul.f32 v4, v20  }
0x31e: {  	v3 =	vadd.f32 v8, v3;
	v14 =	vld [tilespmem:s11+$0x4A60];
	v9 =	vmul.f32 v9, v9;
	v11 =	vadd.f32 v12, v11  }
0x31f: {  	v8 =	vld [tilespmem:s11+$0xCA70];
	v17 =	vsub.f32 v17, v19  }
0x320: {  	v13 =	vld [tilespmem:s11+$0xD250];
	v3 =	vsub.f32 v3, v16;
	v9 =	vadd.f32 v11, v9;
	v11 =	vmul.f32 v18, v18  }
0x321: {  	s22 =	simm.s32 $0x80;
	v2 =	vmul.f32 v2, v20;
	v12 =	vld [tilespmem:s11+$0x4A70];
	v18 =	vmul.f32 v4, v27  }
0x322: {  	v24 =	vld [tilespmem:s22+$0xDA00];
	v10 =	vsub.f32 v17, v10;
	v20 =	vmul.f32 v3, v3;
	v9 =	vadd.f32 v11, v9  }
0x323: {  	v19 =	vld [tilespmem:s11+$0xD270];
	v11 =	vmul.f32 v5, v14;
	v2 =	vadd.f32 v18, v2;
	v18 =	vmul.f32 v6, v25  }
0x324: {  	v16 =	vld [tilespmem:s11+$0x5270];
	v17 =	vmul.f32 v5, v25;
	v14 =	vmul.f32 v6, v14;
	v20 =	vadd.f32 v9, v20  }
0x325: {  	v3 =	vld [tilespmem:s22+$0xDA70];
	v10 =	vmul.f32 v10, v10;
	v2 =	vsub.f32 v2, v13;
	v11 =	vsub.f32 v11, v18  }
0x326: {  	(xrf2) =	vadd.scan.msk.f32 $0xffff, v15;
	v15 =	vmul.f32 v7, v8;
	v4 =	vld [tilespmem:s22+$0x5A70];
	v13 =	vmul.f32 v1, v12;
	v14 =	vadd.f32 v14, v17  }
0x327: {  	v5 =	vld [tilespmem:s22+$0x5A60];
	v2 =	vmul.f32 v2, v2;
	v17 =	vadd.f32 v10, v20;
	v18 =	vsub.f32 v11, v62  }
0x328: {  	v6 =	vld [tilespmem:s22+$0xDA60];
	v7 =	vmul.f32 v7, v12;
	v1 =	vmul.f32 v1, v8;
	v20 =	vsub.f32 v14, v63  }
0x329: {  	v25 =	vld [tilespmem:s22+$0xDA20];
	v13 =	vsub.f32 v13, v15;
	v2 =	vadd.f32 v17, v2;
	v8 =	vmul.f32 v18, v18  }
0x32a: {  	v9 =	vld [tilespmem:s22+$0x5A50];
	v1 =	vadd.f32 v7, v1  }
0x32b: {  	v12 =	vld [tilespmem:s22+$0xDA40];
	v15 =	vsub.f32 v13, v16;
	v17 =	vmul.f32 v20, v20;
	v2 =	vadd.f32 v8, v2  }
0x32c: {  	v10 =	vld [tilespmem:s22+$0xDA50]  }
0x32d: {  	v11 =	vld [tilespmem:s22+$0x5A40];
	v1 =	vsub.f32 v1, v19;
	v7 =	vmul.f32 v15, v15;
	v2 =	vadd.f32 v2, v17  }
0x32e: {  	v14 =	vld [tilespmem:s22+$0x5A30]  }
0x32f: {  	v16 =	vld [tilespmem:s22+$0xDA30];
	v1 =	vmul.f32 v1, v1;
	v2 =	vadd.f32 v7, v2  }
0x330: {  	v13 =	vld [tilespmem:s22+$0x5A20]  }
0x331: {  	s7 =	simm.s32 $0x0;
	v19 =	vld [tilespmem:s22+$0xDA10];
	v20 =	vadd.f32 v2, v1  }
0x332: {  	v15 =	vld [tilespmem:s22+$0x5A00];
	v8 =	vmov s7;
	v7, _, _ =	vpop (xrf2)  }
0x333: {  	vm0 =	veq.s32 v8, v0;
	v8 =	vld [tilespmem:s22+$0x13A00];
	v18 =	vbroadcast v7, $0xF;
	(xrf2) =	vadd.scan.msk.f32 $0xffff, v20  }
0x334: {  	v17 =	vld [tilespmem:s22+$0x5A10];
	v2 =	vimm.f32 $0.0e+00  }
0x335: {  	s8 =	simm.s32 $0x400;
	v7 =	vld [tilespmem:s22+$0x11A00];
	v1 =	vsel vm0, v18, v2  }
.LBB2_7:
0x336: {  	p1 =	sne.s32 s8, $0x1E00;
	v21 =	vld [tilespmem:s22+$0x11A10]  }
0x337: {  	v23 =	vld [tilespmem:s22+$0x13A10]  }
0x338: {  	v18 =	vld [tilespmem:s22+$0x11A20]  }
0x339: {  	v20 =	vld [tilespmem:s22+$0x6200]  }
0x33a: {  	v27 =	vmul.f32 v7, v15;
	v26 =	vld [tilespmem:s22+$0xE200];
	v32 =	vmul.f32 v8, v24  }
0x33b: {  	v15 =	vmul.f32 v8, v15;
	v24 =	vmul.f32 v7, v24;
	v22 =	vld [tilespmem:s22+$0x13A20]  }
0x33c: {  	v30 =	vmul.f32 v21, v17;
	v29 =	vld [tilespmem:s22+$0x6210];
	v31 =	vmul.f32 v23, v19  }
0x33d: {  	v27 =	vsub.f32 v27, v32;
	v24 =	vadd.f32 v15, v24;
	v15 =	vld [tilespmem:s22+$0x11A30];
	v28, _, _ =	vpop (xrf2)  }
0x33e: {  	v17 =	vmul.f32 v23, v17;
	v32 =	vld [tilespmem:s22+$0xE210];
	v30 =	vsub.f32 v30, v31;
	v31 =	vmul.f32 v21, v19  }
0x33f: {  	v20 =	vsub.f32 v27, v20;
	v26 =	vsub.f32 v24, v26;
	v19 =	vld [tilespmem:s22+$0x13A30];
	v24 =	vbroadcast v28, $0xF  }
0x340: {  	v27 =	vadd.f32 v17, v31;
	v28 =	vld [tilespmem:s22+$0x6220];
	v31 =	vmul.f32 v18, v13;
	v33 =	vmul.f32 v22, v25  }
0x341: {  	v20 =	vmul.f32 v20, v20;
	v26 =	vmul.f32 v26, v26;
	v29 =	vsub.f32 v30, v29;
	v17 =	vld [tilespmem:s22+$0x11A40]  }
0x342: {  	v13 =	vmul.f32 v22, v13;
	v25 =	vmul.f32 v18, v25;
	v30 =	vld [tilespmem:s22+$0xE220];
	v31 =	vsub.f32 v31, v33  }
0x343: {  	v26 =	vadd.f32 v26, v20;
	v27 =	vsub.f32 v27, v32;
	v29 =	vmul.f32 v29, v29;
	v20 =	vld [tilespmem:s22+$0x13A40]  }
0x344: {  	v25 =	vadd.f32 v13, v25;
	v33 =	vmul.f32 v15, v14;
	v32 =	vld [tilespmem:s22+$0x6230];
	v34 =	vmul.f32 v19, v16  }
0x345: {  	v26 =	vadd.f32 v29, v26;
	v27 =	vmul.f32 v27, v27;
	v28 =	vsub.f32 v31, v28;
	v13 =	vld [tilespmem:s22+$0x11A50]  }
0x346: {  	v14 =	vmul.f32 v19, v14;
	v29 =	vld [tilespmem:s22+$0xE230];
	v31 =	vsub.f32 v33, v34;
	v33 =	vmul.f32 v15, v16  }
0x347: {  	v26 =	vadd.f32 v26, v27;
	v25 =	vsub.f32 v25, v30;
	v27 =	vmul.f32 v28, v28;
	v16 =	vld [tilespmem:s22+$0x13A50]  }
0x348: {  	v28 =	vadd.f32 v14, v33;
	v30 =	vld [tilespmem:s22+$0x6240];
	v33 =	vmul.f32 v17, v11;
	v34 =	vmul.f32 v20, v12  }
0x349: {  	v26 =	vadd.f32 v27, v26;
	v25 =	vmul.f32 v25, v25;
	v27 =	vsub.f32 v31, v32;
	v14 =	vld [tilespmem:s22+$0x11A60]  }
0x34a: {  	v11 =	vmul.f32 v20, v11;
	v31 =	vld [tilespmem:s22+$0xE240];
	v32 =	vsub.f32 v33, v34;
	v33 =	vmul.f32 v17, v12  }
0x34b: {  	v25 =	vadd.f32 v26, v25;
	v26 =	vsub.f32 v28, v29;
	v27 =	vmul.f32 v27, v27;
	v12 =	vld [tilespmem:s22+$0x13A60]  }
0x34c: {  	v28 =	vadd.f32 v11, v33;
	v29 =	vld [tilespmem:s22+$0x6250];
	v33 =	vmul.f32 v13, v9;
	v34 =	vmul.f32 v16, v10  }
0x34d: {  	v25 =	vadd.f32 v27, v25;
	v26 =	vmul.f32 v26, v26;
	v27 =	vsub.f32 v32, v30;
	v11 =	vld [tilespmem:s22+$0x11A70]  }
0x34e: {  	v10 =	vmul.f32 v13, v10;
	v30 =	vld [tilespmem:s22+$0xE250];
	v32 =	vsub.f32 v33, v34;
	v33 =	vmul.f32 v16, v9  }
0x34f: {  	v25 =	vadd.f32 v25, v26;
	v26 =	vsub.f32 v28, v31;
	v27 =	vmul.f32 v27, v27;
	v9 =	vld [tilespmem:s22+$0x13A70]  }
0x350: {  	v31 =	vmul.f32 v14, v5;
	v10 =	vadd.f32 v33, v10;
	v28 =	vld [tilespmem:s22+$0x6260];
	v33 =	vmul.f32 v12, v6  }
0x351: {  	v34 =	vld [tilespmem:s22+$0x4A00];
	v25 =	vadd.f32 v27, v25;
	v26 =	vmul.f32 v26, v26;
	v27 =	vsub.f32 v32, v29  }
0x352: {  	v5 =	vmul.f32 v12, v5;
	v6 =	vmul.f32 v14, v6;
	v29 =	vld [tilespmem:s22+$0xE260];
	v31 =	vsub.f32 v31, v33  }
0x353: {  	v32 =	vld [tilespmem:s22+$0xCA00];
	v25 =	vadd.f32 v25, v26;
	v10 =	vsub.f32 v10, v30;
	v26 =	vmul.f32 v27, v27  }
0x354: {  	v5 =	vadd.f32 v5, v6;
	v27 =	vmul.f32 v11, v4;
	v6 =	vld [tilespmem:s22+$0x6270];
	v30 =	vmul.f32 v9, v3  }
0x355: {  	v33 =	vld [tilespmem:s22+$0x4A10];
	v25 =	vadd.f32 v26, v25;
	v10 =	vmul.f32 v10, v10;
	v26 =	vsub.f32 v31, v28  }
0x356: {  	v4 =	vmul.f32 v9, v4;
	v3 =	vmul.f32 v11, v3;
	v28 =	vld [tilespmem:s22+$0xE270];
	v27 =	vsub.f32 v27, v30  }
0x357: {  	v30 =	vld [tilespmem:s22+$0xCA10];
	v10 =	vadd.f32 v25, v10;
	v5 =	vsub.f32 v5, v29;
	v25 =	vmul.f32 v26, v26  }
0x358: {  	v3 =	vadd.f32 v4, v3;
	v29 =	vmul.f32 v7, v34;
	v26 =	vld [tilespmem:s22+$0x5200];
	v31 =	vmul.f32 v8, v32  }
0x359: {  	v4 =	vld [tilespmem:s22+$0xD200];
	v10 =	vadd.f32 v25, v10;
	v5 =	vmul.f32 v5, v5;
	v6 =	vsub.f32 v27, v6  }
0x35a: {  	v8 =	vmul.f32 v8, v34;
	v7 =	vmul.f32 v7, v32;
	v25 =	vsub.f32 v29, v31;
	v27 =	vld [tilespmem:s22+$0x5210]  }
0x35b: {  	v29 =	vld [tilespmem:s22+$0x4A20];
	v5 =	vadd.f32 v10, v5;
	v3 =	vsub.f32 v3, v28;
	v6 =	vmul.f32 v6, v6  }
0x35c: {  	v7 =	vadd.f32 v8, v7;
	v8 =	vmul.f32 v21, v33;
	v10 =	vmul.f32 v23, v30;
	v28 =	vld [tilespmem:s22+$0xCA20]  }
0x35d: {  	v25 =	vsub.f32 v25, v26;
	v26 =	vld [tilespmem:s22+$0xD210];
	v5 =	vadd.f32 v6, v5;
	v3 =	vmul.f32 v3, v3  }
0x35e: {  	v4 =	vsub.f32 v7, v4;
	v6 =	vsub.f32 v8, v10;
	v7 =	vmul.f32 v23, v33;
	v8 =	vld [tilespmem:s22+$0x5220]  }
0x35f: {  	v21 =	vmul.f32 v21, v30;
	v10 =	vmul.f32 v25, v25;
	v23 =	vld [tilespmem:s22+$0x4A30];
	v3 =	vadd.f32 v5, v3  }
0x360: {  	v4 =	vmul.f32 v4, v4;
	v5 =	vsub.f32 v6, v27;
	v6 =	vmul.f32 v18, v29;
	v25 =	vld [tilespmem:s22+$0xCA30]  }
0x361: {  	v7 =	vadd.f32 v7, v21;
	v21 =	vld [tilespmem:s22+$0xD220];
	v27 =	vmul.f32 v22, v28;
	v22 =	vmul.f32 v22, v29;
	(xrf2) =	vadd.scan.msk.f32 $0xffff, v3  }
0x362: {  	v3 =	vadd.f32 v4, v10;
	v4 =	vmul.f32 v5, v5;
	v5 =	vmul.f32 v18, v28;
	v10 =	vld [tilespmem:s22+$0x5230]  }
0x363: {  	v2 =	vsel vm0, v24, v2;
	v7 =	vsub.f32 v7, v26;
	v6 =	vsub.f32 v6, v27;
	v18 =	vld [tilespmem:s22+$0x4A40]  }
0x364: {  	v3 =	vadd.f32 v4, v3;
	v4 =	vadd.f32 v22, v5;
	v5 =	vmul.f32 v15, v23;
	v22 =	vld [tilespmem:s22+$0xCA40]  }
0x365: {  	v7 =	vmul.f32 v7, v7;
	v6 =	vsub.f32 v6, v8;
	v8 =	vld [tilespmem:s22+$0xD230];
	v24 =	vmul.f32 v19, v25  }
0x366: {  	v19 =	vmul.f32 v19, v23;
	v15 =	vmul.f32 v15, v25;
	v4 =	vsub.f32 v4, v21;
	v21 =	vld [tilespmem:s22+$0x5240]  }
0x367: {  	v3 =	vadd.f32 v3, v7;
	v6 =	vmul.f32 v6, v6;
	v5 =	vsub.f32 v5, v24;
	v7 =	vld [tilespmem:s22+$0x4A50]  }
0x368: {  	v15 =	vadd.f32 v19, v15;
	v4 =	vmul.f32 v4, v4;
	v24 =	vmul.f32 v17, v18;
	v23 =	vld [tilespmem:s22+$0xCA50]  }
0x369: {  	v3 =	vadd.f32 v6, v3;
	v5 =	vsub.f32 v5, v10;
	v6 =	vld [tilespmem:s22+$0xD240];
	v10 =	vmul.f32 v20, v22  }
0x36a: {  	v17 =	vmul.f32 v17, v22;
	v8 =	vsub.f32 v15, v8;
	v15 =	vmul.f32 v20, v18;
	v18 =	vld [tilespmem:s22+$0x5250]  }
0x36b: {  	s7 =	sadd.s32 $0x1, s7;
	v3 =	vadd.f32 v3, v4;
	v4 =	vmul.f32 v5, v5;
	v5 =	vsub.f32 v24, v10;
	v10 =	vld [tilespmem:s22+$0x4A60];
	v19, _, _ =	vpop (xrf2)  }
0x36c: {  	v22 =	vmov s7;
	v8 =	vmul.f32 v8, v8;
	v20 =	vld [tilespmem:s22+$0xCA60];
	v19 =	vbroadcast v19, $0xF  }
0x36d: {  	vm0 =	veq.s32 v22, v0;
	v3 =	vadd.f32 v4, v3;
	v4 =	vsub.f32 v5, v21;
	v5 =	vld [tilespmem:s22+$0xD250]  }
0x36e: {  	v15 =	vadd.f32 v15, v17;
	v17 =	vmul.f32 v13, v7;
	v21 =	vld [tilespmem:s22+$0x5260];
	v1 =	vsel vm0, v19, v1  }
0x36f: {  	v3 =	vadd.f32 v3, v8;
	v4 =	vmul.f32 v4, v4;
	v8 =	vmul.f32 v16, v23;
	v19 =	vld [tilespmem:s22+$0x4A70]  }
0x370: {  	v7 =	vmul.f32 v16, v7;
	v13 =	vmul.f32 v13, v23;
	v6 =	vsub.f32 v15, v6;
	v15 =	vld [tilespmem:s22+$0xCA70]  }
0x371: {  	v16 =	vmul.f32 v14, v10;
	v3 =	vadd.f32 v4, v3;
	v4 =	vsub.f32 v17, v8;
	v8 =	vld [tilespmem:s22+$0xD260]  }
0x372: {  	v7 =	vadd.f32 v7, v13;
	v6 =	vmul.f32 v6, v6;
	v13 =	vmul.f32 v12, v20;
	v17 =	vld [tilespmem:s22+$0x5270]  }
0x373: {  	v10 =	vmul.f32 v12, v10;
	v12 =	vmul.f32 v14, v20;
	v18 =	vsub.f32 v4, v18;
	v20 =	vld [tilespmem:s22+$0xD270];
	s22 =	sshra.s32 s8, $0x2  }
0x374: {  	v14 =	vadd.f32 v3, v6;
	v6 =	vsub.f32 v7, v5;
	v4 =	vld [tilespmem:s22+$0x5A70];
	v7 =	vmul.f32 v11, v19  }
0x375: {  	v13 =	vsub.f32 v16, v13;
	v10 =	vadd.f32 v10, v12;
	v3 =	vld [tilespmem:s22+$0xDA70];
	v18 =	vmul.f32 v18, v18  }
0x376: {  	v12 =	vmul.f32 v6, v6;
	v16 =	vmul.f32 v9, v15;
	v5 =	vld [tilespmem:s22+$0x5A60]  }
0x377: {  	v13 =	vsub.f32 v13, v21;
	v6 =	vld [tilespmem:s22+$0xDA60];
	v14 =	vadd.f32 v18, v14;
	v18 =	vmul.f32 v9, v19  }
0x378: {  	v15 =	vmul.f32 v11, v15;
	v8 =	vsub.f32 v10, v8;
	v7 =	vsub.f32 v7, v16;
	v9 =	vld [tilespmem:s22+$0x5A50]  }
0x379: {  	v13 =	vmul.f32 v13, v13;
	v10 =	vld [tilespmem:s22+$0xDA50];
	v14 =	vadd.f32 v14, v12  }
0x37a: {  	v8 =	vmul.f32 v8, v8;
	v7 =	vsub.f32 v7, v17;
	v15 =	vadd.f32 v18, v15;
	v11 =	vld [tilespmem:s22+$0x5A40]  }
0x37b: {  	v12 =	vld [tilespmem:s22+$0xDA40];
	v13 =	vadd.f32 v13, v14  }
0x37c: {  	v15 =	vsub.f32 v15, v20;
	v7 =	vmul.f32 v7, v7;
	v14 =	vld [tilespmem:s22+$0x5A30]  }
0x37d: {  	v16 =	vld [tilespmem:s22+$0xDA30];
	v8 =	vadd.f32 v13, v8  }
0x37e: {  	v15 =	vmul.f32 v15, v15;
	v13 =	vld [tilespmem:s22+$0x5A20]  }
0x37f: {  	v25 =	vld [tilespmem:s22+$0xDA20];
	v7 =	vadd.f32 v7, v8  }
0x380: {  	v17 =	vld [tilespmem:s22+$0x5A10]  }
.Ltmp2:
0x381: {  	v19 =	vld [tilespmem:s22+$0xDA10];
	v7 =	vadd.f32 v7, v15;
	(pc) =	sbr.rel @p1 .LBB2_7-.Ltmp2, $4  }
0x382: {  	v15 =	vld [tilespmem:s22+$0x5A00]  }
0x383: {  	v24 =	vld [tilespmem:s22+$0xDA00];
	(xrf2) =	vadd.scan.msk.f32 $0xffff, v7  }
0x384: {  	v7 =	vld [tilespmem:s22+$0x11A00]  }
0x385: {  	s8 =	sadd.s32 $0x200, s8;
	v8 =	vld [tilespmem:s22+$0x13A00]  }
0x386: {  	v23 =	vld [tilespmem:s22+$0x11A10]  }
0x387: {  	v26 =	vld [tilespmem:s22+$0x13A10]  }
0x388: {  	v20 =	vld [tilespmem:s22+$0x11A20]  }
0x389: {  	v27 =	vld [tilespmem:s22+$0x6200]  }
0x38a: {  	v28 =	vld [tilespmem:s22+$0xE200]  }
0x38b: {  	v22 =	vld [tilespmem:s22+$0x13A20]  }
0x38c: {  	v30 =	vld [tilespmem:s22+$0x6210]  }
0x38d: {  	v18 =	vld [tilespmem:s22+$0x11A30]  }
0x38e: {  	v33 =	vld [tilespmem:s22+$0xE210];
	v21 =	vmul.f32 v7, v15  }
0x38f: {  	v52 =	vld [tilespmem:s22+$0x6220];
	v29 =	vmul.f32 v8, v24;
	v15 =	vmul.f32 v8, v15  }
0x390: {  	v46 =	vld [tilespmem:s22+$0x4A10];
	v24 =	vmul.f32 v7, v24;
	v31 =	vmul.f32 v23, v17  }
0x391: {  	v47 =	vld [tilespmem:s22+$0xCA10];
	v32 =	vmul.f32 v26, v19;
	v17 =	vmul.f32 v26, v17  }
0x392: {  	v34 =	vld [tilespmem:s22+$0xE220];
	v19 =	vmul.f32 v23, v19;
	v53 =	vmul.f32 v20, v13  }
0x393: {  	v56 =	vld [tilespmem:s22+$0x6230];
	v54 =	vmul.f32 v22, v25;
	v29 =	vsub.f32 v21, v29;
	v15 =	vadd.f32 v15, v24  }
0x394: {  	v59 =	vld [tilespmem:s22+$0xE230];
	v55 =	vmul.f32 v22, v13;
	v25 =	vmul.f32 v20, v25;
	v24 =	vsub.f32 v31, v32  }
0x395: {  	v61 =	vld [tilespmem:s22+$0x6240];
	v50 =	vmul.f32 v23, v46;
	v27 =	vsub.f32 v29, v27;
	v28 =	vsub.f32 v15, v28  }
0x396: {  	v51 =	vmul.f32 v26, v47;
	v26 =	vmul.f32 v26, v46;
	v21 =	vld [tilespmem:s22+$0x13A30];
	v17 =	vadd.f32 v17, v19  }
0x397: {  	v35 =	vld [tilespmem:s22+$0xE240];
	v24 =	vsub.f32 v24, v30;
	v27 =	vmul.f32 v27, v27;
	v28 =	vmul.f32 v28, v28  }
0x398: {  	v38 =	vld [tilespmem:s22+$0x6250];
	v23 =	vmul.f32 v23, v47;
	v25 =	vadd.f32 v55, v25;
	v29 =	vsub.f32 v53, v54  }
0x399: {  	v19 =	vld [tilespmem:s22+$0x13A40];
	v17 =	vsub.f32 v17, v33;
	v24 =	vmul.f32 v24, v24;
	v27 =	vadd.f32 v28, v27  }
0x39a: {  	v57 =	vmul.f32 v18, v14;
	v23 =	vadd.f32 v26, v23;
	v15 =	vld [tilespmem:s22+$0x11A40];
	v29 =	vsub.f32 v29, v52  }
0x39b: {  	v54 =	vld [tilespmem:s22+$0xD210];
	v58 =	vmul.f32 v21, v16;
	v24 =	vadd.f32 v24, v27;
	v27 =	vmul.f32 v17, v17  }
0x39c: {  	v41 =	vld [tilespmem:s22+$0xE250];
	v25 =	vsub.f32 v25, v34;
	v60 =	vmul.f32 v21, v14;
	v16 =	vmul.f32 v18, v16  }
0x39d: {  	v13 =	vld [tilespmem:s22+$0x11A50];
	v28 =	vsub.f32 v57, v58;
	v24 =	vadd.f32 v24, v27;
	v27 =	vmul.f32 v29, v29  }
0x39e: {  	v25 =	vmul.f32 v25, v25;
	v36 =	vmul.f32 v19, v12;
	v62 =	vadd.f32 v60, v16;
	v17 =	vld [tilespmem:s22+$0x13A50]  }
0x39f: {  	v43 =	vld [tilespmem:s22+$0x6260];
	v37 =	vmul.f32 v19, v11;
	v24 =	vadd.f32 v27, v24;
	v27 =	vsub.f32 v28, v56  }
0x3a0: {  	v48 =	vld [tilespmem:s22+$0x5200];
	v63 =	vmul.f32 v15, v11;
	v12 =	vmul.f32 v15, v12;
	v23 =	vsub.f32 v23, v54  }
0x3a1: {  	v14 =	vld [tilespmem:s22+$0x11A60];
	v24 =	vadd.f32 v24, v25;
	v25 =	vsub.f32 v62, v59;
	v27 =	vmul.f32 v27, v27  }
0x3a2: {  	v40 =	vmul.f32 v13, v9;
	v16 =	vld [tilespmem:s22+$0x13A60];
	v39 =	vsub.f32 v63, v36;
	v28 =	vadd.f32 v37, v12  }
0x3a3: {  	v49 =	vld [tilespmem:s22+$0xD200];
	v42 =	vmul.f32 v17, v10;
	v24 =	vadd.f32 v27, v24;
	v25 =	vmul.f32 v25, v25  }
0x3a4: {  	v52 =	vld [tilespmem:s22+$0xCA20];
	v9 =	vmul.f32 v17, v9;
	v10 =	vmul.f32 v13, v10;
	v27 =	vsub.f32 v39, v61  }
0x3a5: {  	v23 =	vmul.f32 v23, v23;
	v24 =	vadd.f32 v24, v25;
	v25 =	vld [tilespmem:s22+$0x4A00]  }
0x3a6: {  	v28 =	vsub.f32 v28, v35;
	v9 =	vadd.f32 v9, v10;
	v10 =	vld [tilespmem:s22+$0xCA00];
	v27 =	vmul.f32 v27, v27  }
0x3a7: {  	v58 =	vld [tilespmem:s22+$0xCA30];
	v44 =	vmul.f32 v14, v5;
	v29 =	vsub.f32 v50, v51;
	v45 =	vmul.f32 v16, v6  }
0x3a8: {  	v32 =	vld [tilespmem:s22+$0xCA50];
	v5 =	vmul.f32 v16, v5;
	v24 =	vadd.f32 v27, v24;
	v27 =	vmul.f32 v28, v28  }
0x3a9: {  	v12 =	vld [tilespmem:s22+$0x13A70];
	v6 =	vmul.f32 v14, v6;
	v31 =	vsub.f32 v44, v45;
	v30 =	vsub.f32 v40, v42  }
0x3aa: {  	v56 =	vld [tilespmem:s22+$0x4A30];
	v24 =	vadd.f32 v24, v27;
	v27 =	vmul.f32 v7, v25;
	v25 =	vmul.f32 v8, v25  }
0x3ab: {  	v11 =	vld [tilespmem:s22+$0x11A70];
	v5 =	vadd.f32 v5, v6;
	v8 =	vmul.f32 v8, v10;
	v7 =	vmul.f32 v7, v10  }
0x3ac: {  	v59 =	vmul.f32 v22, v52;
	v62 =	vmul.f32 v21, v58;
	v30 =	vsub.f32 v30, v38;
	v10 =	vld [tilespmem:s22+$0x5210]  }
0x3ad: {  	v35 =	vmul.f32 v17, v32;
	v8 =	vsub.f32 v27, v8;
	v27 =	vld [tilespmem:s22+$0x4A20];
	v7 =	vadd.f32 v25, v7  }
0x3ae: {  	v9 =	vsub.f32 v9, v41;
	v53 =	vmul.f32 v12, v3;
	v30 =	vmul.f32 v30, v30  }
0x3af: {  	v21 =	vmul.f32 v21, v56;
	v8 =	vsub.f32 v8, v48;
	v7 =	vsub.f32 v7, v49  }
0x3b0: {  	v55 =	vld [tilespmem:s22+$0x5220];
	v3 =	vmul.f32 v11, v3;
	v6 =	vadd.f32 v30, v24;
	v24 =	vmul.f32 v11, v4  }
0x3b1: {  	v26 =	vld [tilespmem:s22+$0xD220];
	v10 =	vsub.f32 v29, v10;
	v8 =	vmul.f32 v8, v8;
	v7 =	vmul.f32 v7, v7  }
0x3b2: {  	v60 =	vld [tilespmem:s22+$0x4A40];
	v25 =	vsub.f32 v31, v43;
	v57 =	vmul.f32 v20, v27;
	v22 =	vmul.f32 v22, v27  }
0x3b3: {  	v63 =	vld [tilespmem:s22+$0xD230];
	v7 =	vadd.f32 v7, v8;
	v8 =	vmul.f32 v10, v10;
	v10 =	vmul.f32 v20, v52  }
0x3b4: {  	v61 =	vld [tilespmem:s22+$0xCA40];
	v9 =	vmul.f32 v9, v9;
	v24 =	vsub.f32 v24, v53;
	v29 =	vsub.f32 v57, v59  }
0x3b5: {  	v4 =	vmul.f32 v12, v4;
	v20 =	vld [tilespmem:s22+$0x5230];
	v7 =	vadd.f32 v8, v7;
	v8 =	vadd.f32 v22, v10  }
0x3b6: {  	v6 =	vadd.f32 v6, v9;
	v27 =	vld [tilespmem:s22+$0xE260];
	v10 =	vmul.f32 v18, v56;
	v29 =	vsub.f32 v29, v55  }
0x3b7: {  	v3 =	vadd.f32 v4, v3;
	v18 =	vmul.f32 v18, v58;
	v8 =	vsub.f32 v8, v26  }
0x3b8: {  	v7 =	vadd.f32 v7, v23;
	v10 =	vsub.f32 v10, v62;
	v29 =	vmul.f32 v29, v29  }
0x3b9: {  	v9 =	vld [tilespmem:s22+$0x5240];
	v18 =	vadd.f32 v21, v18;
	v26 =	vmul.f32 v19, v61;
	v8 =	vmul.f32 v8, v8  }
0x3ba: {  	v30 =	vld [tilespmem:s22+$0x4A50];
	v10 =	vsub.f32 v10, v20;
	v20 =	vmul.f32 v15, v60;
	v7 =	vadd.f32 v29, v7  }
0x3bb: {  	v4 =	vld [tilespmem:s22+$0x4A60];
	v34 =	vmul.f32 v25, v25;
	v5 =	vsub.f32 v5, v27;
	v18 =	vsub.f32 v18, v63  }
0x3bc: {  	v27 =	vld [tilespmem:s22+$0xD240];
	v20 =	vsub.f32 v20, v26;
	v7 =	vadd.f32 v7, v8;
	v8 =	vmul.f32 v10, v10  }
0x3bd: {  	v6 =	vadd.f32 v34, v6;
	v15 =	vmul.f32 v15, v61;
	v10 =	vmul.f32 v19, v60;
	v19 =	vld [tilespmem:s22+$0x5250]  }
0x3be: {  	v9 =	vsub.f32 v20, v9;
	v7 =	vadd.f32 v8, v7;
	v8 =	vmul.f32 v18, v18;
	v18 =	vld [tilespmem:s22+$0xCA60]  }
0x3bf: {  	v17 =	vmul.f32 v17, v30;
	v20 =	vmul.f32 v13, v30;
	v10 =	vadd.f32 v10, v15;
	v15 =	vld [tilespmem:s22+$0xD250]  }
0x3c0: {  	v36 =	vld [tilespmem:s22+$0xCA70];
	v13 =	vmul.f32 v13, v32;
	v7 =	vadd.f32 v7, v8;
	v8 =	vmul.f32 v9, v9  }
0x3c1: {  	v20 =	vsub.f32 v20, v35;
	v9 =	vld [tilespmem:s22+$0x4A70];
	v10 =	vsub.f32 v10, v27  }
0x3c2: {  	v37 =	vld [tilespmem:s22+$0x5260];
	v13 =	vadd.f32 v17, v13;
	v7 =	vadd.f32 v8, v7;
	v8 =	vmul.f32 v14, v4  }
0x3c3: {  	v38 =	vld [tilespmem:s22+$0xD260];
	v19 =	vsub.f32 v20, v19;
	v10 =	vmul.f32 v10, v10;
	v17 =	vmul.f32 v16, v18  }
0x3c4: {  	v4 =	vmul.f32 v16, v4;
	v14 =	vmul.f32 v14, v18;
	v13 =	vsub.f32 v13, v15  }
0x3c5: {  	v20 =	vld [tilespmem:s22+$0x6270];
	v15 =	vmul.f32 v19, v19;
	v7 =	vadd.f32 v7, v10;
	v8 =	vsub.f32 v8, v17  }
0x3c6: {  	v10 =	vld [tilespmem:s22+$0x5270];
	v16 =	vmul.f32 v11, v9;
	v4 =	vadd.f32 v4, v14;
	v14 =	vmul.f32 v12, v36  }
0x3c7: {  	v17 =	vld [tilespmem:s22+$0xE270];
	v13 =	vmul.f32 v13, v13;
	v7 =	vadd.f32 v15, v7;
	v8 =	vsub.f32 v8, v37  }
0x3c8: {  	v9 =	vmul.f32 v12, v9;
	v11 =	vmul.f32 v11, v36;
	v15 =	vld [tilespmem:s22+$0xD270];
	v4 =	vsub.f32 v4, v38  }
0x3c9: {  	v12 =	vsub.f32 v16, v14;
	v7 =	vadd.f32 v7, v13;
	v8 =	vmul.f32 v8, v8  }
0x3ca: {  	v5 =	vmul.f32 v5, v5;
	v9 =	vadd.f32 v9, v11;
	v13 =	vsub.f32 v24, v20  }
0x3cb: {  	v10 =	vsub.f32 v12, v10;
	v4 =	vmul.f32 v4, v4;
	v7 =	vadd.f32 v8, v7  }
0x3cc: {  	v5 =	vadd.f32 v6, v5;
	v3 =	vsub.f32 v3, v17;
	v6 =	vmul.f32 v13, v13  }
0x3cd: {  	v8 =	vsub.f32 v9, v15;
	v9 =	vmul.f32 v10, v10;
	v4 =	vadd.f32 v7, v4  }
0x3ce: {  	v5 =	vadd.f32 v6, v5;
	v3 =	vmul.f32 v3, v3  }
0x3cf: {  	v6 =	vmul.f32 v8, v8;
	v4 =	vadd.f32 v9, v4  }
0x3d0: {  	v3 =	vadd.f32 v5, v3  }
0x3d1: {  	v4 =	vadd.f32 v4, v6  }
0x3d2: {  	(xrf2) =	vadd.scan.msk.f32 $0xffff, v3  }
0x3d3: {  	(xrf2) =	vadd.scan.msk.f32 $0xffff, v4;
	_ =	sdelay $0x6  }
0x3d4: {  	v3, _, _ =	vpop (xrf2)  }
0x3d5: {  	v3 =	vbroadcast v3, $0xF  }
0x3d6: {  	s7 =	sadd.s32 $0x1, s7;
	v4, _, _ =	vpop (xrf2)  }
0x3d7: {  	v6 =	vmov s7;
	v2 =	vsel vm0, v3, v2;
	v3 =	vbroadcast v4, $0xF;
	v5, _, _ =	vpop (xrf2)  }
0x3d8: {  	vm0 =	veq.s32 v6, v0;
	v5 =	vbroadcast v5, $0xF  }
0x3d9: {  	v1 =	vsel vm0, v3, v1  }
0x3da: {  	v1 =	vmax.f32 v1, $1.000000000e-30;
	v2 =	vsel vm0, v5, v2  }
0x3db: {  	v6 =	vmul.f32 $5.000000000e-01, v1;
	v2 =	vmax.f32 v2, $1.000000000e-30  }
0x3dc: {  	v5 =	vshra.s32 v1, $0x1;
	v3 =	vshra.s32 v2, $0x1;
	v4 =	vmul.f32 $5.000000000e-01, v2  }
0x3dd: {  	v5 =	vsub.s32 $0x5F3759DF, v5;
	v3 =	vsub.s32 $0x5F3759DF, v3  }
0x3de: {  	v8 =	vmul.f32 v5, v6;
	v7 =	vmul.f32 v3, v4;
	_ =	sdelay $0x1  }
0x3df: {  	v8 =	vmul.f32 v5, v8;
	v7 =	vmul.f32 v3, v7;
	_ =	sdelay $0x1  }
0x3e0: {  	v8 =	vsub.f32 $1.500000000e+00, v8;
	v7 =	vsub.f32 $1.500000000e+00, v7;
	_ =	sdelay $0x1  }
0x3e1: {  	v5 =	vmul.f32 v5, v8;
	v3 =	vmul.f32 v3, v7;
	_ =	sdelay $0x1  }
0x3e2: {  	v8 =	vmul.f32 v5, v6;
	v7 =	vmul.f32 v3, v4;
	_ =	sdelay $0x1  }
0x3e3: {  	v8 =	vmul.f32 v8, v5;
	v7 =	vmul.f32 v7, v3;
	_ =	sdelay $0x1  }
0x3e4: {  	v8 =	vsub.f32 $1.500000000e+00, v8;
	v7 =	vsub.f32 $1.500000000e+00, v7;
	_ =	sdelay $0x1  }
0x3e5: {  	v5 =	vmul.f32 v8, v5;
	v3 =	vmul.f32 v7, v3;
	_ =	sdelay $0x1  }
0x3e6: {  	v6 =	vmul.f32 v5, v6;
	v4 =	vmul.f32 v3, v4;
	_ =	sdelay $0x1  }
0x3e7: {  	v6 =	vmul.f32 v6, v5;
	v4 =	vmul.f32 v4, v3;
	_ =	sdelay $0x1  }
0x3e8: {  	v6 =	vsub.f32 $1.500000000e+00, v6;
	v4 =	vsub.f32 $1.500000000e+00, v4;
	_ =	sdelay $0x1  }
0x3e9: {  	v3 =	vmul.f32 v4, v3;
	v4 =	vmul.f32 v6, v5;
	_ =	sdelay $0x1  }
0x3ea: {  	v2 =	vmul.f32 v3, v2;
	v1 =	vmul.f32 v4, v1;
	_ =	sdelay $0x1  }
0x3eb: {  	v3 =	vsub.f32 v2, v1;
	_ =	sdelay $0x1  }
0x3ec: {  	v3 =	vadd.f32 $1.000000000e+00, v3  }
0x3ed: {  	[tilespmem:s18+$0x14C20] =	vst v2  }
0x3ee: {  	[tilespmem:s18+$0x14E20] =	vst v1;
	v1 =	vmax.f32 v3, $0.0e+00  }
0x3ef: {  	s8 =	simm.s32 @!p0 $0x20;
	s9 =	simm.s32 @!p0 $0x4A00;
	s7 =	sadd.s32 @!p0 $0x180, s5;
	[tilespmem:s18+$0x14A20] =	vst v1  }
0x3f0: {  	[tilespmem:s9], [sflag:$0x3] =	stream.indirect.gather @!p0 [hbm4b:s0+s8], $0x80, s7, s8, $0xb8;
	[tilespmem:$0x15000] =	vst v63  }
0x3f1: {  	s9 =	simm.s32 @!p0 $0xCA00  }
0x3f2: {  	[tilespmem:s9], [sflag:$0x3] =	stream.indirect.gather @!p0 [hbm4b:s2+s8], $0x80, s7, s8, $0xb8;
	[tilespmem:$0x15000] =	vst v63  }
0x3f3: {  	s5 =	sadd.s32 @!p0 $0x1A0, s5;
	s9 =	simm.s32 @!p0 $0x5A00  }
0x3f4: {  	[tilespmem:s9], [sflag:$0x3] =	stream.indirect.gather @!p0 [hbm4b:s0+s8], $0x80, s5, s8, $0xb8;
	[tilespmem:$0x15000] =	vst v63  }
0x3f5: {  	s9 =	simm.s32 @!p0 $0xDA00  }
0x3f6: {  	[tilespmem:s9], [sflag:$0x3] =	stream.indirect.gather @!p0 [hbm4b:s2+s8], $0x80, s5, s8, $0xb8;
	[tilespmem:$0x15000] =	vst v63  }
0x3f7: {  	s5 =	sshrl.u32 @!p0 s7, $0x2  }
0x3f8: {  	s7 =	simm.s32 @!p0 $0x10;
	s8 =	simm.s32 @!p0 $0x11A00;
	s5 =	sadd.s32 @!p0 $0x800, s5  }
0x3f9: {  	[tilespmem:s8], [sflag:$0x3] =	stream.indirect.gather @!p0 [hbm4b:s3+s7], $0x80, s5, s7, $0xb8;
	[tilespmem:$0x15000] =	vst v63  }
0x3fa: {  	s8 =	simm.s32 @!p0 $0x13A00  }
0x3fb: {  	[tilespmem:s8], [sflag:$0x3] =	stream.indirect.gather @!p0 [hbm4b:s4+s7], $0x80, s5, s7, $0xb8;
	[tilespmem:$0x15000] =	vst v63  }
0x3fc: {  	_ =	swait.ge [sflag:s25], $0x1000  }
0x3fd: {  	[sflag:s25] =	ssyncset.done $0x0  }
0x3fe: {  	[sflag:s25] =	ssyncadd.s32 $0xFFFFF000  }
0x3ff: {  	_ =	swait.ge [sflag:s25], $0x1000  }
0x400: {  	[sflag:s25] =	ssyncset.done $0x0  }
0x401: {  	[sflag:s25] =	ssyncadd.s32 $0xFFFFF000  }
0x402: {  	_ =	swait.ge [sflag:s25], $0x1000  }
0x403: {  	[sflag:s25] =	ssyncset.done $0x0  }
0x404: {  	[sflag:s25] =	ssyncadd.s32 $0xFFFFF000  }
0x405: {  	_ =	swait.ge [sflag:s25], $0x1000  }
0x406: {  	[sflag:s25] =	ssyncset.done $0x0  }
0x407: {  	[sflag:s25] =	ssyncadd.s32 $0xFFFFF000  }
0x408: {  	_ =	swait.ge [sflag:s25], $0x800  }
0x409: {  	[sflag:s25] =	ssyncset.done $0x0  }
0x40a: {  	[sflag:s25] =	ssyncadd.s32 $0xFFFFF800  }
0x40b: {  	_ =	swait.ge [sflag:s25], $0x800  }
0x40c: {  	[sflag:s25] =	ssyncset.done $0x0  }
0x40d: {  	s22 =	simm.s32 $0x0;
	[sflag:s25] =	ssyncadd.s32 $0xFFFFF800  }
0x40e: {  	v15 =	vld [tilespmem:s22+$0x7A70]  }
0x40f: {  	v16 =	vld [tilespmem:s22+$0xFA70]  }
0x410: {  	v17 =	vld [tilespmem:s22+$0x7A60]  }
0x411: {  	v18 =	vld [tilespmem:s22+$0xFA60]  }
0x412: {  	v20 =	vld [tilespmem:s22+$0xFA50]  }
0x413: {  	v7 =	vld [tilespmem:s22+$0x7A40]  }
0x414: {  	v39 =	vld [tilespmem:s22+$0xFA40]  }
0x415: {  	v1 =	vld [tilespmem:s22+$0x7A30]  }
0x416: {  	v6 =	vld [tilespmem:s22+$0xFA30]  }
0x417: {  	v4 =	vld [tilespmem:s22+$0x7A20]  }
0x418: {  	v5 =	vld [tilespmem:s22+$0xFA20]  }
0x419: {  	v2 =	vld [tilespmem:s22+$0x7A10]  }
0x41a: {  	v8 =	vld [tilespmem:s22+$0xFA10]  }
0x41b: {  	v3 =	vld [tilespmem:s22+$0x7A00]  }
0x41c: {  	v10 =	vld [tilespmem:s22+$0xFA00]  }
0x41d: {  	v22 =	vld [tilespmem:s22+$0x12200]  }
0x41e: {  	v23 =	vld [tilespmem:s22+$0x14200]  }
0x41f: {  	v13 =	vld [tilespmem:s22+$0x12210]  }
0x420: {  	v14 =	vld [tilespmem:s22+$0x14210]  }
0x421: {  	v11 =	vld [tilespmem:s22+$0x12220]  }
0x422: {  	v24 =	vld [tilespmem:s22+$0x8200]  }
0x423: {  	v25 =	vld [tilespmem:s22+$0x10200]  }
0x424: {  	v12 =	vld [tilespmem:s22+$0x14220]  }
0x425: {  	v26 =	vld [tilespmem:s22+$0x8210]  }
0x426: {  	v9 =	vld [tilespmem:s22+$0x12230];
	v27 =	vmul.f32 v22, v3;
	v40 =	vmul.f32 v23, v10  }
0x427: {  	v41 =	vld [tilespmem:s22+$0x10210];
	v3 =	vmul.f32 v23, v3;
	v42 =	vmul.f32 v22, v10  }
0x428: {  	v45 =	vld [tilespmem:s22+$0x8220];
	v43 =	vmul.f32 v13, v2;
	v44 =	vmul.f32 v14, v8  }
0x429: {  	v10 =	vld [tilespmem:s22+$0x14230];
	v2 =	vmul.f32 v14, v2;
	v48 =	vmul.f32 v13, v8  }
0x42a: {  	v8 =	vld [tilespmem:s22+$0x14240];
	v50 =	vmul.f32 v11, v4;
	v51 =	vmul.f32 v12, v5  }
0x42b: {  	v49 =	vld [tilespmem:s22+$0x10220];
	v53 =	vmul.f32 v12, v4;
	v27 =	vsub.f32 v27, v40;
	v46 =	vadd.f32 v3, v42  }
0x42c: {  	v5 =	vmul.f32 v11, v5;
	v55 =	vmul.f32 v9, v1;
	v3 =	vld [tilespmem:s22+$0x12240];
	v47 =	vsub.f32 v43, v44  }
0x42d: {  	v60 =	vld [tilespmem:s22+$0x10240];
	v59 =	vmul.f32 v9, v6;
	v24 =	vsub.f32 v27, v24;
	v25 =	vsub.f32 v46, v25  }
0x42e: {  	v4 =	vld [tilespmem:s22+$0x14250];
	v27 =	vadd.f32 v2, v48;
	v56 =	vmul.f32 v10, v6;
	v1 =	vmul.f32 v10, v1  }
0x42f: {  	v26 =	vsub.f32 v47, v26;
	v2 =	vld [tilespmem:s22+$0x12250];
	v62 =	vmul.f32 v8, v39;
	v37 =	vmul.f32 v8, v7  }
0x430: {  	v28 =	vsub.f32 v50, v51;
	v6 =	vld [tilespmem:s22+$0x14260];
	v24 =	vmul.f32 v24, v24;
	v25 =	vmul.f32 v25, v25  }
0x431: {  	v52 =	vld [tilespmem:s22+$0x8230];
	v26 =	vmul.f32 v26, v26;
	v58 =	vsub.f32 v55, v56;
	v21 =	vmul.f32 v3, v39  }
0x432: {  	v61 =	vmul.f32 v3, v7;
	v7 =	vld [tilespmem:s22+$0x14270];
	v24 =	vadd.f32 v25, v24;
	v25 =	vsub.f32 v27, v41  }
0x433: {  	v39 =	vmul.f32 v4, v20;
	v27 =	vadd.f32 v53, v5;
	v5 =	vld [tilespmem:s22+$0x12260];
	v21 =	vadd.f32 v37, v21  }
0x434: {  	v41 =	vld [tilespmem:s22+$0x6A00];
	v24 =	vadd.f32 v26, v24;
	v25 =	vmul.f32 v25, v25;
	v26 =	vsub.f32 v28, v45  }
0x435: {  	v54 =	vld [tilespmem:s22+$0x10230];
	v20 =	vmul.f32 v2, v20;
	v43 =	vmul.f32 v6, v18;
	v21 =	vsub.f32 v21, v60  }
0x436: {  	v19 =	vld [tilespmem:s22+$0x7A50];
	v24 =	vadd.f32 v24, v25;
	v25 =	vsub.f32 v27, v49;
	v26 =	vmul.f32 v26, v26  }
0x437: {  	v57 =	vld [tilespmem:s22+$0x8240];
	v27 =	vadd.f32 v1, v59;
	v46 =	vmul.f32 v7, v16;
	v21 =	vmul.f32 v21, v21  }
0x438: {  	v63 =	vld [tilespmem:s22+$0x8250];
	v24 =	vadd.f32 v26, v24;
	v25 =	vmul.f32 v25, v25;
	v26 =	vsub.f32 v58, v52  }
0x439: {  	v38 =	vld [tilespmem:s22+$0x10250];
	v36 =	vsub.f32 v61, v62;
	v18 =	vmul.f32 v5, v18;
	v49 =	vmul.f32 v22, v41  }
0x43a: {  	v1 =	vld [tilespmem:s22+$0x12270];
	v24 =	vadd.f32 v24, v25;
	v25 =	vsub.f32 v27, v54;
	v26 =	vmul.f32 v26, v26  }
0x43b: {  	v40 =	vld [tilespmem:s22+$0x8260];
	v27 =	vmul.f32 v2, v19;
	v19 =	vmul.f32 v4, v19  }
0x43c: {  	v42 =	vld [tilespmem:s22+$0x10260];
	v24 =	vadd.f32 v26, v24;
	v25 =	vmul.f32 v25, v25;
	v26 =	vsub.f32 v36, v57  }
0x43d: {  	v44 =	vld [tilespmem:s22+$0x8270];
	v27 =	vsub.f32 v27, v39;
	v19 =	vadd.f32 v19, v20;
	v20 =	vmul.f32 v5, v17  }
0x43e: {  	v51 =	vld [tilespmem:s22+$0x6A20];
	v17 =	vmul.f32 v6, v17;
	v24 =	vadd.f32 v24, v25;
	v25 =	vmul.f32 v26, v26  }
0x43f: {  	v16 =	vmul.f32 v1, v16;
	v26 =	vld [tilespmem:s22+$0xEA00];
	v20 =	vsub.f32 v20, v43;
	v19 =	vsub.f32 v19, v38  }
0x440: {  	v45 =	vld [tilespmem:s22+$0x10270];
	v17 =	vadd.f32 v17, v18;
	v18 =	vmul.f32 v1, v15;
	v24 =	vadd.f32 v25, v24  }
0x441: {  	v47 =	vld [tilespmem:s22+$0x7200];
	v15 =	vmul.f32 v7, v15;
	v25 =	vsub.f32 v27, v63;
	v20 =	vsub.f32 v20, v40  }
0x442: {  	v27 =	vld [tilespmem:s22+$0x6A10];
	v19 =	vmul.f32 v19, v19;
	v18 =	vsub.f32 v18, v46;
	v17 =	vsub.f32 v17, v42  }
0x443: {  	v15 =	vadd.f32 v15, v16;
	v21 =	vadd.f32 v24, v21;
	v24 =	vmul.f32 v25, v25;
	v25 =	vld [tilespmem:s22+$0xEA10]  }
0x444: {  	v48 =	vld [tilespmem:s22+$0x7210];
	v20 =	vmul.f32 v20, v20;
	v18 =	vsub.f32 v18, v44;
	v50 =	vmul.f32 v23, v26  }
0x445: {  	v15 =	vsub.f32 v15, v45;
	v23 =	vmul.f32 v23, v41;
	v22 =	vmul.f32 v22, v26;
	v26 =	vld [tilespmem:s22+$0xEA20]  }
0x446: {  	v17 =	vmul.f32 v17, v17;
	v21 =	vadd.f32 v24, v21;
	v24 =	vld [tilespmem:s22+$0xF200];
	v18 =	vmul.f32 v18, v18  }
0x447: {  	v59 =	vld [tilespmem:s22+$0xEA40];
	v15 =	vmul.f32 v15, v15;
	v16 =	vsub.f32 v49, v50;
	v22 =	vadd.f32 v23, v22  }
0x448: {  	v52 =	vld [tilespmem:s22+$0xF210];
	v53 =	vmul.f32 v13, v27;
	v19 =	vadd.f32 v21, v19;
	v54 =	vmul.f32 v14, v25  }
0x449: {  	v57 =	vld [tilespmem:s22+$0x6A40];
	v16 =	vsub.f32 v16, v47;
	v14 =	vmul.f32 v14, v27;
	v13 =	vmul.f32 v13, v25  }
0x44a: {  	v55 =	vld [tilespmem:s22+$0x7220];
	v27 =	vmul.f32 v11, v51;
	v19 =	vadd.f32 v20, v19;
	v11 =	vmul.f32 v11, v26  }
0x44b: {  	v20 =	vld [tilespmem:s22+$0x6A30];
	v22 =	vsub.f32 v22, v24;
	v23 =	vsub.f32 v53, v54;
	v16 =	vmul.f32 v16, v16  }
0x44c: {  	v24 =	vld [tilespmem:s22+$0xEA30];
	v13 =	vadd.f32 v14, v13;
	v14 =	vmul.f32 v12, v26;
	v12 =	vmul.f32 v12, v51  }
0x44d: {  	v25 =	vld [tilespmem:s22+$0xF220];
	v17 =	vadd.f32 v19, v17;
	v22 =	vmul.f32 v22, v22;
	v23 =	vsub.f32 v23, v48  }
0x44e: {  	v19 =	vmul.f32 v3, v57;
	v3 =	vmul.f32 v3, v59;
	v13 =	vsub.f32 v13, v52  }
0x44f: {  	v56 =	vld [tilespmem:s22+$0x7230];
	v14 =	vsub.f32 v27, v14;
	v16 =	vadd.f32 v22, v16;
	v58 =	vmul.f32 v23, v23  }
0x450: {  	v61 =	vld [tilespmem:s22+$0x7240];
	v11 =	vadd.f32 v12, v11;
	v12 =	vmul.f32 v9, v20;
	v13 =	vmul.f32 v13, v13  }
0x451: {  	v60 =	vld [tilespmem:s22+$0xF230];
	v14 =	vsub.f32 v14, v55;
	v26 =	vmul.f32 v10, v24;
	v16 =	vadd.f32 v58, v16  }
0x452: {  	v27 =	vld [tilespmem:s22+$0x6A50];
	v11 =	vsub.f32 v11, v25;
	v10 =	vmul.f32 v10, v20;
	v9 =	vmul.f32 v9, v24  }
0x453: {  	v20 =	vld [tilespmem:s22+$0xEA50];
	v14 =	vmul.f32 v14, v14;
	v12 =	vsub.f32 v12, v26;
	v13 =	vadd.f32 v16, v13  }
0x454: {  	v62 =	vld [tilespmem:s22+$0x7260];
	v17 =	vadd.f32 v18, v17;
	v24 =	vmul.f32 v8, v59;
	v9 =	vadd.f32 v10, v9  }
0x455: {  	v63 =	vld [tilespmem:s22+$0xF260];
	v11 =	vmul.f32 v11, v11;
	v12 =	vsub.f32 v12, v56;
	v13 =	vadd.f32 v14, v13  }
0x456: {  	v8 =	vmul.f32 v8, v57;
	v15 =	vadd.f32 v17, v15;
	v19 =	vsub.f32 v19, v24;
	v16 =	vld [tilespmem:s22+$0xF240]  }
0x457: {  	v25 =	vld [tilespmem:s22+$0xEA60];
	v9 =	vsub.f32 v9, v60;
	v12 =	vmul.f32 v12, v12;
	v11 =	vadd.f32 v13, v11  }
0x458: {  	v10 =	vld [tilespmem:s22+$0x7250];
	v17 =	vmul.f32 v2, v27;
	v18 =	vsub.f32 v19, v61;
	v19 =	vmul.f32 v4, v20  }
0x459: {  	v3 =	vadd.f32 v8, v3;
	v14 =	vld [tilespmem:s22+$0x6A60];
	v9 =	vmul.f32 v9, v9;
	v11 =	vadd.f32 v12, v11  }
0x45a: {  	v8 =	vld [tilespmem:s22+$0xEA70];
	v17 =	vsub.f32 v17, v19  }
0x45b: {  	v13 =	vld [tilespmem:s22+$0xF250];
	v3 =	vsub.f32 v3, v16;
	v9 =	vadd.f32 v11, v9;
	v11 =	vmul.f32 v18, v18  }
0x45c: {  	s5 =	simm.s32 $0x80;
	v2 =	vmul.f32 v2, v20;
	v12 =	vld [tilespmem:s22+$0x6A70];
	v18 =	vmul.f32 v4, v27  }
0x45d: {  	v24 =	vld [tilespmem:s5+$0xFA00];
	v10 =	vsub.f32 v17, v10;
	v20 =	vmul.f32 v3, v3;
	v9 =	vadd.f32 v11, v9  }
0x45e: {  	v19 =	vld [tilespmem:s22+$0xF270];
	v11 =	vmul.f32 v5, v14;
	v2 =	vadd.f32 v18, v2;
	v18 =	vmul.f32 v6, v25  }
0x45f: {  	v16 =	vld [tilespmem:s22+$0x7270];
	v17 =	vmul.f32 v5, v25;
	v14 =	vmul.f32 v6, v14;
	v20 =	vadd.f32 v9, v20  }
0x460: {  	v3 =	vld [tilespmem:s5+$0xFA70];
	v10 =	vmul.f32 v10, v10;
	v2 =	vsub.f32 v2, v13;
	v11 =	vsub.f32 v11, v18  }
0x461: {  	(xrf2) =	vadd.scan.msk.f32 $0xffff, v15;
	v15 =	vmul.f32 v7, v8;
	v4 =	vld [tilespmem:s5+$0x7A70];
	v13 =	vmul.f32 v1, v12;
	v14 =	vadd.f32 v14, v17  }
0x462: {  	v5 =	vld [tilespmem:s5+$0x7A60];
	v2 =	vmul.f32 v2, v2;
	v17 =	vadd.f32 v10, v20;
	v18 =	vsub.f32 v11, v62  }
0x463: {  	v6 =	vld [tilespmem:s5+$0xFA60];
	v7 =	vmul.f32 v7, v12;
	v1 =	vmul.f32 v1, v8;
	v20 =	vsub.f32 v14, v63  }
0x464: {  	v25 =	vld [tilespmem:s5+$0xFA20];
	v13 =	vsub.f32 v13, v15;
	v2 =	vadd.f32 v17, v2;
	v8 =	vmul.f32 v18, v18  }
0x465: {  	v9 =	vld [tilespmem:s5+$0x7A50];
	v1 =	vadd.f32 v7, v1  }
0x466: {  	v12 =	vld [tilespmem:s5+$0xFA40];
	v15 =	vsub.f32 v13, v16;
	v17 =	vmul.f32 v20, v20;
	v2 =	vadd.f32 v8, v2  }
0x467: {  	v10 =	vld [tilespmem:s5+$0xFA50]  }
0x468: {  	v11 =	vld [tilespmem:s5+$0x7A40];
	v1 =	vsub.f32 v1, v19;
	v7 =	vmul.f32 v15, v15;
	v2 =	vadd.f32 v2, v17  }
0x469: {  	v14 =	vld [tilespmem:s5+$0x7A30]  }
0x46a: {  	v16 =	vld [tilespmem:s5+$0xFA30];
	v1 =	vmul.f32 v1, v1;
	v2 =	vadd.f32 v7, v2  }
0x46b: {  	v13 =	vld [tilespmem:s5+$0x7A20]  }
0x46c: {  	s7 =	simm.s32 $0x0;
	v19 =	vld [tilespmem:s5+$0xFA10];
	v20 =	vadd.f32 v2, v1  }
0x46d: {  	v15 =	vld [tilespmem:s5+$0x7A00];
	v8 =	vmov s7;
	v7, _, _ =	vpop (xrf2)  }
0x46e: {  	vm0 =	veq.s32 v8, v0;
	v8 =	vld [tilespmem:s5+$0x14200];
	v18 =	vbroadcast v7, $0xF;
	(xrf2) =	vadd.scan.msk.f32 $0xffff, v20  }
0x46f: {  	v17 =	vld [tilespmem:s5+$0x7A10];
	v2 =	vimm.f32 $0.0e+00  }
0x470: {  	s8 =	simm.s32 $0x400;
	v7 =	vld [tilespmem:s5+$0x12200];
	v1 =	vsel vm0, v18, v2  }
.LBB2_9:
0x471: {  	p0 =	sne.s32 s8, $0x1E00;
	v21 =	vld [tilespmem:s5+$0x12210]  }
0x472: {  	v23 =	vld [tilespmem:s5+$0x14210]  }
0x473: {  	v18 =	vld [tilespmem:s5+$0x12220]  }
0x474: {  	v20 =	vld [tilespmem:s5+$0x8200]  }
0x475: {  	v27 =	vmul.f32 v7, v15;
	v26 =	vld [tilespmem:s5+$0x10200];
	v32 =	vmul.f32 v8, v24  }
0x476: {  	v15 =	vmul.f32 v8, v15;
	v24 =	vmul.f32 v7, v24;
	v22 =	vld [tilespmem:s5+$0x14220]  }
0x477: {  	v30 =	vmul.f32 v21, v17;
	v29 =	vld [tilespmem:s5+$0x8210];
	v31 =	vmul.f32 v23, v19  }
0x478: {  	v27 =	vsub.f32 v27, v32;
	v24 =	vadd.f32 v15, v24;
	v15 =	vld [tilespmem:s5+$0x12230];
	v28, _, _ =	vpop (xrf2)  }
0x479: {  	v17 =	vmul.f32 v23, v17;
	v32 =	vld [tilespmem:s5+$0x10210];
	v30 =	vsub.f32 v30, v31;
	v31 =	vmul.f32 v21, v19  }
0x47a: {  	v20 =	vsub.f32 v27, v20;
	v26 =	vsub.f32 v24, v26;
	v19 =	vld [tilespmem:s5+$0x14230];
	v24 =	vbroadcast v28, $0xF  }
0x47b: {  	v27 =	vadd.f32 v17, v31;
	v28 =	vld [tilespmem:s5+$0x8220];
	v31 =	vmul.f32 v18, v13;
	v33 =	vmul.f32 v22, v25  }
0x47c: {  	v20 =	vmul.f32 v20, v20;
	v26 =	vmul.f32 v26, v26;
	v29 =	vsub.f32 v30, v29;
	v17 =	vld [tilespmem:s5+$0x12240]  }
0x47d: {  	v13 =	vmul.f32 v22, v13;
	v25 =	vmul.f32 v18, v25;
	v30 =	vld [tilespmem:s5+$0x10220];
	v31 =	vsub.f32 v31, v33  }
0x47e: {  	v26 =	vadd.f32 v26, v20;
	v27 =	vsub.f32 v27, v32;
	v29 =	vmul.f32 v29, v29;
	v20 =	vld [tilespmem:s5+$0x14240]  }
0x47f: {  	v25 =	vadd.f32 v13, v25;
	v33 =	vmul.f32 v15, v14;
	v32 =	vld [tilespmem:s5+$0x8230];
	v34 =	vmul.f32 v19, v16  }
0x480: {  	v26 =	vadd.f32 v29, v26;
	v27 =	vmul.f32 v27, v27;
	v28 =	vsub.f32 v31, v28;
	v13 =	vld [tilespmem:s5+$0x12250]  }
0x481: {  	v14 =	vmul.f32 v19, v14;
	v29 =	vld [tilespmem:s5+$0x10230];
	v31 =	vsub.f32 v33, v34;
	v33 =	vmul.f32 v15, v16  }
0x482: {  	v26 =	vadd.f32 v26, v27;
	v25 =	vsub.f32 v25, v30;
	v27 =	vmul.f32 v28, v28;
	v16 =	vld [tilespmem:s5+$0x14250]  }
0x483: {  	v28 =	vadd.f32 v14, v33;
	v30 =	vld [tilespmem:s5+$0x8240];
	v33 =	vmul.f32 v17, v11;
	v34 =	vmul.f32 v20, v12  }
0x484: {  	v26 =	vadd.f32 v27, v26;
	v25 =	vmul.f32 v25, v25;
	v27 =	vsub.f32 v31, v32;
	v14 =	vld [tilespmem:s5+$0x12260]  }
0x485: {  	v11 =	vmul.f32 v20, v11;
	v31 =	vld [tilespmem:s5+$0x10240];
	v32 =	vsub.f32 v33, v34;
	v33 =	vmul.f32 v17, v12  }
0x486: {  	v25 =	vadd.f32 v26, v25;
	v26 =	vsub.f32 v28, v29;
	v27 =	vmul.f32 v27, v27;
	v12 =	vld [tilespmem:s5+$0x14260]  }
0x487: {  	v28 =	vadd.f32 v11, v33;
	v29 =	vld [tilespmem:s5+$0x8250];
	v33 =	vmul.f32 v13, v9;
	v34 =	vmul.f32 v16, v10  }
0x488: {  	v25 =	vadd.f32 v27, v25;
	v26 =	vmul.f32 v26, v26;
	v27 =	vsub.f32 v32, v30;
	v11 =	vld [tilespmem:s5+$0x12270]  }
0x489: {  	v10 =	vmul.f32 v13, v10;
	v30 =	vld [tilespmem:s5+$0x10250];
	v32 =	vsub.f32 v33, v34;
	v33 =	vmul.f32 v16, v9  }
0x48a: {  	v25 =	vadd.f32 v25, v26;
	v26 =	vsub.f32 v28, v31;
	v27 =	vmul.f32 v27, v27;
	v9 =	vld [tilespmem:s5+$0x14270]  }
0x48b: {  	v31 =	vmul.f32 v14, v5;
	v10 =	vadd.f32 v33, v10;
	v28 =	vld [tilespmem:s5+$0x8260];
	v33 =	vmul.f32 v12, v6  }
0x48c: {  	v34 =	vld [tilespmem:s5+$0x6A00];
	v25 =	vadd.f32 v27, v25;
	v26 =	vmul.f32 v26, v26;
	v27 =	vsub.f32 v32, v29  }
0x48d: {  	v5 =	vmul.f32 v12, v5;
	v6 =	vmul.f32 v14, v6;
	v29 =	vld [tilespmem:s5+$0x10260];
	v31 =	vsub.f32 v31, v33  }
0x48e: {  	v32 =	vld [tilespmem:s5+$0xEA00];
	v25 =	vadd.f32 v25, v26;
	v10 =	vsub.f32 v10, v30;
	v26 =	vmul.f32 v27, v27  }
0x48f: {  	v5 =	vadd.f32 v5, v6;
	v27 =	vmul.f32 v11, v4;
	v6 =	vld [tilespmem:s5+$0x8270];
	v30 =	vmul.f32 v9, v3  }
0x490: {  	v33 =	vld [tilespmem:s5+$0x6A10];
	v25 =	vadd.f32 v26, v25;
	v10 =	vmul.f32 v10, v10;
	v26 =	vsub.f32 v31, v28  }
0x491: {  	v4 =	vmul.f32 v9, v4;
	v3 =	vmul.f32 v11, v3;
	v28 =	vld [tilespmem:s5+$0x10270];
	v27 =	vsub.f32 v27, v30  }
0x492: {  	v30 =	vld [tilespmem:s5+$0xEA10];
	v10 =	vadd.f32 v25, v10;
	v5 =	vsub.f32 v5, v29;
	v25 =	vmul.f32 v26, v26  }
0x493: {  	v3 =	vadd.f32 v4, v3;
	v29 =	vmul.f32 v7, v34;
	v26 =	vld [tilespmem:s5+$0x7200];
	v31 =	vmul.f32 v8, v32  }
0x494: {  	v4 =	vld [tilespmem:s5+$0xF200];
	v10 =	vadd.f32 v25, v10;
	v5 =	vmul.f32 v5, v5;
	v6 =	vsub.f32 v27, v6  }
0x495: {  	v8 =	vmul.f32 v8, v34;
	v7 =	vmul.f32 v7, v32;
	v25 =	vsub.f32 v29, v31;
	v27 =	vld [tilespmem:s5+$0x7210]  }
0x496: {  	v29 =	vld [tilespmem:s5+$0x6A20];
	v5 =	vadd.f32 v10, v5;
	v3 =	vsub.f32 v3, v28;
	v6 =	vmul.f32 v6, v6  }
0x497: {  	v7 =	vadd.f32 v8, v7;
	v8 =	vmul.f32 v21, v33;
	v10 =	vmul.f32 v23, v30;
	v28 =	vld [tilespmem:s5+$0xEA20]  }
0x498: {  	v25 =	vsub.f32 v25, v26;
	v26 =	vld [tilespmem:s5+$0xF210];
	v5 =	vadd.f32 v6, v5;
	v3 =	vmul.f32 v3, v3  }
0x499: {  	v4 =	vsub.f32 v7, v4;
	v6 =	vsub.f32 v8, v10;
	v7 =	vmul.f32 v23, v33;
	v8 =	vld [tilespmem:s5+$0x7220]  }
0x49a: {  	v21 =	vmul.f32 v21, v30;
	v10 =	vmul.f32 v25, v25;
	v23 =	vld [tilespmem:s5+$0x6A30];
	v3 =	vadd.f32 v5, v3  }
0x49b: {  	v4 =	vmul.f32 v4, v4;
	v5 =	vsub.f32 v6, v27;
	v6 =	vmul.f32 v18, v29;
	v25 =	vld [tilespmem:s5+$0xEA30]  }
0x49c: {  	v7 =	vadd.f32 v7, v21;
	v21 =	vld [tilespmem:s5+$0xF220];
	v27 =	vmul.f32 v22, v28;
	v22 =	vmul.f32 v22, v29;
	(xrf2) =	vadd.scan.msk.f32 $0xffff, v3  }
0x49d: {  	v3 =	vadd.f32 v4, v10;
	v4 =	vmul.f32 v5, v5;
	v5 =	vmul.f32 v18, v28;
	v10 =	vld [tilespmem:s5+$0x7230]  }
0x49e: {  	v2 =	vsel vm0, v24, v2;
	v7 =	vsub.f32 v7, v26;
	v6 =	vsub.f32 v6, v27;
	v18 =	vld [tilespmem:s5+$0x6A40]  }
0x49f: {  	v3 =	vadd.f32 v4, v3;
	v4 =	vadd.f32 v22, v5;
	v5 =	vmul.f32 v15, v23;
	v22 =	vld [tilespmem:s5+$0xEA40]  }
0x4a0: {  	v7 =	vmul.f32 v7, v7;
	v6 =	vsub.f32 v6, v8;
	v8 =	vld [tilespmem:s5+$0xF230];
	v24 =	vmul.f32 v19, v25  }
0x4a1: {  	v19 =	vmul.f32 v19, v23;
	v15 =	vmul.f32 v15, v25;
	v4 =	vsub.f32 v4, v21;
	v21 =	vld [tilespmem:s5+$0x7240]  }
0x4a2: {  	v3 =	vadd.f32 v3, v7;
	v6 =	vmul.f32 v6, v6;
	v5 =	vsub.f32 v5, v24;
	v7 =	vld [tilespmem:s5+$0x6A50]  }
0x4a3: {  	v15 =	vadd.f32 v19, v15;
	v4 =	vmul.f32 v4, v4;
	v24 =	vmul.f32 v17, v18;
	v23 =	vld [tilespmem:s5+$0xEA50]  }
0x4a4: {  	v3 =	vadd.f32 v6, v3;
	v5 =	vsub.f32 v5, v10;
	v6 =	vld [tilespmem:s5+$0xF240];
	v10 =	vmul.f32 v20, v22  }
0x4a5: {  	v17 =	vmul.f32 v17, v22;
	v8 =	vsub.f32 v15, v8;
	v15 =	vmul.f32 v20, v18;
	v18 =	vld [tilespmem:s5+$0x7250]  }
0x4a6: {  	s7 =	sadd.s32 $0x1, s7;
	v3 =	vadd.f32 v3, v4;
	v4 =	vmul.f32 v5, v5;
	v5 =	vsub.f32 v24, v10;
	v10 =	vld [tilespmem:s5+$0x6A60];
	v19, _, _ =	vpop (xrf2)  }
0x4a7: {  	v22 =	vmov s7;
	v8 =	vmul.f32 v8, v8;
	v20 =	vld [tilespmem:s5+$0xEA60];
	v19 =	vbroadcast v19, $0xF  }
0x4a8: {  	vm0 =	veq.s32 v22, v0;
	v3 =	vadd.f32 v4, v3;
	v4 =	vsub.f32 v5, v21;
	v5 =	vld [tilespmem:s5+$0xF250]  }
0x4a9: {  	v15 =	vadd.f32 v15, v17;
	v17 =	vmul.f32 v13, v7;
	v21 =	vld [tilespmem:s5+$0x7260];
	v1 =	vsel vm0, v19, v1  }
0x4aa: {  	v3 =	vadd.f32 v3, v8;
	v4 =	vmul.f32 v4, v4;
	v8 =	vmul.f32 v16, v23;
	v19 =	vld [tilespmem:s5+$0x6A70]  }
0x4ab: {  	v7 =	vmul.f32 v16, v7;
	v13 =	vmul.f32 v13, v23;
	v6 =	vsub.f32 v15, v6;
	v15 =	vld [tilespmem:s5+$0xEA70]  }
0x4ac: {  	v16 =	vmul.f32 v14, v10;
	v3 =	vadd.f32 v4, v3;
	v4 =	vsub.f32 v17, v8;
	v8 =	vld [tilespmem:s5+$0xF260]  }
0x4ad: {  	v7 =	vadd.f32 v7, v13;
	v6 =	vmul.f32 v6, v6;
	v13 =	vmul.f32 v12, v20;
	v17 =	vld [tilespmem:s5+$0x7270]  }
0x4ae: {  	v10 =	vmul.f32 v12, v10;
	v12 =	vmul.f32 v14, v20;
	v18 =	vsub.f32 v4, v18;
	v20 =	vld [tilespmem:s5+$0xF270];
	s5 =	sshra.s32 s8, $0x2  }
0x4af: {  	v14 =	vadd.f32 v3, v6;
	v6 =	vsub.f32 v7, v5;
	v4 =	vld [tilespmem:s5+$0x7A70];
	v7 =	vmul.f32 v11, v19  }
0x4b0: {  	v13 =	vsub.f32 v16, v13;
	v10 =	vadd.f32 v10, v12;
	v3 =	vld [tilespmem:s5+$0xFA70];
	v18 =	vmul.f32 v18, v18  }
0x4b1: {  	v12 =	vmul.f32 v6, v6;
	v16 =	vmul.f32 v9, v15;
	v5 =	vld [tilespmem:s5+$0x7A60]  }
0x4b2: {  	v13 =	vsub.f32 v13, v21;
	v6 =	vld [tilespmem:s5+$0xFA60];
	v14 =	vadd.f32 v18, v14;
	v18 =	vmul.f32 v9, v19  }
0x4b3: {  	v15 =	vmul.f32 v11, v15;
	v8 =	vsub.f32 v10, v8;
	v7 =	vsub.f32 v7, v16;
	v9 =	vld [tilespmem:s5+$0x7A50]  }
0x4b4: {  	v13 =	vmul.f32 v13, v13;
	v10 =	vld [tilespmem:s5+$0xFA50];
	v14 =	vadd.f32 v14, v12  }
0x4b5: {  	v8 =	vmul.f32 v8, v8;
	v7 =	vsub.f32 v7, v17;
	v15 =	vadd.f32 v18, v15;
	v11 =	vld [tilespmem:s5+$0x7A40]  }
0x4b6: {  	v12 =	vld [tilespmem:s5+$0xFA40];
	v13 =	vadd.f32 v13, v14  }
0x4b7: {  	v15 =	vsub.f32 v15, v20;
	v7 =	vmul.f32 v7, v7;
	v14 =	vld [tilespmem:s5+$0x7A30]  }
0x4b8: {  	v16 =	vld [tilespmem:s5+$0xFA30];
	v8 =	vadd.f32 v13, v8  }
0x4b9: {  	v15 =	vmul.f32 v15, v15;
	v13 =	vld [tilespmem:s5+$0x7A20]  }
0x4ba: {  	v25 =	vld [tilespmem:s5+$0xFA20];
	v7 =	vadd.f32 v7, v8  }
0x4bb: {  	v17 =	vld [tilespmem:s5+$0x7A10]  }
.Ltmp3:
0x4bc: {  	v19 =	vld [tilespmem:s5+$0xFA10];
	v7 =	vadd.f32 v7, v15;
	(pc) =	sbr.rel @p0 .LBB2_9-.Ltmp3, $4  }
0x4bd: {  	v15 =	vld [tilespmem:s5+$0x7A00]  }
0x4be: {  	v24 =	vld [tilespmem:s5+$0xFA00];
	(xrf2) =	vadd.scan.msk.f32 $0xffff, v7  }
0x4bf: {  	v7 =	vld [tilespmem:s5+$0x12200]  }
0x4c0: {  	s8 =	sadd.s32 $0x200, s8;
	v8 =	vld [tilespmem:s5+$0x14200]  }
0x4c1: {  	v23 =	vld [tilespmem:s5+$0x12210]  }
0x4c2: {  	v26 =	vld [tilespmem:s5+$0x14210]  }
0x4c3: {  	v20 =	vld [tilespmem:s5+$0x12220]  }
0x4c4: {  	v27 =	vld [tilespmem:s5+$0x8200]  }
0x4c5: {  	v28 =	vld [tilespmem:s5+$0x10200]  }
0x4c6: {  	v22 =	vld [tilespmem:s5+$0x14220]  }
0x4c7: {  	v30 =	vld [tilespmem:s5+$0x8210]  }
0x4c8: {  	v18 =	vld [tilespmem:s5+$0x12230]  }
0x4c9: {  	v33 =	vld [tilespmem:s5+$0x10210];
	v21 =	vmul.f32 v7, v15;
	v36 =	vmul.f32 v7, v24  }
0x4ca: {  	v40 =	vld [tilespmem:s5+$0x8220];
	v29 =	vmul.f32 v8, v24;
	v63 =	vmul.f32 v8, v15  }
0x4cb: {  	v34 =	vld [tilespmem:s5+$0x10220];
	v31 =	vmul.f32 v23, v17;
	v32 =	vmul.f32 v26, v19  }
0x4cc: {  	v45 =	vld [tilespmem:s5+$0x8230];
	v38 =	vmul.f32 v26, v17;
	v39 =	vmul.f32 v23, v19  }
0x4cd: {  	v41 =	vmul.f32 v20, v13;
	v42 =	vmul.f32 v22, v25;
	v19 =	vld [tilespmem:s5+$0x14240]  }
0x4ce: {  	v43 =	vmul.f32 v22, v13;
	v13 =	vld [tilespmem:s5+$0x12250];
	v29 =	vsub.f32 v21, v29;
	v15 =	vadd.f32 v63, v36  }
0x4cf: {  	v44 =	vmul.f32 v20, v25;
	v21 =	vld [tilespmem:s5+$0x14230];
	v37 =	vsub.f32 v31, v32;
	v17 =	vadd.f32 v38, v39  }
0x4d0: {  	v48 =	vld [tilespmem:s5+$0x10230];
	v46 =	vmul.f32 v18, v14;
	v27 =	vsub.f32 v29, v27;
	v28 =	vsub.f32 v15, v28  }
0x4d1: {  	v52 =	vld [tilespmem:s5+$0x8240];
	v51 =	vmul.f32 v18, v16;
	v25 =	vadd.f32 v43, v44;
	v29 =	vsub.f32 v41, v42  }
0x4d2: {  	v35 =	vld [tilespmem:s5+$0x10240];
	v24 =	vsub.f32 v37, v30;
	v27 =	vmul.f32 v27, v27;
	v28 =	vmul.f32 v28, v28  }
0x4d3: {  	v15 =	vld [tilespmem:s5+$0x12240];
	v17 =	vsub.f32 v17, v33;
	v56 =	vmul.f32 v19, v12;
	v58 =	vmul.f32 v19, v11  }
0x4d4: {  	v43 =	vld [tilespmem:s5+$0xEA00];
	v25 =	vsub.f32 v25, v34;
	v63 =	vmul.f32 v13, v9;
	v47 =	vmul.f32 v21, v16  }
0x4d5: {  	v29 =	vsub.f32 v29, v40;
	v49 =	vmul.f32 v17, v17;
	v17 =	vld [tilespmem:s5+$0x14250];
	v50 =	vmul.f32 v21, v14  }
0x4d6: {  	v40 =	vmul.f32 v13, v10;
	v24 =	vmul.f32 v24, v24;
	v14 =	vld [tilespmem:s5+$0x12260];
	v27 =	vadd.f32 v28, v27  }
0x4d7: {  	v25 =	vmul.f32 v25, v25;
	v16 =	vld [tilespmem:s5+$0x14260];
	v28 =	vsub.f32 v46, v47;
	v54 =	vadd.f32 v50, v51  }
0x4d8: {  	v60 =	vld [tilespmem:s5+$0x8250];
	v53 =	vmul.f32 v29, v29;
	v55 =	vmul.f32 v15, v11;
	v24 =	vadd.f32 v24, v27  }
0x4d9: {  	v42 =	vld [tilespmem:s5+$0x6A00];
	v59 =	vmul.f32 v15, v12;
	v57 =	vsub.f32 v28, v45;
	v61 =	vsub.f32 v54, v48  }
0x4da: {  	v11 =	vld [tilespmem:s5+$0x12270];
	v62 =	vsub.f32 v55, v56;
	v54 =	vmul.f32 v8, v43;
	v55 =	vmul.f32 v7, v43  }
0x4db: {  	v12 =	vld [tilespmem:s5+$0x14270];
	v28 =	vadd.f32 v58, v59;
	v37 =	vmul.f32 v17, v10;
	v39 =	vmul.f32 v17, v9  }
0x4dc: {  	v46 =	vld [tilespmem:s5+$0x6A10];
	v24 =	vadd.f32 v24, v49;
	v44 =	vmul.f32 v14, v5;
	v45 =	vmul.f32 v16, v6  }
0x4dd: {  	v59 =	vld [tilespmem:s5+$0x6A20];
	v48 =	vmul.f32 v16, v5;
	v50 =	vmul.f32 v14, v6;
	v38 =	vsub.f32 v62, v52  }
0x4de: {  	v49 =	vld [tilespmem:s5+$0xEA10];
	v27 =	vmul.f32 v57, v57;
	v28 =	vsub.f32 v28, v35;
	v24 =	vadd.f32 v53, v24  }
0x4df: {  	v36 =	vld [tilespmem:s5+$0x10250];
	v52 =	vmul.f32 v7, v42;
	v30 =	vsub.f32 v63, v37;
	v9 =	vadd.f32 v39, v40  }
0x4e0: {  	v51 =	vld [tilespmem:s5+$0x7200];
	v31 =	vsub.f32 v44, v45;
	v58 =	vmul.f32 v11, v4;
	v63 =	vmul.f32 v12, v3  }
0x4e1: {  	v43 =	vld [tilespmem:s5+$0x10260];
	v3 =	vmul.f32 v11, v3;
	v47 =	vmul.f32 v28, v28;
	v24 =	vadd.f32 v24, v25  }
0x4e2: {  	v57 =	vld [tilespmem:s5+$0x7210];
	v25 =	vmul.f32 v61, v61;
	v30 =	vsub.f32 v30, v60;
	v60 =	vmul.f32 v23, v46  }
0x4e3: {  	v62 =	vld [tilespmem:s5+$0xEA20];
	v5 =	vadd.f32 v48, v50;
	v39 =	vmul.f32 v20, v59;
	v61 =	vmul.f32 v26, v49  }
0x4e4: {  	v53 =	vld [tilespmem:s5+$0xF200];
	v9 =	vsub.f32 v9, v36;
	v26 =	vmul.f32 v26, v46;
	v23 =	vmul.f32 v23, v49  }
0x4e5: {  	v40 =	vld [tilespmem:s5+$0xEA30];
	v46 =	vmul.f32 v12, v4;
	v24 =	vadd.f32 v27, v24;
	v27 =	vmul.f32 v38, v38  }
0x4e6: {  	v48 =	vld [tilespmem:s5+$0x6A40];
	v5 =	vsub.f32 v5, v43;
	v30 =	vmul.f32 v30, v30;
	v9 =	vmul.f32 v9, v9  }
0x4e7: {  	v36 =	vld [tilespmem:s5+$0xF210];
	v29 =	vsub.f32 v60, v61;
	v24 =	vadd.f32 v24, v25;
	v25 =	vmul.f32 v8, v42  }
0x4e8: {  	v41 =	vld [tilespmem:s5+$0x8260];
	v45 =	vmul.f32 v20, v62;
	v23 =	vadd.f32 v26, v23;
	v3 =	vadd.f32 v46, v3  }
0x4e9: {  	v8 =	vsub.f32 v52, v54;
	v42 =	vmul.f32 v22, v62;
	v7 =	vadd.f32 v25, v55  }
0x4ea: {  	v38 =	vld [tilespmem:s5+$0x6A30];
	v22 =	vmul.f32 v22, v59;
	v52 =	vmul.f32 v21, v40;
	v10 =	vsub.f32 v29, v57  }
0x4eb: {  	v37 =	vld [tilespmem:s5+$0x7220];
	v62 =	vmul.f32 v19, v48;
	v8 =	vsub.f32 v8, v51;
	v7 =	vsub.f32 v7, v53  }
0x4ec: {  	v23 =	vsub.f32 v23, v36;
	v57 =	vmul.f32 v15, v48;
	v24 =	vadd.f32 v27, v24  }
0x4ed: {  	v36 =	vld [tilespmem:s5+$0x6A70];
	v25 =	vsub.f32 v31, v41;
	v8 =	vmul.f32 v8, v8;
	v7 =	vmul.f32 v7, v7  }
0x4ee: {  	v41 =	vld [tilespmem:s5+$0xF220];
	v29 =	vsub.f32 v39, v42;
	v49 =	vadd.f32 v22, v45;
	v44 =	vmul.f32 v10, v10  }
0x4ef: {  	v51 =	vld [tilespmem:s5+$0xEA40];
	v50 =	vmul.f32 v18, v38;
	v23 =	vmul.f32 v23, v23;
	v7 =	vadd.f32 v7, v8  }
0x4f0: {  	v21 =	vmul.f32 v21, v38;
	v24 =	vadd.f32 v24, v47;
	v47 =	vld [tilespmem:s5+$0x7230];
	v29 =	vsub.f32 v29, v37  }
0x4f1: {  	v18 =	vmul.f32 v18, v40;
	v53 =	vld [tilespmem:s5+$0xF230];
	v10 =	vsub.f32 v50, v52;
	v7 =	vadd.f32 v44, v7  }
0x4f2: {  	v55 =	vld [tilespmem:s5+$0x7240];
	v28 =	vmul.f32 v25, v25;
	v56 =	vadd.f32 v30, v24;
	v24 =	vsub.f32 v58, v63  }
0x4f3: {  	v54 =	vmul.f32 v29, v29;
	v58 =	vld [tilespmem:s5+$0xEA50];
	v8 =	vsub.f32 v49, v41;
	v7 =	vadd.f32 v7, v23  }
0x4f4: {  	v18 =	vadd.f32 v21, v18;
	v59 =	vmul.f32 v19, v51;
	v6 =	vadd.f32 v56, v9;
	v56 =	vld [tilespmem:s5+$0x6A50]  }
0x4f5: {  	v60 =	vld [tilespmem:s5+$0xF240];
	v10 =	vsub.f32 v10, v47;
	v8 =	vmul.f32 v8, v8;
	v7 =	vadd.f32 v54, v7  }
0x4f6: {  	v31 =	vld [tilespmem:s5+$0xEA60];
	v15 =	vmul.f32 v15, v51;
	v18 =	vsub.f32 v18, v53;
	v20 =	vsub.f32 v57, v59  }
0x4f7: {  	v29 =	vld [tilespmem:s5+$0x6A60];
	v45 =	vmul.f32 v11, v36;
	v61 =	vmul.f32 v10, v10;
	v7 =	vadd.f32 v7, v8  }
0x4f8: {  	v63 =	vld [tilespmem:s5+$0x7250];
	v30 =	vmul.f32 v18, v18;
	v9 =	vsub.f32 v20, v55;
	v10 =	vadd.f32 v62, v15  }
0x4f9: {  	v32 =	vld [tilespmem:s5+$0xF250];
	v34 =	vmul.f32 v17, v58;
	v33 =	vmul.f32 v13, v56;
	v7 =	vadd.f32 v61, v7  }
0x4fa: {  	v42 =	vld [tilespmem:s5+$0x8270];
	v10 =	vsub.f32 v10, v60;
	v17 =	vmul.f32 v17, v56;
	v13 =	vmul.f32 v13, v58  }
0x4fb: {  	v37 =	vld [tilespmem:s5+$0xEA70];
	v35 =	vmul.f32 v9, v9;
	v20 =	vsub.f32 v33, v34;
	v7 =	vadd.f32 v7, v30  }
0x4fc: {  	v38 =	vld [tilespmem:s5+$0x7260];
	v41 =	vmul.f32 v16, v31;
	v39 =	vmul.f32 v14, v29;
	v13 =	vadd.f32 v17, v13  }
0x4fd: {  	v10 =	vmul.f32 v10, v10;
	v19 =	vsub.f32 v20, v63;
	v7 =	vadd.f32 v35, v7  }
0x4fe: {  	v40 =	vld [tilespmem:s5+$0xF260];
	v4 =	vmul.f32 v16, v29;
	v14 =	vmul.f32 v14, v31;
	v8 =	vsub.f32 v39, v41  }
0x4ff: {  	v13 =	vsub.f32 v13, v32;
	v44 =	vmul.f32 v19, v19;
	v7 =	vadd.f32 v7, v10  }
0x500: {  	v43 =	vld [tilespmem:s5+$0x7270];
	v50 =	vsub.f32 v24, v42;
	v46 =	vmul.f32 v12, v37;
	v4 =	vadd.f32 v4, v14  }
0x501: {  	v47 =	vld [tilespmem:s5+$0x10270];
	v8 =	vsub.f32 v8, v38;
	v13 =	vmul.f32 v13, v13;
	v7 =	vadd.f32 v44, v7  }
0x502: {  	v48 =	vld [tilespmem:s5+$0xF270];
	v11 =	vmul.f32 v11, v37;
	v49 =	vsub.f32 v45, v46;
	v9 =	vmul.f32 v12, v36  }
0x503: {  	v4 =	vsub.f32 v4, v40;
	v8 =	vmul.f32 v8, v8;
	v7 =	vadd.f32 v7, v13  }
0x504: {  	v5 =	vmul.f32 v5, v5;
	v6 =	vadd.f32 v28, v6;
	v9 =	vadd.f32 v9, v11  }
0x505: {  	v4 =	vmul.f32 v4, v4;
	v10 =	vsub.f32 v49, v43;
	v7 =	vadd.f32 v8, v7  }
0x506: {  	v51 =	vmul.f32 v50, v50;
	v5 =	vadd.f32 v6, v5;
	v3 =	vsub.f32 v3, v47  }
0x507: {  	v52 =	vsub.f32 v9, v48;
	v53 =	vmul.f32 v10, v10;
	v4 =	vadd.f32 v7, v4  }
0x508: {  	v5 =	vadd.f32 v51, v5;
	v3 =	vmul.f32 v3, v3  }
0x509: {  	v54 =	vmul.f32 v52, v52;
	v4 =	vadd.f32 v53, v4  }
0x50a: {  	v3 =	vadd.f32 v5, v3  }
0x50b: {  	v4 =	vadd.f32 v4, v54  }
0x50c: {  	(xrf2) =	vadd.scan.msk.f32 $0xffff, v3  }
0x50d: {  	(xrf2) =	vadd.scan.msk.f32 $0xffff, v4;
	_ =	sdelay $0x6  }
0x50e: {  	v3, _, _ =	vpop (xrf2)  }
0x50f: {  	v3 =	vbroadcast v3, $0xF  }
0x510: {  	s22 =	sadd.s32 $0x1, s7;
	v55, _, _ =	vpop (xrf2)  }
0x511: {  	v57 =	vmov s22;
	v2 =	vsel vm0, v3, v2;
	v3 =	vbroadcast v55, $0xF;
	v56, _, _ =	vpop (xrf2)  }
0x512: {  	vm15 =	veq.s32 v57, v0;
	v5 =	vbroadcast v56, $0xF  }
0x513: {  	v1 =	vsel vm15, v3, v1  }
0x514: {  	v1 =	vmax.f32 v1, $1.000000000e-30;
	v2 =	vsel vm15, v5, v2  }
0x515: {  	v59 =	vshra.s32 v1, $0x1;
	v2 =	vmax.f32 v2, $1.000000000e-30  }
0x516: {  	v60 =	vmul.f32 $5.000000000e-01, v1;
	v3 =	vshra.s32 v2, $0x1;
	v58 =	vmul.f32 $5.000000000e-01, v2  }
0x517: {  	v5 =	vsub.s32 $0x5F3759DF, v59;
	v3 =	vsub.s32 $0x5F3759DF, v3  }
0x518: {  	v62 =	vmul.f32 v5, v60;
	v61 =	vmul.f32 v3, v58;
	_ =	sdelay $0x1  }
0x519: {  	v8 =	vmul.f32 v5, v62;
	v7 =	vmul.f32 v3, v61;
	_ =	sdelay $0x1  }
0x51a: {  	v8 =	vsub.f32 $1.500000000e+00, v8;
	v7 =	vsub.f32 $1.500000000e+00, v7;
	_ =	sdelay $0x1  }
0x51b: {  	v5 =	vmul.f32 v5, v8;
	v3 =	vmul.f32 v3, v7;
	_ =	sdelay $0x1  }
0x51c: {  	v8 =	vmul.f32 v5, v60;
	v7 =	vmul.f32 v3, v58;
	_ =	sdelay $0x1  }
0x51d: {  	v8 =	vmul.f32 v8, v5;
	v7 =	vmul.f32 v7, v3;
	_ =	sdelay $0x1  }
0x51e: {  	v8 =	vsub.f32 $1.500000000e+00, v8;
	v7 =	vsub.f32 $1.500000000e+00, v7;
	_ =	sdelay $0x1  }
0x51f: {  	v5 =	vmul.f32 v8, v5;
	v3 =	vmul.f32 v7, v3;
	_ =	sdelay $0x1  }
0x520: {  	v6 =	vmul.f32 v5, v60;
	v4 =	vmul.f32 v3, v58;
	_ =	sdelay $0x1  }
0x521: {  	v6 =	vmul.f32 v6, v5;
	v4 =	vmul.f32 v4, v3;
	_ =	sdelay $0x1  }
0x522: {  	v6 =	vsub.f32 $1.500000000e+00, v6;
	v4 =	vsub.f32 $1.500000000e+00, v4;
	_ =	sdelay $0x1  }
0x523: {  	v63 =	vmul.f32 v6, v5;
	v3 =	vmul.f32 v4, v3;
	_ =	sdelay $0x1  }
0x524: {  	v1 =	vmul.f32 v63, v1;
	v2 =	vmul.f32 v3, v2  }
0x525: {  	s26 =	sadd.s32 $0x1, s26  }
0x526: {  	p0 =	sne.s32 s26, $0x8;
	v3 =	vsub.f32 v2, v1  }
.Ltmp4:
0x527: {  	_ = 	snop;
	(pc) =	sbr.rel @p0 .LBB2_2-.Ltmp4, $4  }
0x528: {  	s30 =	sshll.u32 s30, $0x4;
	v3 =	vadd.f32 $1.000000000e+00, v3  }
0x529: {  	[tilespmem:s30+$0x14E00] =	vst v1  }
0x52a: {  	[tilespmem:s30+$0x14C00] =	vst v2;
	v1 =	vmax.f32 v3, $0.0e+00  }
0x52b: {  	[tilespmem:s30+$0x14A00] =	vst v1  }
0x52c: {  	s5 =	rddreg [dreg:$0xb];
	s7 =	simm.s32 $0x14A00  }
0x52d: {  	[hbm4b:s5+s6] =	stream.linear.scatter [tilespmem:s7], [sflag:$0x5], $0x200, $0x38;
	[tilespmem:$0x15000] =	vst v63  }
0x52e: {  	_ =	swait.ge [sflag:s13], $0x200  }
0x52f: {  	[sflag:s13] =	ssyncset.done $0x0  }
0x530: {  	s22 =	simm.s32 $0x14C00;
	s18 =	rddreg [dreg:$0xc];
	[sflag:s13] =	ssyncadd.s32 $0xFFFFFE00  }
0x531: {  	[hbm4b:s18+s6] =	stream.linear.scatter [tilespmem:s22], [sflag:$0x5], $0x200, $0x38;
	[tilespmem:$0x15000] =	vst v63  }
0x532: {  	s23 =	sadd.s32 $0x1, s23;
	_ =	swait.ge [sflag:s13], $0x200  }
0x533: {  	s30 =	simm.s32 $0x14E00;
	p0 =	sne.s32 s23, s12;
	[sflag:s13] =	ssyncset.done $0x0  }
.Ltmp5:
0x534: {  	s26 =	rddreg [dreg:$0xd];
	[sflag:s13] =	ssyncadd.s32 $0xFFFFFE00;
	(pc) =	sbr.rel @p0 .LBB2_1-.Ltmp5, $4  }
0x535: {  	[hbm4b:s26+s6] =	stream.linear.scatter [tilespmem:s30], [sflag:$0x5], $0x200, $0x38;
	[tilespmem:$0x15000] =	vst v63  }
0x536: {  	_ =	swait.ge [sflag:s13], $0x200  }
0x537: {  	[sflag:s13] =	ssyncset.done $0x0  }
0x538: {  	[sflag:s13] =	ssyncadd.s32 $0xFFFFFE00  }
0x539: {  	_ =	sfence.sel $0x180000  }
0x53a: {  	[bflag:$0x0] =	sbarrier.arrive $0xFFFF  }
0x53b: {  	_ =	strace $0x90000047  }
0x53c: {  	s0 =	stileid.u32;
	[bflag:$0x2] =	sbarrier.arrive $0xFFFF  }
0x53d: {  	p0 =	sne.s32 s0, $0x0;
	s0 =	rddreg [dreg:$0x8]  }
0x53e: {  	s0 =	sadd.s32 @!p0 $0x100000, s0  }
0x53f: {  	[sflag:s0] =	ssyncadd.tile.s32 @!p0 $0x1;
	_ =	shalt  }
.Lfunc_end2:
_tile_overlayer_lowered:
.L_overlay_start_2:
0x540: {  	(tag) =	ssettag $0x2  }
0x541: {  	s0 =	rddreg [dreg:$0x0];
	s2 =	stileid.u32  }
0x542: {  	s1 =	rddreg [dreg:$0x1];
	p0 =	sne.s32 s2, $0x0  }
0x543: {  	s3 =	rddreg [dreg:$0x2];
	[bflag:$0x3] =	sbarrier.arrive $0xFFFF;
	s2 =	simm.s32 @!p0 $0x1C05  }
0x544: {  	[timem:s3], [sflag:s2] =	dma.local @!p0 [hbm:s0], s1  }
0x545: {  	s0 =	simm.s32 @!p0 $0x5  }
0x546: {  	_ =	swait.ge @!p0 [sflag:s0], s1  }
0x547: {  	s1 =	ssub.s32 @!p0 $0x0, s1;
	[sflag:s0] =	ssyncset.done @!p0 $0x0  }
0x548: {  	[sflag:s0] =	ssyncadd.s32 @!p0 s1  }
0x549: {  	[bflag:$0x3] =	sbarrier.arrive $0xFFFF  }
0x54a: {  	_ =	shalt  }

</sc_bundles>
